<compile_context>
chip_gen: v7x
topology: tpu7x:2x2x1
jax: 0.10.2.dev20260603
libtpu: 0.0.44.dev20260713+nightly
codegen_flags: <defaults>
</compile_context>

<pallas_src>
import functools

import numpy as np
import jax
import jax.numpy as jnp
from jax import lax
from jax.experimental import pallas as pl
from jax.experimental.pallas import tpu as pltpu
from jax.experimental.pallas import tpu_sc as plsc

N = 10000
E = 160000
HID = 128
GRID = 16
RADIUS = 0.145
R2 = RADIUS * RADIUS

N_PAD = 10240
E_PAD = 163840
NW = 32
PER_W = E_PAD // NW
CH = 128
ITERS = PER_W // CH

BN = 1024
BE = 2048
BQ = 512
NP = BQ * 9

F32 = jnp.float32


def _np_dft_mats():
    TR = np.zeros((256, 144), np.float32)
    TI = np.zeros((256, 144), np.float32)
    for p in range(256):
        x = np.zeros((GRID, GRID))
        x[p // GRID, p % GRID] = 1.0
        F = np.fft.rfft2(x)
        TR[p] = F.real.reshape(-1)
        TI[p] = F.imag.reshape(-1)
    VR = np.zeros((144, 256), np.float32)
    VI = np.zeros((144, 256), np.float32)
    for f in range(144):
        Z = np.zeros((GRID, GRID // 2 + 1), complex)
        Z[f // 9, f % 9] = 1.0
        VR[f] = np.fft.irfft2(Z, s=(GRID, GRID)).reshape(-1)
        Z[f // 9, f % 9] = 1j
        VI[f] = np.fft.irfft2(Z, s=(GRID, GRID)).reshape(-1)
    return TR, TI, VR, VI


_TR, _TI, _VR, _VI = _np_dft_mats()

_m = np.linspace(-1.0, 1.0, GRID)
_g = np.stack(np.meshgrid(_m, _m, indexing='xy'))
_LQ = np.transpose(_g, (1, 2, 0)).reshape(-1, 2).astype(np.float32)


def _ln(v, g, be):
    m = jnp.mean(v, axis=-1, keepdims=True)
    va = jnp.mean((v - m) * (v - m), axis=-1, keepdims=True)
    return (v - m) * lax.rsqrt(va + 1e-5) * g + be


_gelu = jax.nn.gelu
_relu = jax.nn.relu


def _dot(a, b):
    return jnp.dot(a, b, precision=lax.Precision.HIGHEST)


def _full(shape):
    return pl.BlockSpec(shape, lambda *_: tuple(0 for _ in shape))



def _node_enc_body(x_r, pos_r,
                   embW0_r, posW0_r, b0_r, W1_r, b1_r, W2_r, b2_r, g_r, be_r,
                   Wa_r, Wb_r, Wn0a_r, bn0_r,
                   nf_o, ps_o, pd_o, qn_o):
    xb = x_r[...]
    iota = lax.broadcasted_iota(jnp.int32, (BN, 16), 1)
    oh = (iota == xb).astype(F32)
    h = _relu(_dot(oh, embW0_r[...]) + _dot(pos_r[...], posW0_r[...])
              + b0_r[...])
    h = _relu(_dot(h, W1_r[...]) + b1_r[...])
    nf = _ln(_dot(h, W2_r[...]) + b2_r[...], g_r[...], be_r[...])
    nf_o[...] = nf
    ps_o[...] = _dot(nf, Wa_r[...])
    pd_o[...] = _dot(nf, Wb_r[...])
    qn_o[...] = _dot(nf, Wn0a_r[...]) + bn0_r[...]


def _edge_enc_body(ea_r, W0_r, b0_r, W1_r, b1_r, W2_r, b2_r, g_r, be_r,
                   Wc1_r, bc1_r, Wc2_r, bc2_r, c1_o, c2_o):
    h = _relu(_dot(ea_r[...], W0_r[...]) + b0_r[...])
    h = _relu(_dot(h, W1_r[...]) + b1_r[...])
    ef = _ln(_dot(h, W2_r[...]) + b2_r[...], g_r[...], be_r[...])
    c1_o[...] = _dot(ef, Wc1_r[...]) + bc1_r[...]
    c2_o[...] = _dot(ef, Wc2_r[...]) + bc2_r[...]


def _edge_mlp1_body(s_r, d_r, c_r, W1_r, b1_r, W2_r, b2_r, g_r, be_r, Wc2_r,
                    msg_o, cp_o):
    h0 = _relu(s_r[...] + d_r[...] + c_r[...])
    h1 = _relu(_dot(h0, W1_r[...]) + b1_r[...])
    en = _ln(_dot(h1, W2_r[...]) + b2_r[...], g_r[...], be_r[...])
    msg_o[...] = en
    cp_o[...] = _dot(en, Wc2_r[...])


def _edge_mlp2_body(s_r, d_r, c2a_r, cp_r, W1_r, b1_r, W2_r, b2_r, g_r, be_r,
                    msg_o):
    h0 = _relu(s_r[...] + d_r[...] + c2a_r[...] + cp_r[...])
    h1 = _relu(_dot(h0, W1_r[...]) + b1_r[...])
    en = _ln(_dot(h1, W2_r[...]) + b2_r[...], g_r[...], be_r[...])
    msg_o[...] = en


def _node_mlp1_body(qn_r, agA_r, agB_r, nf_r, rp_r, nd_r,
                    Wn0b_r, Wn1_r, bn1_r, Wn2_r, bn2_r, gn_r, ben_r,
                    Wo0_r, bo0_r, Wo1_r, bo1_r, Wo2_r, bo2_r,
                    P2d_r, pb2_r, K0p_r, K0o_r, bk0_r, Qg0_r,
                    a1_o, ago_o, p2d_o):
    agg = (agA_r[...] + agB_r[...]) * nd_r[...][:, 0:1]
    u = _relu(qn_r[...] + _dot(agg, Wn0b_r[...]))
    u = _relu(_dot(u, Wn1_r[...]) + bn1_r[...])
    nn = _ln(_dot(u, Wn2_r[...]) + bn2_r[...], gn_r[...], ben_r[...])
    nf1 = nf_r[...] + nn
    t = _relu(_dot(nf1, Wo0_r[...]) + bo0_r[...])
    t = _relu(_dot(t, Wo1_r[...]) + bo1_r[...])
    out1 = _dot(t, Wo2_r[...]) + bo2_r[...]
    rp = rp_r[...]
    pos2d = jnp.tanh(_dot(rp, P2d_r[...]) + pb2_r[...])
    valid = rp[:, 3:4]
    pos2d = pos2d + (1.0 - valid) * 1e4
    p2 = jnp.sum(pos2d * pos2d, axis=-1, keepdims=True)
    a1_o[...] = (_dot(pos2d, K0p_r[...]) + _dot(out1, K0o_r[...])
                 + bk0_r[...])
    ago_o[...] = _dot(pos2d, Qg0_r[...])
    p2d_o[...] = jnp.concatenate(
        [pos2d, p2, jnp.zeros((BN, 5), F32)], axis=1)


def _patch_cells(p2d):
    px = p2d[:, 0:1]
    py = p2d[:, 1:2]
    jx = jnp.floor((px + 1.0) * 7.5 + 0.5)
    iy = jnp.floor((py + 1.0) * 7.5 + 0.5)
    offi = lax.broadcasted_iota(jnp.int32, (1, 9), 1)
    off = offi.astype(F32)
    dy = jnp.floor(off / 3.0)
    dx = off - dy * 3.0
    cx = jx + dx - 1.0
    cy = iy + dy - 1.0
    valid = ((cx >= 0.0) & (cx <= 15.0)
             & (cy >= 0.0) & (cy <= 15.0)).astype(F32)
    cxc = jnp.clip(cx, 0.0, 15.0)
    cyc = jnp.clip(cy, 0.0, 15.0)
    cell = (cyc * 16.0 + cxc).astype(jnp.int32)
    lqx = cxc * (2.0 / 15.0) - 1.0
    lqy = cyc * (2.0 / 15.0) - 1.0
    d2 = (px - lqx) ** 2 + (py - lqy) ** 2
    m = valid * (d2 <= R2).astype(F32)
    return cell, m, lqx, lqy


def _gno_in_body(a1_r, p2d_r, K0p_r, K1_r, k1_r, K2_r, k2_r, out_o):
    i = pl.program_id(0)
    cell, m, lqx, lqy = _patch_cells(p2d_r[...])
    b1g = (lqx[:, :, None] * K0p_r[0:1, :][None]
           + lqy[:, :, None] * K0p_r[1:2, :][None])
    h1 = _gelu(a1_r[...][:, None, :] - b1g).reshape(NP, 32)
    h2 = _gelu(_dot(h1, K1_r[...]) + k1_r[...])
    k = (_dot(h2, K2_r[...]) + k2_r[...]).reshape(BQ, 9, 8)
    rows = jnp.concatenate(
        [k * m[:, :, None], m[:, :, None], jnp.zeros((BQ, 9, 7), F32)],
        axis=2).reshape(NP, 16)
    oh = (lax.broadcasted_iota(jnp.int32, (BQ, 9, 256), 2)
          == cell[:, :, None]).astype(F32).reshape(NP, 256)
    contrib = lax.dot_general(oh, rows, (((0,), (0,)), ((), ())),
                              precision=lax.Precision.HIGHEST)

    @pl.when(i == 0)
    def _():
        out_o[...] = jnp.zeros((256, 16), F32)
    out_o[...] += contrib


def _fno_body(qsT_r, TR_r, TI_r, VR_r, VI_r,
              L1t_r, l1b_r, L2t_r, l2b_r,
              sk0_r, sk0b_r, m10_r, m10b_r, m20_r, m20b_r, wr0_r, wi0_r,
              sk1_r, sk1b_r, m11_r, m11b_r, m21_r, m21b_r, wr1_r, wi1_r,
              p1t_r, p1b_r, p2t_r, p2b_r, out_o):
    qsT = qsT_r[...]
    in_cp = qsT[0:3, :] / jnp.maximum(qsT[3:4, :], 1.0)
    h = _gelu(_dot(L1t_r[...], in_cp) + l1b_r[...])
    h = _dot(L2t_r[...], h) + l2b_r[...]
    blocks = ((sk0_r, sk0b_r, m10_r, m10b_r, m20_r, m20b_r, wr0_r, wi0_r),
              (sk1_r, sk1b_r, m11_r, m11b_r, m21_r, m21b_r, wr1_r, wi1_r))
    for (sk_r, skb_r, m1_r, m1b_r, m2_r, m2b_r, wr_r, wi_r) in blocks:
        xp = _gelu(h)
        xs = jnp.tanh(xp)
        ftR = _dot(xs, TR_r[...])
        ftI = _dot(xs, TI_r[...])
        wr = wr_r[...]
        wi = wi_r[...]
        outR = jnp.sum(ftR[:, None, :] * wr - ftI[:, None, :] * wi, axis=0)
        outI = jnp.sum(ftR[:, None, :] * wi + ftI[:, None, :] * wr, axis=0)
        spec = _dot(outR, VR_r[...]) + _dot(outI, VI_r[...])
        h = spec + _dot(sk_r[...], xp) + skb_r[...]
        y = _gelu(h)
        y = _gelu(_dot(m1_r[...], y) + m1b_r[...])
        y = _dot(m2_r[...], y) + m2b_r[...]
        h = h + y
    h = _gelu(_dot(p1t_r[...], h) + p1b_r[...])
    out_o[...] = _dot(p2t_r[...], h) + p2b_r[...]


def _gno_out_body(ago_r, p2d_r, lat_r, Q0_r, q0_r, Q1_r, q1_r, Q2_r, q2b_r,
                  pW_r, pb_r, Wa2_r, Wb2_r, Wn0a2_r, bn02_r,
                  ps_o, pd_o, qn_o, nf2_o):
    cell, m, lqx, lqy = _patch_cells(p2d_r[...])
    oh = (lax.broadcasted_iota(jnp.int32, (BQ, 9, 256), 2)
          == cell[:, :, None]).astype(F32).reshape(NP, 256)
    latg = _dot(oh, lat_r[...])
    bqg = (lqx[:, :, None] * Q0_r[0:1, :][None]
           + lqy[:, :, None] * Q0_r[1:2, :][None]
           + q0_r[...][None])
    h1 = _gelu(bqg - ago_r[...][:, None, :]).reshape(NP, 32)
    h2 = _gelu(_dot(h1, Q1_r[...]) + q1_r[...])
    k = _dot(h2, Q2_r[...]) + q2b_r[...]
    acc = jnp.sum(k.reshape(BQ, 9, 128) * latg.reshape(BQ, 9, 128)
                  * m[:, :, None], axis=1)
    cnt = jnp.sum(m, axis=1, keepdims=True)
    go = acc / jnp.maximum(cnt, 1.0)
    nf2 = _dot(go, pW_r[...]) + pb_r[...]
    ps_o[...] = _dot(nf2, Wa2_r[...])
    pd_o[...] = _dot(nf2, Wb2_r[...])
    qn_o[...] = _dot(nf2, Wn0a2_r[...]) + bn02_r[...]
    nf2_o[...] = nf2


def _node_mlp2_body(qn_r, agA_r, agB_r, nf_r, nd_r,
                    Wn0b_r, Wn1_r, bn1_r, Wn2_r, bn2_r, gn_r, ben_r,
                    Wo0_r, bo0_r, Wo1_r, bo1_r, Wo2_r, bo2_r, out_o):
    agg = (agA_r[...] + agB_r[...]) * nd_r[...][:, 0:1]
    u = _relu(qn_r[...] + _dot(agg, Wn0b_r[...]))
    u = _relu(_dot(u, Wn1_r[...]) + bn1_r[...])
    nn = _ln(_dot(u, Wn2_r[...]) + bn2_r[...], gn_r[...], ben_r[...])
    nf3 = nf_r[...] + nn
    t = _relu(_dot(nf3, Wo0_r[...]) + bo0_r[...])
    t = _relu(_dot(t, Wo1_r[...]) + bo1_r[...])
    out_o[...] = _dot(t, Wo2_r[...]) + bo2_r[...]



@functools.cache
def _sc_gather_kernel():
    mesh = plsc.VectorSubcoreMesh(core_axis_name="c", subcore_axis_name="s")

    @functools.partial(
        pl.kernel, mesh=mesh,
        out_type=[jax.ShapeDtypeStruct((E_PAD, 128), F32),
                  jax.ShapeDtypeStruct((E_PAD, 128), F32)],
        scratch_types=[pltpu.VMEM((CH,), jnp.int32),
                       pltpu.VMEM((CH,), jnp.int32),
                       pltpu.VMEM((CH, 128), F32),
                       pltpu.VMEM((CH, 128), F32),
                       pltpu.SemaphoreType.DMA,
                       pltpu.SemaphoreType.DMA])
    def gather(src_h, dst_h, tabS_h, tabD_h, outS_h, outD_h,
               idxS_v, idxD_v, bufS_v, bufD_v, semS, semD):
        wid = lax.axis_index("s") * 2 + lax.axis_index("c")
        base = wid * PER_W

        def it(i, carry):
            off = base + i * CH
            pltpu.sync_copy(src_h.at[pl.ds(off, CH)], idxS_v)
            pltpu.sync_copy(dst_h.at[pl.ds(off, CH)], idxD_v)
            cA = pltpu.async_copy(tabS_h.at[idxS_v], bufS_v, semS)
            cB = pltpu.async_copy(tabD_h.at[idxD_v], bufD_v, semD)
            cA.wait()
            cB.wait()
            pltpu.sync_copy(bufS_v, outS_h.at[pl.ds(off, CH)])
            pltpu.sync_copy(bufD_v, outD_h.at[pl.ds(off, CH)])
            return carry

        lax.fori_loop(0, ITERS, it, 0)

    return gather


@functools.cache
def _sc_scatter_kernel():
    mesh = plsc.VectorSubcoreMesh(core_axis_name="c", subcore_axis_name="s")

    @functools.partial(
        pl.kernel, mesh=mesh,
        out_type=jax.ShapeDtypeStruct((2, N_PAD, 128), F32),
        scratch_types=[pltpu.VMEM((CH,), jnp.int32),
                       pltpu.VMEM((CH, 128), F32),
                       pltpu.VMEM_SHARED((N_PAD, 128), F32)])
    def scatter(dst_h, msg_h, zero_h, out_h, idx_v, buf_v, shared):
        cid = lax.axis_index("c")
        sid = lax.axis_index("s")
        stripe = N_PAD // 16
        pltpu.sync_copy(zero_h.at[pl.ds(sid * stripe, stripe)],
                        shared.at[pl.ds(sid * stripe, stripe)])
        plsc.subcore_barrier()
        wid = sid * 2 + cid
        base = wid * PER_W

        def it(i, carry):
            off = base + i * CH
            pltpu.sync_copy(dst_h.at[pl.ds(off, CH)], idx_v)
            pltpu.sync_copy(msg_h.at[pl.ds(off, CH)], buf_v)
            pltpu.sync_copy(buf_v, shared.at[idx_v], add=True)
            return carry

        lax.fori_loop(0, ITERS, it, 0)
        plsc.subcore_barrier()
        pltpu.sync_copy(shared.at[pl.ds(sid * stripe, stripe)],
                        out_h.at[cid, pl.ds(sid * stripe, stripe)])

    return scatter


def _sc_gather(src, dst, tabS, tabD):
    return _sc_gather_kernel()(src, dst, tabS, tabD)


def _sc_scatter(dst, msg, zero):
    return _sc_scatter_kernel()(dst, msg, zero)



def kernel(x, pos, edge_index, edge_attr, node_dist, recent_pos, params):
    p = params
    f32 = F32

    def padr(a, rows, cols=None):
        padc = 0 if cols is None else cols - a.shape[1]
        return jnp.pad(a, ((0, rows - a.shape[0]), (0, padc)))

    x2 = padr(x.astype(jnp.int32)[:, None], N_PAD)
    posp = padr(pos, N_PAD, 24)
    nd8 = padr(node_dist, N_PAD, 8)
    rp8 = padr(jnp.concatenate(
        [recent_pos, jnp.ones((N, 1), f32)], axis=1), N_PAD, 8)
    eap = padr(edge_attr, E_PAD, 8)
    srcp = jnp.pad(edge_index[0].astype(jnp.int32), (0, E_PAD - E),
                   constant_values=N)
    dstp = jnp.pad(edge_index[1].astype(jnp.int32), (0, E_PAD - E),
                   constant_values=N)
    zeros_h = jnp.zeros((N_PAD, 128), f32)

    def rw(b):
        return b.reshape(1, -1)

    (nW0, nb0), (nW1, nb1), (nW2, nb2) = p['node_in']
    ng, nbe = p['node_in_ln']
    embW0 = padr(p['embed'] @ nW0[:16], 16)
    posW0 = padr(nW0[16:], 24)
    (eW0, eb0), (eW1, eb1), (eW2, eb2) = p['edge_in']
    eg, ebe = p['edge_in_ln']
    eW0p = padr(eW0, 8)
    (iE0, ib0), (iE1, ib1), (iE2, ib2) = p['in0_edge']
    ieg, iebe = p['in0_edge_ln']
    (oE0, ob0), (oE1, ob1), (oE2, ob2) = p['out0_edge']
    oeg, oebe = p['out0_edge_ln']
    (iN0, inb0), (iN1, inb1), (iN2, inb2) = p['in0_node']
    ing, inbe = p['in0_node_ln']
    (oN0, onb0), (oN1, onb1), (oN2, onb2) = p['out0_node']
    ong, onbe = p['out0_node_ln']
    (wo0, wob0), (wo1, wob1), (wo2, wob2) = p['node_out']
    wo2p = jnp.pad(wo2, ((0, 0), (0, 5)))
    wob2p = jnp.pad(wob2, (0, 5))
    P2dW, P2db = p['project2d']
    P2dp = padr(P2dW, 8)
    (K0, k0b), (K1, k1b), (K2, k2b) = p['gno_in_k']
    K2p = jnp.pad(K2, ((0, 0), (0, 5)))
    k2bp = jnp.pad(k2b, (0, 5))
    (Q0, q0b), (Q1, q1b), (Q2, q2b_) = p['gno_out_k']
    pfW, pfb = p['proj_final']

    grid_n = N_PAD // BN
    grid_e = E_PAD // BE

    def nspec(c):
        return pl.BlockSpec((BN, c), lambda i: (i, 0))

    def espec(c):
        return pl.BlockSpec((BE, c), lambda i: (i, 0))

    nf, P1s, P1d, Qnf = pl.pallas_call(
        _node_enc_body,
        grid=(grid_n,),
        in_specs=[nspec(1), nspec(24)] + [
            _full(s) for s in [(16, 128), (24, 128), (1, 128), (128, 128),
                               (1, 128), (128, 128), (1, 128), (1, 128),
                               (1, 128), (128, 128), (128, 128), (128, 128),
                               (1, 128)]],
        out_specs=[nspec(128), nspec(128), nspec(128), nspec(128)],
        out_shape=[jax.ShapeDtypeStruct((N_PAD, 128), f32),
                   jax.ShapeDtypeStruct((N_PAD, 128), f32),
                   jax.ShapeDtypeStruct((N_PAD, 128), f32),
                   jax.ShapeDtypeStruct((N_PAD, 128), f32)],
    )(x2, posp, embW0, posW0, rw(nb0), nW1, rw(nb1), nW2, rw(nb2),
      rw(ng), rw(nbe), iE0[:128], iE0[128:256], iN0[:128], rw(inb0))

    C1, C2a = pl.pallas_call(
        _edge_enc_body,
        grid=(grid_e,),
        in_specs=[espec(8)] + [
            _full(s) for s in [(8, 128), (1, 128), (128, 128), (1, 128),
                               (128, 128), (1, 128), (1, 128), (1, 128),
                               (128, 128), (1, 128), (128, 128), (1, 128)]],
        out_specs=[espec(128), espec(128)],
        out_shape=[jax.ShapeDtypeStruct((E_PAD, 128), f32),
                   jax.ShapeDtypeStruct((E_PAD, 128), f32)],
    )(eap, eW0p, rw(eb0), eW1, rw(eb1), eW2, rw(eb2), rw(eg), rw(ebe),
      iE0[256:], rw(ib0), oE0[256:], rw(ob0))

    S1, D1 = _sc_gather(srcp, dstp, P1s, P1d)
    msg1, Cp = pl.pallas_call(
        _edge_mlp1_body,
        grid=(grid_e,),
        in_specs=[espec(128), espec(128), espec(128)] + [
            _full(s) for s in [(128, 128), (1, 128), (128, 128), (1, 128),
                               (1, 128), (1, 128), (128, 128)]],
        out_specs=[espec(128), espec(128)],
        out_shape=[jax.ShapeDtypeStruct((E_PAD, 128), f32),
                   jax.ShapeDtypeStruct((E_PAD, 128), f32)],
    )(S1, D1, C1, iE1, rw(ib1), iE2, rw(ib2), rw(ieg), rw(iebe), oE0[256:])
    agg1 = _sc_scatter(dstp, msg1, zeros_h)

    A1, Ago, P2D = pl.pallas_call(
        _node_mlp1_body,
        grid=(grid_n,),
        in_specs=[nspec(128), nspec(128), nspec(128), nspec(128), nspec(8),
                  nspec(8)] + [
            _full(s) for s in [(128, 128), (128, 128), (1, 128), (128, 128),
                               (1, 128), (1, 128), (1, 128),
                               (128, 128), (1, 128), (128, 128), (1, 128),
                               (128, 8), (1, 8),
                               (8, 2), (1, 2), (2, 32), (8, 32), (1, 32),
                               (2, 32)]],
        out_specs=[nspec(32), nspec(32), nspec(8)],
        out_shape=[jax.ShapeDtypeStruct((N_PAD, 32), f32),
                   jax.ShapeDtypeStruct((N_PAD, 32), f32),
                   jax.ShapeDtypeStruct((N_PAD, 8), f32)],
    )(Qnf, agg1[0], agg1[1], nf, rp8, nd8,
      iN0[128:], iN1, rw(inb1), iN2, rw(inb2), rw(ing), rw(inbe),
      wo0, rw(wob0), wo1, rw(wob1), wo2p, rw(wob2p),
      P2dp, rw(P2db), K0[:2], jnp.pad(K0[2:], ((0, 5), (0, 0))), rw(k0b), Q0)
    def qspec(c):
        return pl.BlockSpec((BQ, c), lambda i: (i, 0))

    qsums = pl.pallas_call(
        _gno_in_body,
        grid=(N_PAD // BQ,),
        in_specs=[qspec(32), qspec(8)] + [
            _full(s) for s in [(2, 32), (32, 64), (1, 64), (64, 8), (1, 8)]],
        out_specs=_full((256, 16)),
        out_shape=jax.ShapeDtypeStruct((256, 16), f32),
    )(A1, P2D, K0[:2], K1, rw(k1b), K2p, rw(k2bp))

    (L1W, l1b), (L2W, l2b) = p['fno_lift1'], p['fno_lift2']
    (p1W, p1b), (p2W, p2b) = p['fno_proj1'], p['fno_proj2']
    fb = p['fno_blocks']

    def cb(b):
        return b.reshape(-1, 1)

    fno_args = [qsums.T, jnp.asarray(_TR), jnp.asarray(_TI),
                jnp.asarray(_VR), jnp.asarray(_VI),
                L1W.T, cb(l1b), L2W.T, cb(l2b)]
    fno_specs = [_full(s) for s in [(16, 256), (256, 144), (256, 144),
                                    (144, 256), (144, 256),
                                    (32, 3), (32, 1), (32, 32), (32, 1)]]
    for bp in fb:
        skW, skb = bp['skip']
        m1W, m1b = bp['mlp1']
        m2W, m2b = bp['mlp2']
        fno_args += [skW.T, cb(skb), m1W.T, cb(m1b), m2W.T, cb(m2b),
                     bp['wr'].reshape(32, 32, 144),
                     bp['wi'].reshape(32, 32, 144)]
        fno_specs += [_full(s) for s in [(32, 32), (32, 1), (16, 32), (16, 1),
                                         (32, 16), (32, 1), (32, 32, 144),
                                         (32, 32, 144)]]
    fno_args += [p1W.T, cb(p1b), p2W.T, cb(p2b)]
    fno_specs += [_full(s) for s in [(32, 32), (32, 1), (128, 32), (128, 1)]]
    hcp = pl.pallas_call(
        _fno_body,
        grid=(1,),
        in_specs=fno_specs,
        out_specs=_full((128, 256)),
        out_shape=jax.ShapeDtypeStruct((128, 256), f32),
    )(*fno_args)
    latent = hcp.reshape(256, 128)

    P2s, P2d, Qnf2, nf2 = pl.pallas_call(
        _gno_out_body,
        grid=(N_PAD // BQ,),
        in_specs=[qspec(32), qspec(8)] + [
            _full(s) for s in [(256, 128), (2, 32), (1, 32),
                               (32, 64), (1, 64), (64, 128), (1, 128),
                               (128, 128), (1, 128), (128, 128), (128, 128),
                               (128, 128), (1, 128)]],
        out_specs=[qspec(128), qspec(128), qspec(128), qspec(128)],
        out_shape=[jax.ShapeDtypeStruct((N_PAD, 128), f32),
                   jax.ShapeDtypeStruct((N_PAD, 128), f32),
                   jax.ShapeDtypeStruct((N_PAD, 128), f32),
                   jax.ShapeDtypeStruct((N_PAD, 128), f32)],
    )(Ago, P2D, latent, Q0, rw(q0b), Q1, rw(q1b), Q2, rw(q2b_),
      pfW, rw(pfb), oE0[:128], oE0[128:256], oN0[:128], rw(onb0))

    S2, D2 = _sc_gather(srcp, dstp, P2s, P2d)
    msg2 = pl.pallas_call(
        _edge_mlp2_body,
        grid=(grid_e,),
        in_specs=[espec(128), espec(128), espec(128), espec(128)] + [
            _full(s) for s in [(128, 128), (1, 128), (128, 128), (1, 128),
                               (1, 128), (1, 128)]],
        out_specs=espec(128),
        out_shape=jax.ShapeDtypeStruct((E_PAD, 128), f32),
    )(S2, D2, C2a, Cp, oE1, rw(ob1), oE2, rw(ob2), rw(oeg), rw(oebe))
    agg2 = _sc_scatter(dstp, msg2, zeros_h)

    res = pl.pallas_call(
        _node_mlp2_body,
        grid=(grid_n,),
        in_specs=[nspec(128), nspec(128), nspec(128), nspec(128),
                  nspec(8)] + [
            _full(s) for s in [(128, 128), (128, 128), (1, 128), (128, 128),
                               (1, 128), (1, 128), (1, 128),
                               (128, 128), (1, 128), (128, 128), (1, 128),
                               (128, 8), (1, 8)]],
        out_specs=nspec(8),
        out_shape=jax.ShapeDtypeStruct((N_PAD, 8), f32),
    )(Qnf2, agg2[0], agg2[1], nf2, nd8,
      oN0[128:], oN1, rw(onb1), oN2, rw(onb2), rw(ong), rw(onbe),
      wo0, rw(wob0), wo1, rw(wob1), wo2p, rw(wob2p))

    return res[:N, :3]

# --- scband reference (transcript-rebuilt; emitter-appended) ---
"""Pipeline reference for scband-physics-engine-41351945126384 (READ-ONLY COPY).

The authoritative reference and input builder live on the scoring server;
editing this copy changes nothing except your own understanding.
"""

import jax, jax.numpy as jnp
import numpy as np

N = 10000
E = 160000
HID = 128
DIM = 3
WIN = 5
PT_DIM = 16
NUM_TYPES = 9
GRID = 16
RADIUS = 0.145
FHID = 32
M1 = 16
M2 = 9

def _lin(k, i, o, s=0.05):
    return (jax.random.normal(k, (i, o), dtype=jnp.float32) * s, jnp.zeros((o,), jnp.float32))

def _mlp_p(k, dims):
    ks = jax.random.split(k, len(dims) - 1)
    return [_lin(ks[j], dims[j], dims[j + 1]) for j in range(len(dims) - 1)]

def _ln_p(d):
    return (jnp.ones((d,), jnp.float32), jnp.zeros((d,), jnp.float32))

def _apply_mlp(ps, x, act, ln=None):
    n = len(ps)
    for i, (W, b) in enumerate(ps):
        x = x @ W + b
        if i < n - 1:
            x = act(x)
    if ln is not None:
        g, be = ln
        m = x.mean(-1, keepdims=True)
        v = x.var(-1, keepdims=True)
        x = (x - m) / jnp.sqrt(v + 1e-5) * g + be
    return x

def _conv1x1(x, Wb):
    W, b = Wb
    return jnp.einsum('bchw,co->bohw', x, W) + b[None, :, None, None]

def _latent_queries():
    m = np.linspace(-1.0, 1.0, GRID)
    g = np.stack(np.meshgrid(m, m, indexing='xy'))
    return jnp.asarray(np.transpose(g, (1, 2, 0)).reshape(-1, 2).astype(np.float32))

def make_params(key):
    ks = list(jax.random.split(key, 32))
    p = {}
    p['embed'] = jax.random.normal(ks[0], (NUM_TYPES, PT_DIM), dtype=jnp.float32) * 0.05
    p['node_in'] = _mlp_p(ks[1], [PT_DIM + DIM * (WIN + 2), HID, HID, HID])
    p['node_in_ln'] = _ln_p(HID)
    p['edge_in'] = _mlp_p(ks[2], [DIM + 1, HID, HID, HID])
    p['edge_in_ln'] = _ln_p(HID)
    p['node_out'] = _mlp_p(ks[3], [HID, HID, HID, DIM])
    p['project2d'] = _lin(ks[4], DIM, 2, 1.0)
    p['in0_edge'] = _mlp_p(ks[5], [3 * HID, HID, HID, HID])
    p['in0_edge_ln'] = _ln_p(HID)
    p['in0_node'] = _mlp_p(ks[6], [2 * HID, HID, HID, HID])
    p['in0_node_ln'] = _ln_p(HID)
    p['out0_edge'] = _mlp_p(ks[7], [3 * HID, HID, HID, HID])
    p['out0_edge_ln'] = _ln_p(HID)
    p['out0_node'] = _mlp_p(ks[8], [2 * HID, HID, HID, HID])
    p['out0_node_ln'] = _ln_p(HID)
    p['gno_in_k'] = _mlp_p(ks[9], [2 + DIM, 32, 64, DIM])
    p['gno_out_k'] = _mlp_p(ks[10], [2, 32, 64, HID])
    p['fno_lift1'] = _lin(ks[11], DIM, FHID)
    p['fno_lift2'] = _lin(ks[12], FHID, FHID)
    blocks = []
    for i in range(2):
        kb = jax.random.split(ks[13 + i], 4)
        blocks.append({
            'wr': jax.random.normal(kb[0], (FHID, FHID, M1, M2), dtype=jnp.float32) * 0.02,
            'wi': jax.random.normal(kb[1], (FHID, FHID, M1, M2), dtype=jnp.float32) * 0.02,
            'skip': _lin(kb[2], FHID, FHID),
            'mlp1': _lin(kb[3], FHID, FHID // 2),
            'mlp2': _lin(jax.random.fold_in(kb[3], 1), FHID // 2, FHID),
        })
    p['fno_blocks'] = blocks
    p['fno_proj1'] = _lin(ks[15], FHID, FHID)
    p['fno_proj2'] = _lin(ks[16], FHID, HID)
    p['proj_final'] = _lin(ks[17], HID, HID)
    return p

def setup_inputs(seed: int = 0):
    key = jax.random.key(seed)
    ks = list(jax.random.split(key, 8))
    return {
        'x': jax.random.randint(ks[0], (N,), 0, NUM_TYPES),
        'pos': jax.random.normal(ks[1], (N, DIM * (WIN + 2)), dtype=jnp.float32),
        'edge_index': jax.random.randint(ks[2], (2, E), 0, N),
        'edge_attr': jax.random.normal(ks[3], (E, DIM + 1), dtype=jnp.float32),
        'node_dist': jax.random.uniform(ks[4], (N, 1), dtype=jnp.float32),
        'recent_pos': jax.random.normal(ks[5], (N, DIM), dtype=jnp.float32),
        'params': make_params(ks[6]),
    }

def _forward(x, edge_index, pos, edge_attr, node_dist, recent_pos, p):
    relu = jax.nn.relu
    gelu = jax.nn.gelu
    src = edge_index[0]
    dst = edge_index[1]

    def interact(nf, ef, pe, pe_ln, pn, pn_ln):
        e_in = jnp.concatenate([nf[src], nf[dst], ef], axis=-1)
        e_new = _apply_mlp(pe, e_in, relu, pe_ln)
        msg = e_new * node_dist[dst]
        agg = jax.ops.segment_sum(msg, dst, num_segments=nf.shape[0])
        n_new = _apply_mlp(pn, jnp.concatenate([nf, agg], axis=-1), relu, pn_ln)
        return nf + n_new, ef + e_new

    nf = jnp.concatenate([p['embed'][x], pos], axis=-1)
    nf = _apply_mlp(p['node_in'], nf, relu, p['node_in_ln'])
    ef = _apply_mlp(p['edge_in'], edge_attr, relu, p['edge_in_ln'])
    nf, ef = interact(nf, ef, p['in0_edge'], p['in0_edge_ln'], p['in0_node'], p['in0_node_ln'])
    out1 = _apply_mlp(p['node_out'], nf, relu, None)
    pos2d = jnp.tanh(recent_pos @ p['project2d'][0] + p['project2d'][1])
    lq = _latent_queries()
    r2 = RADIUS * RADIUS

    def per_q_in(xq):
        rel = pos2d - xq[None, :]
        mask = (jnp.sum(rel * rel, axis=-1) <= r2).astype(jnp.float32)
        k = _apply_mlp(p['gno_in_k'], jnp.concatenate([rel, out1], axis=-1), gelu)
        cnt = jnp.maximum(mask.sum(), 1.0)
        return jnp.sum(k * mask[:, None], axis=0) / cnt

    in_p = jax.lax.map(per_q_in, lq)
    h = jnp.transpose(in_p.reshape(1, GRID, GRID, DIM), (0, 3, 1, 2))
    h = _conv1x1(h, p['fno_lift1'])
    h = gelu(h)
    h = _conv1x1(h, p['fno_lift2'])
    for bp in p['fno_blocks']:
        xp = gelu(h)
        xs = jnp.tanh(xp)
        ft = jnp.fft.rfft2(xs)
        w = bp['wr'] + 1j * bp['wi']
        out_ft = jnp.einsum('bchw,cohw->bohw', ft, w)
        spec = jnp.fft.irfft2(out_ft, s=(GRID, GRID))
        h = spec + _conv1x1(xp, bp['skip'])
        y = gelu(h)
        y = _conv1x1(y, bp['mlp1'])
        y = gelu(y)
        y = _conv1x1(y, bp['mlp2'])
        h = h + y
    h = _conv1x1(h, p['fno_proj1'])
    h = gelu(h)
    h = _conv1x1(h, p['fno_proj2'])
    latent = h.reshape(GRID * GRID, HID)

    def per_q_out(xq):
        rel = lq - xq[None, :]
        mask = (jnp.sum(rel * rel, axis=-1) <= r2).astype(jnp.float32)
        k = _apply_mlp(p['gno_out_k'], rel, gelu)
        cnt = jnp.maximum(mask.sum(), 1.0)
        return jnp.sum(k * latent * mask[:, None], axis=0) / cnt

    go = jax.lax.map(per_q_out, pos2d)
    o = jnp.transpose(go[None, :, :], (0, 2, 1))
    W, b = p['proj_final']
    o = jnp.einsum('bcn,co->bon', o, W) + b[None, :, None]
    nf2 = jnp.transpose(o[0], (1, 0))
    nf2, ef = interact(nf2, ef, p['out0_edge'], p['out0_edge_ln'], p['out0_node'], p['out0_node_ln'])
    return _apply_mlp(p['node_out'], nf2, relu, None)

def reference(x, pos, edge_index, edge_attr, node_dist, recent_pos, params):
    return _forward(x, edge_index, pos, edge_attr, node_dist, recent_pos, params)

if __name__ == "__main__":
    import jax
    _d = setup_inputs()
    print(jax.jit(kernel)(*tuple(_d.values())))

</pallas_src>

<mosaic_0001>
#map = affine_map<(d0, d1) -> (0)>
#map1 = affine_map<(d0, d1) -> (0, 0)>
#map2 = affine_map<(d0, d1) -> (0, 0, 0)>
module attributes {stable_mosaic.version = 14 : i64} {
  func.func @scatter(%arg0: i32, %arg1: i32, %arg2: memref<163840xi32, #tpu.memory_space<hbm>>, %arg3: memref<163840x128xf32, #tpu.memory_space<hbm>>, %arg4: memref<10240x128xf32, #tpu.memory_space<hbm>>, %arg5: memref<2x10240x128xf32, #tpu.memory_space<hbm>>, %arg6: memref<128xi32, #tpu.memory_space<vmem>>, %arg7: memref<128x128xf32, #tpu.memory_space<vmem>>, %arg8: memref<10240x128xf32, #tpu.memory_space<vmem_shared>>) attributes {dimension_semantics = [#tpu.dimension_semantics<core_parallel>, #tpu.dimension_semantics<subcore_parallel>], iteration_bounds = array<i64: 2, 16>, scalar_prefetch = 0 : i64, scratch_operands = 3 : i64, tpu.core_type = #tpu.core_type<sc_vector_subcore>, window_params = [{transform_indices = #map}, {transform_indices = #map1}, {transform_indices = #map1}, {transform_indices = #map2}]} {
    %mul3A = arith.constant 640 : i32
    %mul3A_0 = arith.muli %arg1, %mul3A : i32
    %mul3A_1 = arith.constant 640 : i32
    %mul3A_2 = arith.muli %arg1, %mul3A_1 : i32
    "tpu.region"() ({
      %run_scoped3A = tpu.sem_alloc : memref<!tpu.dma_semaphore, #tpu.memory_space<semaphore_mem>>
      %dma_start3A = arith.constant 0 : i32
      %dma_start3A_17 = tpu.memref_slice %arg8[%mul3A_2, %dma_start3A] : memref<10240x128xf32, #tpu.memory_space<vmem_shared>> -> memref<640x128xf32, #tpu.memory_space<vmem_shared>>
      %dma_start3A_18 = arith.constant 0 : i32
      %dma_start3A_19 = tpu.memref_slice %arg4[%mul3A_0, %dma_start3A_18] : memref<10240x128xf32, #tpu.memory_space<hbm>> -> memref<640x128xf32, #tpu.memory_space<hbm>>
      tpu.enqueue_dma source(%dma_start3A_19 : memref<640x128xf32, #tpu.memory_space<hbm>>) target(%dma_start3A_17 : memref<640x128xf32, #tpu.memory_space<vmem_shared>>) target_semaphore(%run_scoped3A : memref<!tpu.dma_semaphore, #tpu.memory_space<semaphore_mem>>)
      %dma_wait3A = arith.constant 0 : i32
      %dma_wait3A_20 = tpu.memref_slice %arg8[%mul3A_2, %dma_wait3A] : memref<10240x128xf32, #tpu.memory_space<vmem_shared>> -> memref<640x128xf32, #tpu.memory_space<vmem_shared>>
      %dma_wait3A_21 = arith.constant 0 : i32
      %dma_wait3A_22 = tpu.memref_slice %arg4[%mul3A_0, %dma_wait3A_21] : memref<10240x128xf32, #tpu.memory_space<hbm>> -> memref<640x128xf32, #tpu.memory_space<hbm>>
      tpu.wait_dma2 semaphore(%run_scoped3A : memref<!tpu.dma_semaphore, #tpu.memory_space<semaphore_mem>>) src(%dma_wait3A_22 : memref<640x128xf32, #tpu.memory_space<hbm>>) dst(%dma_wait3A_20 : memref<640x128xf32, #tpu.memory_space<vmem_shared>>)
      tpu.yield
    }) : () -> ()
    %barrier3A = arith.constant 0 : index
    tpu.barrier barrier_id(%barrier3A)
    %mul3A_3 = arith.constant 2 : i32
    %mul3A_4 = arith.muli %arg1, %mul3A_3 : i32
    %add3A = arith.addi %mul3A_4, %arg0 : i32
    %mul3A_5 = arith.constant 5120 : i32
    %mul3A_6 = arith.muli %add3A, %mul3A_5 : i32
    %scan3A = arith.constant 0 : i32
    %scan3A_7 = arith.constant 0 : i32
    %scan3A_8 = arith.constant 40 : i32
    %scan3A_9 = arith.addi %scan3A_7, %scan3A_8 : i32
    %scan3A_10 = arith.constant 1 : i32
    scf.for %scan3A_17 = %scan3A_7 to %scan3A_9 step %scan3A_10  : i32 {
      %mul3A_18 = arith.constant 128 : i32
      %mul3A_19 = arith.muli %scan3A_17, %mul3A_18 : i32
      %add3A_20 = arith.addi %mul3A_6, %mul3A_19 : i32
      "tpu.region"() ({
        %run_scoped3A = tpu.sem_alloc : memref<!tpu.dma_semaphore, #tpu.memory_space<semaphore_mem>>
        %dma_start3A = tpu.memref_slice %arg2[%add3A_20] : memref<163840xi32, #tpu.memory_space<hbm>> -> memref<128xi32, #tpu.memory_space<hbm>>
        %dma_start3A_21 = tpu.memref_slice %arg2[%add3A_20] : memref<163840xi32, #tpu.memory_space<hbm>> -> memref<128xi32, #tpu.memory_space<hbm>>
        tpu.enqueue_dma source(%dma_start3A_21 : memref<128xi32, #tpu.memory_space<hbm>>) target(%arg6 : memref<128xi32, #tpu.memory_space<vmem>>) target_semaphore(%run_scoped3A : memref<!tpu.dma_semaphore, #tpu.memory_space<semaphore_mem>>)
        %dma_wait3A = tpu.memref_slice %arg2[%add3A_20] : memref<163840xi32, #tpu.memory_space<hbm>> -> memref<128xi32, #tpu.memory_space<hbm>>
        %dma_wait3A_22 = tpu.memref_slice %arg2[%add3A_20] : memref<163840xi32, #tpu.memory_space<hbm>> -> memref<128xi32, #tpu.memory_space<hbm>>
        tpu.wait_dma2 semaphore(%run_scoped3A : memref<!tpu.dma_semaphore, #tpu.memory_space<semaphore_mem>>) src(%dma_wait3A_22 : memref<128xi32, #tpu.memory_space<hbm>>) dst(%arg6 : memref<128xi32, #tpu.memory_space<vmem>>)
        tpu.yield
      }) : () -> ()
      "tpu.region"() ({
        %run_scoped3A = tpu.sem_alloc : memref<!tpu.dma_semaphore, #tpu.memory_space<semaphore_mem>>
        %dma_start3A = arith.constant 0 : i32
        %dma_start3A_21 = tpu.memref_slice %arg3[%add3A_20, %dma_start3A] : memref<163840x128xf32, #tpu.memory_space<hbm>> -> memref<128x128xf32, #tpu.memory_space<hbm>>
        %dma_start3A_22 = arith.constant 0 : i32
        %dma_start3A_23 = tpu.memref_slice %arg3[%add3A_20, %dma_start3A_22] : memref<163840x128xf32, #tpu.memory_space<hbm>> -> memref<128x128xf32, #tpu.memory_space<hbm>>
        tpu.enqueue_dma source(%dma_start3A_23 : memref<128x128xf32, #tpu.memory_space<hbm>>) target(%arg7 : memref<128x128xf32, #tpu.memory_space<vmem>>) target_semaphore(%run_scoped3A : memref<!tpu.dma_semaphore, #tpu.memory_space<semaphore_mem>>)
        %dma_wait3A = arith.constant 0 : i32
        %dma_wait3A_24 = tpu.memref_slice %arg3[%add3A_20, %dma_wait3A] : memref<163840x128xf32, #tpu.memory_space<hbm>> -> memref<128x128xf32, #tpu.memory_space<hbm>>
        %dma_wait3A_25 = arith.constant 0 : i32
        %dma_wait3A_26 = tpu.memref_slice %arg3[%add3A_20, %dma_wait3A_25] : memref<163840x128xf32, #tpu.memory_space<hbm>> -> memref<128x128xf32, #tpu.memory_space<hbm>>
        tpu.wait_dma2 semaphore(%run_scoped3A : memref<!tpu.dma_semaphore, #tpu.memory_space<semaphore_mem>>) src(%dma_wait3A_26 : memref<128x128xf32, #tpu.memory_space<hbm>>) dst(%arg7 : memref<128x128xf32, #tpu.memory_space<vmem>>)
        tpu.yield
      }) : () -> ()
      "tpu.region"() ({
        %run_scoped3A = tpu.sem_alloc : memref<!tpu.dma_semaphore, #tpu.memory_space<semaphore_mem>>
        %dma_start3A = arith.constant 0 : i32
        %dma_start3A_21 = arith.constant 0 : i32
        %dma_start3A_22 = tpu.memref_slice %arg8[%dma_start3A, %dma_start3A_21] : memref<10240x128xf32, #tpu.memory_space<vmem_shared>> -> memref<10240x128xf32, #tpu.memory_space<vmem_shared>>
        tpu.enqueue_indirect_dma source(%arg7 : memref<128x128xf32, #tpu.memory_space<vmem>>) target(%dma_start3A_22 : memref<10240x128xf32, #tpu.memory_space<vmem_shared>>) offsets(%arg6 : memref<128xi32, #tpu.memory_space<vmem>>) semaphore(%run_scoped3A : memref<!tpu.dma_semaphore, #tpu.memory_space<semaphore_mem>>) {add = true}
        %dma_wait3A = arith.constant 0 : i32
        %dma_wait3A_23 = arith.constant 0 : i32
        %dma_wait3A_24 = tpu.memref_slice %arg8[%dma_wait3A, %dma_wait3A_23] : memref<10240x128xf32, #tpu.memory_space<vmem_shared>> -> memref<10240x128xf32, #tpu.memory_space<vmem_shared>>
        tpu.wait_indirect_dma semaphore(%run_scoped3A : memref<!tpu.dma_semaphore, #tpu.memory_space<semaphore_mem>>) src(%arg7 : memref<128x128xf32, #tpu.memory_space<vmem>>) dst(%dma_wait3A_24 : memref<10240x128xf32, #tpu.memory_space<vmem_shared>>)
        tpu.yield
      }) : () -> ()
    }
    %scan3A_11 = arith.constant 40 : i32
    %barrier3A_12 = arith.constant 0 : index
    tpu.barrier barrier_id(%barrier3A_12)
    %mul3A_13 = arith.constant 640 : i32
    %mul3A_14 = arith.muli %arg1, %mul3A_13 : i32
    %mul3A_15 = arith.constant 640 : i32
    %mul3A_16 = arith.muli %arg1, %mul3A_15 : i32
    "tpu.region"() ({
      %run_scoped3A = tpu.sem_alloc : memref<!tpu.dma_semaphore, #tpu.memory_space<semaphore_mem>>
      %dma_start3A = arith.constant 0 : i32
      %dma_start3A_17 = tpu.memref_slice %arg5[%arg0, %mul3A_16, %dma_start3A] : memref<2x10240x128xf32, #tpu.memory_space<hbm>> -> memref<1x640x128xf32, #tpu.memory_space<hbm>>
      %dma_start3A_18 = tpu.memref_squeeze %dma_start3A_17 : memref<1x640x128xf32, #tpu.memory_space<hbm>> -> memref<640x128xf32, #tpu.memory_space<hbm>>
      %dma_start3A_19 = arith.constant 0 : i32
      %dma_start3A_20 = tpu.memref_slice %arg8[%mul3A_14, %dma_start3A_19] : memref<10240x128xf32, #tpu.memory_space<vmem_shared>> -> memref<640x128xf32, #tpu.memory_space<vmem_shared>>
      tpu.enqueue_dma source(%dma_start3A_20 : memref<640x128xf32, #tpu.memory_space<vmem_shared>>) target(%dma_start3A_18 : memref<640x128xf32, #tpu.memory_space<hbm>>) target_semaphore(%run_scoped3A : memref<!tpu.dma_semaphore, #tpu.memory_space<semaphore_mem>>)
      %dma_wait3A = arith.constant 0 : i32
      %dma_wait3A_21 = tpu.memref_slice %arg5[%arg0, %mul3A_16, %dma_wait3A] : memref<2x10240x128xf32, #tpu.memory_space<hbm>> -> memref<1x640x128xf32, #tpu.memory_space<hbm>>
      %dma_wait3A_22 = tpu.memref_squeeze %dma_wait3A_21 : memref<1x640x128xf32, #tpu.memory_space<hbm>> -> memref<640x128xf32, #tpu.memory_space<hbm>>
      %dma_wait3A_23 = arith.constant 0 : i32
      %dma_wait3A_24 = tpu.memref_slice %arg8[%mul3A_14, %dma_wait3A_23] : memref<10240x128xf32, #tpu.memory_space<vmem_shared>> -> memref<640x128xf32, #tpu.memory_space<vmem_shared>>
      tpu.wait_dma2 semaphore(%run_scoped3A : memref<!tpu.dma_semaphore, #tpu.memory_space<semaphore_mem>>) src(%dma_wait3A_24 : memref<640x128xf32, #tpu.memory_space<vmem_shared>>) dst(%dma_wait3A_22 : memref<640x128xf32, #tpu.memory_space<hbm>>)
      tpu.yield
    }) : () -> ()
    return
  }
}

#map = affine_map<(d0, d1) -> (0)>
#map1 = affine_map<(d0, d1) -> (0, 0)>
module attributes {stable_mosaic.version = 14 : i64} {
  func.func @gather(%arg0: i32, %arg1: i32, %arg2: memref<163840xi32, #tpu.memory_space<hbm>>, %arg3: memref<163840xi32, #tpu.memory_space<hbm>>, %arg4: memref<10240x128xf32, #tpu.memory_space<hbm>>, %arg5: memref<10240x128xf32, #tpu.memory_space<hbm>>, %arg6: memref<163840x128xf32, #tpu.memory_space<hbm>>, %arg7: memref<163840x128xf32, #tpu.memory_space<hbm>>, %arg8: memref<128xi32, #tpu.memory_space<vmem>>, %arg9: memref<128xi32, #tpu.memory_space<vmem>>, %arg10: memref<128x128xf32, #tpu.memory_space<vmem>>, %arg11: memref<128x128xf32, #tpu.memory_space<vmem>>, %arg12: memref<!tpu.dma_semaphore, #tpu.memory_space<semaphore_mem>>, %arg13: memref<!tpu.dma_semaphore, #tpu.memory_space<semaphore_mem>>) attributes {dimension_semantics = [#tpu.dimension_semantics<core_parallel>, #tpu.dimension_semantics<subcore_parallel>], iteration_bounds = array<i64: 2, 16>, scalar_prefetch = 0 : i64, scratch_operands = 6 : i64, tpu.core_type = #tpu.core_type<sc_vector_subcore>, window_params = [{transform_indices = #map}, {transform_indices = #map}, {transform_indices = #map1}, {transform_indices = #map1}, {transform_indices = #map1}, {transform_indices = #map1}]} {
    %mul3A = arith.constant 2 : i32
    %mul3A_0 = arith.muli %arg1, %mul3A : i32
    %add3A = arith.addi %mul3A_0, %arg0 : i32
    %mul3A_1 = arith.constant 5120 : i32
    %mul3A_2 = arith.muli %add3A, %mul3A_1 : i32
    %scan3A = arith.constant 0 : i32
    %scan3A_3 = arith.constant 0 : i32
    %scan3A_4 = arith.constant 40 : i32
    %scan3A_5 = arith.addi %scan3A_3, %scan3A_4 : i32
    %scan3A_6 = arith.constant 1 : i32
    scf.for %scan3A_8 = %scan3A_3 to %scan3A_5 step %scan3A_6  : i32 {
      %mul3A_9 = arith.constant 128 : i32
      %mul3A_10 = arith.muli %scan3A_8, %mul3A_9 : i32
      %add3A_11 = arith.addi %mul3A_2, %mul3A_10 : i32
      "tpu.region"() ({
        %run_scoped3A = tpu.sem_alloc : memref<!tpu.dma_semaphore, #tpu.memory_space<semaphore_mem>>
        %dma_start3A_22 = tpu.memref_slice %arg2[%add3A_11] : memref<163840xi32, #tpu.memory_space<hbm>> -> memref<128xi32, #tpu.memory_space<hbm>>
        %dma_start3A_23 = tpu.memref_slice %arg2[%add3A_11] : memref<163840xi32, #tpu.memory_space<hbm>> -> memref<128xi32, #tpu.memory_space<hbm>>
        tpu.enqueue_dma source(%dma_start3A_23 : memref<128xi32, #tpu.memory_space<hbm>>) target(%arg8 : memref<128xi32, #tpu.memory_space<vmem>>) target_semaphore(%run_scoped3A : memref<!tpu.dma_semaphore, #tpu.memory_space<semaphore_mem>>)
        %dma_wait3A_24 = tpu.memref_slice %arg2[%add3A_11] : memref<163840xi32, #tpu.memory_space<hbm>> -> memref<128xi32, #tpu.memory_space<hbm>>
        %dma_wait3A_25 = tpu.memref_slice %arg2[%add3A_11] : memref<163840xi32, #tpu.memory_space<hbm>> -> memref<128xi32, #tpu.memory_space<hbm>>
        tpu.wait_dma2 semaphore(%run_scoped3A : memref<!tpu.dma_semaphore, #tpu.memory_space<semaphore_mem>>) src(%dma_wait3A_25 : memref<128xi32, #tpu.memory_space<hbm>>) dst(%arg8 : memref<128xi32, #tpu.memory_space<vmem>>)
        tpu.yield
      }) : () -> ()
      "tpu.region"() ({
        %run_scoped3A = tpu.sem_alloc : memref<!tpu.dma_semaphore, #tpu.memory_space<semaphore_mem>>
        %dma_start3A_22 = tpu.memref_slice %arg3[%add3A_11] : memref<163840xi32, #tpu.memory_space<hbm>> -> memref<128xi32, #tpu.memory_space<hbm>>
        %dma_start3A_23 = tpu.memref_slice %arg3[%add3A_11] : memref<163840xi32, #tpu.memory_space<hbm>> -> memref<128xi32, #tpu.memory_space<hbm>>
        tpu.enqueue_dma source(%dma_start3A_23 : memref<128xi32, #tpu.memory_space<hbm>>) target(%arg9 : memref<128xi32, #tpu.memory_space<vmem>>) target_semaphore(%run_scoped3A : memref<!tpu.dma_semaphore, #tpu.memory_space<semaphore_mem>>)
        %dma_wait3A_24 = tpu.memref_slice %arg3[%add3A_11] : memref<163840xi32, #tpu.memory_space<hbm>> -> memref<128xi32, #tpu.memory_space<hbm>>
        %dma_wait3A_25 = tpu.memref_slice %arg3[%add3A_11] : memref<163840xi32, #tpu.memory_space<hbm>> -> memref<128xi32, #tpu.memory_space<hbm>>
        tpu.wait_dma2 semaphore(%run_scoped3A : memref<!tpu.dma_semaphore, #tpu.memory_space<semaphore_mem>>) src(%dma_wait3A_25 : memref<128xi32, #tpu.memory_space<hbm>>) dst(%arg9 : memref<128xi32, #tpu.memory_space<vmem>>)
        tpu.yield
      }) : () -> ()
      %dma_start3A = arith.constant 0 : i32
      %dma_start3A_12 = arith.constant 0 : i32
      %dma_start3A_13 = tpu.memref_slice %arg4[%dma_start3A, %dma_start3A_12] : memref<10240x128xf32, #tpu.memory_space<hbm>> -> memref<10240x128xf32, #tpu.memory_space<hbm>>
      tpu.enqueue_indirect_dma source(%dma_start3A_13 : memref<10240x128xf32, #tpu.memory_space<hbm>>) target(%arg10 : memref<128x128xf32, #tpu.memory_space<vmem>>) offsets(%arg8 : memref<128xi32, #tpu.memory_space<vmem>>) semaphore(%arg12 : memref<!tpu.dma_semaphore, #tpu.memory_space<semaphore_mem>>)
      %dma_start3A_14 = arith.constant 0 : i32
      %dma_start3A_15 = arith.constant 0 : i32
      %dma_start3A_16 = tpu.memref_slice %arg5[%dma_start3A_14, %dma_start3A_15] : memref<10240x128xf32, #tpu.memory_space<hbm>> -> memref<10240x128xf32, #tpu.memory_space<hbm>>
      tpu.enqueue_indirect_dma source(%dma_start3A_16 : memref<10240x128xf32, #tpu.memory_space<hbm>>) target(%arg11 : memref<128x128xf32, #tpu.memory_space<vmem>>) offsets(%arg9 : memref<128xi32, #tpu.memory_space<vmem>>) semaphore(%arg13 : memref<!tpu.dma_semaphore, #tpu.memory_space<semaphore_mem>>)
      %dma_wait3A = arith.constant 0 : i32
      %dma_wait3A_17 = arith.constant 0 : i32
      %dma_wait3A_18 = tpu.memref_slice %arg4[%dma_wait3A, %dma_wait3A_17] : memref<10240x128xf32, #tpu.memory_space<hbm>> -> memref<10240x128xf32, #tpu.memory_space<hbm>>
      tpu.wait_indirect_dma semaphore(%arg12 : memref<!tpu.dma_semaphore, #tpu.memory_space<semaphore_mem>>) src(%dma_wait3A_18 : memref<10240x128xf32, #tpu.memory_space<hbm>>) dst(%arg10 : memref<128x128xf32, #tpu.memory_space<vmem>>)
      %dma_wait3A_19 = arith.constant 0 : i32
      %dma_wait3A_20 = arith.constant 0 : i32
      %dma_wait3A_21 = tpu.memref_slice %arg5[%dma_wait3A_19, %dma_wait3A_20] : memref<10240x128xf32, #tpu.memory_space<hbm>> -> memref<10240x128xf32, #tpu.memory_space<hbm>>
      tpu.wait_indirect_dma semaphore(%arg13 : memref<!tpu.dma_semaphore, #tpu.memory_space<semaphore_mem>>) src(%dma_wait3A_21 : memref<10240x128xf32, #tpu.memory_space<hbm>>) dst(%arg11 : memref<128x128xf32, #tpu.memory_space<vmem>>)
      "tpu.region"() ({
        %run_scoped3A = tpu.sem_alloc : memref<!tpu.dma_semaphore, #tpu.memory_space<semaphore_mem>>
        %dma_start3A_22 = arith.constant 0 : i32
        %dma_start3A_23 = tpu.memref_slice %arg6[%add3A_11, %dma_start3A_22] : memref<163840x128xf32, #tpu.memory_space<hbm>> -> memref<128x128xf32, #tpu.memory_space<hbm>>
        %dma_start3A_24 = arith.constant 0 : i32
        %dma_start3A_25 = tpu.memref_slice %arg6[%add3A_11, %dma_start3A_24] : memref<163840x128xf32, #tpu.memory_space<hbm>> -> memref<128x128xf32, #tpu.memory_space<hbm>>
        tpu.enqueue_dma source(%arg10 : memref<128x128xf32, #tpu.memory_space<vmem>>) target(%dma_start3A_25 : memref<128x128xf32, #tpu.memory_space<hbm>>) target_semaphore(%run_scoped3A : memref<!tpu.dma_semaphore, #tpu.memory_space<semaphore_mem>>)
        %dma_wait3A_26 = arith.constant 0 : i32
        %dma_wait3A_27 = tpu.memref_slice %arg6[%add3A_11, %dma_wait3A_26] : memref<163840x128xf32, #tpu.memory_space<hbm>> -> memref<128x128xf32, #tpu.memory_space<hbm>>
        %dma_wait3A_28 = arith.constant 0 : i32
        %dma_wait3A_29 = tpu.memref_slice %arg6[%add3A_11, %dma_wait3A_28] : memref<163840x128xf32, #tpu.memory_space<hbm>> -> memref<128x128xf32, #tpu.memory_space<hbm>>
        tpu.wait_dma2 semaphore(%run_scoped3A : memref<!tpu.dma_semaphore, #tpu.memory_space<semaphore_mem>>) src(%arg10 : memref<128x128xf32, #tpu.memory_space<vmem>>) dst(%dma_wait3A_29 : memref<128x128xf32, #tpu.memory_space<hbm>>)
        tpu.yield
      }) : () -> ()
      "tpu.region"() ({
        %run_scoped3A = tpu.sem_alloc : memref<!tpu.dma_semaphore, #tpu.memory_space<semaphore_mem>>
        %dma_start3A_22 = arith.constant 0 : i32
        %dma_start3A_23 = tpu.memref_slice %arg7[%add3A_11, %dma_start3A_22] : memref<163840x128xf32, #tpu.memory_space<hbm>> -> memref<128x128xf32, #tpu.memory_space<hbm>>
        %dma_start3A_24 = arith.constant 0 : i32
        %dma_start3A_25 = tpu.memref_slice %arg7[%add3A_11, %dma_start3A_24] : memref<163840x128xf32, #tpu.memory_space<hbm>> -> memref<128x128xf32, #tpu.memory_space<hbm>>
        tpu.enqueue_dma source(%arg11 : memref<128x128xf32, #tpu.memory_space<vmem>>) target(%dma_start3A_25 : memref<128x128xf32, #tpu.memory_space<hbm>>) target_semaphore(%run_scoped3A : memref<!tpu.dma_semaphore, #tpu.memory_space<semaphore_mem>>)
        %dma_wait3A_26 = arith.constant 0 : i32
        %dma_wait3A_27 = tpu.memref_slice %arg7[%add3A_11, %dma_wait3A_26] : memref<163840x128xf32, #tpu.memory_space<hbm>> -> memref<128x128xf32, #tpu.memory_space<hbm>>
        %dma_wait3A_28 = arith.constant 0 : i32
        %dma_wait3A_29 = tpu.memref_slice %arg7[%add3A_11, %dma_wait3A_28] : memref<163840x128xf32, #tpu.memory_space<hbm>> -> memref<128x128xf32, #tpu.memory_space<hbm>>
        tpu.wait_dma2 semaphore(%run_scoped3A : memref<!tpu.dma_semaphore, #tpu.memory_space<semaphore_mem>>) src(%arg11 : memref<128x128xf32, #tpu.memory_space<vmem>>) dst(%dma_wait3A_29 : memref<128x128xf32, #tpu.memory_space<hbm>>)
        tpu.yield
      }) : () -> ()
    }
    %scan3A_7 = arith.constant 40 : i32
    return
  }
}

#map = affine_map<(d0, d1) -> (0)>
#map1 = affine_map<(d0, d1) -> (0, 0)>
#map2 = affine_map<(d0, d1) -> (0, 0, 0)>
module attributes {stable_mosaic.version = 14 : i64} {
  func.func @scatter(%arg0: i32, %arg1: i32, %arg2: memref<163840xi32, #tpu.memory_space<hbm>>, %arg3: memref<163840x128xf32, #tpu.memory_space<hbm>>, %arg4: memref<10240x128xf32, #tpu.memory_space<hbm>>, %arg5: memref<2x10240x128xf32, #tpu.memory_space<hbm>>, %arg6: memref<128xi32, #tpu.memory_space<vmem>>, %arg7: memref<128x128xf32, #tpu.memory_space<vmem>>, %arg8: memref<10240x128xf32, #tpu.memory_space<vmem_shared>>) attributes {dimension_semantics = [#tpu.dimension_semantics<core_parallel>, #tpu.dimension_semantics<subcore_parallel>], iteration_bounds = array<i64: 2, 16>, scalar_prefetch = 0 : i64, scratch_operands = 3 : i64, tpu.core_type = #tpu.core_type<sc_vector_subcore>, window_params = [{transform_indices = #map}, {transform_indices = #map1}, {transform_indices = #map1}, {transform_indices = #map2}]} {
    %mul3A = arith.constant 640 : i32
    %mul3A_0 = arith.muli %arg1, %mul3A : i32
    %mul3A_1 = arith.constant 640 : i32
    %mul3A_2 = arith.muli %arg1, %mul3A_1 : i32
    "tpu.region"() ({
      %run_scoped3A = tpu.sem_alloc : memref<!tpu.dma_semaphore, #tpu.memory_space<semaphore_mem>>
      %dma_start3A = arith.constant 0 : i32
      %dma_start3A_17 = tpu.memref_slice %arg8[%mul3A_2, %dma_start3A] : memref<10240x128xf32, #tpu.memory_space<vmem_shared>> -> memref<640x128xf32, #tpu.memory_space<vmem_shared>>
      %dma_start3A_18 = arith.constant 0 : i32
      %dma_start3A_19 = tpu.memref_slice %arg4[%mul3A_0, %dma_start3A_18] : memref<10240x128xf32, #tpu.memory_space<hbm>> -> memref<640x128xf32, #tpu.memory_space<hbm>>
      tpu.enqueue_dma source(%dma_start3A_19 : memref<640x128xf32, #tpu.memory_space<hbm>>) target(%dma_start3A_17 : memref<640x128xf32, #tpu.memory_space<vmem_shared>>) target_semaphore(%run_scoped3A : memref<!tpu.dma_semaphore, #tpu.memory_space<semaphore_mem>>)
      %dma_wait3A = arith.constant 0 : i32
      %dma_wait3A_20 = tpu.memref_slice %arg8[%mul3A_2, %dma_wait3A] : memref<10240x128xf32, #tpu.memory_space<vmem_shared>> -> memref<640x128xf32, #tpu.memory_space<vmem_shared>>
      %dma_wait3A_21 = arith.constant 0 : i32
      %dma_wait3A_22 = tpu.memref_slice %arg4[%mul3A_0, %dma_wait3A_21] : memref<10240x128xf32, #tpu.memory_space<hbm>> -> memref<640x128xf32, #tpu.memory_space<hbm>>
      tpu.wait_dma2 semaphore(%run_scoped3A : memref<!tpu.dma_semaphore, #tpu.memory_space<semaphore_mem>>) src(%dma_wait3A_22 : memref<640x128xf32, #tpu.memory_space<hbm>>) dst(%dma_wait3A_20 : memref<640x128xf32, #tpu.memory_space<vmem_shared>>)
      tpu.yield
    }) : () -> ()
    %barrier3A = arith.constant 0 : index
    tpu.barrier barrier_id(%barrier3A)
    %mul3A_3 = arith.constant 2 : i32
    %mul3A_4 = arith.muli %arg1, %mul3A_3 : i32
    %add3A = arith.addi %mul3A_4, %arg0 : i32
    %mul3A_5 = arith.constant 5120 : i32
    %mul3A_6 = arith.muli %add3A, %mul3A_5 : i32
    %scan3A = arith.constant 0 : i32
    %scan3A_7 = arith.constant 0 : i32
    %scan3A_8 = arith.constant 40 : i32
    %scan3A_9 = arith.addi %scan3A_7, %scan3A_8 : i32
    %scan3A_10 = arith.constant 1 : i32
    scf.for %scan3A_17 = %scan3A_7 to %scan3A_9 step %scan3A_10  : i32 {
      %mul3A_18 = arith.constant 128 : i32
      %mul3A_19 = arith.muli %scan3A_17, %mul3A_18 : i32
      %add3A_20 = arith.addi %mul3A_6, %mul3A_19 : i32
      "tpu.region"() ({
        %run_scoped3A = tpu.sem_alloc : memref<!tpu.dma_semaphore, #tpu.memory_space<semaphore_mem>>
        %dma_start3A = tpu.memref_slice %arg2[%add3A_20] : memref<163840xi32, #tpu.memory_space<hbm>> -> memref<128xi32, #tpu.memory_space<hbm>>
        %dma_start3A_21 = tpu.memref_slice %arg2[%add3A_20] : memref<163840xi32, #tpu.memory_space<hbm>> -> memref<128xi32, #tpu.memory_space<hbm>>
        tpu.enqueue_dma source(%dma_start3A_21 : memref<128xi32, #tpu.memory_space<hbm>>) target(%arg6 : memref<128xi32, #tpu.memory_space<vmem>>) target_semaphore(%run_scoped3A : memref<!tpu.dma_semaphore, #tpu.memory_space<semaphore_mem>>)
        %dma_wait3A = tpu.memref_slice %arg2[%add3A_20] : memref<163840xi32, #tpu.memory_space<hbm>> -> memref<128xi32, #tpu.memory_space<hbm>>
        %dma_wait3A_22 = tpu.memref_slice %arg2[%add3A_20] : memref<163840xi32, #tpu.memory_space<hbm>> -> memref<128xi32, #tpu.memory_space<hbm>>
        tpu.wait_dma2 semaphore(%run_scoped3A : memref<!tpu.dma_semaphore, #tpu.memory_space<semaphore_mem>>) src(%dma_wait3A_22 : memref<128xi32, #tpu.memory_space<hbm>>) dst(%arg6 : memref<128xi32, #tpu.memory_space<vmem>>)
        tpu.yield
      }) : () -> ()
      "tpu.region"() ({
        %run_scoped3A = tpu.sem_alloc : memref<!tpu.dma_semaphore, #tpu.memory_space<semaphore_mem>>
        %dma_start3A = arith.constant 0 : i32
        %dma_start3A_21 = tpu.memref_slice %arg3[%add3A_20, %dma_start3A] : memref<163840x128xf32, #tpu.memory_space<hbm>> -> memref<128x128xf32, #tpu.memory_space<hbm>>
        %dma_start3A_22 = arith.constant 0 : i32
        %dma_start3A_23 = tpu.memref_slice %arg3[%add3A_20, %dma_start3A_22] : memref<163840x128xf32, #tpu.memory_space<hbm>> -> memref<128x128xf32, #tpu.memory_space<hbm>>
        tpu.enqueue_dma source(%dma_start3A_23 : memref<128x128xf32, #tpu.memory_space<hbm>>) target(%arg7 : memref<128x128xf32, #tpu.memory_space<vmem>>) target_semaphore(%run_scoped3A : memref<!tpu.dma_semaphore, #tpu.memory_space<semaphore_mem>>)
        %dma_wait3A = arith.constant 0 : i32
        %dma_wait3A_24 = tpu.memref_slice %arg3[%add3A_20, %dma_wait3A] : memref<163840x128xf32, #tpu.memory_space<hbm>> -> memref<128x128xf32, #tpu.memory_space<hbm>>
        %dma_wait3A_25 = arith.constant 0 : i32
        %dma_wait3A_26 = tpu.memref_slice %arg3[%add3A_20, %dma_wait3A_25] : memref<163840x128xf32, #tpu.memory_space<hbm>> -> memref<128x128xf32, #tpu.memory_space<hbm>>
        tpu.wait_dma2 semaphore(%run_scoped3A : memref<!tpu.dma_semaphore, #tpu.memory_space<semaphore_mem>>) src(%dma_wait3A_26 : memref<128x128xf32, #tpu.memory_space<hbm>>) dst(%arg7 : memref<128x128xf32, #tpu.memory_space<vmem>>)
        tpu.yield
      }) : () -> ()
      "tpu.region"() ({
        %run_scoped3A = tpu.sem_alloc : memref<!tpu.dma_semaphore, #tpu.memory_space<semaphore_mem>>
        %dma_start3A = arith.constant 0 : i32
        %dma_start3A_21 = arith.constant 0 : i32
        %dma_start3A_22 = tpu.memref_slice %arg8[%dma_start3A, %dma_start3A_21] : memref<10240x128xf32, #tpu.memory_space<vmem_shared>> -> memref<10240x128xf32, #tpu.memory_space<vmem_shared>>
        tpu.enqueue_indirect_dma source(%arg7 : memref<128x128xf32, #tpu.memory_space<vmem>>) target(%dma_start3A_22 : memref<10240x128xf32, #tpu.memory_space<vmem_shared>>) offsets(%arg6 : memref<128xi32, #tpu.memory_space<vmem>>) semaphore(%run_scoped3A : memref<!tpu.dma_semaphore, #tpu.memory_space<semaphore_mem>>) {add = true}
        %dma_wait3A = arith.constant 0 : i32
        %dma_wait3A_23 = arith.constant 0 : i32
        %dma_wait3A_24 = tpu.memref_slice %arg8[%dma_wait3A, %dma_wait3A_23] : memref<10240x128xf32, #tpu.memory_space<vmem_shared>> -> memref<10240x128xf32, #tpu.memory_space<vmem_shared>>
        tpu.wait_indirect_dma semaphore(%run_scoped3A : memref<!tpu.dma_semaphore, #tpu.memory_space<semaphore_mem>>) src(%arg7 : memref<128x128xf32, #tpu.memory_space<vmem>>) dst(%dma_wait3A_24 : memref<10240x128xf32, #tpu.memory_space<vmem_shared>>)
        tpu.yield
      }) : () -> ()
    }
    %scan3A_11 = arith.constant 40 : i32
    %barrier3A_12 = arith.constant 0 : index
    tpu.barrier barrier_id(%barrier3A_12)
    %mul3A_13 = arith.constant 640 : i32
    %mul3A_14 = arith.muli %arg1, %mul3A_13 : i32
    %mul3A_15 = arith.constant 640 : i32
    %mul3A_16 = arith.muli %arg1, %mul3A_15 : i32
    "tpu.region"() ({
      %run_scoped3A = tpu.sem_alloc : memref<!tpu.dma_semaphore, #tpu.memory_space<semaphore_mem>>
      %dma_start3A = arith.constant 0 : i32
      %dma_start3A_17 = tpu.memref_slice %arg5[%arg0, %mul3A_16, %dma_start3A] : memref<2x10240x128xf32, #tpu.memory_space<hbm>> -> memref<1x640x128xf32, #tpu.memory_space<hbm>>
      %dma_start3A_18 = tpu.memref_squeeze %dma_start3A_17 : memref<1x640x128xf32, #tpu.memory_space<hbm>> -> memref<640x128xf32, #tpu.memory_space<hbm>>
      %dma_start3A_19 = arith.constant 0 : i32
      %dma_start3A_20 = tpu.memref_slice %arg8[%mul3A_14, %dma_start3A_19] : memref<10240x128xf32, #tpu.memory_space<vmem_shared>> -> memref<640x128xf32, #tpu.memory_space<vmem_shared>>
      tpu.enqueue_dma source(%dma_start3A_20 : memref<640x128xf32, #tpu.memory_space<vmem_shared>>) target(%dma_start3A_18 : memref<640x128xf32, #tpu.memory_space<hbm>>) target_semaphore(%run_scoped3A : memref<!tpu.dma_semaphore, #tpu.memory_space<semaphore_mem>>)
      %dma_wait3A = arith.constant 0 : i32
      %dma_wait3A_21 = tpu.memref_slice %arg5[%arg0, %mul3A_16, %dma_wait3A] : memref<2x10240x128xf32, #tpu.memory_space<hbm>> -> memref<1x640x128xf32, #tpu.memory_space<hbm>>
      %dma_wait3A_22 = tpu.memref_squeeze %dma_wait3A_21 : memref<1x640x128xf32, #tpu.memory_space<hbm>> -> memref<640x128xf32, #tpu.memory_space<hbm>>
      %dma_wait3A_23 = arith.constant 0 : i32
      %dma_wait3A_24 = tpu.memref_slice %arg8[%mul3A_14, %dma_wait3A_23] : memref<10240x128xf32, #tpu.memory_space<vmem_shared>> -> memref<640x128xf32, #tpu.memory_space<vmem_shared>>
      tpu.wait_dma2 semaphore(%run_scoped3A : memref<!tpu.dma_semaphore, #tpu.memory_space<semaphore_mem>>) src(%dma_wait3A_24 : memref<640x128xf32, #tpu.memory_space<vmem_shared>>) dst(%dma_wait3A_22 : memref<640x128xf32, #tpu.memory_space<hbm>>)
      tpu.yield
    }) : () -> ()
    return
  }
}

#map = affine_map<(d0, d1) -> (0)>
#map1 = affine_map<(d0, d1) -> (0, 0)>
module attributes {stable_mosaic.version = 14 : i64} {
  func.func @gather(%arg0: i32, %arg1: i32, %arg2: memref<163840xi32, #tpu.memory_space<hbm>>, %arg3: memref<163840xi32, #tpu.memory_space<hbm>>, %arg4: memref<10240x128xf32, #tpu.memory_space<hbm>>, %arg5: memref<10240x128xf32, #tpu.memory_space<hbm>>, %arg6: memref<163840x128xf32, #tpu.memory_space<hbm>>, %arg7: memref<163840x128xf32, #tpu.memory_space<hbm>>, %arg8: memref<128xi32, #tpu.memory_space<vmem>>, %arg9: memref<128xi32, #tpu.memory_space<vmem>>, %arg10: memref<128x128xf32, #tpu.memory_space<vmem>>, %arg11: memref<128x128xf32, #tpu.memory_space<vmem>>, %arg12: memref<!tpu.dma_semaphore, #tpu.memory_space<semaphore_mem>>, %arg13: memref<!tpu.dma_semaphore, #tpu.memory_space<semaphore_mem>>) attributes {dimension_semantics = [#tpu.dimension_semantics<core_parallel>, #tpu.dimension_semantics<subcore_parallel>], iteration_bounds = array<i64: 2, 16>, scalar_prefetch = 0 : i64, scratch_operands = 6 : i64, tpu.core_type = #tpu.core_type<sc_vector_subcore>, window_params = [{transform_indices = #map}, {transform_indices = #map}, {transform_indices = #map1}, {transform_indices = #map1}, {transform_indices = #map1}, {transform_indices = #map1}]} {
    %mul3A = arith.constant 2 : i32
    %mul3A_0 = arith.muli %arg1, %mul3A : i32
    %add3A = arith.addi %mul3A_0, %arg0 : i32
    %mul3A_1 = arith.constant 5120 : i32
    %mul3A_2 = arith.muli %add3A, %mul3A_1 : i32
    %scan3A = arith.constant 0 : i32
    %scan3A_3 = arith.constant 0 : i32
    %scan3A_4 = arith.constant 40 : i32
    %scan3A_5 = arith.addi %scan3A_3, %scan3A_4 : i32
    %scan3A_6 = arith.constant 1 : i32
    scf.for %scan3A_8 = %scan3A_3 to %scan3A_5 step %scan3A_6  : i32 {
      %mul3A_9 = arith.constant 128 : i32
      %mul3A_10 = arith.muli %scan3A_8, %mul3A_9 : i32
      %add3A_11 = arith.addi %mul3A_2, %mul3A_10 : i32
      "tpu.region"() ({
        %run_scoped3A = tpu.sem_alloc : memref<!tpu.dma_semaphore, #tpu.memory_space<semaphore_mem>>
        %dma_start3A_22 = tpu.memref_slice %arg2[%add3A_11] : memref<163840xi32, #tpu.memory_space<hbm>> -> memref<128xi32, #tpu.memory_space<hbm>>
        %dma_start3A_23 = tpu.memref_slice %arg2[%add3A_11] : memref<163840xi32, #tpu.memory_space<hbm>> -> memref<128xi32, #tpu.memory_space<hbm>>
        tpu.enqueue_dma source(%dma_start3A_23 : memref<128xi32, #tpu.memory_space<hbm>>) target(%arg8 : memref<128xi32, #tpu.memory_space<vmem>>) target_semaphore(%run_scoped3A : memref<!tpu.dma_semaphore, #tpu.memory_space<semaphore_mem>>)
        %dma_wait3A_24 = tpu.memref_slice %arg2[%add3A_11] : memref<163840xi32, #tpu.memory_space<hbm>> -> memref<128xi32, #tpu.memory_space<hbm>>
        %dma_wait3A_25 = tpu.memref_slice %arg2[%add3A_11] : memref<163840xi32, #tpu.memory_space<hbm>> -> memref<128xi32, #tpu.memory_space<hbm>>
        tpu.wait_dma2 semaphore(%run_scoped3A : memref<!tpu.dma_semaphore, #tpu.memory_space<semaphore_mem>>) src(%dma_wait3A_25 : memref<128xi32, #tpu.memory_space<hbm>>) dst(%arg8 : memref<128xi32, #tpu.memory_space<vmem>>)
        tpu.yield
      }) : () -> ()
      "tpu.region"() ({
        %run_scoped3A = tpu.sem_alloc : memref<!tpu.dma_semaphore, #tpu.memory_space<semaphore_mem>>
        %dma_start3A_22 = tpu.memref_slice %arg3[%add3A_11] : memref<163840xi32, #tpu.memory_space<hbm>> -> memref<128xi32, #tpu.memory_space<hbm>>
        %dma_start3A_23 = tpu.memref_slice %arg3[%add3A_11] : memref<163840xi32, #tpu.memory_space<hbm>> -> memref<128xi32, #tpu.memory_space<hbm>>
        tpu.enqueue_dma source(%dma_start3A_23 : memref<128xi32, #tpu.memory_space<hbm>>) target(%arg9 : memref<128xi32, #tpu.memory_space<vmem>>) target_semaphore(%run_scoped3A : memref<!tpu.dma_semaphore, #tpu.memory_space<semaphore_mem>>)
        %dma_wait3A_24 = tpu.memref_slice %arg3[%add3A_11] : memref<163840xi32, #tpu.memory_space<hbm>> -> memref<128xi32, #tpu.memory_space<hbm>>
        %dma_wait3A_25 = tpu.memref_slice %arg3[%add3A_11] : memref<163840xi32, #tpu.memory_space<hbm>> -> memref<128xi32, #tpu.memory_space<hbm>>
        tpu.wait_dma2 semaphore(%run_scoped3A : memref<!tpu.dma_semaphore, #tpu.memory_space<semaphore_mem>>) src(%dma_wait3A_25 : memref<128xi32, #tpu.memory_space<hbm>>) dst(%arg9 : memref<128xi32, #tpu.memory_space<vmem>>)
        tpu.yield
      }) : () -> ()
      %dma_start3A = arith.constant 0 : i32
      %dma_start3A_12 = arith.constant 0 : i32
      %dma_start3A_13 = tpu.memref_slice %arg4[%dma_start3A, %dma_start3A_12] : memref<10240x128xf32, #tpu.memory_space<hbm>> -> memref<10240x128xf32, #tpu.memory_space<hbm>>
      tpu.enqueue_indirect_dma source(%dma_start3A_13 : memref<10240x128xf32, #tpu.memory_space<hbm>>) target(%arg10 : memref<128x128xf32, #tpu.memory_space<vmem>>) offsets(%arg8 : memref<128xi32, #tpu.memory_space<vmem>>) semaphore(%arg12 : memref<!tpu.dma_semaphore, #tpu.memory_space<semaphore_mem>>)
      %dma_start3A_14 = arith.constant 0 : i32
      %dma_start3A_15 = arith.constant 0 : i32
      %dma_start3A_16 = tpu.memref_slice %arg5[%dma_start3A_14, %dma_start3A_15] : memref<10240x128xf32, #tpu.memory_space<hbm>> -> memref<10240x128xf32, #tpu.memory_space<hbm>>
      tpu.enqueue_indirect_dma source(%dma_start3A_16 : memref<10240x128xf32, #tpu.memory_space<hbm>>) target(%arg11 : memref<128x128xf32, #tpu.memory_space<vmem>>) offsets(%arg9 : memref<128xi32, #tpu.memory_space<vmem>>) semaphore(%arg13 : memref<!tpu.dma_semaphore, #tpu.memory_space<semaphore_mem>>)
      %dma_wait3A = arith.constant 0 : i32
      %dma_wait3A_17 = arith.constant 0 : i32
      %dma_wait3A_18 = tpu.memref_slice %arg4[%dma_wait3A, %dma_wait3A_17] : memref<10240x128xf32, #tpu.memory_space<hbm>> -> memref<10240x128xf32, #tpu.memory_space<hbm>>
      tpu.wait_indirect_dma semaphore(%arg12 : memref<!tpu.dma_semaphore, #tpu.memory_space<semaphore_mem>>) src(%dma_wait3A_18 : memref<10240x128xf32, #tpu.memory_space<hbm>>) dst(%arg10 : memref<128x128xf32, #tpu.memory_space<vmem>>)
      %dma_wait3A_19 = arith.constant 0 : i32
      %dma_wait3A_20 = arith.constant 0 : i32
      %dma_wait3A_21 = tpu.memref_slice %arg5[%dma_wait3A_19, %dma_wait3A_20] : memref<10240x128xf32, #tpu.memory_space<hbm>> -> memref<10240x128xf32, #tpu.memory_space<hbm>>
      tpu.wait_indirect_dma semaphore(%arg13 : memref<!tpu.dma_semaphore, #tpu.memory_space<semaphore_mem>>) src(%dma_wait3A_21 : memref<10240x128xf32, #tpu.memory_space<hbm>>) dst(%arg11 : memref<128x128xf32, #tpu.memory_space<vmem>>)
      "tpu.region"() ({
        %run_scoped3A = tpu.sem_alloc : memref<!tpu.dma_semaphore, #tpu.memory_space<semaphore_mem>>
        %dma_start3A_22 = arith.constant 0 : i32
        %dma_start3A_23 = tpu.memref_slice %arg6[%add3A_11, %dma_start3A_22] : memref<163840x128xf32, #tpu.memory_space<hbm>> -> memref<128x128xf32, #tpu.memory_space<hbm>>
        %dma_start3A_24 = arith.constant 0 : i32
        %dma_start3A_25 = tpu.memref_slice %arg6[%add3A_11, %dma_start3A_24] : memref<163840x128xf32, #tpu.memory_space<hbm>> -> memref<128x128xf32, #tpu.memory_space<hbm>>
        tpu.enqueue_dma source(%arg10 : memref<128x128xf32, #tpu.memory_space<vmem>>) target(%dma_start3A_25 : memref<128x128xf32, #tpu.memory_space<hbm>>) target_semaphore(%run_scoped3A : memref<!tpu.dma_semaphore, #tpu.memory_space<semaphore_mem>>)
        %dma_wait3A_26 = arith.constant 0 : i32
        %dma_wait3A_27 = tpu.memref_slice %arg6[%add3A_11, %dma_wait3A_26] : memref<163840x128xf32, #tpu.memory_space<hbm>> -> memref<128x128xf32, #tpu.memory_space<hbm>>
        %dma_wait3A_28 = arith.constant 0 : i32
        %dma_wait3A_29 = tpu.memref_slice %arg6[%add3A_11, %dma_wait3A_28] : memref<163840x128xf32, #tpu.memory_space<hbm>> -> memref<128x128xf32, #tpu.memory_space<hbm>>
        tpu.wait_dma2 semaphore(%run_scoped3A : memref<!tpu.dma_semaphore, #tpu.memory_space<semaphore_mem>>) src(%arg10 : memref<128x128xf32, #tpu.memory_space<vmem>>) dst(%dma_wait3A_29 : memref<128x128xf32, #tpu.memory_space<hbm>>)
        tpu.yield
      }) : () -> ()
      "tpu.region"() ({
        %run_scoped3A = tpu.sem_alloc : memref<!tpu.dma_semaphore, #tpu.memory_space<semaphore_mem>>
        %dma_start3A_22 = arith.constant 0 : i32
        %dma_start3A_23 = tpu.memref_slice %arg7[%add3A_11, %dma_start3A_22] : memref<163840x128xf32, #tpu.memory_space<hbm>> -> memref<128x128xf32, #tpu.memory_space<hbm>>
        %dma_start3A_24 = arith.constant 0 : i32
        %dma_start3A_25 = tpu.memref_slice %arg7[%add3A_11, %dma_start3A_24] : memref<163840x128xf32, #tpu.memory_space<hbm>> -> memref<128x128xf32, #tpu.memory_space<hbm>>
        tpu.enqueue_dma source(%arg11 : memref<128x128xf32, #tpu.memory_space<vmem>>) target(%dma_start3A_25 : memref<128x128xf32, #tpu.memory_space<hbm>>) target_semaphore(%run_scoped3A : memref<!tpu.dma_semaphore, #tpu.memory_space<semaphore_mem>>)
        %dma_wait3A_26 = arith.constant 0 : i32
        %dma_wait3A_27 = tpu.memref_slice %arg7[%add3A_11, %dma_wait3A_26] : memref<163840x128xf32, #tpu.memory_space<hbm>> -> memref<128x128xf32, #tpu.memory_space<hbm>>
        %dma_wait3A_28 = arith.constant 0 : i32
        %dma_wait3A_29 = tpu.memref_slice %arg7[%add3A_11, %dma_wait3A_28] : memref<163840x128xf32, #tpu.memory_space<hbm>> -> memref<128x128xf32, #tpu.memory_space<hbm>>
        tpu.wait_dma2 semaphore(%run_scoped3A : memref<!tpu.dma_semaphore, #tpu.memory_space<semaphore_mem>>) src(%arg11 : memref<128x128xf32, #tpu.memory_space<vmem>>) dst(%dma_wait3A_29 : memref<128x128xf32, #tpu.memory_space<hbm>>)
        tpu.yield
      }) : () -> ()
    }
    %scan3A_7 = arith.constant 40 : i32
    return
  }
}

module attributes {stable_mosaic.version = 14 : i64} {
  func.func @_node_enc_body(%arg0: i32, %arg1: memref<1024x1xi32, #tpu.memory_space<vmem>>, %arg2: memref<1024x24xf32, #tpu.memory_space<vmem>>, %arg3: memref<16x128xf32, #tpu.memory_space<vmem>>, %arg4: memref<24x128xf32, #tpu.memory_space<vmem>>, %arg5: memref<1x128xf32, #tpu.memory_space<vmem>>, %arg6: memref<128x128xf32, #tpu.memory_space<vmem>>, %arg7: memref<1x128xf32, #tpu.memory_space<vmem>>, %arg8: memref<128x128xf32, #tpu.memory_space<vmem>>, %arg9: memref<1x128xf32, #tpu.memory_space<vmem>>, %arg10: memref<1x128xf32, #tpu.memory_space<vmem>>, %arg11: memref<1x128xf32, #tpu.memory_space<vmem>>, %arg12: memref<128x128xf32, #tpu.memory_space<vmem>>, %arg13: memref<128x128xf32, #tpu.memory_space<vmem>>, %arg14: memref<128x128xf32, #tpu.memory_space<vmem>>, %arg15: memref<1x128xf32, #tpu.memory_space<vmem>>, %arg16: memref<1024x128xf32, #tpu.memory_space<vmem>>, %arg17: memref<1024x128xf32, #tpu.memory_space<vmem>>, %arg18: memref<1024x128xf32, #tpu.memory_space<vmem>>, %arg19: memref<1024x128xf32, #tpu.memory_space<vmem>>) attributes {dimension_semantics = [#tpu.dimension_semantics<arbitrary>], iteration_bounds = array<i64: 10>, scalar_prefetch = 0 : i64, scratch_operands = 0 : i64, tpu.core_type = #tpu.core_type<tc>, window_params = [{transform_indices = @transform_0, window_bounds = array<i64: 1024, 1>}, {transform_indices = @transform_1, window_bounds = array<i64: 1024, 24>}, {pipeline_mode = #tpu.pipeline_mode<synchronous>, transform_indices = @transform_2, window_bounds = array<i64: 16, 128>}, {pipeline_mode = #tpu.pipeline_mode<synchronous>, transform_indices = @transform_3, window_bounds = array<i64: 24, 128>}, {pipeline_mode = #tpu.pipeline_mode<synchronous>, transform_indices = @transform_4, window_bounds = array<i64: 1, 128>}, {pipeline_mode = #tpu.pipeline_mode<synchronous>, transform_indices = @transform_5, window_bounds = array<i64: 128, 128>}, {pipeline_mode = #tpu.pipeline_mode<synchronous>, transform_indices = @transform_6, window_bounds = array<i64: 1, 128>}, {pipeline_mode = #tpu.pipeline_mode<synchronous>, transform_indices = @transform_7, window_bounds = array<i64: 128, 128>}, {pipeline_mode = #tpu.pipeline_mode<synchronous>, transform_indices = @transform_8, window_bounds = array<i64: 1, 128>}, {pipeline_mode = #tpu.pipeline_mode<synchronous>, transform_indices = @transform_9, window_bounds = array<i64: 1, 128>}, {pipeline_mode = #tpu.pipeline_mode<synchronous>, transform_indices = @transform_10, window_bounds = array<i64: 1, 128>}, {pipeline_mode = #tpu.pipeline_mode<synchronous>, transform_indices = @transform_11, window_bounds = array<i64: 128, 128>}, {pipeline_mode = #tpu.pipeline_mode<synchronous>, transform_indices = @transform_12, window_bounds = array<i64: 128, 128>}, {pipeline_mode = #tpu.pipeline_mode<synchronous>, transform_indices = @transform_13, window_bounds = array<i64: 128, 128>}, {pipeline_mode = #tpu.pipeline_mode<synchronous>, transform_indices = @transform_14, window_bounds = array<i64: 1, 128>}, {transform_indices = @transform_15, window_bounds = array<i64: 1024, 128>}, {transform_indices = @transform_16, window_bounds = array<i64: 1024, 128>}, {transform_indices = @transform_17, window_bounds = array<i64: 1024, 128>}, {transform_indices = @transform_18, window_bounds = array<i64: 1024, 128>}]} {
    %get3A = arith.constant 0 : index
    %get3A_0 = arith.constant 0 : index
    %get3A_1 = vector.load %arg1[%get3A, %get3A_0] : memref<1024x1xi32, #tpu.memory_space<vmem>>, vector<1024x1xi32>
    %iota3A = tpu.iota {dimensions = array<i32: 1>} : vector<1024x16xi32>
    %eq3A = vector.broadcast %get3A_1 : vector<1024x1xi32> to vector<1024x16xi32>
    %eq3A_2 = arith.cmpi eq, %iota3A, %eq3A : vector<1024x16xi32>
    %convert_element_type3A = arith.extui %eq3A_2 : vector<1024x16xi1> to vector<1024x16xi32>
    %convert_element_type3A_3 = arith.sitofp %convert_element_type3A : vector<1024x16xi32> to vector<1024x16xf32>
    %get3A_4 = arith.constant 0 : index
    %get3A_5 = arith.constant 0 : index
    %get3A_6 = vector.load %arg3[%get3A_4, %get3A_5] : memref<16x128xf32, #tpu.memory_space<vmem>>, vector<16x128xf32>
    %dot_general3A = arith.constant dense<0.000000e+00> : vector<1024x128xf32>
    %dot_general3A_7 = tpu.matmul %convert_element_type3A_3, %get3A_6, %dot_general3A {dimension_numbers = #tpu.dot_dimension_numbers<[1], [0], [0], [1], [0, 0, 1, 1], [], []>, precision = #tpu.contract_precision<fp32>, transpose_lhs_hint = false} : vector<1024x16xf32>, vector<16x128xf32>, vector<1024x128xf32> -> vector<1024x128xf32>
    %get3A_8 = arith.constant 0 : index
    %get3A_9 = arith.constant 0 : index
    %get3A_10 = vector.load %arg2[%get3A_8, %get3A_9] : memref<1024x24xf32, #tpu.memory_space<vmem>>, vector<1024x24xf32>
    %get3A_11 = arith.constant 0 : index
    %get3A_12 = arith.constant 0 : index
    %get3A_13 = vector.load %arg4[%get3A_11, %get3A_12] : memref<24x128xf32, #tpu.memory_space<vmem>>, vector<24x128xf32>
    %dot_general3A_14 = arith.constant dense<0.000000e+00> : vector<1024x128xf32>
    %dot_general3A_15 = tpu.matmul %get3A_10, %get3A_13, %dot_general3A_14 {dimension_numbers = #tpu.dot_dimension_numbers<[1], [0], [0], [1], [0, 0, 1, 1], [], []>, precision = #tpu.contract_precision<fp32>, transpose_lhs_hint = false} : vector<1024x24xf32>, vector<24x128xf32>, vector<1024x128xf32> -> vector<1024x128xf32>
    %add3A = arith.addf %dot_general3A_7, %dot_general3A_15 : vector<1024x128xf32>
    %get3A_16 = arith.constant 0 : index
    %get3A_17 = arith.constant 0 : index
    %get3A_18 = vector.load %arg5[%get3A_16, %get3A_17] : memref<1x128xf32, #tpu.memory_space<vmem>>, vector<1x128xf32>
    %add3A_19 = vector.broadcast %get3A_18 : vector<1x128xf32> to vector<1024x128xf32>
    %add3A_20 = arith.addf %add3A, %add3A_19 : vector<1024x128xf32>
    %max3A = arith.constant 0.000000e+00 : f32
    %max3A_21 = vector.broadcast %max3A : f32 to vector<1024x128xf32>
    %max3A_22 = arith.maximumf %add3A_20, %max3A_21 : vector<1024x128xf32>
    %get3A_23 = arith.constant 0 : index
    %get3A_24 = arith.constant 0 : index
    %get3A_25 = vector.load %arg6[%get3A_23, %get3A_24] : memref<128x128xf32, #tpu.memory_space<vmem>>, vector<128x128xf32>
    %dot_general3A_26 = arith.constant dense<0.000000e+00> : vector<1024x128xf32>
    %dot_general3A_27 = tpu.matmul %max3A_22, %get3A_25, %dot_general3A_26 {dimension_numbers = #tpu.dot_dimension_numbers<[1], [0], [0], [1], [0, 0, 1, 1], [], []>, precision = #tpu.contract_precision<fp32>, transpose_lhs_hint = false} : vector<1024x128xf32>, vector<128x128xf32>, vector<1024x128xf32> -> vector<1024x128xf32>
    %get3A_28 = arith.constant 0 : index
    %get3A_29 = arith.constant 0 : index
    %get3A_30 = vector.load %arg7[%get3A_28, %get3A_29] : memref<1x128xf32, #tpu.memory_space<vmem>>, vector<1x128xf32>
    %add3A_31 = vector.broadcast %get3A_30 : vector<1x128xf32> to vector<1024x128xf32>
    %add3A_32 = arith.addf %dot_general3A_27, %add3A_31 : vector<1024x128xf32>
    %max3A_33 = arith.constant 0.000000e+00 : f32
    %max3A_34 = vector.broadcast %max3A_33 : f32 to vector<1024x128xf32>
    %max3A_35 = arith.maximumf %add3A_32, %max3A_34 : vector<1024x128xf32>
    %get3A_36 = arith.constant 0 : index
    %get3A_37 = arith.constant 0 : index
    %get3A_38 = vector.load %arg8[%get3A_36, %get3A_37] : memref<128x128xf32, #tpu.memory_space<vmem>>, vector<128x128xf32>
    %dot_general3A_39 = arith.constant dense<0.000000e+00> : vector<1024x128xf32>
    %dot_general3A_40 = tpu.matmul %max3A_35, %get3A_38, %dot_general3A_39 {dimension_numbers = #tpu.dot_dimension_numbers<[1], [0], [0], [1], [0, 0, 1, 1], [], []>, precision = #tpu.contract_precision<fp32>, transpose_lhs_hint = false} : vector<1024x128xf32>, vector<128x128xf32>, vector<1024x128xf32> -> vector<1024x128xf32>
    %get3A_41 = arith.constant 0 : index
    %get3A_42 = arith.constant 0 : index
    %get3A_43 = vector.load %arg9[%get3A_41, %get3A_42] : memref<1x128xf32, #tpu.memory_space<vmem>>, vector<1x128xf32>
    %add3A_44 = vector.broadcast %get3A_43 : vector<1x128xf32> to vector<1024x128xf32>
    %add3A_45 = arith.addf %dot_general3A_40, %add3A_44 : vector<1024x128xf32>
    %get3A_46 = arith.constant 0 : index
    %get3A_47 = arith.constant 0 : index
    %get3A_48 = vector.load %arg10[%get3A_46, %get3A_47] : memref<1x128xf32, #tpu.memory_space<vmem>>, vector<1x128xf32>
    %get3A_49 = arith.constant 0 : index
    %get3A_50 = arith.constant 0 : index
    %get3A_51 = vector.load %arg11[%get3A_49, %get3A_50] : memref<1x128xf32, #tpu.memory_space<vmem>>, vector<1x128xf32>
    %reduce_sum3A = arith.constant dense<0.000000e+00> : vector<1024xf32>
    %reduce_sum3A_52 = vector.multi_reduction <add>, %add3A_45, %reduce_sum3A [1] : vector<1024x128xf32> to vector<1024xf32>
    %broadcast_in_dim3A = vector.shape_cast %reduce_sum3A_52 : vector<1024xf32> to vector<1024x1xf32>
    %div3A = arith.constant 1.280000e+02 : f32
    %div3A_53 = vector.broadcast %div3A : f32 to vector<1024x1xf32>
    %div3A_54 = arith.divf %broadcast_in_dim3A, %div3A_53 : vector<1024x1xf32>
    %sub3A = vector.broadcast %div3A_54 : vector<1024x1xf32> to vector<1024x128xf32>
    %sub3A_55 = arith.subf %add3A_45, %sub3A : vector<1024x128xf32>
    %sub3A_56 = vector.broadcast %div3A_54 : vector<1024x1xf32> to vector<1024x128xf32>
    %sub3A_57 = arith.subf %add3A_45, %sub3A_56 : vector<1024x128xf32>
    %mul3A = arith.mulf %sub3A_55, %sub3A_57 : vector<1024x128xf32>
    %reduce_sum3A_58 = arith.constant dense<0.000000e+00> : vector<1024xf32>
    %reduce_sum3A_59 = vector.multi_reduction <add>, %mul3A, %reduce_sum3A_58 [1] : vector<1024x128xf32> to vector<1024xf32>
    %broadcast_in_dim3A_60 = vector.shape_cast %reduce_sum3A_59 : vector<1024xf32> to vector<1024x1xf32>
    %div3A_61 = arith.constant 1.280000e+02 : f32
    %div3A_62 = vector.broadcast %div3A_61 : f32 to vector<1024x1xf32>
    %div3A_63 = arith.divf %broadcast_in_dim3A_60, %div3A_62 : vector<1024x1xf32>
    %sub3A_64 = vector.broadcast %div3A_54 : vector<1024x1xf32> to vector<1024x128xf32>
    %sub3A_65 = arith.subf %add3A_45, %sub3A_64 : vector<1024x128xf32>
    %add3A_66 = arith.constant 9.99999974E-6 : f32
    %add3A_67 = vector.broadcast %add3A_66 : f32 to vector<1024x1xf32>
    %add3A_68 = arith.addf %div3A_63, %add3A_67 : vector<1024x1xf32>
    %rsqrt3A = math.rsqrt %add3A_68 : vector<1024x1xf32>
    %mul3A_69 = vector.broadcast %rsqrt3A : vector<1024x1xf32> to vector<1024x128xf32>
    %mul3A_70 = arith.mulf %sub3A_65, %mul3A_69 : vector<1024x128xf32>
    %mul3A_71 = vector.broadcast %get3A_48 : vector<1x128xf32> to vector<1024x128xf32>
    %mul3A_72 = arith.mulf %mul3A_70, %mul3A_71 : vector<1024x128xf32>
    %add3A_73 = vector.broadcast %get3A_51 : vector<1x128xf32> to vector<1024x128xf32>
    %add3A_74 = arith.addf %mul3A_72, %add3A_73 : vector<1024x128xf32>
    %swap3A = arith.constant 0 : index
    %swap3A_75 = arith.constant 0 : index
    %swap3A_76 = vector.load %arg16[%swap3A, %swap3A_75] : memref<1024x128xf32, #tpu.memory_space<vmem>>, vector<1024x128xf32>
    tpu.vector_store %arg16[%swap3A, %swap3A_75], %add3A_74 {strides = array<i32>} : memref<1024x128xf32, #tpu.memory_space<vmem>>, vector<1024x128xf32>,
    %get3A_77 = arith.constant 0 : index
    %get3A_78 = arith.constant 0 : index
    %get3A_79 = vector.load %arg12[%get3A_77, %get3A_78] : memref<128x128xf32, #tpu.memory_space<vmem>>, vector<128x128xf32>
    %dot_general3A_80 = arith.constant dense<0.000000e+00> : vector<1024x128xf32>
    %dot_general3A_81 = tpu.matmul %add3A_74, %get3A_79, %dot_general3A_80 {dimension_numbers = #tpu.dot_dimension_numbers<[1], [0], [0], [1], [0, 0, 1, 1], [], []>, precision = #tpu.contract_precision<fp32>, transpose_lhs_hint = false} : vector<1024x128xf32>, vector<128x128xf32>, vector<1024x128xf32> -> vector<1024x128xf32>
    %swap3A_82 = arith.constant 0 : index
    %swap3A_83 = arith.constant 0 : index
    %swap3A_84 = vector.load %arg17[%swap3A_82, %swap3A_83] : memref<1024x128xf32, #tpu.memory_space<vmem>>, vector<1024x128xf32>
    tpu.vector_store %arg17[%swap3A_82, %swap3A_83], %dot_general3A_81 {strides = array<i32>} : memref<1024x128xf32, #tpu.memory_space<vmem>>, vector<1024x128xf32>,
    %get3A_85 = arith.constant 0 : index
    %get3A_86 = arith.constant 0 : index
    %get3A_87 = vector.load %arg13[%get3A_85, %get3A_86] : memref<128x128xf32, #tpu.memory_space<vmem>>, vector<128x128xf32>
    %dot_general3A_88 = arith.constant dense<0.000000e+00> : vector<1024x128xf32>
    %dot_general3A_89 = tpu.matmul %add3A_74, %get3A_87, %dot_general3A_88 {dimension_numbers = #tpu.dot_dimension_numbers<[1], [0], [0], [1], [0, 0, 1, 1], [], []>, precision = #tpu.contract_precision<fp32>, transpose_lhs_hint = false} : vector<1024x128xf32>, vector<128x128xf32>, vector<1024x128xf32> -> vector<1024x128xf32>
    %swap3A_90 = arith.constant 0 : index
    %swap3A_91 = arith.constant 0 : index
    %swap3A_92 = vector.load %arg18[%swap3A_90, %swap3A_91] : memref<1024x128xf32, #tpu.memory_space<vmem>>, vector<1024x128xf32>
    tpu.vector_store %arg18[%swap3A_90, %swap3A_91], %dot_general3A_89 {strides = array<i32>} : memref<1024x128xf32, #tpu.memory_space<vmem>>, vector<1024x128xf32>,
    %get3A_93 = arith.constant 0 : index
    %get3A_94 = arith.constant 0 : index
    %get3A_95 = vector.load %arg14[%get3A_93, %get3A_94] : memref<128x128xf32, #tpu.memory_space<vmem>>, vector<128x128xf32>
    %dot_general3A_96 = arith.constant dense<0.000000e+00> : vector<1024x128xf32>
    %dot_general3A_97 = tpu.matmul %add3A_74, %get3A_95, %dot_general3A_96 {dimension_numbers = #tpu.dot_dimension_numbers<[1], [0], [0], [1], [0, 0, 1, 1], [], []>, precision = #tpu.contract_precision<fp32>, transpose_lhs_hint = false} : vector<1024x128xf32>, vector<128x128xf32>, vector<1024x128xf32> -> vector<1024x128xf32>
    %get3A_98 = arith.constant 0 : index
    %get3A_99 = arith.constant 0 : index
    %get3A_100 = vector.load %arg15[%get3A_98, %get3A_99] : memref<1x128xf32, #tpu.memory_space<vmem>>, vector<1x128xf32>
    %add3A_101 = vector.broadcast %get3A_100 : vector<1x128xf32> to vector<1024x128xf32>
    %add3A_102 = arith.addf %dot_general3A_97, %add3A_101 : vector<1024x128xf32>
    %swap3A_103 = arith.constant 0 : index
    %swap3A_104 = arith.constant 0 : index
    %swap3A_105 = vector.load %arg19[%swap3A_103, %swap3A_104] : memref<1024x128xf32, #tpu.memory_space<vmem>>, vector<1024x128xf32>
    tpu.vector_store %arg19[%swap3A_103, %swap3A_104], %add3A_102 {strides = array<i32>} : memref<1024x128xf32, #tpu.memory_space<vmem>>, vector<1024x128xf32>,
    return
  }
  func.func @transform_0(%arg0: i32) -> (i32, i32) {
    %c0_i32 = arith.constant 0 : i32
    %c0_i32_0 = arith.constant 0 : i32
    return %arg0, %c0_i32 : i32, i32
  }
  func.func @transform_1(%arg0: i32) -> (i32, i32) {
    %c0_i32 = arith.constant 0 : i32
    %c0_i32_0 = arith.constant 0 : i32
    return %arg0, %c0_i32 : i32, i32
  }
  func.func @transform_2(%arg0: i32) -> (i32, i32) {
    %c0_i32 = arith.constant 0 : i32
    %c0_i32_0 = arith.constant 0 : i32
    %c0_i32_1 = arith.constant 0 : i32
    return %c0_i32, %c0_i32_0 : i32, i32
  }
  func.func @transform_3(%arg0: i32) -> (i32, i32) {
    %c0_i32 = arith.constant 0 : i32
    %c0_i32_0 = arith.constant 0 : i32
    %c0_i32_1 = arith.constant 0 : i32
    return %c0_i32, %c0_i32_0 : i32, i32
  }
  func.func @transform_4(%arg0: i32) -> (i32, i32) {
    %c0_i32 = arith.constant 0 : i32
    %c0_i32_0 = arith.constant 0 : i32
    %c0_i32_1 = arith.constant 0 : i32
    return %c0_i32, %c0_i32_0 : i32, i32
  }
  func.func @transform_5(%arg0: i32) -> (i32, i32) {
    %c0_i32 = arith.constant 0 : i32
    %c0_i32_0 = arith.constant 0 : i32
    %c0_i32_1 = arith.constant 0 : i32
    return %c0_i32, %c0_i32_0 : i32, i32
  }
  func.func @transform_6(%arg0: i32) -> (i32, i32) {
    %c0_i32 = arith.constant 0 : i32
    %c0_i32_0 = arith.constant 0 : i32
    %c0_i32_1 = arith.constant 0 : i32
    return %c0_i32, %c0_i32_0 : i32, i32
  }
  func.func @transform_7(%arg0: i32) -> (i32, i32) {
    %c0_i32 = arith.constant 0 : i32
    %c0_i32_0 = arith.constant 0 : i32
    %c0_i32_1 = arith.constant 0 : i32
    return %c0_i32, %c0_i32_0 : i32, i32
  }
  func.func @transform_8(%arg0: i32) -> (i32, i32) {
    %c0_i32 = arith.constant 0 : i32
    %c0_i32_0 = arith.constant 0 : i32
    %c0_i32_1 = arith.constant 0 : i32
    return %c0_i32, %c0_i32_0 : i32, i32
  }
  func.func @transform_9(%arg0: i32) -> (i32, i32) {
    %c0_i32 = arith.constant 0 : i32
    %c0_i32_0 = arith.constant 0 : i32
    %c0_i32_1 = arith.constant 0 : i32
    return %c0_i32, %c0_i32_0 : i32, i32
  }
  func.func @transform_10(%arg0: i32) -> (i32, i32) {
    %c0_i32 = arith.constant 0 : i32
    %c0_i32_0 = arith.constant 0 : i32
    %c0_i32_1 = arith.constant 0 : i32
    return %c0_i32, %c0_i32_0 : i32, i32
  }
  func.func @transform_11(%arg0: i32) -> (i32, i32) {
    %c0_i32 = arith.constant 0 : i32
    %c0_i32_0 = arith.constant 0 : i32
    %c0_i32_1 = arith.constant 0 : i32
    return %c0_i32, %c0_i32_0 : i32, i32
  }
  func.func @transform_12(%arg0: i32) -> (i32, i32) {
    %c0_i32 = arith.constant 0 : i32
    %c0_i32_0 = arith.constant 0 : i32
    %c0_i32_1 = arith.constant 0 : i32
    return %c0_i32, %c0_i32_0 : i32, i32
  }
  func.func @transform_13(%arg0: i32) -> (i32, i32) {
    %c0_i32 = arith.constant 0 : i32
    %c0_i32_0 = arith.constant 0 : i32
    %c0_i32_1 = arith.constant 0 : i32
    return %c0_i32, %c0_i32_0 : i32, i32
  }
  func.func @transform_14(%arg0: i32) -> (i32, i32) {
    %c0_i32 = arith.constant 0 : i32
    %c0_i32_0 = arith.constant 0 : i32
    %c0_i32_1 = arith.constant 0 : i32
    return %c0_i32, %c0_i32_0 : i32, i32
  }
  func.func @transform_15(%arg0: i32) -> (i32, i32) {
    %c0_i32 = arith.constant 0 : i32
    %c0_i32_0 = arith.constant 0 : i32
    return %arg0, %c0_i32 : i32, i32
  }
  func.func @transform_16(%arg0: i32) -> (i32, i32) {
    %c0_i32 = arith.constant 0 : i32
    %c0_i32_0 = arith.constant 0 : i32
    return %arg0, %c0_i32 : i32, i32
  }
  func.func @transform_17(%arg0: i32) -> (i32, i32) {
    %c0_i32 = arith.constant 0 : i32
    %c0_i32_0 = arith.constant 0 : i32
    return %arg0, %c0_i32 : i32, i32
  }
  func.func @transform_18(%arg0: i32) -> (i32, i32) {
    %c0_i32 = arith.constant 0 : i32
    %c0_i32_0 = arith.constant 0 : i32
    return %arg0, %c0_i32 : i32, i32
  }
}

module attributes {stable_mosaic.version = 14 : i64} {
  func.func @_edge_enc_body(%arg0: i32, %arg1: memref<2048x8xf32, #tpu.memory_space<vmem>>, %arg2: memref<8x128xf32, #tpu.memory_space<vmem>>, %arg3: memref<1x128xf32, #tpu.memory_space<vmem>>, %arg4: memref<128x128xf32, #tpu.memory_space<vmem>>, %arg5: memref<1x128xf32, #tpu.memory_space<vmem>>, %arg6: memref<128x128xf32, #tpu.memory_space<vmem>>, %arg7: memref<1x128xf32, #tpu.memory_space<vmem>>, %arg8: memref<1x128xf32, #tpu.memory_space<vmem>>, %arg9: memref<1x128xf32, #tpu.memory_space<vmem>>, %arg10: memref<128x128xf32, #tpu.memory_space<vmem>>, %arg11: memref<1x128xf32, #tpu.memory_space<vmem>>, %arg12: memref<128x128xf32, #tpu.memory_space<vmem>>, %arg13: memref<1x128xf32, #tpu.memory_space<vmem>>, %arg14: memref<2048x128xf32, #tpu.memory_space<vmem>>, %arg15: memref<2048x128xf32, #tpu.memory_space<vmem>>) attributes {dimension_semantics = [#tpu.dimension_semantics<arbitrary>], iteration_bounds = array<i64: 80>, scalar_prefetch = 0 : i64, scratch_operands = 0 : i64, tpu.core_type = #tpu.core_type<tc>, window_params = [{transform_indices = @transform_0, window_bounds = array<i64: 2048, 8>}, {pipeline_mode = #tpu.pipeline_mode<synchronous>, transform_indices = @transform_1, window_bounds = array<i64: 8, 128>}, {pipeline_mode = #tpu.pipeline_mode<synchronous>, transform_indices = @transform_2, window_bounds = array<i64: 1, 128>}, {pipeline_mode = #tpu.pipeline_mode<synchronous>, transform_indices = @transform_3, window_bounds = array<i64: 128, 128>}, {pipeline_mode = #tpu.pipeline_mode<synchronous>, transform_indices = @transform_4, window_bounds = array<i64: 1, 128>}, {pipeline_mode = #tpu.pipeline_mode<synchronous>, transform_indices = @transform_5, window_bounds = array<i64: 128, 128>}, {pipeline_mode = #tpu.pipeline_mode<synchronous>, transform_indices = @transform_6, window_bounds = array<i64: 1, 128>}, {pipeline_mode = #tpu.pipeline_mode<synchronous>, transform_indices = @transform_7, window_bounds = array<i64: 1, 128>}, {pipeline_mode = #tpu.pipeline_mode<synchronous>, transform_indices = @transform_8, window_bounds = array<i64: 1, 128>}, {pipeline_mode = #tpu.pipeline_mode<synchronous>, transform_indices = @transform_9, window_bounds = array<i64: 128, 128>}, {pipeline_mode = #tpu.pipeline_mode<synchronous>, transform_indices = @transform_10, window_bounds = array<i64: 1, 128>}, {pipeline_mode = #tpu.pipeline_mode<synchronous>, transform_indices = @transform_11, window_bounds = array<i64: 128, 128>}, {pipeline_mode = #tpu.pipeline_mode<synchronous>, transform_indices = @transform_12, window_bounds = array<i64: 1, 128>}, {transform_indices = @transform_13, window_bounds = array<i64: 2048, 128>}, {transform_indices = @transform_14, window_bounds = array<i64: 2048, 128>}]} {
    %get3A = arith.constant 0 : index
    %get3A_0 = arith.constant 0 : index
    %get3A_1 = vector.load %arg1[%get3A, %get3A_0] : memref<2048x8xf32, #tpu.memory_space<vmem>>, vector<2048x8xf32>
    %get3A_2 = arith.constant 0 : index
    %get3A_3 = arith.constant 0 : index
    %get3A_4 = vector.load %arg2[%get3A_2, %get3A_3] : memref<8x128xf32, #tpu.memory_space<vmem>>, vector<8x128xf32>
    %dot_general3A = arith.constant dense<0.000000e+00> : vector<2048x128xf32>
    %dot_general3A_5 = tpu.matmul %get3A_1, %get3A_4, %dot_general3A {dimension_numbers = #tpu.dot_dimension_numbers<[1], [0], [0], [1], [0, 0, 1, 1], [], []>, precision = #tpu.contract_precision<fp32>, transpose_lhs_hint = false} : vector<2048x8xf32>, vector<8x128xf32>, vector<2048x128xf32> -> vector<2048x128xf32>
    %get3A_6 = arith.constant 0 : index
    %get3A_7 = arith.constant 0 : index
    %get3A_8 = vector.load %arg3[%get3A_6, %get3A_7] : memref<1x128xf32, #tpu.memory_space<vmem>>, vector<1x128xf32>
    %add3A = vector.broadcast %get3A_8 : vector<1x128xf32> to vector<2048x128xf32>
    %add3A_9 = arith.addf %dot_general3A_5, %add3A : vector<2048x128xf32>
    %max3A = arith.constant 0.000000e+00 : f32
    %max3A_10 = vector.broadcast %max3A : f32 to vector<2048x128xf32>
    %max3A_11 = arith.maximumf %add3A_9, %max3A_10 : vector<2048x128xf32>
    %get3A_12 = arith.constant 0 : index
    %get3A_13 = arith.constant 0 : index
    %get3A_14 = vector.load %arg4[%get3A_12, %get3A_13] : memref<128x128xf32, #tpu.memory_space<vmem>>, vector<128x128xf32>
    %dot_general3A_15 = arith.constant dense<0.000000e+00> : vector<2048x128xf32>
    %dot_general3A_16 = tpu.matmul %max3A_11, %get3A_14, %dot_general3A_15 {dimension_numbers = #tpu.dot_dimension_numbers<[1], [0], [0], [1], [0, 0, 1, 1], [], []>, precision = #tpu.contract_precision<fp32>, transpose_lhs_hint = false} : vector<2048x128xf32>, vector<128x128xf32>, vector<2048x128xf32> -> vector<2048x128xf32>
    %get3A_17 = arith.constant 0 : index
    %get3A_18 = arith.constant 0 : index
    %get3A_19 = vector.load %arg5[%get3A_17, %get3A_18] : memref<1x128xf32, #tpu.memory_space<vmem>>, vector<1x128xf32>
    %add3A_20 = vector.broadcast %get3A_19 : vector<1x128xf32> to vector<2048x128xf32>
    %add3A_21 = arith.addf %dot_general3A_16, %add3A_20 : vector<2048x128xf32>
    %max3A_22 = arith.constant 0.000000e+00 : f32
    %max3A_23 = vector.broadcast %max3A_22 : f32 to vector<2048x128xf32>
    %max3A_24 = arith.maximumf %add3A_21, %max3A_23 : vector<2048x128xf32>
    %get3A_25 = arith.constant 0 : index
    %get3A_26 = arith.constant 0 : index
    %get3A_27 = vector.load %arg6[%get3A_25, %get3A_26] : memref<128x128xf32, #tpu.memory_space<vmem>>, vector<128x128xf32>
    %dot_general3A_28 = arith.constant dense<0.000000e+00> : vector<2048x128xf32>
    %dot_general3A_29 = tpu.matmul %max3A_24, %get3A_27, %dot_general3A_28 {dimension_numbers = #tpu.dot_dimension_numbers<[1], [0], [0], [1], [0, 0, 1, 1], [], []>, precision = #tpu.contract_precision<fp32>, transpose_lhs_hint = false} : vector<2048x128xf32>, vector<128x128xf32>, vector<2048x128xf32> -> vector<2048x128xf32>
    %get3A_30 = arith.constant 0 : index
    %get3A_31 = arith.constant 0 : index
    %get3A_32 = vector.load %arg7[%get3A_30, %get3A_31] : memref<1x128xf32, #tpu.memory_space<vmem>>, vector<1x128xf32>
    %add3A_33 = vector.broadcast %get3A_32 : vector<1x128xf32> to vector<2048x128xf32>
    %add3A_34 = arith.addf %dot_general3A_29, %add3A_33 : vector<2048x128xf32>
    %get3A_35 = arith.constant 0 : index
    %get3A_36 = arith.constant 0 : index
    %get3A_37 = vector.load %arg8[%get3A_35, %get3A_36] : memref<1x128xf32, #tpu.memory_space<vmem>>, vector<1x128xf32>
    %get3A_38 = arith.constant 0 : index
    %get3A_39 = arith.constant 0 : index
    %get3A_40 = vector.load %arg9[%get3A_38, %get3A_39] : memref<1x128xf32, #tpu.memory_space<vmem>>, vector<1x128xf32>
    %reduce_sum3A = arith.constant dense<0.000000e+00> : vector<2048xf32>
    %reduce_sum3A_41 = vector.multi_reduction <add>, %add3A_34, %reduce_sum3A [1] : vector<2048x128xf32> to vector<2048xf32>
    %broadcast_in_dim3A = vector.shape_cast %reduce_sum3A_41 : vector<2048xf32> to vector<2048x1xf32>
    %div3A = arith.constant 1.280000e+02 : f32
    %div3A_42 = vector.broadcast %div3A : f32 to vector<2048x1xf32>
    %div3A_43 = arith.divf %broadcast_in_dim3A, %div3A_42 : vector<2048x1xf32>
    %sub3A = vector.broadcast %div3A_43 : vector<2048x1xf32> to vector<2048x128xf32>
    %sub3A_44 = arith.subf %add3A_34, %sub3A : vector<2048x128xf32>
    %sub3A_45 = vector.broadcast %div3A_43 : vector<2048x1xf32> to vector<2048x128xf32>
    %sub3A_46 = arith.subf %add3A_34, %sub3A_45 : vector<2048x128xf32>
    %mul3A = arith.mulf %sub3A_44, %sub3A_46 : vector<2048x128xf32>
    %reduce_sum3A_47 = arith.constant dense<0.000000e+00> : vector<2048xf32>
    %reduce_sum3A_48 = vector.multi_reduction <add>, %mul3A, %reduce_sum3A_47 [1] : vector<2048x128xf32> to vector<2048xf32>
    %broadcast_in_dim3A_49 = vector.shape_cast %reduce_sum3A_48 : vector<2048xf32> to vector<2048x1xf32>
    %div3A_50 = arith.constant 1.280000e+02 : f32
    %div3A_51 = vector.broadcast %div3A_50 : f32 to vector<2048x1xf32>
    %div3A_52 = arith.divf %broadcast_in_dim3A_49, %div3A_51 : vector<2048x1xf32>
    %sub3A_53 = vector.broadcast %div3A_43 : vector<2048x1xf32> to vector<2048x128xf32>
    %sub3A_54 = arith.subf %add3A_34, %sub3A_53 : vector<2048x128xf32>
    %add3A_55 = arith.constant 9.99999974E-6 : f32
    %add3A_56 = vector.broadcast %add3A_55 : f32 to vector<2048x1xf32>
    %add3A_57 = arith.addf %div3A_52, %add3A_56 : vector<2048x1xf32>
    %rsqrt3A = math.rsqrt %add3A_57 : vector<2048x1xf32>
    %mul3A_58 = vector.broadcast %rsqrt3A : vector<2048x1xf32> to vector<2048x128xf32>
    %mul3A_59 = arith.mulf %sub3A_54, %mul3A_58 : vector<2048x128xf32>
    %mul3A_60 = vector.broadcast %get3A_37 : vector<1x128xf32> to vector<2048x128xf32>
    %mul3A_61 = arith.mulf %mul3A_59, %mul3A_60 : vector<2048x128xf32>
    %add3A_62 = vector.broadcast %get3A_40 : vector<1x128xf32> to vector<2048x128xf32>
    %add3A_63 = arith.addf %mul3A_61, %add3A_62 : vector<2048x128xf32>
    %get3A_64 = arith.constant 0 : index
    %get3A_65 = arith.constant 0 : index
    %get3A_66 = vector.load %arg10[%get3A_64, %get3A_65] : memref<128x128xf32, #tpu.memory_space<vmem>>, vector<128x128xf32>
    %dot_general3A_67 = arith.constant dense<0.000000e+00> : vector<2048x128xf32>
    %dot_general3A_68 = tpu.matmul %add3A_63, %get3A_66, %dot_general3A_67 {dimension_numbers = #tpu.dot_dimension_numbers<[1], [0], [0], [1], [0, 0, 1, 1], [], []>, precision = #tpu.contract_precision<fp32>, transpose_lhs_hint = false} : vector<2048x128xf32>, vector<128x128xf32>, vector<2048x128xf32> -> vector<2048x128xf32>
    %get3A_69 = arith.constant 0 : index
    %get3A_70 = arith.constant 0 : index
    %get3A_71 = vector.load %arg11[%get3A_69, %get3A_70] : memref<1x128xf32, #tpu.memory_space<vmem>>, vector<1x128xf32>
    %add3A_72 = vector.broadcast %get3A_71 : vector<1x128xf32> to vector<2048x128xf32>
    %add3A_73 = arith.addf %dot_general3A_68, %add3A_72 : vector<2048x128xf32>
    %swap3A = arith.constant 0 : index
    %swap3A_74 = arith.constant 0 : index
    %swap3A_75 = vector.load %arg14[%swap3A, %swap3A_74] : memref<2048x128xf32, #tpu.memory_space<vmem>>, vector<2048x128xf32>
    tpu.vector_store %arg14[%swap3A, %swap3A_74], %add3A_73 {strides = array<i32>} : memref<2048x128xf32, #tpu.memory_space<vmem>>, vector<2048x128xf32>,
    %get3A_76 = arith.constant 0 : index
    %get3A_77 = arith.constant 0 : index
    %get3A_78 = vector.load %arg12[%get3A_76, %get3A_77] : memref<128x128xf32, #tpu.memory_space<vmem>>, vector<128x128xf32>
    %dot_general3A_79 = arith.constant dense<0.000000e+00> : vector<2048x128xf32>
    %dot_general3A_80 = tpu.matmul %add3A_63, %get3A_78, %dot_general3A_79 {dimension_numbers = #tpu.dot_dimension_numbers<[1], [0], [0], [1], [0, 0, 1, 1], [], []>, precision = #tpu.contract_precision<fp32>, transpose_lhs_hint = false} : vector<2048x128xf32>, vector<128x128xf32>, vector<2048x128xf32> -> vector<2048x128xf32>
    %get3A_81 = arith.constant 0 : index
    %get3A_82 = arith.constant 0 : index
    %get3A_83 = vector.load %arg13[%get3A_81, %get3A_82] : memref<1x128xf32, #tpu.memory_space<vmem>>, vector<1x128xf32>
    %add3A_84 = vector.broadcast %get3A_83 : vector<1x128xf32> to vector<2048x128xf32>
    %add3A_85 = arith.addf %dot_general3A_80, %add3A_84 : vector<2048x128xf32>
    %swap3A_86 = arith.constant 0 : index
    %swap3A_87 = arith.constant 0 : index
    %swap3A_88 = vector.load %arg15[%swap3A_86, %swap3A_87] : memref<2048x128xf32, #tpu.memory_space<vmem>>, vector<2048x128xf32>
    tpu.vector_store %arg15[%swap3A_86, %swap3A_87], %add3A_85 {strides = array<i32>} : memref<2048x128xf32, #tpu.memory_space<vmem>>, vector<2048x128xf32>,
    return
  }
  func.func @transform_0(%arg0: i32) -> (i32, i32) {
    %c0_i32 = arith.constant 0 : i32
    %c0_i32_0 = arith.constant 0 : i32
    return %arg0, %c0_i32 : i32, i32
  }
  func.func @transform_1(%arg0: i32) -> (i32, i32) {
    %c0_i32 = arith.constant 0 : i32
    %c0_i32_0 = arith.constant 0 : i32
    %c0_i32_1 = arith.constant 0 : i32
    return %c0_i32, %c0_i32_0 : i32, i32
  }
  func.func @transform_2(%arg0: i32) -> (i32, i32) {
    %c0_i32 = arith.constant 0 : i32
    %c0_i32_0 = arith.constant 0 : i32
    %c0_i32_1 = arith.constant 0 : i32
    return %c0_i32, %c0_i32_0 : i32, i32
  }
  func.func @transform_3(%arg0: i32) -> (i32, i32) {
    %c0_i32 = arith.constant 0 : i32
    %c0_i32_0 = arith.constant 0 : i32
    %c0_i32_1 = arith.constant 0 : i32
    return %c0_i32, %c0_i32_0 : i32, i32
  }
  func.func @transform_4(%arg0: i32) -> (i32, i32) {
    %c0_i32 = arith.constant 0 : i32
    %c0_i32_0 = arith.constant 0 : i32
    %c0_i32_1 = arith.constant 0 : i32
    return %c0_i32, %c0_i32_0 : i32, i32
  }
  func.func @transform_5(%arg0: i32) -> (i32, i32) {
    %c0_i32 = arith.constant 0 : i32
    %c0_i32_0 = arith.constant 0 : i32
    %c0_i32_1 = arith.constant 0 : i32
    return %c0_i32, %c0_i32_0 : i32, i32
  }
  func.func @transform_6(%arg0: i32) -> (i32, i32) {
    %c0_i32 = arith.constant 0 : i32
    %c0_i32_0 = arith.constant 0 : i32
    %c0_i32_1 = arith.constant 0 : i32
    return %c0_i32, %c0_i32_0 : i32, i32
  }
  func.func @transform_7(%arg0: i32) -> (i32, i32) {
    %c0_i32 = arith.constant 0 : i32
    %c0_i32_0 = arith.constant 0 : i32
    %c0_i32_1 = arith.constant 0 : i32
    return %c0_i32, %c0_i32_0 : i32, i32
  }
  func.func @transform_8(%arg0: i32) -> (i32, i32) {
    %c0_i32 = arith.constant 0 : i32
    %c0_i32_0 = arith.constant 0 : i32
    %c0_i32_1 = arith.constant 0 : i32
    return %c0_i32, %c0_i32_0 : i32, i32
  }
  func.func @transform_9(%arg0: i32) -> (i32, i32) {
    %c0_i32 = arith.constant 0 : i32
    %c0_i32_0 = arith.constant 0 : i32
    %c0_i32_1 = arith.constant 0 : i32
    return %c0_i32, %c0_i32_0 : i32, i32
  }
  func.func @transform_10(%arg0: i32) -> (i32, i32) {
    %c0_i32 = arith.constant 0 : i32
    %c0_i32_0 = arith.constant 0 : i32
    %c0_i32_1 = arith.constant 0 : i32
    return %c0_i32, %c0_i32_0 : i32, i32
  }
  func.func @transform_11(%arg0: i32) -> (i32, i32) {
    %c0_i32 = arith.constant 0 : i32
    %c0_i32_0 = arith.constant 0 : i32
    %c0_i32_1 = arith.constant 0 : i32
    return %c0_i32, %c0_i32_0 : i32, i32
  }
  func.func @transform_12(%arg0: i32) -> (i32, i32) {
    %c0_i32 = arith.constant 0 : i32
    %c0_i32_0 = arith.constant 0 : i32
    %c0_i32_1 = arith.constant 0 : i32
    return %c0_i32, %c0_i32_0 : i32, i32
  }
  func.func @transform_13(%arg0: i32) -> (i32, i32) {
    %c0_i32 = arith.constant 0 : i32
    %c0_i32_0 = arith.constant 0 : i32
    return %arg0, %c0_i32 : i32, i32
  }
  func.func @transform_14(%arg0: i32) -> (i32, i32) {
    %c0_i32 = arith.constant 0 : i32
    %c0_i32_0 = arith.constant 0 : i32
    return %arg0, %c0_i32 : i32, i32
  }
}

module attributes {stable_mosaic.version = 14 : i64} {
  func.func @_edge_mlp1_body(%arg0: i32, %arg1: memref<2048x128xf32, #tpu.memory_space<vmem>>, %arg2: memref<2048x128xf32, #tpu.memory_space<vmem>>, %arg3: memref<2048x128xf32, #tpu.memory_space<vmem>>, %arg4: memref<128x128xf32, #tpu.memory_space<vmem>>, %arg5: memref<1x128xf32, #tpu.memory_space<vmem>>, %arg6: memref<128x128xf32, #tpu.memory_space<vmem>>, %arg7: memref<1x128xf32, #tpu.memory_space<vmem>>, %arg8: memref<1x128xf32, #tpu.memory_space<vmem>>, %arg9: memref<1x128xf32, #tpu.memory_space<vmem>>, %arg10: memref<128x128xf32, #tpu.memory_space<vmem>>, %arg11: memref<2048x128xf32, #tpu.memory_space<vmem>>, %arg12: memref<2048x128xf32, #tpu.memory_space<vmem>>) attributes {dimension_semantics = [#tpu.dimension_semantics<arbitrary>], iteration_bounds = array<i64: 80>, scalar_prefetch = 0 : i64, scratch_operands = 0 : i64, tpu.core_type = #tpu.core_type<tc>, window_params = [{transform_indices = @transform_0, window_bounds = array<i64: 2048, 128>}, {transform_indices = @transform_1, window_bounds = array<i64: 2048, 128>}, {transform_indices = @transform_2, window_bounds = array<i64: 2048, 128>}, {pipeline_mode = #tpu.pipeline_mode<synchronous>, transform_indices = @transform_3, window_bounds = array<i64: 128, 128>}, {pipeline_mode = #tpu.pipeline_mode<synchronous>, transform_indices = @transform_4, window_bounds = array<i64: 1, 128>}, {pipeline_mode = #tpu.pipeline_mode<synchronous>, transform_indices = @transform_5, window_bounds = array<i64: 128, 128>}, {pipeline_mode = #tpu.pipeline_mode<synchronous>, transform_indices = @transform_6, window_bounds = array<i64: 1, 128>}, {pipeline_mode = #tpu.pipeline_mode<synchronous>, transform_indices = @transform_7, window_bounds = array<i64: 1, 128>}, {pipeline_mode = #tpu.pipeline_mode<synchronous>, transform_indices = @transform_8, window_bounds = array<i64: 1, 128>}, {pipeline_mode = #tpu.pipeline_mode<synchronous>, transform_indices = @transform_9, window_bounds = array<i64: 128, 128>}, {transform_indices = @transform_10, window_bounds = array<i64: 2048, 128>}, {transform_indices = @transform_11, window_bounds = array<i64: 2048, 128>}]} {
    %get3A = arith.constant 0 : index
    %get3A_0 = arith.constant 0 : index
    %get3A_1 = vector.load %arg1[%get3A, %get3A_0] : memref<2048x128xf32, #tpu.memory_space<vmem>>, vector<2048x128xf32>
    %get3A_2 = arith.constant 0 : index
    %get3A_3 = arith.constant 0 : index
    %get3A_4 = vector.load %arg2[%get3A_2, %get3A_3] : memref<2048x128xf32, #tpu.memory_space<vmem>>, vector<2048x128xf32>
    %add3A = arith.addf %get3A_1, %get3A_4 : vector<2048x128xf32>
    %get3A_5 = arith.constant 0 : index
    %get3A_6 = arith.constant 0 : index
    %get3A_7 = vector.load %arg3[%get3A_5, %get3A_6] : memref<2048x128xf32, #tpu.memory_space<vmem>>, vector<2048x128xf32>
    %add3A_8 = arith.addf %add3A, %get3A_7 : vector<2048x128xf32>
    %max3A = arith.constant 0.000000e+00 : f32
    %max3A_9 = vector.broadcast %max3A : f32 to vector<2048x128xf32>
    %max3A_10 = arith.maximumf %add3A_8, %max3A_9 : vector<2048x128xf32>
    %get3A_11 = arith.constant 0 : index
    %get3A_12 = arith.constant 0 : index
    %get3A_13 = vector.load %arg4[%get3A_11, %get3A_12] : memref<128x128xf32, #tpu.memory_space<vmem>>, vector<128x128xf32>
    %dot_general3A = arith.constant dense<0.000000e+00> : vector<2048x128xf32>
    %dot_general3A_14 = tpu.matmul %max3A_10, %get3A_13, %dot_general3A {dimension_numbers = #tpu.dot_dimension_numbers<[1], [0], [0], [1], [0, 0, 1, 1], [], []>, precision = #tpu.contract_precision<fp32>, transpose_lhs_hint = false} : vector<2048x128xf32>, vector<128x128xf32>, vector<2048x128xf32> -> vector<2048x128xf32>
    %get3A_15 = arith.constant 0 : index
    %get3A_16 = arith.constant 0 : index
    %get3A_17 = vector.load %arg5[%get3A_15, %get3A_16] : memref<1x128xf32, #tpu.memory_space<vmem>>, vector<1x128xf32>
    %add3A_18 = vector.broadcast %get3A_17 : vector<1x128xf32> to vector<2048x128xf32>
    %add3A_19 = arith.addf %dot_general3A_14, %add3A_18 : vector<2048x128xf32>
    %max3A_20 = arith.constant 0.000000e+00 : f32
    %max3A_21 = vector.broadcast %max3A_20 : f32 to vector<2048x128xf32>
    %max3A_22 = arith.maximumf %add3A_19, %max3A_21 : vector<2048x128xf32>
    %get3A_23 = arith.constant 0 : index
    %get3A_24 = arith.constant 0 : index
    %get3A_25 = vector.load %arg6[%get3A_23, %get3A_24] : memref<128x128xf32, #tpu.memory_space<vmem>>, vector<128x128xf32>
    %dot_general3A_26 = arith.constant dense<0.000000e+00> : vector<2048x128xf32>
    %dot_general3A_27 = tpu.matmul %max3A_22, %get3A_25, %dot_general3A_26 {dimension_numbers = #tpu.dot_dimension_numbers<[1], [0], [0], [1], [0, 0, 1, 1], [], []>, precision = #tpu.contract_precision<fp32>, transpose_lhs_hint = false} : vector<2048x128xf32>, vector<128x128xf32>, vector<2048x128xf32> -> vector<2048x128xf32>
    %get3A_28 = arith.constant 0 : index
    %get3A_29 = arith.constant 0 : index
    %get3A_30 = vector.load %arg7[%get3A_28, %get3A_29] : memref<1x128xf32, #tpu.memory_space<vmem>>, vector<1x128xf32>
    %add3A_31 = vector.broadcast %get3A_30 : vector<1x128xf32> to vector<2048x128xf32>
    %add3A_32 = arith.addf %dot_general3A_27, %add3A_31 : vector<2048x128xf32>
    %get3A_33 = arith.constant 0 : index
    %get3A_34 = arith.constant 0 : index
    %get3A_35 = vector.load %arg8[%get3A_33, %get3A_34] : memref<1x128xf32, #tpu.memory_space<vmem>>, vector<1x128xf32>
    %get3A_36 = arith.constant 0 : index
    %get3A_37 = arith.constant 0 : index
    %get3A_38 = vector.load %arg9[%get3A_36, %get3A_37] : memref<1x128xf32, #tpu.memory_space<vmem>>, vector<1x128xf32>
    %reduce_sum3A = arith.constant dense<0.000000e+00> : vector<2048xf32>
    %reduce_sum3A_39 = vector.multi_reduction <add>, %add3A_32, %reduce_sum3A [1] : vector<2048x128xf32> to vector<2048xf32>
    %broadcast_in_dim3A = vector.shape_cast %reduce_sum3A_39 : vector<2048xf32> to vector<2048x1xf32>
    %div3A = arith.constant 1.280000e+02 : f32
    %div3A_40 = vector.broadcast %div3A : f32 to vector<2048x1xf32>
    %div3A_41 = arith.divf %broadcast_in_dim3A, %div3A_40 : vector<2048x1xf32>
    %sub3A = vector.broadcast %div3A_41 : vector<2048x1xf32> to vector<2048x128xf32>
    %sub3A_42 = arith.subf %add3A_32, %sub3A : vector<2048x128xf32>
    %sub3A_43 = vector.broadcast %div3A_41 : vector<2048x1xf32> to vector<2048x128xf32>
    %sub3A_44 = arith.subf %add3A_32, %sub3A_43 : vector<2048x128xf32>
    %mul3A = arith.mulf %sub3A_42, %sub3A_44 : vector<2048x128xf32>
    %reduce_sum3A_45 = arith.constant dense<0.000000e+00> : vector<2048xf32>
    %reduce_sum3A_46 = vector.multi_reduction <add>, %mul3A, %reduce_sum3A_45 [1] : vector<2048x128xf32> to vector<2048xf32>
    %broadcast_in_dim3A_47 = vector.shape_cast %reduce_sum3A_46 : vector<2048xf32> to vector<2048x1xf32>
    %div3A_48 = arith.constant 1.280000e+02 : f32
    %div3A_49 = vector.broadcast %div3A_48 : f32 to vector<2048x1xf32>
    %div3A_50 = arith.divf %broadcast_in_dim3A_47, %div3A_49 : vector<2048x1xf32>
    %sub3A_51 = vector.broadcast %div3A_41 : vector<2048x1xf32> to vector<2048x128xf32>
    %sub3A_52 = arith.subf %add3A_32, %sub3A_51 : vector<2048x128xf32>
    %add3A_53 = arith.constant 9.99999974E-6 : f32
    %add3A_54 = vector.broadcast %add3A_53 : f32 to vector<2048x1xf32>
    %add3A_55 = arith.addf %div3A_50, %add3A_54 : vector<2048x1xf32>
    %rsqrt3A = math.rsqrt %add3A_55 : vector<2048x1xf32>
    %mul3A_56 = vector.broadcast %rsqrt3A : vector<2048x1xf32> to vector<2048x128xf32>
    %mul3A_57 = arith.mulf %sub3A_52, %mul3A_56 : vector<2048x128xf32>
    %mul3A_58 = vector.broadcast %get3A_35 : vector<1x128xf32> to vector<2048x128xf32>
    %mul3A_59 = arith.mulf %mul3A_57, %mul3A_58 : vector<2048x128xf32>
    %add3A_60 = vector.broadcast %get3A_38 : vector<1x128xf32> to vector<2048x128xf32>
    %add3A_61 = arith.addf %mul3A_59, %add3A_60 : vector<2048x128xf32>
    %swap3A = arith.constant 0 : index
    %swap3A_62 = arith.constant 0 : index
    %swap3A_63 = vector.load %arg11[%swap3A, %swap3A_62] : memref<2048x128xf32, #tpu.memory_space<vmem>>, vector<2048x128xf32>
    tpu.vector_store %arg11[%swap3A, %swap3A_62], %add3A_61 {strides = array<i32>} : memref<2048x128xf32, #tpu.memory_space<vmem>>, vector<2048x128xf32>,
    %get3A_64 = arith.constant 0 : index
    %get3A_65 = arith.constant 0 : index
    %get3A_66 = vector.load %arg10[%get3A_64, %get3A_65] : memref<128x128xf32, #tpu.memory_space<vmem>>, vector<128x128xf32>
    %dot_general3A_67 = arith.constant dense<0.000000e+00> : vector<2048x128xf32>
    %dot_general3A_68 = tpu.matmul %add3A_61, %get3A_66, %dot_general3A_67 {dimension_numbers = #tpu.dot_dimension_numbers<[1], [0], [0], [1], [0, 0, 1, 1], [], []>, precision = #tpu.contract_precision<fp32>, transpose_lhs_hint = false} : vector<2048x128xf32>, vector<128x128xf32>, vector<2048x128xf32> -> vector<2048x128xf32>
    %swap3A_69 = arith.constant 0 : index
    %swap3A_70 = arith.constant 0 : index
    %swap3A_71 = vector.load %arg12[%swap3A_69, %swap3A_70] : memref<2048x128xf32, #tpu.memory_space<vmem>>, vector<2048x128xf32>
    tpu.vector_store %arg12[%swap3A_69, %swap3A_70], %dot_general3A_68 {strides = array<i32>} : memref<2048x128xf32, #tpu.memory_space<vmem>>, vector<2048x128xf32>,
    return
  }
  func.func @transform_0(%arg0: i32) -> (i32, i32) {
    %c0_i32 = arith.constant 0 : i32
    %c0_i32_0 = arith.constant 0 : i32
    return %arg0, %c0_i32 : i32, i32
  }
  func.func @transform_1(%arg0: i32) -> (i32, i32) {
    %c0_i32 = arith.constant 0 : i32
    %c0_i32_0 = arith.constant 0 : i32
    return %arg0, %c0_i32 : i32, i32
  }
  func.func @transform_2(%arg0: i32) -> (i32, i32) {
    %c0_i32 = arith.constant 0 : i32
    %c0_i32_0 = arith.constant 0 : i32
    return %arg0, %c0_i32 : i32, i32
  }
  func.func @transform_3(%arg0: i32) -> (i32, i32) {
    %c0_i32 = arith.constant 0 : i32
    %c0_i32_0 = arith.constant 0 : i32
    %c0_i32_1 = arith.constant 0 : i32
    return %c0_i32, %c0_i32_0 : i32, i32
  }
  func.func @transform_4(%arg0: i32) -> (i32, i32) {
    %c0_i32 = arith.constant 0 : i32
    %c0_i32_0 = arith.constant 0 : i32
    %c0_i32_1 = arith.constant 0 : i32
    return %c0_i32, %c0_i32_0 : i32, i32
  }
  func.func @transform_5(%arg0: i32) -> (i32, i32) {
    %c0_i32 = arith.constant 0 : i32
    %c0_i32_0 = arith.constant 0 : i32
    %c0_i32_1 = arith.constant 0 : i32
    return %c0_i32, %c0_i32_0 : i32, i32
  }
  func.func @transform_6(%arg0: i32) -> (i32, i32) {
    %c0_i32 = arith.constant 0 : i32
    %c0_i32_0 = arith.constant 0 : i32
    %c0_i32_1 = arith.constant 0 : i32
    return %c0_i32, %c0_i32_0 : i32, i32
  }
  func.func @transform_7(%arg0: i32) -> (i32, i32) {
    %c0_i32 = arith.constant 0 : i32
    %c0_i32_0 = arith.constant 0 : i32
    %c0_i32_1 = arith.constant 0 : i32
    return %c0_i32, %c0_i32_0 : i32, i32
  }
  func.func @transform_8(%arg0: i32) -> (i32, i32) {
    %c0_i32 = arith.constant 0 : i32
    %c0_i32_0 = arith.constant 0 : i32
    %c0_i32_1 = arith.constant 0 : i32
    return %c0_i32, %c0_i32_0 : i32, i32
  }
  func.func @transform_9(%arg0: i32) -> (i32, i32) {
    %c0_i32 = arith.constant 0 : i32
    %c0_i32_0 = arith.constant 0 : i32
    %c0_i32_1 = arith.constant 0 : i32
    return %c0_i32, %c0_i32_0 : i32, i32
  }
  func.func @transform_10(%arg0: i32) -> (i32, i32) {
    %c0_i32 = arith.constant 0 : i32
    %c0_i32_0 = arith.constant 0 : i32
    return %arg0, %c0_i32 : i32, i32
  }
  func.func @transform_11(%arg0: i32) -> (i32, i32) {
    %c0_i32 = arith.constant 0 : i32
    %c0_i32_0 = arith.constant 0 : i32
    return %arg0, %c0_i32 : i32, i32
  }
}

module attributes {stable_mosaic.version = 14 : i64} {
  func.func @_node_mlp1_body(%arg0: i32, %arg1: memref<1024x128xf32, #tpu.memory_space<vmem>>, %arg2: memref<1024x128xf32, #tpu.memory_space<vmem>>, %arg3: memref<1024x128xf32, #tpu.memory_space<vmem>>, %arg4: memref<1024x128xf32, #tpu.memory_space<vmem>>, %arg5: memref<1024x8xf32, #tpu.memory_space<vmem>>, %arg6: memref<1024x8xf32, #tpu.memory_space<vmem>>, %arg7: memref<128x128xf32, #tpu.memory_space<vmem>>, %arg8: memref<128x128xf32, #tpu.memory_space<vmem>>, %arg9: memref<1x128xf32, #tpu.memory_space<vmem>>, %arg10: memref<128x128xf32, #tpu.memory_space<vmem>>, %arg11: memref<1x128xf32, #tpu.memory_space<vmem>>, %arg12: memref<1x128xf32, #tpu.memory_space<vmem>>, %arg13: memref<1x128xf32, #tpu.memory_space<vmem>>, %arg14: memref<128x128xf32, #tpu.memory_space<vmem>>, %arg15: memref<1x128xf32, #tpu.memory_space<vmem>>, %arg16: memref<128x128xf32, #tpu.memory_space<vmem>>, %arg17: memref<1x128xf32, #tpu.memory_space<vmem>>, %arg18: memref<128x8xf32, #tpu.memory_space<vmem>>, %arg19: memref<1x8xf32, #tpu.memory_space<vmem>>, %arg20: memref<8x2xf32, #tpu.memory_space<vmem>>, %arg21: memref<1x2xf32, #tpu.memory_space<vmem>>, %arg22: memref<2x32xf32, #tpu.memory_space<vmem>>, %arg23: memref<8x32xf32, #tpu.memory_space<vmem>>, %arg24: memref<1x32xf32, #tpu.memory_space<vmem>>, %arg25: memref<2x32xf32, #tpu.memory_space<vmem>>, %arg26: memref<1024x32xf32, #tpu.memory_space<vmem>>, %arg27: memref<1024x32xf32, #tpu.memory_space<vmem>>, %arg28: memref<1024x8xf32, #tpu.memory_space<vmem>>) attributes {dimension_semantics = [#tpu.dimension_semantics<arbitrary>], iteration_bounds = array<i64: 10>, scalar_prefetch = 0 : i64, scratch_operands = 0 : i64, tpu.core_type = #tpu.core_type<tc>, window_params = [{transform_indices = @transform_0, window_bounds = array<i64: 1024, 128>}, {transform_indices = @transform_1, window_bounds = array<i64: 1024, 128>}, {transform_indices = @transform_2, window_bounds = array<i64: 1024, 128>}, {transform_indices = @transform_3, window_bounds = array<i64: 1024, 128>}, {transform_indices = @transform_4, window_bounds = array<i64: 1024, 8>}, {transform_indices = @transform_5, window_bounds = array<i64: 1024, 8>}, {pipeline_mode = #tpu.pipeline_mode<synchronous>, transform_indices = @transform_6, window_bounds = array<i64: 128, 128>}, {pipeline_mode = #tpu.pipeline_mode<synchronous>, transform_indices = @transform_7, window_bounds = array<i64: 128, 128>}, {pipeline_mode = #tpu.pipeline_mode<synchronous>, transform_indices = @transform_8, window_bounds = array<i64: 1, 128>}, {pipeline_mode = #tpu.pipeline_mode<synchronous>, transform_indices = @transform_9, window_bounds = array<i64: 128, 128>}, {pipeline_mode = #tpu.pipeline_mode<synchronous>, transform_indices = @transform_10, window_bounds = array<i64: 1, 128>}, {pipeline_mode = #tpu.pipeline_mode<synchronous>, transform_indices = @transform_11, window_bounds = array<i64: 1, 128>}, {pipeline_mode = #tpu.pipeline_mode<synchronous>, transform_indices = @transform_12, window_bounds = array<i64: 1, 128>}, {pipeline_mode = #tpu.pipeline_mode<synchronous>, transform_indices = @transform_13, window_bounds = array<i64: 128, 128>}, {pipeline_mode = #tpu.pipeline_mode<synchronous>, transform_indices = @transform_14, window_bounds = array<i64: 1, 128>}, {pipeline_mode = #tpu.pipeline_mode<synchronous>, transform_indices = @transform_15, window_bounds = array<i64: 128, 128>}, {pipeline_mode = #tpu.pipeline_mode<synchronous>, transform_indices = @transform_16, window_bounds = array<i64: 1, 128>}, {pipeline_mode = #tpu.pipeline_mode<synchronous>, transform_indices = @transform_17, window_bounds = array<i64: 128, 8>}, {pipeline_mode = #tpu.pipeline_mode<synchronous>, transform_indices = @transform_18, window_bounds = array<i64: 1, 8>}, {pipeline_mode = #tpu.pipeline_mode<synchronous>, transform_indices = @transform_19, window_bounds = array<i64: 8, 2>}, {pipeline_mode = #tpu.pipeline_mode<synchronous>, transform_indices = @transform_20, window_bounds = array<i64: 1, 2>}, {pipeline_mode = #tpu.pipeline_mode<synchronous>, transform_indices = @transform_21, window_bounds = array<i64: 2, 32>}, {pipeline_mode = #tpu.pipeline_mode<synchronous>, transform_indices = @transform_22, window_bounds = array<i64: 8, 32>}, {pipeline_mode = #tpu.pipeline_mode<synchronous>, transform_indices = @transform_23, window_bounds = array<i64: 1, 32>}, {pipeline_mode = #tpu.pipeline_mode<synchronous>, transform_indices = @transform_24, window_bounds = array<i64: 2, 32>}, {transform_indices = @transform_25, window_bounds = array<i64: 1024, 32>}, {transform_indices = @transform_26, window_bounds = array<i64: 1024, 32>}, {transform_indices = @transform_27, window_bounds = array<i64: 1024, 8>}]} {
    %get3A = arith.constant 0 : index
    %get3A_0 = arith.constant 0 : index
    %get3A_1 = vector.load %arg2[%get3A, %get3A_0] : memref<1024x128xf32, #tpu.memory_space<vmem>>, vector<1024x128xf32>
    %get3A_2 = arith.constant 0 : index
    %get3A_3 = arith.constant 0 : index
    %get3A_4 = vector.load %arg3[%get3A_2, %get3A_3] : memref<1024x128xf32, #tpu.memory_space<vmem>>, vector<1024x128xf32>
    %add3A = arith.addf %get3A_1, %get3A_4 : vector<1024x128xf32>
    %get3A_5 = arith.constant 0 : index
    %get3A_6 = arith.constant 0 : index
    %get3A_7 = vector.load %arg6[%get3A_5, %get3A_6] : memref<1024x8xf32, #tpu.memory_space<vmem>>, vector<1024x8xf32>
    %slice3A = vector.extract_strided_slice %get3A_7 {offsets = [0, 0], sizes = [1024, 1], strides = [1, 1]} : vector<1024x8xf32> to vector<1024x1xf32>
    %mul3A = vector.broadcast %slice3A : vector<1024x1xf32> to vector<1024x128xf32>
    %mul3A_8 = arith.mulf %add3A, %mul3A : vector<1024x128xf32>
    %get3A_9 = arith.constant 0 : index
    %get3A_10 = arith.constant 0 : index
    %get3A_11 = vector.load %arg1[%get3A_9, %get3A_10] : memref<1024x128xf32, #tpu.memory_space<vmem>>, vector<1024x128xf32>
    %get3A_12 = arith.constant 0 : index
    %get3A_13 = arith.constant 0 : index
    %get3A_14 = vector.load %arg7[%get3A_12, %get3A_13] : memref<128x128xf32, #tpu.memory_space<vmem>>, vector<128x128xf32>
    %dot_general3A = arith.constant dense<0.000000e+00> : vector<1024x128xf32>
    %dot_general3A_15 = tpu.matmul %mul3A_8, %get3A_14, %dot_general3A {dimension_numbers = #tpu.dot_dimension_numbers<[1], [0], [0], [1], [0, 0, 1, 1], [], []>, precision = #tpu.contract_precision<fp32>, transpose_lhs_hint = false} : vector<1024x128xf32>, vector<128x128xf32>, vector<1024x128xf32> -> vector<1024x128xf32>
    %add3A_16 = arith.addf %get3A_11, %dot_general3A_15 : vector<1024x128xf32>
    %max3A = arith.constant 0.000000e+00 : f32
    %max3A_17 = vector.broadcast %max3A : f32 to vector<1024x128xf32>
    %max3A_18 = arith.maximumf %add3A_16, %max3A_17 : vector<1024x128xf32>
    %get3A_19 = arith.constant 0 : index
    %get3A_20 = arith.constant 0 : index
    %get3A_21 = vector.load %arg8[%get3A_19, %get3A_20] : memref<128x128xf32, #tpu.memory_space<vmem>>, vector<128x128xf32>
    %dot_general3A_22 = arith.constant dense<0.000000e+00> : vector<1024x128xf32>
    %dot_general3A_23 = tpu.matmul %max3A_18, %get3A_21, %dot_general3A_22 {dimension_numbers = #tpu.dot_dimension_numbers<[1], [0], [0], [1], [0, 0, 1, 1], [], []>, precision = #tpu.contract_precision<fp32>, transpose_lhs_hint = false} : vector<1024x128xf32>, vector<128x128xf32>, vector<1024x128xf32> -> vector<1024x128xf32>
    %get3A_24 = arith.constant 0 : index
    %get3A_25 = arith.constant 0 : index
    %get3A_26 = vector.load %arg9[%get3A_24, %get3A_25] : memref<1x128xf32, #tpu.memory_space<vmem>>, vector<1x128xf32>
    %add3A_27 = vector.broadcast %get3A_26 : vector<1x128xf32> to vector<1024x128xf32>
    %add3A_28 = arith.addf %dot_general3A_23, %add3A_27 : vector<1024x128xf32>
    %max3A_29 = arith.constant 0.000000e+00 : f32
    %max3A_30 = vector.broadcast %max3A_29 : f32 to vector<1024x128xf32>
    %max3A_31 = arith.maximumf %add3A_28, %max3A_30 : vector<1024x128xf32>
    %get3A_32 = arith.constant 0 : index
    %get3A_33 = arith.constant 0 : index
    %get3A_34 = vector.load %arg10[%get3A_32, %get3A_33] : memref<128x128xf32, #tpu.memory_space<vmem>>, vector<128x128xf32>
    %dot_general3A_35 = arith.constant dense<0.000000e+00> : vector<1024x128xf32>
    %dot_general3A_36 = tpu.matmul %max3A_31, %get3A_34, %dot_general3A_35 {dimension_numbers = #tpu.dot_dimension_numbers<[1], [0], [0], [1], [0, 0, 1, 1], [], []>, precision = #tpu.contract_precision<fp32>, transpose_lhs_hint = false} : vector<1024x128xf32>, vector<128x128xf32>, vector<1024x128xf32> -> vector<1024x128xf32>
    %get3A_37 = arith.constant 0 : index
    %get3A_38 = arith.constant 0 : index
    %get3A_39 = vector.load %arg11[%get3A_37, %get3A_38] : memref<1x128xf32, #tpu.memory_space<vmem>>, vector<1x128xf32>
    %add3A_40 = vector.broadcast %get3A_39 : vector<1x128xf32> to vector<1024x128xf32>
    %add3A_41 = arith.addf %dot_general3A_36, %add3A_40 : vector<1024x128xf32>
    %get3A_42 = arith.constant 0 : index
    %get3A_43 = arith.constant 0 : index
    %get3A_44 = vector.load %arg12[%get3A_42, %get3A_43] : memref<1x128xf32, #tpu.memory_space<vmem>>, vector<1x128xf32>
    %get3A_45 = arith.constant 0 : index
    %get3A_46 = arith.constant 0 : index
    %get3A_47 = vector.load %arg13[%get3A_45, %get3A_46] : memref<1x128xf32, #tpu.memory_space<vmem>>, vector<1x128xf32>
    %reduce_sum3A = arith.constant dense<0.000000e+00> : vector<1024xf32>
    %reduce_sum3A_48 = vector.multi_reduction <add>, %add3A_41, %reduce_sum3A [1] : vector<1024x128xf32> to vector<1024xf32>
    %broadcast_in_dim3A = vector.shape_cast %reduce_sum3A_48 : vector<1024xf32> to vector<1024x1xf32>
    %div3A = arith.constant 1.280000e+02 : f32
    %div3A_49 = vector.broadcast %div3A : f32 to vector<1024x1xf32>
    %div3A_50 = arith.divf %broadcast_in_dim3A, %div3A_49 : vector<1024x1xf32>
    %sub3A = vector.broadcast %div3A_50 : vector<1024x1xf32> to vector<1024x128xf32>
    %sub3A_51 = arith.subf %add3A_41, %sub3A : vector<1024x128xf32>
    %sub3A_52 = vector.broadcast %div3A_50 : vector<1024x1xf32> to vector<1024x128xf32>
    %sub3A_53 = arith.subf %add3A_41, %sub3A_52 : vector<1024x128xf32>
    %mul3A_54 = arith.mulf %sub3A_51, %sub3A_53 : vector<1024x128xf32>
    %reduce_sum3A_55 = arith.constant dense<0.000000e+00> : vector<1024xf32>
    %reduce_sum3A_56 = vector.multi_reduction <add>, %mul3A_54, %reduce_sum3A_55 [1] : vector<1024x128xf32> to vector<1024xf32>
    %broadcast_in_dim3A_57 = vector.shape_cast %reduce_sum3A_56 : vector<1024xf32> to vector<1024x1xf32>
    %div3A_58 = arith.constant 1.280000e+02 : f32
    %div3A_59 = vector.broadcast %div3A_58 : f32 to vector<1024x1xf32>
    %div3A_60 = arith.divf %broadcast_in_dim3A_57, %div3A_59 : vector<1024x1xf32>
    %sub3A_61 = vector.broadcast %div3A_50 : vector<1024x1xf32> to vector<1024x128xf32>
    %sub3A_62 = arith.subf %add3A_41, %sub3A_61 : vector<1024x128xf32>
    %add3A_63 = arith.constant 9.99999974E-6 : f32
    %add3A_64 = vector.broadcast %add3A_63 : f32 to vector<1024x1xf32>
    %add3A_65 = arith.addf %div3A_60, %add3A_64 : vector<1024x1xf32>
    %rsqrt3A = math.rsqrt %add3A_65 : vector<1024x1xf32>
    %mul3A_66 = vector.broadcast %rsqrt3A : vector<1024x1xf32> to vector<1024x128xf32>
    %mul3A_67 = arith.mulf %sub3A_62, %mul3A_66 : vector<1024x128xf32>
    %mul3A_68 = vector.broadcast %get3A_44 : vector<1x128xf32> to vector<1024x128xf32>
    %mul3A_69 = arith.mulf %mul3A_67, %mul3A_68 : vector<1024x128xf32>
    %add3A_70 = vector.broadcast %get3A_47 : vector<1x128xf32> to vector<1024x128xf32>
    %add3A_71 = arith.addf %mul3A_69, %add3A_70 : vector<1024x128xf32>
    %get3A_72 = arith.constant 0 : index
    %get3A_73 = arith.constant 0 : index
    %get3A_74 = vector.load %arg4[%get3A_72, %get3A_73] : memref<1024x128xf32, #tpu.memory_space<vmem>>, vector<1024x128xf32>
    %add3A_75 = arith.addf %get3A_74, %add3A_71 : vector<1024x128xf32>
    %get3A_76 = arith.constant 0 : index
    %get3A_77 = arith.constant 0 : index
    %get3A_78 = vector.load %arg14[%get3A_76, %get3A_77] : memref<128x128xf32, #tpu.memory_space<vmem>>, vector<128x128xf32>
    %dot_general3A_79 = arith.constant dense<0.000000e+00> : vector<1024x128xf32>
    %dot_general3A_80 = tpu.matmul %add3A_75, %get3A_78, %dot_general3A_79 {dimension_numbers = #tpu.dot_dimension_numbers<[1], [0], [0], [1], [0, 0, 1, 1], [], []>, precision = #tpu.contract_precision<fp32>, transpose_lhs_hint = false} : vector<1024x128xf32>, vector<128x128xf32>, vector<1024x128xf32> -> vector<1024x128xf32>
    %get3A_81 = arith.constant 0 : index
    %get3A_82 = arith.constant 0 : index
    %get3A_83 = vector.load %arg15[%get3A_81, %get3A_82] : memref<1x128xf32, #tpu.memory_space<vmem>>, vector<1x128xf32>
    %add3A_84 = vector.broadcast %get3A_83 : vector<1x128xf32> to vector<1024x128xf32>
    %add3A_85 = arith.addf %dot_general3A_80, %add3A_84 : vector<1024x128xf32>
    %max3A_86 = arith.constant 0.000000e+00 : f32
    %max3A_87 = vector.broadcast %max3A_86 : f32 to vector<1024x128xf32>
    %max3A_88 = arith.maximumf %add3A_85, %max3A_87 : vector<1024x128xf32>
    %get3A_89 = arith.constant 0 : index
    %get3A_90 = arith.constant 0 : index
    %get3A_91 = vector.load %arg16[%get3A_89, %get3A_90] : memref<128x128xf32, #tpu.memory_space<vmem>>, vector<128x128xf32>
    %dot_general3A_92 = arith.constant dense<0.000000e+00> : vector<1024x128xf32>
    %dot_general3A_93 = tpu.matmul %max3A_88, %get3A_91, %dot_general3A_92 {dimension_numbers = #tpu.dot_dimension_numbers<[1], [0], [0], [1], [0, 0, 1, 1], [], []>, precision = #tpu.contract_precision<fp32>, transpose_lhs_hint = false} : vector<1024x128xf32>, vector<128x128xf32>, vector<1024x128xf32> -> vector<1024x128xf32>
    %get3A_94 = arith.constant 0 : index
    %get3A_95 = arith.constant 0 : index
    %get3A_96 = vector.load %arg17[%get3A_94, %get3A_95] : memref<1x128xf32, #tpu.memory_space<vmem>>, vector<1x128xf32>
    %add3A_97 = vector.broadcast %get3A_96 : vector<1x128xf32> to vector<1024x128xf32>
    %add3A_98 = arith.addf %dot_general3A_93, %add3A_97 : vector<1024x128xf32>
    %max3A_99 = arith.constant 0.000000e+00 : f32
    %max3A_100 = vector.broadcast %max3A_99 : f32 to vector<1024x128xf32>
    %max3A_101 = arith.maximumf %add3A_98, %max3A_100 : vector<1024x128xf32>
    %get3A_102 = arith.constant 0 : index
    %get3A_103 = arith.constant 0 : index
    %get3A_104 = vector.load %arg18[%get3A_102, %get3A_103] : memref<128x8xf32, #tpu.memory_space<vmem>>, vector<128x8xf32>
    %dot_general3A_105 = arith.constant dense<0.000000e+00> : vector<1024x8xf32>
    %dot_general3A_106 = tpu.matmul %max3A_101, %get3A_104, %dot_general3A_105 {dimension_numbers = #tpu.dot_dimension_numbers<[1], [0], [0], [1], [0, 0, 1, 1], [], []>, precision = #tpu.contract_precision<fp32>, transpose_lhs_hint = false} : vector<1024x128xf32>, vector<128x8xf32>, vector<1024x8xf32> -> vector<1024x8xf32>
    %get3A_107 = arith.constant 0 : index
    %get3A_108 = arith.constant 0 : index
    %get3A_109 = vector.load %arg19[%get3A_107, %get3A_108] : memref<1x8xf32, #tpu.memory_space<vmem>>, vector<1x8xf32>
    %add3A_110 = vector.broadcast %get3A_109 : vector<1x8xf32> to vector<1024x8xf32>
    %add3A_111 = arith.addf %dot_general3A_106, %add3A_110 : vector<1024x8xf32>
    %get3A_112 = arith.constant 0 : index
    %get3A_113 = arith.constant 0 : index
    %get3A_114 = vector.load %arg5[%get3A_112, %get3A_113] : memref<1024x8xf32, #tpu.memory_space<vmem>>, vector<1024x8xf32>
    %get3A_115 = arith.constant 0 : index
    %get3A_116 = arith.constant 0 : index
    %get3A_117 = vector.load %arg20[%get3A_115, %get3A_116] : memref<8x2xf32, #tpu.memory_space<vmem>>, vector<8x2xf32>
    %dot_general3A_118 = arith.constant dense<0.000000e+00> : vector<1024x2xf32>
    %dot_general3A_119 = tpu.matmul %get3A_114, %get3A_117, %dot_general3A_118 {dimension_numbers = #tpu.dot_dimension_numbers<[1], [0], [0], [1], [0, 0, 1, 1], [], []>, precision = #tpu.contract_precision<fp32>, transpose_lhs_hint = false} : vector<1024x8xf32>, vector<8x2xf32>, vector<1024x2xf32> -> vector<1024x2xf32>
    %get3A_120 = arith.constant 0 : index
    %get3A_121 = arith.constant 0 : index
    %get3A_122 = vector.load %arg21[%get3A_120, %get3A_121] : memref<1x2xf32, #tpu.memory_space<vmem>>, vector<1x2xf32>
    %add3A_123 = vector.broadcast %get3A_122 : vector<1x2xf32> to vector<1024x2xf32>
    %add3A_124 = arith.addf %dot_general3A_119, %add3A_123 : vector<1024x2xf32>
    %tanh3A = math.tanh %add3A_124 : vector<1024x2xf32>
    %slice3A_125 = vector.extract_strided_slice %get3A_114 {offsets = [0, 3], sizes = [1024, 1], strides = [1, 1]} : vector<1024x8xf32> to vector<1024x1xf32>
    %sub3A_126 = arith.constant 1.000000e+00 : f32
    %sub3A_127 = vector.broadcast %sub3A_126 : f32 to vector<1024x1xf32>
    %sub3A_128 = arith.subf %sub3A_127, %slice3A_125 : vector<1024x1xf32>
    %mul3A_129 = arith.constant 1.000000e+04 : f32
    %mul3A_130 = vector.broadcast %mul3A_129 : f32 to vector<1024x1xf32>
    %mul3A_131 = arith.mulf %sub3A_128, %mul3A_130 : vector<1024x1xf32>
    %add3A_132 = vector.broadcast %mul3A_131 : vector<1024x1xf32> to vector<1024x2xf32>
    %add3A_133 = arith.addf %tanh3A, %add3A_132 : vector<1024x2xf32>
    %mul3A_134 = arith.mulf %add3A_133, %add3A_133 : vector<1024x2xf32>
    %reduce_sum3A_135 = arith.constant dense<0.000000e+00> : vector<1024xf32>
    %reduce_sum3A_136 = vector.multi_reduction <add>, %mul3A_134, %reduce_sum3A_135 [1] : vector<1024x2xf32> to vector<1024xf32>
    %broadcast_in_dim3A_137 = vector.shape_cast %reduce_sum3A_136 : vector<1024xf32> to vector<1024x1xf32>
    %get3A_138 = arith.constant 0 : index
    %get3A_139 = arith.constant 0 : index
    %get3A_140 = vector.load %arg22[%get3A_138, %get3A_139] : memref<2x32xf32, #tpu.memory_space<vmem>>, vector<2x32xf32>
    %dot_general3A_141 = arith.constant dense<0.000000e+00> : vector<1024x32xf32>
    %dot_general3A_142 = tpu.matmul %add3A_133, %get3A_140, %dot_general3A_141 {dimension_numbers = #tpu.dot_dimension_numbers<[1], [0], [0], [1], [0, 0, 1, 1], [], []>, precision = #tpu.contract_precision<fp32>, transpose_lhs_hint = false} : vector<1024x2xf32>, vector<2x32xf32>, vector<1024x32xf32> -> vector<1024x32xf32>
    %get3A_143 = arith.constant 0 : index
    %get3A_144 = arith.constant 0 : index
    %get3A_145 = vector.load %arg23[%get3A_143, %get3A_144] : memref<8x32xf32, #tpu.memory_space<vmem>>, vector<8x32xf32>
    %dot_general3A_146 = arith.constant dense<0.000000e+00> : vector<1024x32xf32>
    %dot_general3A_147 = tpu.matmul %add3A_111, %get3A_145, %dot_general3A_146 {dimension_numbers = #tpu.dot_dimension_numbers<[1], [0], [0], [1], [0, 0, 1, 1], [], []>, precision = #tpu.contract_precision<fp32>, transpose_lhs_hint = false} : vector<1024x8xf32>, vector<8x32xf32>, vector<1024x32xf32> -> vector<1024x32xf32>
    %add3A_148 = arith.addf %dot_general3A_142, %dot_general3A_147 : vector<1024x32xf32>
    %get3A_149 = arith.constant 0 : index
    %get3A_150 = arith.constant 0 : index
    %get3A_151 = vector.load %arg24[%get3A_149, %get3A_150] : memref<1x32xf32, #tpu.memory_space<vmem>>, vector<1x32xf32>
    %add3A_152 = vector.broadcast %get3A_151 : vector<1x32xf32> to vector<1024x32xf32>
    %add3A_153 = arith.addf %add3A_148, %add3A_152 : vector<1024x32xf32>
    %swap3A = arith.constant 0 : index
    %swap3A_154 = arith.constant 0 : index
    %swap3A_155 = vector.load %arg26[%swap3A, %swap3A_154] : memref<1024x32xf32, #tpu.memory_space<vmem>>, vector<1024x32xf32>
    tpu.vector_store %arg26[%swap3A, %swap3A_154], %add3A_153 {strides = array<i32>} : memref<1024x32xf32, #tpu.memory_space<vmem>>, vector<1024x32xf32>,
    %get3A_156 = arith.constant 0 : index
    %get3A_157 = arith.constant 0 : index
    %get3A_158 = vector.load %arg25[%get3A_156, %get3A_157] : memref<2x32xf32, #tpu.memory_space<vmem>>, vector<2x32xf32>
    %dot_general3A_159 = arith.constant dense<0.000000e+00> : vector<1024x32xf32>
    %dot_general3A_160 = tpu.matmul %add3A_133, %get3A_158, %dot_general3A_159 {dimension_numbers = #tpu.dot_dimension_numbers<[1], [0], [0], [1], [0, 0, 1, 1], [], []>, precision = #tpu.contract_precision<fp32>, transpose_lhs_hint = false} : vector<1024x2xf32>, vector<2x32xf32>, vector<1024x32xf32> -> vector<1024x32xf32>
    %swap3A_161 = arith.constant 0 : index
    %swap3A_162 = arith.constant 0 : index
    %swap3A_163 = vector.load %arg27[%swap3A_161, %swap3A_162] : memref<1024x32xf32, #tpu.memory_space<vmem>>, vector<1024x32xf32>
    tpu.vector_store %arg27[%swap3A_161, %swap3A_162], %dot_general3A_160 {strides = array<i32>} : memref<1024x32xf32, #tpu.memory_space<vmem>>, vector<1024x32xf32>,
    %broadcast_in_dim3A_164 = arith.constant 0.000000e+00 : f32
    %broadcast_in_dim3A_165 = vector.broadcast %broadcast_in_dim3A_164 : f32 to vector<1024x5xf32>
    %concatenate3A = tpu.concatenate %add3A_133, %broadcast_in_dim3A_137, %broadcast_in_dim3A_165 in 1 : vector<1024x2xf32>, vector<1024x1xf32>, vector<1024x5xf32> -> vector<1024x8xf32>
    %swap3A_166 = arith.constant 0 : index
    %swap3A_167 = arith.constant 0 : index
    %swap3A_168 = vector.load %arg28[%swap3A_166, %swap3A_167] : memref<1024x8xf32, #tpu.memory_space<vmem>>, vector<1024x8xf32>
    tpu.vector_store %arg28[%swap3A_166, %swap3A_167], %concatenate3A {strides = array<i32>} : memref<1024x8xf32, #tpu.memory_space<vmem>>, vector<1024x8xf32>,
    return
  }
  func.func @transform_0(%arg0: i32) -> (i32, i32) {
    %c0_i32 = arith.constant 0 : i32
    %c0_i32_0 = arith.constant 0 : i32
    return %arg0, %c0_i32 : i32, i32
  }
  func.func @transform_1(%arg0: i32) -> (i32, i32) {
    %c0_i32 = arith.constant 0 : i32
    %c0_i32_0 = arith.constant 0 : i32
    return %arg0, %c0_i32 : i32, i32
  }
  func.func @transform_2(%arg0: i32) -> (i32, i32) {
    %c0_i32 = arith.constant 0 : i32
    %c0_i32_0 = arith.constant 0 : i32
    return %arg0, %c0_i32 : i32, i32
  }
  func.func @transform_3(%arg0: i32) -> (i32, i32) {
    %c0_i32 = arith.constant 0 : i32
    %c0_i32_0 = arith.constant 0 : i32
    return %arg0, %c0_i32 : i32, i32
  }
  func.func @transform_4(%arg0: i32) -> (i32, i32) {
    %c0_i32 = arith.constant 0 : i32
    %c0_i32_0 = arith.constant 0 : i32
    return %arg0, %c0_i32 : i32, i32
  }
  func.func @transform_5(%arg0: i32) -> (i32, i32) {
    %c0_i32 = arith.constant 0 : i32
    %c0_i32_0 = arith.constant 0 : i32
    return %arg0, %c0_i32 : i32, i32
  }
  func.func @transform_6(%arg0: i32) -> (i32, i32) {
    %c0_i32 = arith.constant 0 : i32
    %c0_i32_0 = arith.constant 0 : i32
    %c0_i32_1 = arith.constant 0 : i32
    return %c0_i32, %c0_i32_0 : i32, i32
  }
  func.func @transform_7(%arg0: i32) -> (i32, i32) {
    %c0_i32 = arith.constant 0 : i32
    %c0_i32_0 = arith.constant 0 : i32
    %c0_i32_1 = arith.constant 0 : i32
    return %c0_i32, %c0_i32_0 : i32, i32
  }
  func.func @transform_8(%arg0: i32) -> (i32, i32) {
    %c0_i32 = arith.constant 0 : i32
    %c0_i32_0 = arith.constant 0 : i32
    %c0_i32_1 = arith.constant 0 : i32
    return %c0_i32, %c0_i32_0 : i32, i32
  }
  func.func @transform_9(%arg0: i32) -> (i32, i32) {
    %c0_i32 = arith.constant 0 : i32
    %c0_i32_0 = arith.constant 0 : i32
    %c0_i32_1 = arith.constant 0 : i32
    return %c0_i32, %c0_i32_0 : i32, i32
  }
  func.func @transform_10(%arg0: i32) -> (i32, i32) {
    %c0_i32 = arith.constant 0 : i32
    %c0_i32_0 = arith.constant 0 : i32
    %c0_i32_1 = arith.constant 0 : i32
    return %c0_i32, %c0_i32_0 : i32, i32
  }
  func.func @transform_11(%arg0: i32) -> (i32, i32) {
    %c0_i32 = arith.constant 0 : i32
    %c0_i32_0 = arith.constant 0 : i32
    %c0_i32_1 = arith.constant 0 : i32
    return %c0_i32, %c0_i32_0 : i32, i32
  }
  func.func @transform_12(%arg0: i32) -> (i32, i32) {
    %c0_i32 = arith.constant 0 : i32
    %c0_i32_0 = arith.constant 0 : i32
    %c0_i32_1 = arith.constant 0 : i32
    return %c0_i32, %c0_i32_0 : i32, i32
  }
  func.func @transform_13(%arg0: i32) -> (i32, i32) {
    %c0_i32 = arith.constant 0 : i32
    %c0_i32_0 = arith.constant 0 : i32
    %c0_i32_1 = arith.constant 0 : i32
    return %c0_i32, %c0_i32_0 : i32, i32
  }
  func.func @transform_14(%arg0: i32) -> (i32, i32) {
    %c0_i32 = arith.constant 0 : i32
    %c0_i32_0 = arith.constant 0 : i32
    %c0_i32_1 = arith.constant 0 : i32
    return %c0_i32, %c0_i32_0 : i32, i32
  }
  func.func @transform_15(%arg0: i32) -> (i32, i32) {
    %c0_i32 = arith.constant 0 : i32
    %c0_i32_0 = arith.constant 0 : i32
    %c0_i32_1 = arith.constant 0 : i32
    return %c0_i32, %c0_i32_0 : i32, i32
  }
  func.func @transform_16(%arg0: i32) -> (i32, i32) {
    %c0_i32 = arith.constant 0 : i32
    %c0_i32_0 = arith.constant 0 : i32
    %c0_i32_1 = arith.constant 0 : i32
    return %c0_i32, %c0_i32_0 : i32, i32
  }
  func.func @transform_17(%arg0: i32) -> (i32, i32) {
    %c0_i32 = arith.constant 0 : i32
    %c0_i32_0 = arith.constant 0 : i32
    %c0_i32_1 = arith.constant 0 : i32
    return %c0_i32, %c0_i32_0 : i32, i32
  }
  func.func @transform_18(%arg0: i32) -> (i32, i32) {
    %c0_i32 = arith.constant 0 : i32
    %c0_i32_0 = arith.constant 0 : i32
    %c0_i32_1 = arith.constant 0 : i32
    return %c0_i32, %c0_i32_0 : i32, i32
  }
  func.func @transform_19(%arg0: i32) -> (i32, i32) {
    %c0_i32 = arith.constant 0 : i32
    %c0_i32_0 = arith.constant 0 : i32
    %c0_i32_1 = arith.constant 0 : i32
    return %c0_i32, %c0_i32_0 : i32, i32
  }
  func.func @transform_20(%arg0: i32) -> (i32, i32) {
    %c0_i32 = arith.constant 0 : i32
    %c0_i32_0 = arith.constant 0 : i32
    %c0_i32_1 = arith.constant 0 : i32
    return %c0_i32, %c0_i32_0 : i32, i32
  }
  func.func @transform_21(%arg0: i32) -> (i32, i32) {
    %c0_i32 = arith.constant 0 : i32
    %c0_i32_0 = arith.constant 0 : i32
    %c0_i32_1 = arith.constant 0 : i32
    return %c0_i32, %c0_i32_0 : i32, i32
  }
  func.func @transform_22(%arg0: i32) -> (i32, i32) {
    %c0_i32 = arith.constant 0 : i32
    %c0_i32_0 = arith.constant 0 : i32
    %c0_i32_1 = arith.constant 0 : i32
    return %c0_i32, %c0_i32_0 : i32, i32
  }
  func.func @transform_23(%arg0: i32) -> (i32, i32) {
    %c0_i32 = arith.constant 0 : i32
    %c0_i32_0 = arith.constant 0 : i32
    %c0_i32_1 = arith.constant 0 : i32
    return %c0_i32, %c0_i32_0 : i32, i32
  }
  func.func @transform_24(%arg0: i32) -> (i32, i32) {
    %c0_i32 = arith.constant 0 : i32
    %c0_i32_0 = arith.constant 0 : i32
    %c0_i32_1 = arith.constant 0 : i32
    return %c0_i32, %c0_i32_0 : i32, i32
  }
  func.func @transform_25(%arg0: i32) -> (i32, i32) {
    %c0_i32 = arith.constant 0 : i32
    %c0_i32_0 = arith.constant 0 : i32
    return %arg0, %c0_i32 : i32, i32
  }
  func.func @transform_26(%arg0: i32) -> (i32, i32) {
    %c0_i32 = arith.constant 0 : i32
    %c0_i32_0 = arith.constant 0 : i32
    return %arg0, %c0_i32 : i32, i32
  }
  func.func @transform_27(%arg0: i32) -> (i32, i32) {
    %c0_i32 = arith.constant 0 : i32
    %c0_i32_0 = arith.constant 0 : i32
    return %arg0, %c0_i32 : i32, i32
  }
}

module attributes {stable_mosaic.version = 14 : i64} {
  func.func @_gno_in_body(%arg0: i32, %arg1: memref<512x32xf32, #tpu.memory_space<vmem>>, %arg2: memref<512x8xf32, #tpu.memory_space<vmem>>, %arg3: memref<2x32xf32, #tpu.memory_space<vmem>>, %arg4: memref<32x64xf32, #tpu.memory_space<vmem>>, %arg5: memref<1x64xf32, #tpu.memory_space<vmem>>, %arg6: memref<64x8xf32, #tpu.memory_space<vmem>>, %arg7: memref<1x8xf32, #tpu.memory_space<vmem>>, %arg8: memref<256x16xf32, #tpu.memory_space<vmem>>) attributes {dimension_semantics = [#tpu.dimension_semantics<arbitrary>], iteration_bounds = array<i64: 20>, scalar_prefetch = 0 : i64, scratch_operands = 0 : i64, tpu.core_type = #tpu.core_type<tc>, window_params = [{transform_indices = @transform_0, window_bounds = array<i64: 512, 32>}, {transform_indices = @transform_1, window_bounds = array<i64: 512, 8>}, {pipeline_mode = #tpu.pipeline_mode<synchronous>, transform_indices = @transform_2, window_bounds = array<i64: 2, 32>}, {pipeline_mode = #tpu.pipeline_mode<synchronous>, transform_indices = @transform_3, window_bounds = array<i64: 32, 64>}, {pipeline_mode = #tpu.pipeline_mode<synchronous>, transform_indices = @transform_4, window_bounds = array<i64: 1, 64>}, {pipeline_mode = #tpu.pipeline_mode<synchronous>, transform_indices = @transform_5, window_bounds = array<i64: 64, 8>}, {pipeline_mode = #tpu.pipeline_mode<synchronous>, transform_indices = @transform_6, window_bounds = array<i64: 1, 8>}, {pipeline_mode = #tpu.pipeline_mode<synchronous>, transform_indices = @transform_7, window_bounds = array<i64: 256, 16>}]} {
    %get3A = arith.constant 0 : index
    %get3A_0 = arith.constant 0 : index
    %get3A_1 = vector.load %arg2[%get3A, %get3A_0] : memref<512x8xf32, #tpu.memory_space<vmem>>, vector<512x8xf32>
    %slice3A = vector.extract_strided_slice %get3A_1 {offsets = [0, 0], sizes = [512, 1], strides = [1, 1]} : vector<512x8xf32> to vector<512x1xf32>
    %slice3A_2 = vector.extract_strided_slice %get3A_1 {offsets = [0, 1], sizes = [512, 1], strides = [1, 1]} : vector<512x8xf32> to vector<512x1xf32>
    %add3A = arith.constant 1.000000e+00 : f32
    %add3A_3 = vector.broadcast %add3A : f32 to vector<512x1xf32>
    %add3A_4 = arith.addf %slice3A, %add3A_3 : vector<512x1xf32>
    %mul3A = arith.constant 7.500000e+00 : f32
    %mul3A_5 = vector.broadcast %mul3A : f32 to vector<512x1xf32>
    %mul3A_6 = arith.mulf %add3A_4, %mul3A_5 : vector<512x1xf32>
    %add3A_7 = arith.constant 5.000000e-01 : f32
    %add3A_8 = vector.broadcast %add3A_7 : f32 to vector<512x1xf32>
    %add3A_9 = arith.addf %mul3A_6, %add3A_8 : vector<512x1xf32>
    %floor3A = math.floor %add3A_9 : vector<512x1xf32>
    %add3A_10 = arith.constant 1.000000e+00 : f32
    %add3A_11 = vector.broadcast %add3A_10 : f32 to vector<512x1xf32>
    %add3A_12 = arith.addf %slice3A_2, %add3A_11 : vector<512x1xf32>
    %mul3A_13 = arith.constant 7.500000e+00 : f32
    %mul3A_14 = vector.broadcast %mul3A_13 : f32 to vector<512x1xf32>
    %mul3A_15 = arith.mulf %add3A_12, %mul3A_14 : vector<512x1xf32>
    %add3A_16 = arith.constant 5.000000e-01 : f32
    %add3A_17 = vector.broadcast %add3A_16 : f32 to vector<512x1xf32>
    %add3A_18 = arith.addf %mul3A_15, %add3A_17 : vector<512x1xf32>
    %floor3A_19 = math.floor %add3A_18 : vector<512x1xf32>
    %iota3A = tpu.iota {dimensions = array<i32: 1>} : vector<1x9xi32>
    %convert_element_type3A = arith.sitofp %iota3A : vector<1x9xi32> to vector<1x9xf32>
    %div3A = arith.constant 3.000000e+00 : f32
    %div3A_20 = vector.broadcast %div3A : f32 to vector<1x9xf32>
    %div3A_21 = arith.divf %convert_element_type3A, %div3A_20 : vector<1x9xf32>
    %floor3A_22 = math.floor %div3A_21 : vector<1x9xf32>
    %mul3A_23 = arith.constant 3.000000e+00 : f32
    %mul3A_24 = vector.broadcast %mul3A_23 : f32 to vector<1x9xf32>
    %mul3A_25 = arith.mulf %floor3A_22, %mul3A_24 : vector<1x9xf32>
    %sub3A = arith.subf %convert_element_type3A, %mul3A_25 : vector<1x9xf32>
    %add3A_26 = vector.broadcast %floor3A : vector<512x1xf32> to vector<512x9xf32>
    %add3A_27 = vector.broadcast %sub3A : vector<1x9xf32> to vector<512x9xf32>
    %add3A_28 = arith.addf %add3A_26, %add3A_27 : vector<512x9xf32>
    %sub3A_29 = arith.constant 1.000000e+00 : f32
    %sub3A_30 = vector.broadcast %sub3A_29 : f32 to vector<512x9xf32>
    %sub3A_31 = arith.subf %add3A_28, %sub3A_30 : vector<512x9xf32>
    %add3A_32 = vector.broadcast %floor3A_19 : vector<512x1xf32> to vector<512x9xf32>
    %add3A_33 = vector.broadcast %floor3A_22 : vector<1x9xf32> to vector<512x9xf32>
    %add3A_34 = arith.addf %add3A_32, %add3A_33 : vector<512x9xf32>
    %sub3A_35 = arith.constant 1.000000e+00 : f32
    %sub3A_36 = vector.broadcast %sub3A_35 : f32 to vector<512x9xf32>
    %sub3A_37 = arith.subf %add3A_34, %sub3A_36 : vector<512x9xf32>
    %ge3A = arith.constant 0.000000e+00 : f32
    %ge3A_38 = vector.broadcast %ge3A : f32 to vector<512x9xf32>
    %ge3A_39 = arith.cmpf oge, %sub3A_31, %ge3A_38 : vector<512x9xf32>
    %le3A = arith.constant 1.500000e+01 : f32
    %le3A_40 = vector.broadcast %le3A : f32 to vector<512x9xf32>
    %le3A_41 = arith.cmpf ole, %sub3A_31, %le3A_40 : vector<512x9xf32>
    %and3A = arith.andi %ge3A_39, %le3A_41 : vector<512x9xi1>
    %ge3A_42 = arith.constant 0.000000e+00 : f32
    %ge3A_43 = vector.broadcast %ge3A_42 : f32 to vector<512x9xf32>
    %ge3A_44 = arith.cmpf oge, %sub3A_37, %ge3A_43 : vector<512x9xf32>
    %and3A_45 = arith.andi %and3A, %ge3A_44 : vector<512x9xi1>
    %le3A_46 = arith.constant 1.500000e+01 : f32
    %le3A_47 = vector.broadcast %le3A_46 : f32 to vector<512x9xf32>
    %le3A_48 = arith.cmpf ole, %sub3A_37, %le3A_47 : vector<512x9xf32>
    %and3A_49 = arith.andi %and3A_45, %le3A_48 : vector<512x9xi1>
    %convert_element_type3A_50 = arith.extui %and3A_49 : vector<512x9xi1> to vector<512x9xi32>
    %convert_element_type3A_51 = arith.sitofp %convert_element_type3A_50 : vector<512x9xi32> to vector<512x9xf32>
    %jit3A = arith.constant 0.000000e+00 : f32
    %jit3A_52 = arith.constant 1.500000e+01 : f32
    %max3A = vector.broadcast %jit3A : f32 to vector<512x9xf32>
    %max3A_53 = arith.maximumf %max3A, %sub3A_31 : vector<512x9xf32>
    %min3A = vector.broadcast %jit3A_52 : f32 to vector<512x9xf32>
    %min3A_54 = arith.minimumf %min3A, %max3A_53 : vector<512x9xf32>
    %jit3A_55 = arith.constant 0.000000e+00 : f32
    %jit3A_56 = arith.constant 1.500000e+01 : f32
    %max3A_57 = vector.broadcast %jit3A_55 : f32 to vector<512x9xf32>
    %max3A_58 = arith.maximumf %max3A_57, %sub3A_37 : vector<512x9xf32>
    %min3A_59 = vector.broadcast %jit3A_56 : f32 to vector<512x9xf32>
    %min3A_60 = arith.minimumf %min3A_59, %max3A_58 : vector<512x9xf32>
    %mul3A_61 = arith.constant 1.600000e+01 : f32
    %mul3A_62 = vector.broadcast %mul3A_61 : f32 to vector<512x9xf32>
    %mul3A_63 = arith.mulf %min3A_60, %mul3A_62 : vector<512x9xf32>
    %add3A_64 = arith.addf %mul3A_63, %min3A_54 : vector<512x9xf32>
    %convert_element_type3A_65 = arith.fptosi %add3A_64 : vector<512x9xf32> to vector<512x9xi32>
    %mul3A_66 = arith.constant 0.13333334 : f32
    %mul3A_67 = vector.broadcast %mul3A_66 : f32 to vector<512x9xf32>
    %mul3A_68 = arith.mulf %min3A_54, %mul3A_67 : vector<512x9xf32>
    %sub3A_69 = arith.constant 1.000000e+00 : f32
    %sub3A_70 = vector.broadcast %sub3A_69 : f32 to vector<512x9xf32>
    %sub3A_71 = arith.subf %mul3A_68, %sub3A_70 : vector<512x9xf32>
    %mul3A_72 = arith.constant 0.13333334 : f32
    %mul3A_73 = vector.broadcast %mul3A_72 : f32 to vector<512x9xf32>
    %mul3A_74 = arith.mulf %min3A_60, %mul3A_73 : vector<512x9xf32>
    %sub3A_75 = arith.constant 1.000000e+00 : f32
    %sub3A_76 = vector.broadcast %sub3A_75 : f32 to vector<512x9xf32>
    %sub3A_77 = arith.subf %mul3A_74, %sub3A_76 : vector<512x9xf32>
    %sub3A_78 = vector.broadcast %slice3A : vector<512x1xf32> to vector<512x9xf32>
    %sub3A_79 = arith.subf %sub3A_78, %sub3A_71 : vector<512x9xf32>
    %integer_pow3A = arith.mulf %sub3A_79, %sub3A_79 : vector<512x9xf32>
    %sub3A_80 = vector.broadcast %slice3A_2 : vector<512x1xf32> to vector<512x9xf32>
    %sub3A_81 = arith.subf %sub3A_80, %sub3A_77 : vector<512x9xf32>
    %integer_pow3A_82 = arith.mulf %sub3A_81, %sub3A_81 : vector<512x9xf32>
    %add3A_83 = arith.addf %integer_pow3A, %integer_pow3A_82 : vector<512x9xf32>
    %le3A_84 = arith.constant 2.102500e-02 : f32
    %le3A_85 = vector.broadcast %le3A_84 : f32 to vector<512x9xf32>
    %le3A_86 = arith.cmpf ole, %add3A_83, %le3A_85 : vector<512x9xf32>
    %convert_element_type3A_87 = arith.extui %le3A_86 : vector<512x9xi1> to vector<512x9xi32>
    %convert_element_type3A_88 = arith.sitofp %convert_element_type3A_87 : vector<512x9xi32> to vector<512x9xf32>
    %mul3A_89 = arith.mulf %convert_element_type3A_51, %convert_element_type3A_88 : vector<512x9xf32>
    %broadcast_in_dim3A = vector.shape_cast %sub3A_71 : vector<512x9xf32> to vector<512x9x1xf32>
    %get3A_90 = arith.constant 0 : index
    %get3A_91 = arith.constant 0 : index
    %get3A_92 = vector.load %arg3[%get3A_90, %get3A_91] : memref<2x32xf32, #tpu.memory_space<vmem>>, vector<1x32xf32>
    %broadcast_in_dim3A_93 = vector.shape_cast %get3A_92 : vector<1x32xf32> to vector<1x1x32xf32>
    %mul3A_94 = vector.broadcast %broadcast_in_dim3A : vector<512x9x1xf32> to vector<512x9x32xf32>
    %mul3A_95 = vector.broadcast %broadcast_in_dim3A_93 : vector<1x1x32xf32> to vector<512x9x32xf32>
    %mul3A_96 = arith.mulf %mul3A_94, %mul3A_95 : vector<512x9x32xf32>
    %broadcast_in_dim3A_97 = vector.shape_cast %sub3A_77 : vector<512x9xf32> to vector<512x9x1xf32>
    %get3A_98 = arith.constant 1 : index
    %get3A_99 = arith.constant 0 : index
    %get3A_100 = vector.load %arg3[%get3A_98, %get3A_99] : memref<2x32xf32, #tpu.memory_space<vmem>>, vector<1x32xf32>
    %broadcast_in_dim3A_101 = vector.shape_cast %get3A_100 : vector<1x32xf32> to vector<1x1x32xf32>
    %mul3A_102 = vector.broadcast %broadcast_in_dim3A_97 : vector<512x9x1xf32> to vector<512x9x32xf32>
    %mul3A_103 = vector.broadcast %broadcast_in_dim3A_101 : vector<1x1x32xf32> to vector<512x9x32xf32>
    %mul3A_104 = arith.mulf %mul3A_102, %mul3A_103 : vector<512x9x32xf32>
    %add3A_105 = arith.addf %mul3A_96, %mul3A_104 : vector<512x9x32xf32>
    %get3A_106 = arith.constant 0 : index
    %get3A_107 = arith.constant 0 : index
    %get3A_108 = vector.load %arg1[%get3A_106, %get3A_107] : memref<512x32xf32, #tpu.memory_space<vmem>>, vector<512x32xf32>
    %broadcast_in_dim3A_109 = vector.shape_cast %get3A_108 : vector<512x32xf32> to vector<512x1x32xf32>
    %sub3A_110 = vector.broadcast %broadcast_in_dim3A_109 : vector<512x1x32xf32> to vector<512x9x32xf32>
    %sub3A_111 = arith.subf %sub3A_110, %add3A_105 : vector<512x9x32xf32>
    %integer_pow3A_112 = arith.mulf %sub3A_111, %sub3A_111 : vector<512x9x32xf32>
    %integer_pow3A_113 = arith.mulf %sub3A_111, %integer_pow3A_112 : vector<512x9x32xf32>
    %mul3A_114 = arith.constant 4.471500e-02 : f32
    %mul3A_115 = vector.broadcast %mul3A_114 : f32 to vector<512x9x32xf32>
    %mul3A_116 = arith.mulf %mul3A_115, %integer_pow3A_113 : vector<512x9x32xf32>
    %add3A_117 = arith.addf %sub3A_111, %mul3A_116 : vector<512x9x32xf32>
    %mul3A_118 = arith.constant 0.797884583 : f32
    %mul3A_119 = vector.broadcast %mul3A_118 : f32 to vector<512x9x32xf32>
    %mul3A_120 = arith.mulf %mul3A_119, %add3A_117 : vector<512x9x32xf32>
    %tanh3A = math.tanh %mul3A_120 : vector<512x9x32xf32>
    %add3A_121 = arith.constant 1.000000e+00 : f32
    %add3A_122 = vector.broadcast %add3A_121 : f32 to vector<512x9x32xf32>
    %add3A_123 = arith.addf %add3A_122, %tanh3A : vector<512x9x32xf32>
    %mul3A_124 = arith.constant 5.000000e-01 : f32
    %mul3A_125 = vector.broadcast %mul3A_124 : f32 to vector<512x9x32xf32>
    %mul3A_126 = arith.mulf %mul3A_125, %add3A_123 : vector<512x9x32xf32>
    %mul3A_127 = arith.mulf %sub3A_111, %mul3A_126 : vector<512x9x32xf32>
    %reshape3A = vector.shape_cast %mul3A_127 : vector<512x9x32xf32> to vector<4608x32xf32>
    %get3A_128 = arith.constant 0 : index
    %get3A_129 = arith.constant 0 : index
    %get3A_130 = vector.load %arg4[%get3A_128, %get3A_129] : memref<32x64xf32, #tpu.memory_space<vmem>>, vector<32x64xf32>
    %dot_general3A = arith.constant dense<0.000000e+00> : vector<4608x64xf32>
    %dot_general3A_131 = tpu.matmul %reshape3A, %get3A_130, %dot_general3A {dimension_numbers = #tpu.dot_dimension_numbers<[1], [0], [0], [1], [0, 0, 1, 1], [], []>, precision = #tpu.contract_precision<fp32>, transpose_lhs_hint = false} : vector<4608x32xf32>, vector<32x64xf32>, vector<4608x64xf32> -> vector<4608x64xf32>
    %get3A_132 = arith.constant 0 : index
    %get3A_133 = arith.constant 0 : index
    %get3A_134 = vector.load %arg5[%get3A_132, %get3A_133] : memref<1x64xf32, #tpu.memory_space<vmem>>, vector<1x64xf32>
    %add3A_135 = vector.broadcast %get3A_134 : vector<1x64xf32> to vector<4608x64xf32>
    %add3A_136 = arith.addf %dot_general3A_131, %add3A_135 : vector<4608x64xf32>
    %integer_pow3A_137 = arith.mulf %add3A_136, %add3A_136 : vector<4608x64xf32>
    %integer_pow3A_138 = arith.mulf %add3A_136, %integer_pow3A_137 : vector<4608x64xf32>
    %mul3A_139 = arith.constant 4.471500e-02 : f32
    %mul3A_140 = vector.broadcast %mul3A_139 : f32 to vector<4608x64xf32>
    %mul3A_141 = arith.mulf %mul3A_140, %integer_pow3A_138 : vector<4608x64xf32>
    %add3A_142 = arith.addf %add3A_136, %mul3A_141 : vector<4608x64xf32>
    %mul3A_143 = arith.constant 0.797884583 : f32
    %mul3A_144 = vector.broadcast %mul3A_143 : f32 to vector<4608x64xf32>
    %mul3A_145 = arith.mulf %mul3A_144, %add3A_142 : vector<4608x64xf32>
    %tanh3A_146 = math.tanh %mul3A_145 : vector<4608x64xf32>
    %add3A_147 = arith.constant 1.000000e+00 : f32
    %add3A_148 = vector.broadcast %add3A_147 : f32 to vector<4608x64xf32>
    %add3A_149 = arith.addf %add3A_148, %tanh3A_146 : vector<4608x64xf32>
    %mul3A_150 = arith.constant 5.000000e-01 : f32
    %mul3A_151 = vector.broadcast %mul3A_150 : f32 to vector<4608x64xf32>
    %mul3A_152 = arith.mulf %mul3A_151, %add3A_149 : vector<4608x64xf32>
    %mul3A_153 = arith.mulf %add3A_136, %mul3A_152 : vector<4608x64xf32>
    %get3A_154 = arith.constant 0 : index
    %get3A_155 = arith.constant 0 : index
    %get3A_156 = vector.load %arg6[%get3A_154, %get3A_155] : memref<64x8xf32, #tpu.memory_space<vmem>>, vector<64x8xf32>
    %dot_general3A_157 = arith.constant dense<0.000000e+00> : vector<4608x8xf32>
    %dot_general3A_158 = tpu.matmul %mul3A_153, %get3A_156, %dot_general3A_157 {dimension_numbers = #tpu.dot_dimension_numbers<[1], [0], [0], [1], [0, 0, 1, 1], [], []>, precision = #tpu.contract_precision<fp32>, transpose_lhs_hint = false} : vector<4608x64xf32>, vector<64x8xf32>, vector<4608x8xf32> -> vector<4608x8xf32>
    %get3A_159 = arith.constant 0 : index
    %get3A_160 = arith.constant 0 : index
    %get3A_161 = vector.load %arg7[%get3A_159, %get3A_160] : memref<1x8xf32, #tpu.memory_space<vmem>>, vector<1x8xf32>
    %add3A_162 = vector.broadcast %get3A_161 : vector<1x8xf32> to vector<4608x8xf32>
    %add3A_163 = arith.addf %dot_general3A_158, %add3A_162 : vector<4608x8xf32>
    %reshape3A_164 = vector.shape_cast %add3A_163 : vector<4608x8xf32> to vector<512x9x8xf32>
    %broadcast_in_dim3A_165 = vector.shape_cast %mul3A_89 : vector<512x9xf32> to vector<512x9x1xf32>
    %mul3A_166 = vector.broadcast %broadcast_in_dim3A_165 : vector<512x9x1xf32> to vector<512x9x8xf32>
    %mul3A_167 = arith.mulf %reshape3A_164, %mul3A_166 : vector<512x9x8xf32>
    %broadcast_in_dim3A_168 = vector.shape_cast %mul3A_89 : vector<512x9xf32> to vector<512x9x1xf32>
    %broadcast_in_dim3A_169 = arith.constant 0.000000e+00 : f32
    %broadcast_in_dim3A_170 = vector.broadcast %broadcast_in_dim3A_169 : f32 to vector<512x9x7xf32>
    %concatenate3A = tpu.concatenate %mul3A_167, %broadcast_in_dim3A_168, %broadcast_in_dim3A_170 in 2 : vector<512x9x8xf32>, vector<512x9x1xf32>, vector<512x9x7xf32> -> vector<512x9x16xf32>
    %reshape3A_171 = vector.shape_cast %concatenate3A : vector<512x9x16xf32> to vector<4608x16xf32>
    %iota3A_172 = tpu.iota {dimensions = array<i32: 2>} : vector<512x9x256xi32>
    %broadcast_in_dim3A_173 = vector.shape_cast %convert_element_type3A_65 : vector<512x9xi32> to vector<512x9x1xi32>
    %eq3A = vector.broadcast %broadcast_in_dim3A_173 : vector<512x9x1xi32> to vector<512x9x256xi32>
    %eq3A_174 = arith.cmpi eq, %iota3A_172, %eq3A : vector<512x9x256xi32>
    %convert_element_type3A_175 = arith.extui %eq3A_174 : vector<512x9x256xi1> to vector<512x9x256xi32>
    %convert_element_type3A_176 = arith.sitofp %convert_element_type3A_175 : vector<512x9x256xi32> to vector<512x9x256xf32>
    %reshape3A_177 = vector.shape_cast %convert_element_type3A_176 : vector<512x9x256xf32> to vector<4608x256xf32>
    %dot_general3A_178 = arith.constant dense<0.000000e+00> : vector<256x16xf32>
    %dot_general3A_179 = tpu.matmul %reshape3A_177, %reshape3A_171, %dot_general3A_178 {dimension_numbers = #tpu.dot_dimension_numbers<[0], [0], [1], [1], [0, 1, 1, 1], [], []>, precision = #tpu.contract_precision<fp32>, transpose_lhs_hint = false} : vector<4608x256xf32>, vector<4608x16xf32>, vector<256x16xf32> -> vector<256x16xf32>
    %eq3A_180 = arith.constant 0 : i32
    %eq3A_181 = arith.cmpi eq, %arg0, %eq3A_180 : i32
    %convert_element_type3A_182 = arith.extui %eq3A_181 : i1 to i32
    %cond3A = arith.constant 0 : i32
    %cond3A_183 = arith.cmpi ne, %convert_element_type3A_182, %cond3A : i32
    scf.if %cond3A_183 {
      %broadcast_in_dim3A_190 = arith.constant 0.000000e+00 : f32
      %broadcast_in_dim3A_191 = vector.broadcast %broadcast_in_dim3A_190 : f32 to vector<256x16xf32>
      %swap3A_192 = arith.constant 0 : index
      %swap3A_193 = arith.constant 0 : index
      %swap3A_194 = vector.load %arg8[%swap3A_192, %swap3A_193] : memref<256x16xf32, #tpu.memory_space<vmem>>, vector<256x16xf32>
      tpu.vector_store %arg8[%swap3A_192, %swap3A_193], %broadcast_in_dim3A_191 {strides = array<i32>} : memref<256x16xf32, #tpu.memory_space<vmem>>, vector<256x16xf32>,
    } else {
    }
    %get3A_184 = arith.constant 0 : index
    %get3A_185 = arith.constant 0 : index
    %get3A_186 = vector.load %arg8[%get3A_184, %get3A_185] : memref<256x16xf32, #tpu.memory_space<vmem>>, vector<256x16xf32>
    %add3A_187 = arith.addf %get3A_186, %dot_general3A_179 : vector<256x16xf32>
    %swap3A = arith.constant 0 : index
    %swap3A_188 = arith.constant 0 : index
    %swap3A_189 = vector.load %arg8[%swap3A, %swap3A_188] : memref<256x16xf32, #tpu.memory_space<vmem>>, vector<256x16xf32>
    tpu.vector_store %arg8[%swap3A, %swap3A_188], %add3A_187 {strides = array<i32>} : memref<256x16xf32, #tpu.memory_space<vmem>>, vector<256x16xf32>,
    return
  }
  func.func @transform_0(%arg0: i32) -> (i32, i32) {
    %c0_i32 = arith.constant 0 : i32
    %c0_i32_0 = arith.constant 0 : i32
    return %arg0, %c0_i32 : i32, i32
  }
  func.func @transform_1(%arg0: i32) -> (i32, i32) {
    %c0_i32 = arith.constant 0 : i32
    %c0_i32_0 = arith.constant 0 : i32
    return %arg0, %c0_i32 : i32, i32
  }
  func.func @transform_2(%arg0: i32) -> (i32, i32) {
    %c0_i32 = arith.constant 0 : i32
    %c0_i32_0 = arith.constant 0 : i32
    %c0_i32_1 = arith.constant 0 : i32
    return %c0_i32, %c0_i32_0 : i32, i32
  }
  func.func @transform_3(%arg0: i32) -> (i32, i32) {
    %c0_i32 = arith.constant 0 : i32
    %c0_i32_0 = arith.constant 0 : i32
    %c0_i32_1 = arith.constant 0 : i32
    return %c0_i32, %c0_i32_0 : i32, i32
  }
  func.func @transform_4(%arg0: i32) -> (i32, i32) {
    %c0_i32 = arith.constant 0 : i32
    %c0_i32_0 = arith.constant 0 : i32
    %c0_i32_1 = arith.constant 0 : i32
    return %c0_i32, %c0_i32_0 : i32, i32
  }
  func.func @transform_5(%arg0: i32) -> (i32, i32) {
    %c0_i32 = arith.constant 0 : i32
    %c0_i32_0 = arith.constant 0 : i32
    %c0_i32_1 = arith.constant 0 : i32
    return %c0_i32, %c0_i32_0 : i32, i32
  }
  func.func @transform_6(%arg0: i32) -> (i32, i32) {
    %c0_i32 = arith.constant 0 : i32
    %c0_i32_0 = arith.constant 0 : i32
    %c0_i32_1 = arith.constant 0 : i32
    return %c0_i32, %c0_i32_0 : i32, i32
  }
  func.func @transform_7(%arg0: i32) -> (i32, i32) {
    %c0_i32 = arith.constant 0 : i32
    %c0_i32_0 = arith.constant 0 : i32
    %c0_i32_1 = arith.constant 0 : i32
    return %c0_i32, %c0_i32_0 : i32, i32
  }
}

module attributes {stable_mosaic.version = 14 : i64} {
  func.func @_fno_body(%arg0: i32, %arg1: memref<16x256xf32, #tpu.memory_space<vmem>>, %arg2: memref<256x144xf32, #tpu.memory_space<vmem>>, %arg3: memref<256x144xf32, #tpu.memory_space<vmem>>, %arg4: memref<144x256xf32, #tpu.memory_space<vmem>>, %arg5: memref<144x256xf32, #tpu.memory_space<vmem>>, %arg6: memref<32x3xf32, #tpu.memory_space<vmem>>, %arg7: memref<32x1xf32, #tpu.memory_space<vmem>>, %arg8: memref<32x32xf32, #tpu.memory_space<vmem>>, %arg9: memref<32x1xf32, #tpu.memory_space<vmem>>, %arg10: memref<32x32xf32, #tpu.memory_space<vmem>>, %arg11: memref<32x1xf32, #tpu.memory_space<vmem>>, %arg12: memref<16x32xf32, #tpu.memory_space<vmem>>, %arg13: memref<16x1xf32, #tpu.memory_space<vmem>>, %arg14: memref<32x16xf32, #tpu.memory_space<vmem>>, %arg15: memref<32x1xf32, #tpu.memory_space<vmem>>, %arg16: memref<32x32x144xf32, #tpu.memory_space<vmem>>, %arg17: memref<32x32x144xf32, #tpu.memory_space<vmem>>, %arg18: memref<32x32xf32, #tpu.memory_space<vmem>>, %arg19: memref<32x1xf32, #tpu.memory_space<vmem>>, %arg20: memref<16x32xf32, #tpu.memory_space<vmem>>, %arg21: memref<16x1xf32, #tpu.memory_space<vmem>>, %arg22: memref<32x16xf32, #tpu.memory_space<vmem>>, %arg23: memref<32x1xf32, #tpu.memory_space<vmem>>, %arg24: memref<32x32x144xf32, #tpu.memory_space<vmem>>, %arg25: memref<32x32x144xf32, #tpu.memory_space<vmem>>, %arg26: memref<32x32xf32, #tpu.memory_space<vmem>>, %arg27: memref<32x1xf32, #tpu.memory_space<vmem>>, %arg28: memref<128x32xf32, #tpu.memory_space<vmem>>, %arg29: memref<128x1xf32, #tpu.memory_space<vmem>>, %arg30: memref<128x256xf32, #tpu.memory_space<vmem>>) attributes {dimension_semantics = [#tpu.dimension_semantics<arbitrary>], iteration_bounds = array<i64: 1>, scalar_prefetch = 0 : i64, scratch_operands = 0 : i64, tpu.core_type = #tpu.core_type<tc>, window_params = [{pipeline_mode = #tpu.pipeline_mode<synchronous>, transform_indices = @transform_0, window_bounds = array<i64: 16, 256>}, {pipeline_mode = #tpu.pipeline_mode<synchronous>, transform_indices = @transform_1, window_bounds = array<i64: 256, 144>}, {pipeline_mode = #tpu.pipeline_mode<synchronous>, transform_indices = @transform_2, window_bounds = array<i64: 256, 144>}, {pipeline_mode = #tpu.pipeline_mode<synchronous>, transform_indices = @transform_3, window_bounds = array<i64: 144, 256>}, {pipeline_mode = #tpu.pipeline_mode<synchronous>, transform_indices = @transform_4, window_bounds = array<i64: 144, 256>}, {pipeline_mode = #tpu.pipeline_mode<synchronous>, transform_indices = @transform_5, window_bounds = array<i64: 32, 3>}, {pipeline_mode = #tpu.pipeline_mode<synchronous>, transform_indices = @transform_6, window_bounds = array<i64: 32, 1>}, {pipeline_mode = #tpu.pipeline_mode<synchronous>, transform_indices = @transform_7, window_bounds = array<i64: 32, 32>}, {pipeline_mode = #tpu.pipeline_mode<synchronous>, transform_indices = @transform_8, window_bounds = array<i64: 32, 1>}, {pipeline_mode = #tpu.pipeline_mode<synchronous>, transform_indices = @transform_9, window_bounds = array<i64: 32, 32>}, {pipeline_mode = #tpu.pipeline_mode<synchronous>, transform_indices = @transform_10, window_bounds = array<i64: 32, 1>}, {pipeline_mode = #tpu.pipeline_mode<synchronous>, transform_indices = @transform_11, window_bounds = array<i64: 16, 32>}, {pipeline_mode = #tpu.pipeline_mode<synchronous>, transform_indices = @transform_12, window_bounds = array<i64: 16, 1>}, {pipeline_mode = #tpu.pipeline_mode<synchronous>, transform_indices = @transform_13, window_bounds = array<i64: 32, 16>}, {pipeline_mode = #tpu.pipeline_mode<synchronous>, transform_indices = @transform_14, window_bounds = array<i64: 32, 1>}, {pipeline_mode = #tpu.pipeline_mode<synchronous>, transform_indices = @transform_15, window_bounds = array<i64: 32, 32, 144>}, {pipeline_mode = #tpu.pipeline_mode<synchronous>, transform_indices = @transform_16, window_bounds = array<i64: 32, 32, 144>}, {pipeline_mode = #tpu.pipeline_mode<synchronous>, transform_indices = @transform_17, window_bounds = array<i64: 32, 32>}, {pipeline_mode = #tpu.pipeline_mode<synchronous>, transform_indices = @transform_18, window_bounds = array<i64: 32, 1>}, {pipeline_mode = #tpu.pipeline_mode<synchronous>, transform_indices = @transform_19, window_bounds = array<i64: 16, 32>}, {pipeline_mode = #tpu.pipeline_mode<synchronous>, transform_indices = @transform_20, window_bounds = array<i64: 16, 1>}, {pipeline_mode = #tpu.pipeline_mode<synchronous>, transform_indices = @transform_21, window_bounds = array<i64: 32, 16>}, {pipeline_mode = #tpu.pipeline_mode<synchronous>, transform_indices = @transform_22, window_bounds = array<i64: 32, 1>}, {pipeline_mode = #tpu.pipeline_mode<synchronous>, transform_indices = @transform_23, window_bounds = array<i64: 32, 32, 144>}, {pipeline_mode = #tpu.pipeline_mode<synchronous>, transform_indices = @transform_24, window_bounds = array<i64: 32, 32, 144>}, {pipeline_mode = #tpu.pipeline_mode<synchronous>, transform_indices = @transform_25, window_bounds = array<i64: 32, 32>}, {pipeline_mode = #tpu.pipeline_mode<synchronous>, transform_indices = @transform_26, window_bounds = array<i64: 32, 1>}, {pipeline_mode = #tpu.pipeline_mode<synchronous>, transform_indices = @transform_27, window_bounds = array<i64: 128, 32>}, {pipeline_mode = #tpu.pipeline_mode<synchronous>, transform_indices = @transform_28, window_bounds = array<i64: 128, 1>}, {pipeline_mode = #tpu.pipeline_mode<synchronous>, transform_indices = @transform_29, window_bounds = array<i64: 128, 256>}]} {
    %get3A = arith.constant 0 : index
    %get3A_0 = arith.constant 0 : index
    %get3A_1 = vector.load %arg1[%get3A, %get3A_0] : memref<16x256xf32, #tpu.memory_space<vmem>>, vector<16x256xf32>
    %slice3A = vector.extract_strided_slice %get3A_1 {offsets = [0, 0], sizes = [3, 256], strides = [1, 1]} : vector<16x256xf32> to vector<3x256xf32>
    %slice3A_2 = vector.extract_strided_slice %get3A_1 {offsets = [3, 0], sizes = [1, 256], strides = [1, 1]} : vector<16x256xf32> to vector<1x256xf32>
    %max3A = arith.constant 1.000000e+00 : f32
    %max3A_3 = vector.broadcast %max3A : f32 to vector<1x256xf32>
    %max3A_4 = arith.maximumf %slice3A_2, %max3A_3 : vector<1x256xf32>
    %div3A = vector.broadcast %max3A_4 : vector<1x256xf32> to vector<3x256xf32>
    %div3A_5 = arith.divf %slice3A, %div3A : vector<3x256xf32>
    %get3A_6 = arith.constant 0 : index
    %get3A_7 = arith.constant 0 : index
    %get3A_8 = vector.load %arg6[%get3A_6, %get3A_7] : memref<32x3xf32, #tpu.memory_space<vmem>>, vector<32x3xf32>
    %dot_general3A = arith.constant dense<0.000000e+00> : vector<32x256xf32>
    %dot_general3A_9 = tpu.matmul %get3A_8, %div3A_5, %dot_general3A {dimension_numbers = #tpu.dot_dimension_numbers<[1], [0], [0], [1], [0, 0, 1, 1], [], []>, precision = #tpu.contract_precision<fp32>, transpose_lhs_hint = false} : vector<32x3xf32>, vector<3x256xf32>, vector<32x256xf32> -> vector<32x256xf32>
    %get3A_10 = arith.constant 0 : index
    %get3A_11 = arith.constant 0 : index
    %get3A_12 = vector.load %arg7[%get3A_10, %get3A_11] : memref<32x1xf32, #tpu.memory_space<vmem>>, vector<32x1xf32>
    %add3A = vector.broadcast %get3A_12 : vector<32x1xf32> to vector<32x256xf32>
    %add3A_13 = arith.addf %dot_general3A_9, %add3A : vector<32x256xf32>
    %integer_pow3A = arith.mulf %add3A_13, %add3A_13 : vector<32x256xf32>
    %integer_pow3A_14 = arith.mulf %add3A_13, %integer_pow3A : vector<32x256xf32>
    %mul3A = arith.constant 4.471500e-02 : f32
    %mul3A_15 = vector.broadcast %mul3A : f32 to vector<32x256xf32>
    %mul3A_16 = arith.mulf %mul3A_15, %integer_pow3A_14 : vector<32x256xf32>
    %add3A_17 = arith.addf %add3A_13, %mul3A_16 : vector<32x256xf32>
    %mul3A_18 = arith.constant 0.797884583 : f32
    %mul3A_19 = vector.broadcast %mul3A_18 : f32 to vector<32x256xf32>
    %mul3A_20 = arith.mulf %mul3A_19, %add3A_17 : vector<32x256xf32>
    %tanh3A = math.tanh %mul3A_20 : vector<32x256xf32>
    %add3A_21 = arith.constant 1.000000e+00 : f32
    %add3A_22 = vector.broadcast %add3A_21 : f32 to vector<32x256xf32>
    %add3A_23 = arith.addf %add3A_22, %tanh3A : vector<32x256xf32>
    %mul3A_24 = arith.constant 5.000000e-01 : f32
    %mul3A_25 = vector.broadcast %mul3A_24 : f32 to vector<32x256xf32>
    %mul3A_26 = arith.mulf %mul3A_25, %add3A_23 : vector<32x256xf32>
    %mul3A_27 = arith.mulf %add3A_13, %mul3A_26 : vector<32x256xf32>
    %get3A_28 = arith.constant 0 : index
    %get3A_29 = arith.constant 0 : index
    %get3A_30 = vector.load %arg8[%get3A_28, %get3A_29] : memref<32x32xf32, #tpu.memory_space<vmem>>, vector<32x32xf32>
    %dot_general3A_31 = arith.constant dense<0.000000e+00> : vector<32x256xf32>
    %dot_general3A_32 = tpu.matmul %get3A_30, %mul3A_27, %dot_general3A_31 {dimension_numbers = #tpu.dot_dimension_numbers<[1], [0], [0], [1], [0, 0, 1, 1], [], []>, precision = #tpu.contract_precision<fp32>, transpose_lhs_hint = false} : vector<32x32xf32>, vector<32x256xf32>, vector<32x256xf32> -> vector<32x256xf32>
    %get3A_33 = arith.constant 0 : index
    %get3A_34 = arith.constant 0 : index
    %get3A_35 = vector.load %arg9[%get3A_33, %get3A_34] : memref<32x1xf32, #tpu.memory_space<vmem>>, vector<32x1xf32>
    %add3A_36 = vector.broadcast %get3A_35 : vector<32x1xf32> to vector<32x256xf32>
    %add3A_37 = arith.addf %dot_general3A_32, %add3A_36 : vector<32x256xf32>
    %integer_pow3A_38 = arith.mulf %add3A_37, %add3A_37 : vector<32x256xf32>
    %integer_pow3A_39 = arith.mulf %add3A_37, %integer_pow3A_38 : vector<32x256xf32>
    %mul3A_40 = arith.constant 4.471500e-02 : f32
    %mul3A_41 = vector.broadcast %mul3A_40 : f32 to vector<32x256xf32>
    %mul3A_42 = arith.mulf %mul3A_41, %integer_pow3A_39 : vector<32x256xf32>
    %add3A_43 = arith.addf %add3A_37, %mul3A_42 : vector<32x256xf32>
    %mul3A_44 = arith.constant 0.797884583 : f32
    %mul3A_45 = vector.broadcast %mul3A_44 : f32 to vector<32x256xf32>
    %mul3A_46 = arith.mulf %mul3A_45, %add3A_43 : vector<32x256xf32>
    %tanh3A_47 = math.tanh %mul3A_46 : vector<32x256xf32>
    %add3A_48 = arith.constant 1.000000e+00 : f32
    %add3A_49 = vector.broadcast %add3A_48 : f32 to vector<32x256xf32>
    %add3A_50 = arith.addf %add3A_49, %tanh3A_47 : vector<32x256xf32>
    %mul3A_51 = arith.constant 5.000000e-01 : f32
    %mul3A_52 = vector.broadcast %mul3A_51 : f32 to vector<32x256xf32>
    %mul3A_53 = arith.mulf %mul3A_52, %add3A_50 : vector<32x256xf32>
    %mul3A_54 = arith.mulf %add3A_37, %mul3A_53 : vector<32x256xf32>
    %tanh3A_55 = math.tanh %mul3A_54 : vector<32x256xf32>
    %get3A_56 = arith.constant 0 : index
    %get3A_57 = arith.constant 0 : index
    %get3A_58 = vector.load %arg2[%get3A_56, %get3A_57] : memref<256x144xf32, #tpu.memory_space<vmem>>, vector<256x144xf32>
    %dot_general3A_59 = arith.constant dense<0.000000e+00> : vector<32x144xf32>
    %dot_general3A_60 = tpu.matmul %tanh3A_55, %get3A_58, %dot_general3A_59 {dimension_numbers = #tpu.dot_dimension_numbers<[1], [0], [0], [1], [0, 0, 1, 1], [], []>, precision = #tpu.contract_precision<fp32>, transpose_lhs_hint = false} : vector<32x256xf32>, vector<256x144xf32>, vector<32x144xf32> -> vector<32x144xf32>
    %get3A_61 = arith.constant 0 : index
    %get3A_62 = arith.constant 0 : index
    %get3A_63 = vector.load %arg3[%get3A_61, %get3A_62] : memref<256x144xf32, #tpu.memory_space<vmem>>, vector<256x144xf32>
    %dot_general3A_64 = arith.constant dense<0.000000e+00> : vector<32x144xf32>
    %dot_general3A_65 = tpu.matmul %tanh3A_55, %get3A_63, %dot_general3A_64 {dimension_numbers = #tpu.dot_dimension_numbers<[1], [0], [0], [1], [0, 0, 1, 1], [], []>, precision = #tpu.contract_precision<fp32>, transpose_lhs_hint = false} : vector<32x256xf32>, vector<256x144xf32>, vector<32x144xf32> -> vector<32x144xf32>
    %get3A_66 = arith.constant 0 : index
    %get3A_67 = arith.constant 0 : index
    %get3A_68 = arith.constant 0 : index
    %get3A_69 = vector.load %arg16[%get3A_66, %get3A_67, %get3A_68] : memref<32x32x144xf32, #tpu.memory_space<vmem>>, vector<32x32x144xf32>
    %get3A_70 = arith.constant 0 : index
    %get3A_71 = arith.constant 0 : index
    %get3A_72 = arith.constant 0 : index
    %get3A_73 = vector.load %arg17[%get3A_70, %get3A_71, %get3A_72] : memref<32x32x144xf32, #tpu.memory_space<vmem>>, vector<32x32x144xf32>
    %broadcast_in_dim3A = vector.shape_cast %dot_general3A_60 : vector<32x144xf32> to vector<32x1x144xf32>
    %mul3A_74 = vector.broadcast %broadcast_in_dim3A : vector<32x1x144xf32> to vector<32x32x144xf32>
    %mul3A_75 = arith.mulf %mul3A_74, %get3A_69 : vector<32x32x144xf32>
    %broadcast_in_dim3A_76 = vector.shape_cast %dot_general3A_65 : vector<32x144xf32> to vector<32x1x144xf32>
    %mul3A_77 = vector.broadcast %broadcast_in_dim3A_76 : vector<32x1x144xf32> to vector<32x32x144xf32>
    %mul3A_78 = arith.mulf %mul3A_77, %get3A_73 : vector<32x32x144xf32>
    %sub3A = arith.subf %mul3A_75, %mul3A_78 : vector<32x32x144xf32>
    %reduce_sum3A = arith.constant dense<0.000000e+00> : vector<32x144xf32>
    %reduce_sum3A_79 = vector.multi_reduction <add>, %sub3A, %reduce_sum3A [0] : vector<32x32x144xf32> to vector<32x144xf32>
    %broadcast_in_dim3A_80 = vector.shape_cast %dot_general3A_60 : vector<32x144xf32> to vector<32x1x144xf32>
    %mul3A_81 = vector.broadcast %broadcast_in_dim3A_80 : vector<32x1x144xf32> to vector<32x32x144xf32>
    %mul3A_82 = arith.mulf %mul3A_81, %get3A_73 : vector<32x32x144xf32>
    %broadcast_in_dim3A_83 = vector.shape_cast %dot_general3A_65 : vector<32x144xf32> to vector<32x1x144xf32>
    %mul3A_84 = vector.broadcast %broadcast_in_dim3A_83 : vector<32x1x144xf32> to vector<32x32x144xf32>
    %mul3A_85 = arith.mulf %mul3A_84, %get3A_69 : vector<32x32x144xf32>
    %add3A_86 = arith.addf %mul3A_82, %mul3A_85 : vector<32x32x144xf32>
    %reduce_sum3A_87 = arith.constant dense<0.000000e+00> : vector<32x144xf32>
    %reduce_sum3A_88 = vector.multi_reduction <add>, %add3A_86, %reduce_sum3A_87 [0] : vector<32x32x144xf32> to vector<32x144xf32>
    %get3A_89 = arith.constant 0 : index
    %get3A_90 = arith.constant 0 : index
    %get3A_91 = vector.load %arg4[%get3A_89, %get3A_90] : memref<144x256xf32, #tpu.memory_space<vmem>>, vector<144x256xf32>
    %dot_general3A_92 = arith.constant dense<0.000000e+00> : vector<32x256xf32>
    %dot_general3A_93 = tpu.matmul %reduce_sum3A_79, %get3A_91, %dot_general3A_92 {dimension_numbers = #tpu.dot_dimension_numbers<[1], [0], [0], [1], [0, 0, 1, 1], [], []>, precision = #tpu.contract_precision<fp32>, transpose_lhs_hint = false} : vector<32x144xf32>, vector<144x256xf32>, vector<32x256xf32> -> vector<32x256xf32>
    %get3A_94 = arith.constant 0 : index
    %get3A_95 = arith.constant 0 : index
    %get3A_96 = vector.load %arg5[%get3A_94, %get3A_95] : memref<144x256xf32, #tpu.memory_space<vmem>>, vector<144x256xf32>
    %dot_general3A_97 = arith.constant dense<0.000000e+00> : vector<32x256xf32>
    %dot_general3A_98 = tpu.matmul %reduce_sum3A_88, %get3A_96, %dot_general3A_97 {dimension_numbers = #tpu.dot_dimension_numbers<[1], [0], [0], [1], [0, 0, 1, 1], [], []>, precision = #tpu.contract_precision<fp32>, transpose_lhs_hint = false} : vector<32x144xf32>, vector<144x256xf32>, vector<32x256xf32> -> vector<32x256xf32>
    %add3A_99 = arith.addf %dot_general3A_93, %dot_general3A_98 : vector<32x256xf32>
    %get3A_100 = arith.constant 0 : index
    %get3A_101 = arith.constant 0 : index
    %get3A_102 = vector.load %arg10[%get3A_100, %get3A_101] : memref<32x32xf32, #tpu.memory_space<vmem>>, vector<32x32xf32>
    %dot_general3A_103 = arith.constant dense<0.000000e+00> : vector<32x256xf32>
    %dot_general3A_104 = tpu.matmul %get3A_102, %mul3A_54, %dot_general3A_103 {dimension_numbers = #tpu.dot_dimension_numbers<[1], [0], [0], [1], [0, 0, 1, 1], [], []>, precision = #tpu.contract_precision<fp32>, transpose_lhs_hint = false} : vector<32x32xf32>, vector<32x256xf32>, vector<32x256xf32> -> vector<32x256xf32>
    %add3A_105 = arith.addf %add3A_99, %dot_general3A_104 : vector<32x256xf32>
    %get3A_106 = arith.constant 0 : index
    %get3A_107 = arith.constant 0 : index
    %get3A_108 = vector.load %arg11[%get3A_106, %get3A_107] : memref<32x1xf32, #tpu.memory_space<vmem>>, vector<32x1xf32>
    %add3A_109 = vector.broadcast %get3A_108 : vector<32x1xf32> to vector<32x256xf32>
    %add3A_110 = arith.addf %add3A_105, %add3A_109 : vector<32x256xf32>
    %integer_pow3A_111 = arith.mulf %add3A_110, %add3A_110 : vector<32x256xf32>
    %integer_pow3A_112 = arith.mulf %add3A_110, %integer_pow3A_111 : vector<32x256xf32>
    %mul3A_113 = arith.constant 4.471500e-02 : f32
    %mul3A_114 = vector.broadcast %mul3A_113 : f32 to vector<32x256xf32>
    %mul3A_115 = arith.mulf %mul3A_114, %integer_pow3A_112 : vector<32x256xf32>
    %add3A_116 = arith.addf %add3A_110, %mul3A_115 : vector<32x256xf32>
    %mul3A_117 = arith.constant 0.797884583 : f32
    %mul3A_118 = vector.broadcast %mul3A_117 : f32 to vector<32x256xf32>
    %mul3A_119 = arith.mulf %mul3A_118, %add3A_116 : vector<32x256xf32>
    %tanh3A_120 = math.tanh %mul3A_119 : vector<32x256xf32>
    %add3A_121 = arith.constant 1.000000e+00 : f32
    %add3A_122 = vector.broadcast %add3A_121 : f32 to vector<32x256xf32>
    %add3A_123 = arith.addf %add3A_122, %tanh3A_120 : vector<32x256xf32>
    %mul3A_124 = arith.constant 5.000000e-01 : f32
    %mul3A_125 = vector.broadcast %mul3A_124 : f32 to vector<32x256xf32>
    %mul3A_126 = arith.mulf %mul3A_125, %add3A_123 : vector<32x256xf32>
    %mul3A_127 = arith.mulf %add3A_110, %mul3A_126 : vector<32x256xf32>
    %get3A_128 = arith.constant 0 : index
    %get3A_129 = arith.constant 0 : index
    %get3A_130 = vector.load %arg12[%get3A_128, %get3A_129] : memref<16x32xf32, #tpu.memory_space<vmem>>, vector<16x32xf32>
    %dot_general3A_131 = arith.constant dense<0.000000e+00> : vector<16x256xf32>
    %dot_general3A_132 = tpu.matmul %get3A_130, %mul3A_127, %dot_general3A_131 {dimension_numbers = #tpu.dot_dimension_numbers<[1], [0], [0], [1], [0, 0, 1, 1], [], []>, precision = #tpu.contract_precision<fp32>, transpose_lhs_hint = false} : vector<16x32xf32>, vector<32x256xf32>, vector<16x256xf32> -> vector<16x256xf32>
    %get3A_133 = arith.constant 0 : index
    %get3A_134 = arith.constant 0 : index
    %get3A_135 = vector.load %arg13[%get3A_133, %get3A_134] : memref<16x1xf32, #tpu.memory_space<vmem>>, vector<16x1xf32>
    %add3A_136 = vector.broadcast %get3A_135 : vector<16x1xf32> to vector<16x256xf32>
    %add3A_137 = arith.addf %dot_general3A_132, %add3A_136 : vector<16x256xf32>
    %integer_pow3A_138 = arith.mulf %add3A_137, %add3A_137 : vector<16x256xf32>
    %integer_pow3A_139 = arith.mulf %add3A_137, %integer_pow3A_138 : vector<16x256xf32>
    %mul3A_140 = arith.constant 4.471500e-02 : f32
    %mul3A_141 = vector.broadcast %mul3A_140 : f32 to vector<16x256xf32>
    %mul3A_142 = arith.mulf %mul3A_141, %integer_pow3A_139 : vector<16x256xf32>
    %add3A_143 = arith.addf %add3A_137, %mul3A_142 : vector<16x256xf32>
    %mul3A_144 = arith.constant 0.797884583 : f32
    %mul3A_145 = vector.broadcast %mul3A_144 : f32 to vector<16x256xf32>
    %mul3A_146 = arith.mulf %mul3A_145, %add3A_143 : vector<16x256xf32>
    %tanh3A_147 = math.tanh %mul3A_146 : vector<16x256xf32>
    %add3A_148 = arith.constant 1.000000e+00 : f32
    %add3A_149 = vector.broadcast %add3A_148 : f32 to vector<16x256xf32>
    %add3A_150 = arith.addf %add3A_149, %tanh3A_147 : vector<16x256xf32>
    %mul3A_151 = arith.constant 5.000000e-01 : f32
    %mul3A_152 = vector.broadcast %mul3A_151 : f32 to vector<16x256xf32>
    %mul3A_153 = arith.mulf %mul3A_152, %add3A_150 : vector<16x256xf32>
    %mul3A_154 = arith.mulf %add3A_137, %mul3A_153 : vector<16x256xf32>
    %get3A_155 = arith.constant 0 : index
    %get3A_156 = arith.constant 0 : index
    %get3A_157 = vector.load %arg14[%get3A_155, %get3A_156] : memref<32x16xf32, #tpu.memory_space<vmem>>, vector<32x16xf32>
    %dot_general3A_158 = arith.constant dense<0.000000e+00> : vector<32x256xf32>
    %dot_general3A_159 = tpu.matmul %get3A_157, %mul3A_154, %dot_general3A_158 {dimension_numbers = #tpu.dot_dimension_numbers<[1], [0], [0], [1], [0, 0, 1, 1], [], []>, precision = #tpu.contract_precision<fp32>, transpose_lhs_hint = false} : vector<32x16xf32>, vector<16x256xf32>, vector<32x256xf32> -> vector<32x256xf32>
    %get3A_160 = arith.constant 0 : index
    %get3A_161 = arith.constant 0 : index
    %get3A_162 = vector.load %arg15[%get3A_160, %get3A_161] : memref<32x1xf32, #tpu.memory_space<vmem>>, vector<32x1xf32>
    %add3A_163 = vector.broadcast %get3A_162 : vector<32x1xf32> to vector<32x256xf32>
    %add3A_164 = arith.addf %dot_general3A_159, %add3A_163 : vector<32x256xf32>
    %add3A_165 = arith.addf %add3A_110, %add3A_164 : vector<32x256xf32>
    %integer_pow3A_166 = arith.mulf %add3A_165, %add3A_165 : vector<32x256xf32>
    %integer_pow3A_167 = arith.mulf %add3A_165, %integer_pow3A_166 : vector<32x256xf32>
    %mul3A_168 = arith.constant 4.471500e-02 : f32
    %mul3A_169 = vector.broadcast %mul3A_168 : f32 to vector<32x256xf32>
    %mul3A_170 = arith.mulf %mul3A_169, %integer_pow3A_167 : vector<32x256xf32>
    %add3A_171 = arith.addf %add3A_165, %mul3A_170 : vector<32x256xf32>
    %mul3A_172 = arith.constant 0.797884583 : f32
    %mul3A_173 = vector.broadcast %mul3A_172 : f32 to vector<32x256xf32>
    %mul3A_174 = arith.mulf %mul3A_173, %add3A_171 : vector<32x256xf32>
    %tanh3A_175 = math.tanh %mul3A_174 : vector<32x256xf32>
    %add3A_176 = arith.constant 1.000000e+00 : f32
    %add3A_177 = vector.broadcast %add3A_176 : f32 to vector<32x256xf32>
    %add3A_178 = arith.addf %add3A_177, %tanh3A_175 : vector<32x256xf32>
    %mul3A_179 = arith.constant 5.000000e-01 : f32
    %mul3A_180 = vector.broadcast %mul3A_179 : f32 to vector<32x256xf32>
    %mul3A_181 = arith.mulf %mul3A_180, %add3A_178 : vector<32x256xf32>
    %mul3A_182 = arith.mulf %add3A_165, %mul3A_181 : vector<32x256xf32>
    %tanh3A_183 = math.tanh %mul3A_182 : vector<32x256xf32>
    %get3A_184 = arith.constant 0 : index
    %get3A_185 = arith.constant 0 : index
    %get3A_186 = vector.load %arg2[%get3A_184, %get3A_185] : memref<256x144xf32, #tpu.memory_space<vmem>>, vector<256x144xf32>
    %dot_general3A_187 = arith.constant dense<0.000000e+00> : vector<32x144xf32>
    %dot_general3A_188 = tpu.matmul %tanh3A_183, %get3A_186, %dot_general3A_187 {dimension_numbers = #tpu.dot_dimension_numbers<[1], [0], [0], [1], [0, 0, 1, 1], [], []>, precision = #tpu.contract_precision<fp32>, transpose_lhs_hint = false} : vector<32x256xf32>, vector<256x144xf32>, vector<32x144xf32> -> vector<32x144xf32>
    %get3A_189 = arith.constant 0 : index
    %get3A_190 = arith.constant 0 : index
    %get3A_191 = vector.load %arg3[%get3A_189, %get3A_190] : memref<256x144xf32, #tpu.memory_space<vmem>>, vector<256x144xf32>
    %dot_general3A_192 = arith.constant dense<0.000000e+00> : vector<32x144xf32>
    %dot_general3A_193 = tpu.matmul %tanh3A_183, %get3A_191, %dot_general3A_192 {dimension_numbers = #tpu.dot_dimension_numbers<[1], [0], [0], [1], [0, 0, 1, 1], [], []>, precision = #tpu.contract_precision<fp32>, transpose_lhs_hint = false} : vector<32x256xf32>, vector<256x144xf32>, vector<32x144xf32> -> vector<32x144xf32>
    %get3A_194 = arith.constant 0 : index
    %get3A_195 = arith.constant 0 : index
    %get3A_196 = arith.constant 0 : index
    %get3A_197 = vector.load %arg24[%get3A_194, %get3A_195, %get3A_196] : memref<32x32x144xf32, #tpu.memory_space<vmem>>, vector<32x32x144xf32>
    %get3A_198 = arith.constant 0 : index
    %get3A_199 = arith.constant 0 : index
    %get3A_200 = arith.constant 0 : index
    %get3A_201 = vector.load %arg25[%get3A_198, %get3A_199, %get3A_200] : memref<32x32x144xf32, #tpu.memory_space<vmem>>, vector<32x32x144xf32>
    %broadcast_in_dim3A_202 = vector.shape_cast %dot_general3A_188 : vector<32x144xf32> to vector<32x1x144xf32>
    %mul3A_203 = vector.broadcast %broadcast_in_dim3A_202 : vector<32x1x144xf32> to vector<32x32x144xf32>
    %mul3A_204 = arith.mulf %mul3A_203, %get3A_197 : vector<32x32x144xf32>
    %broadcast_in_dim3A_205 = vector.shape_cast %dot_general3A_193 : vector<32x144xf32> to vector<32x1x144xf32>
    %mul3A_206 = vector.broadcast %broadcast_in_dim3A_205 : vector<32x1x144xf32> to vector<32x32x144xf32>
    %mul3A_207 = arith.mulf %mul3A_206, %get3A_201 : vector<32x32x144xf32>
    %sub3A_208 = arith.subf %mul3A_204, %mul3A_207 : vector<32x32x144xf32>
    %reduce_sum3A_209 = arith.constant dense<0.000000e+00> : vector<32x144xf32>
    %reduce_sum3A_210 = vector.multi_reduction <add>, %sub3A_208, %reduce_sum3A_209 [0] : vector<32x32x144xf32> to vector<32x144xf32>
    %broadcast_in_dim3A_211 = vector.shape_cast %dot_general3A_188 : vector<32x144xf32> to vector<32x1x144xf32>
    %mul3A_212 = vector.broadcast %broadcast_in_dim3A_211 : vector<32x1x144xf32> to vector<32x32x144xf32>
    %mul3A_213 = arith.mulf %mul3A_212, %get3A_201 : vector<32x32x144xf32>
    %broadcast_in_dim3A_214 = vector.shape_cast %dot_general3A_193 : vector<32x144xf32> to vector<32x1x144xf32>
    %mul3A_215 = vector.broadcast %broadcast_in_dim3A_214 : vector<32x1x144xf32> to vector<32x32x144xf32>
    %mul3A_216 = arith.mulf %mul3A_215, %get3A_197 : vector<32x32x144xf32>
    %add3A_217 = arith.addf %mul3A_213, %mul3A_216 : vector<32x32x144xf32>
    %reduce_sum3A_218 = arith.constant dense<0.000000e+00> : vector<32x144xf32>
    %reduce_sum3A_219 = vector.multi_reduction <add>, %add3A_217, %reduce_sum3A_218 [0] : vector<32x32x144xf32> to vector<32x144xf32>
    %get3A_220 = arith.constant 0 : index
    %get3A_221 = arith.constant 0 : index
    %get3A_222 = vector.load %arg4[%get3A_220, %get3A_221] : memref<144x256xf32, #tpu.memory_space<vmem>>, vector<144x256xf32>
    %dot_general3A_223 = arith.constant dense<0.000000e+00> : vector<32x256xf32>
    %dot_general3A_224 = tpu.matmul %reduce_sum3A_210, %get3A_222, %dot_general3A_223 {dimension_numbers = #tpu.dot_dimension_numbers<[1], [0], [0], [1], [0, 0, 1, 1], [], []>, precision = #tpu.contract_precision<fp32>, transpose_lhs_hint = false} : vector<32x144xf32>, vector<144x256xf32>, vector<32x256xf32> -> vector<32x256xf32>
    %get3A_225 = arith.constant 0 : index
    %get3A_226 = arith.constant 0 : index
    %get3A_227 = vector.load %arg5[%get3A_225, %get3A_226] : memref<144x256xf32, #tpu.memory_space<vmem>>, vector<144x256xf32>
    %dot_general3A_228 = arith.constant dense<0.000000e+00> : vector<32x256xf32>
    %dot_general3A_229 = tpu.matmul %reduce_sum3A_219, %get3A_227, %dot_general3A_228 {dimension_numbers = #tpu.dot_dimension_numbers<[1], [0], [0], [1], [0, 0, 1, 1], [], []>, precision = #tpu.contract_precision<fp32>, transpose_lhs_hint = false} : vector<32x144xf32>, vector<144x256xf32>, vector<32x256xf32> -> vector<32x256xf32>
    %add3A_230 = arith.addf %dot_general3A_224, %dot_general3A_229 : vector<32x256xf32>
    %get3A_231 = arith.constant 0 : index
    %get3A_232 = arith.constant 0 : index
    %get3A_233 = vector.load %arg18[%get3A_231, %get3A_232] : memref<32x32xf32, #tpu.memory_space<vmem>>, vector<32x32xf32>
    %dot_general3A_234 = arith.constant dense<0.000000e+00> : vector<32x256xf32>
    %dot_general3A_235 = tpu.matmul %get3A_233, %mul3A_182, %dot_general3A_234 {dimension_numbers = #tpu.dot_dimension_numbers<[1], [0], [0], [1], [0, 0, 1, 1], [], []>, precision = #tpu.contract_precision<fp32>, transpose_lhs_hint = false} : vector<32x32xf32>, vector<32x256xf32>, vector<32x256xf32> -> vector<32x256xf32>
    %add3A_236 = arith.addf %add3A_230, %dot_general3A_235 : vector<32x256xf32>
    %get3A_237 = arith.constant 0 : index
    %get3A_238 = arith.constant 0 : index
    %get3A_239 = vector.load %arg19[%get3A_237, %get3A_238] : memref<32x1xf32, #tpu.memory_space<vmem>>, vector<32x1xf32>
    %add3A_240 = vector.broadcast %get3A_239 : vector<32x1xf32> to vector<32x256xf32>
    %add3A_241 = arith.addf %add3A_236, %add3A_240 : vector<32x256xf32>
    %integer_pow3A_242 = arith.mulf %add3A_241, %add3A_241 : vector<32x256xf32>
    %integer_pow3A_243 = arith.mulf %add3A_241, %integer_pow3A_242 : vector<32x256xf32>
    %mul3A_244 = arith.constant 4.471500e-02 : f32
    %mul3A_245 = vector.broadcast %mul3A_244 : f32 to vector<32x256xf32>
    %mul3A_246 = arith.mulf %mul3A_245, %integer_pow3A_243 : vector<32x256xf32>
    %add3A_247 = arith.addf %add3A_241, %mul3A_246 : vector<32x256xf32>
    %mul3A_248 = arith.constant 0.797884583 : f32
    %mul3A_249 = vector.broadcast %mul3A_248 : f32 to vector<32x256xf32>
    %mul3A_250 = arith.mulf %mul3A_249, %add3A_247 : vector<32x256xf32>
    %tanh3A_251 = math.tanh %mul3A_250 : vector<32x256xf32>
    %add3A_252 = arith.constant 1.000000e+00 : f32
    %add3A_253 = vector.broadcast %add3A_252 : f32 to vector<32x256xf32>
    %add3A_254 = arith.addf %add3A_253, %tanh3A_251 : vector<32x256xf32>
    %mul3A_255 = arith.constant 5.000000e-01 : f32
    %mul3A_256 = vector.broadcast %mul3A_255 : f32 to vector<32x256xf32>
    %mul3A_257 = arith.mulf %mul3A_256, %add3A_254 : vector<32x256xf32>
    %mul3A_258 = arith.mulf %add3A_241, %mul3A_257 : vector<32x256xf32>
    %get3A_259 = arith.constant 0 : index
    %get3A_260 = arith.constant 0 : index
    %get3A_261 = vector.load %arg20[%get3A_259, %get3A_260] : memref<16x32xf32, #tpu.memory_space<vmem>>, vector<16x32xf32>
    %dot_general3A_262 = arith.constant dense<0.000000e+00> : vector<16x256xf32>
    %dot_general3A_263 = tpu.matmul %get3A_261, %mul3A_258, %dot_general3A_262 {dimension_numbers = #tpu.dot_dimension_numbers<[1], [0], [0], [1], [0, 0, 1, 1], [], []>, precision = #tpu.contract_precision<fp32>, transpose_lhs_hint = false} : vector<16x32xf32>, vector<32x256xf32>, vector<16x256xf32> -> vector<16x256xf32>
    %get3A_264 = arith.constant 0 : index
    %get3A_265 = arith.constant 0 : index
    %get3A_266 = vector.load %arg21[%get3A_264, %get3A_265] : memref<16x1xf32, #tpu.memory_space<vmem>>, vector<16x1xf32>
    %add3A_267 = vector.broadcast %get3A_266 : vector<16x1xf32> to vector<16x256xf32>
    %add3A_268 = arith.addf %dot_general3A_263, %add3A_267 : vector<16x256xf32>
    %integer_pow3A_269 = arith.mulf %add3A_268, %add3A_268 : vector<16x256xf32>
    %integer_pow3A_270 = arith.mulf %add3A_268, %integer_pow3A_269 : vector<16x256xf32>
    %mul3A_271 = arith.constant 4.471500e-02 : f32
    %mul3A_272 = vector.broadcast %mul3A_271 : f32 to vector<16x256xf32>
    %mul3A_273 = arith.mulf %mul3A_272, %integer_pow3A_270 : vector<16x256xf32>
    %add3A_274 = arith.addf %add3A_268, %mul3A_273 : vector<16x256xf32>
    %mul3A_275 = arith.constant 0.797884583 : f32
    %mul3A_276 = vector.broadcast %mul3A_275 : f32 to vector<16x256xf32>
    %mul3A_277 = arith.mulf %mul3A_276, %add3A_274 : vector<16x256xf32>
    %tanh3A_278 = math.tanh %mul3A_277 : vector<16x256xf32>
    %add3A_279 = arith.constant 1.000000e+00 : f32
    %add3A_280 = vector.broadcast %add3A_279 : f32 to vector<16x256xf32>
    %add3A_281 = arith.addf %add3A_280, %tanh3A_278 : vector<16x256xf32>
    %mul3A_282 = arith.constant 5.000000e-01 : f32
    %mul3A_283 = vector.broadcast %mul3A_282 : f32 to vector<16x256xf32>
    %mul3A_284 = arith.mulf %mul3A_283, %add3A_281 : vector<16x256xf32>
    %mul3A_285 = arith.mulf %add3A_268, %mul3A_284 : vector<16x256xf32>
    %get3A_286 = arith.constant 0 : index
    %get3A_287 = arith.constant 0 : index
    %get3A_288 = vector.load %arg22[%get3A_286, %get3A_287] : memref<32x16xf32, #tpu.memory_space<vmem>>, vector<32x16xf32>
    %dot_general3A_289 = arith.constant dense<0.000000e+00> : vector<32x256xf32>
    %dot_general3A_290 = tpu.matmul %get3A_288, %mul3A_285, %dot_general3A_289 {dimension_numbers = #tpu.dot_dimension_numbers<[1], [0], [0], [1], [0, 0, 1, 1], [], []>, precision = #tpu.contract_precision<fp32>, transpose_lhs_hint = false} : vector<32x16xf32>, vector<16x256xf32>, vector<32x256xf32> -> vector<32x256xf32>
    %get3A_291 = arith.constant 0 : index
    %get3A_292 = arith.constant 0 : index
    %get3A_293 = vector.load %arg23[%get3A_291, %get3A_292] : memref<32x1xf32, #tpu.memory_space<vmem>>, vector<32x1xf32>
    %add3A_294 = vector.broadcast %get3A_293 : vector<32x1xf32> to vector<32x256xf32>
    %add3A_295 = arith.addf %dot_general3A_290, %add3A_294 : vector<32x256xf32>
    %add3A_296 = arith.addf %add3A_241, %add3A_295 : vector<32x256xf32>
    %get3A_297 = arith.constant 0 : index
    %get3A_298 = arith.constant 0 : index
    %get3A_299 = vector.load %arg26[%get3A_297, %get3A_298] : memref<32x32xf32, #tpu.memory_space<vmem>>, vector<32x32xf32>
    %dot_general3A_300 = arith.constant dense<0.000000e+00> : vector<32x256xf32>
    %dot_general3A_301 = tpu.matmul %get3A_299, %add3A_296, %dot_general3A_300 {dimension_numbers = #tpu.dot_dimension_numbers<[1], [0], [0], [1], [0, 0, 1, 1], [], []>, precision = #tpu.contract_precision<fp32>, transpose_lhs_hint = false} : vector<32x32xf32>, vector<32x256xf32>, vector<32x256xf32> -> vector<32x256xf32>
    %get3A_302 = arith.constant 0 : index
    %get3A_303 = arith.constant 0 : index
    %get3A_304 = vector.load %arg27[%get3A_302, %get3A_303] : memref<32x1xf32, #tpu.memory_space<vmem>>, vector<32x1xf32>
    %add3A_305 = vector.broadcast %get3A_304 : vector<32x1xf32> to vector<32x256xf32>
    %add3A_306 = arith.addf %dot_general3A_301, %add3A_305 : vector<32x256xf32>
    %integer_pow3A_307 = arith.mulf %add3A_306, %add3A_306 : vector<32x256xf32>
    %integer_pow3A_308 = arith.mulf %add3A_306, %integer_pow3A_307 : vector<32x256xf32>
    %mul3A_309 = arith.constant 4.471500e-02 : f32
    %mul3A_310 = vector.broadcast %mul3A_309 : f32 to vector<32x256xf32>
    %mul3A_311 = arith.mulf %mul3A_310, %integer_pow3A_308 : vector<32x256xf32>
    %add3A_312 = arith.addf %add3A_306, %mul3A_311 : vector<32x256xf32>
    %mul3A_313 = arith.constant 0.797884583 : f32
    %mul3A_314 = vector.broadcast %mul3A_313 : f32 to vector<32x256xf32>
    %mul3A_315 = arith.mulf %mul3A_314, %add3A_312 : vector<32x256xf32>
    %tanh3A_316 = math.tanh %mul3A_315 : vector<32x256xf32>
    %add3A_317 = arith.constant 1.000000e+00 : f32
    %add3A_318 = vector.broadcast %add3A_317 : f32 to vector<32x256xf32>
    %add3A_319 = arith.addf %add3A_318, %tanh3A_316 : vector<32x256xf32>
    %mul3A_320 = arith.constant 5.000000e-01 : f32
    %mul3A_321 = vector.broadcast %mul3A_320 : f32 to vector<32x256xf32>
    %mul3A_322 = arith.mulf %mul3A_321, %add3A_319 : vector<32x256xf32>
    %mul3A_323 = arith.mulf %add3A_306, %mul3A_322 : vector<32x256xf32>
    %get3A_324 = arith.constant 0 : index
    %get3A_325 = arith.constant 0 : index
    %get3A_326 = vector.load %arg28[%get3A_324, %get3A_325] : memref<128x32xf32, #tpu.memory_space<vmem>>, vector<128x32xf32>
    %dot_general3A_327 = arith.constant dense<0.000000e+00> : vector<128x256xf32>
    %dot_general3A_328 = tpu.matmul %get3A_326, %mul3A_323, %dot_general3A_327 {dimension_numbers = #tpu.dot_dimension_numbers<[1], [0], [0], [1], [0, 0, 1, 1], [], []>, precision = #tpu.contract_precision<fp32>, transpose_lhs_hint = false} : vector<128x32xf32>, vector<32x256xf32>, vector<128x256xf32> -> vector<128x256xf32>
    %get3A_329 = arith.constant 0 : index
    %get3A_330 = arith.constant 0 : index
    %get3A_331 = vector.load %arg29[%get3A_329, %get3A_330] : memref<128x1xf32, #tpu.memory_space<vmem>>, vector<128x1xf32>
    %add3A_332 = vector.broadcast %get3A_331 : vector<128x1xf32> to vector<128x256xf32>
    %add3A_333 = arith.addf %dot_general3A_328, %add3A_332 : vector<128x256xf32>
    %swap3A = arith.constant 0 : index
    %swap3A_334 = arith.constant 0 : index
    %swap3A_335 = vector.load %arg30[%swap3A, %swap3A_334] : memref<128x256xf32, #tpu.memory_space<vmem>>, vector<128x256xf32>
    tpu.vector_store %arg30[%swap3A, %swap3A_334], %add3A_333 {strides = array<i32>} : memref<128x256xf32, #tpu.memory_space<vmem>>, vector<128x256xf32>,
    return
  }
  func.func @transform_0(%arg0: i32) -> (i32, i32) {
    %c0_i32 = arith.constant 0 : i32
    %c0_i32_0 = arith.constant 0 : i32
    %c0_i32_1 = arith.constant 0 : i32
    return %c0_i32, %c0_i32_0 : i32, i32
  }
  func.func @transform_1(%arg0: i32) -> (i32, i32) {
    %c0_i32 = arith.constant 0 : i32
    %c0_i32_0 = arith.constant 0 : i32
    %c0_i32_1 = arith.constant 0 : i32
    return %c0_i32, %c0_i32_0 : i32, i32
  }
  func.func @transform_2(%arg0: i32) -> (i32, i32) {
    %c0_i32 = arith.constant 0 : i32
    %c0_i32_0 = arith.constant 0 : i32
    %c0_i32_1 = arith.constant 0 : i32
    return %c0_i32, %c0_i32_0 : i32, i32
  }
  func.func @transform_3(%arg0: i32) -> (i32, i32) {
    %c0_i32 = arith.constant 0 : i32
    %c0_i32_0 = arith.constant 0 : i32
    %c0_i32_1 = arith.constant 0 : i32
    return %c0_i32, %c0_i32_0 : i32, i32
  }
  func.func @transform_4(%arg0: i32) -> (i32, i32) {
    %c0_i32 = arith.constant 0 : i32
    %c0_i32_0 = arith.constant 0 : i32
    %c0_i32_1 = arith.constant 0 : i32
    return %c0_i32, %c0_i32_0 : i32, i32
  }
  func.func @transform_5(%arg0: i32) -> (i32, i32) {
    %c0_i32 = arith.constant 0 : i32
    %c0_i32_0 = arith.constant 0 : i32
    %c0_i32_1 = arith.constant 0 : i32
    return %c0_i32, %c0_i32_0 : i32, i32
  }
  func.func @transform_6(%arg0: i32) -> (i32, i32) {
    %c0_i32 = arith.constant 0 : i32
    %c0_i32_0 = arith.constant 0 : i32
    %c0_i32_1 = arith.constant 0 : i32
    return %c0_i32, %c0_i32_0 : i32, i32
  }
  func.func @transform_7(%arg0: i32) -> (i32, i32) {
    %c0_i32 = arith.constant 0 : i32
    %c0_i32_0 = arith.constant 0 : i32
    %c0_i32_1 = arith.constant 0 : i32
    return %c0_i32, %c0_i32_0 : i32, i32
  }
  func.func @transform_8(%arg0: i32) -> (i32, i32) {
    %c0_i32 = arith.constant 0 : i32
    %c0_i32_0 = arith.constant 0 : i32
    %c0_i32_1 = arith.constant 0 : i32
    return %c0_i32, %c0_i32_0 : i32, i32
  }
  func.func @transform_9(%arg0: i32) -> (i32, i32) {
    %c0_i32 = arith.constant 0 : i32
    %c0_i32_0 = arith.constant 0 : i32
    %c0_i32_1 = arith.constant 0 : i32
    return %c0_i32, %c0_i32_0 : i32, i32
  }
  func.func @transform_10(%arg0: i32) -> (i32, i32) {
    %c0_i32 = arith.constant 0 : i32
    %c0_i32_0 = arith.constant 0 : i32
    %c0_i32_1 = arith.constant 0 : i32
    return %c0_i32, %c0_i32_0 : i32, i32
  }
  func.func @transform_11(%arg0: i32) -> (i32, i32) {
    %c0_i32 = arith.constant 0 : i32
    %c0_i32_0 = arith.constant 0 : i32
    %c0_i32_1 = arith.constant 0 : i32
    return %c0_i32, %c0_i32_0 : i32, i32
  }
  func.func @transform_12(%arg0: i32) -> (i32, i32) {
    %c0_i32 = arith.constant 0 : i32
    %c0_i32_0 = arith.constant 0 : i32
    %c0_i32_1 = arith.constant 0 : i32
    return %c0_i32, %c0_i32_0 : i32, i32
  }
  func.func @transform_13(%arg0: i32) -> (i32, i32) {
    %c0_i32 = arith.constant 0 : i32
    %c0_i32_0 = arith.constant 0 : i32
    %c0_i32_1 = arith.constant 0 : i32
    return %c0_i32, %c0_i32_0 : i32, i32
  }
  func.func @transform_14(%arg0: i32) -> (i32, i32) {
    %c0_i32 = arith.constant 0 : i32
    %c0_i32_0 = arith.constant 0 : i32
    %c0_i32_1 = arith.constant 0 : i32
    return %c0_i32, %c0_i32_0 : i32, i32
  }
  func.func @transform_15(%arg0: i32) -> (i32, i32, i32) {
    %c0_i32 = arith.constant 0 : i32
    %c0_i32_0 = arith.constant 0 : i32
    %c0_i32_1 = arith.constant 0 : i32
    %c0_i32_2 = arith.constant 0 : i32
    return %c0_i32, %c0_i32_0, %c0_i32_1 : i32, i32, i32
  }
  func.func @transform_16(%arg0: i32) -> (i32, i32, i32) {
    %c0_i32 = arith.constant 0 : i32
    %c0_i32_0 = arith.constant 0 : i32
    %c0_i32_1 = arith.constant 0 : i32
    %c0_i32_2 = arith.constant 0 : i32
    return %c0_i32, %c0_i32_0, %c0_i32_1 : i32, i32, i32
  }
  func.func @transform_17(%arg0: i32) -> (i32, i32) {
    %c0_i32 = arith.constant 0 : i32
    %c0_i32_0 = arith.constant 0 : i32
    %c0_i32_1 = arith.constant 0 : i32
    return %c0_i32, %c0_i32_0 : i32, i32
  }
  func.func @transform_18(%arg0: i32) -> (i32, i32) {
    %c0_i32 = arith.constant 0 : i32
    %c0_i32_0 = arith.constant 0 : i32
    %c0_i32_1 = arith.constant 0 : i32
    return %c0_i32, %c0_i32_0 : i32, i32
  }
  func.func @transform_19(%arg0: i32) -> (i32, i32) {
    %c0_i32 = arith.constant 0 : i32
    %c0_i32_0 = arith.constant 0 : i32
    %c0_i32_1 = arith.constant 0 : i32
    return %c0_i32, %c0_i32_0 : i32, i32
  }
  func.func @transform_20(%arg0: i32) -> (i32, i32) {
    %c0_i32 = arith.constant 0 : i32
    %c0_i32_0 = arith.constant 0 : i32
    %c0_i32_1 = arith.constant 0 : i32
    return %c0_i32, %c0_i32_0 : i32, i32
  }
  func.func @transform_21(%arg0: i32) -> (i32, i32) {
    %c0_i32 = arith.constant 0 : i32
    %c0_i32_0 = arith.constant 0 : i32
    %c0_i32_1 = arith.constant 0 : i32
    return %c0_i32, %c0_i32_0 : i32, i32
  }
  func.func @transform_22(%arg0: i32) -> (i32, i32) {
    %c0_i32 = arith.constant 0 : i32
    %c0_i32_0 = arith.constant 0 : i32
    %c0_i32_1 = arith.constant 0 : i32
    return %c0_i32, %c0_i32_0 : i32, i32
  }
  func.func @transform_23(%arg0: i32) -> (i32, i32, i32) {
    %c0_i32 = arith.constant 0 : i32
    %c0_i32_0 = arith.constant 0 : i32
    %c0_i32_1 = arith.constant 0 : i32
    %c0_i32_2 = arith.constant 0 : i32
    return %c0_i32, %c0_i32_0, %c0_i32_1 : i32, i32, i32
  }
  func.func @transform_24(%arg0: i32) -> (i32, i32, i32) {
    %c0_i32 = arith.constant 0 : i32
    %c0_i32_0 = arith.constant 0 : i32
    %c0_i32_1 = arith.constant 0 : i32
    %c0_i32_2 = arith.constant 0 : i32
    return %c0_i32, %c0_i32_0, %c0_i32_1 : i32, i32, i32
  }
  func.func @transform_25(%arg0: i32) -> (i32, i32) {
    %c0_i32 = arith.constant 0 : i32
    %c0_i32_0 = arith.constant 0 : i32
    %c0_i32_1 = arith.constant 0 : i32
    return %c0_i32, %c0_i32_0 : i32, i32
  }
  func.func @transform_26(%arg0: i32) -> (i32, i32) {
    %c0_i32 = arith.constant 0 : i32
    %c0_i32_0 = arith.constant 0 : i32
    %c0_i32_1 = arith.constant 0 : i32
    return %c0_i32, %c0_i32_0 : i32, i32
  }
  func.func @transform_27(%arg0: i32) -> (i32, i32) {
    %c0_i32 = arith.constant 0 : i32
    %c0_i32_0 = arith.constant 0 : i32
    %c0_i32_1 = arith.constant 0 : i32
    return %c0_i32, %c0_i32_0 : i32, i32
  }
  func.func @transform_28(%arg0: i32) -> (i32, i32) {
    %c0_i32 = arith.constant 0 : i32
    %c0_i32_0 = arith.constant 0 : i32
    %c0_i32_1 = arith.constant 0 : i32
    return %c0_i32, %c0_i32_0 : i32, i32
  }
  func.func @transform_29(%arg0: i32) -> (i32, i32) {
    %c0_i32 = arith.constant 0 : i32
    %c0_i32_0 = arith.constant 0 : i32
    %c0_i32_1 = arith.constant 0 : i32
    return %c0_i32, %c0_i32_0 : i32, i32
  }
}

module attributes {stable_mosaic.version = 14 : i64} {
  func.func @_gno_out_body(%arg0: i32, %arg1: memref<512x32xf32, #tpu.memory_space<vmem>>, %arg2: memref<512x8xf32, #tpu.memory_space<vmem>>, %arg3: memref<256x128xf32, #tpu.memory_space<vmem>>, %arg4: memref<2x32xf32, #tpu.memory_space<vmem>>, %arg5: memref<1x32xf32, #tpu.memory_space<vmem>>, %arg6: memref<32x64xf32, #tpu.memory_space<vmem>>, %arg7: memref<1x64xf32, #tpu.memory_space<vmem>>, %arg8: memref<64x128xf32, #tpu.memory_space<vmem>>, %arg9: memref<1x128xf32, #tpu.memory_space<vmem>>, %arg10: memref<128x128xf32, #tpu.memory_space<vmem>>, %arg11: memref<1x128xf32, #tpu.memory_space<vmem>>, %arg12: memref<128x128xf32, #tpu.memory_space<vmem>>, %arg13: memref<128x128xf32, #tpu.memory_space<vmem>>, %arg14: memref<128x128xf32, #tpu.memory_space<vmem>>, %arg15: memref<1x128xf32, #tpu.memory_space<vmem>>, %arg16: memref<512x128xf32, #tpu.memory_space<vmem>>, %arg17: memref<512x128xf32, #tpu.memory_space<vmem>>, %arg18: memref<512x128xf32, #tpu.memory_space<vmem>>, %arg19: memref<512x128xf32, #tpu.memory_space<vmem>>) attributes {dimension_semantics = [#tpu.dimension_semantics<arbitrary>], iteration_bounds = array<i64: 20>, scalar_prefetch = 0 : i64, scratch_operands = 0 : i64, tpu.core_type = #tpu.core_type<tc>, window_params = [{transform_indices = @transform_0, window_bounds = array<i64: 512, 32>}, {transform_indices = @transform_1, window_bounds = array<i64: 512, 8>}, {pipeline_mode = #tpu.pipeline_mode<synchronous>, transform_indices = @transform_2, window_bounds = array<i64: 256, 128>}, {pipeline_mode = #tpu.pipeline_mode<synchronous>, transform_indices = @transform_3, window_bounds = array<i64: 2, 32>}, {pipeline_mode = #tpu.pipeline_mode<synchronous>, transform_indices = @transform_4, window_bounds = array<i64: 1, 32>}, {pipeline_mode = #tpu.pipeline_mode<synchronous>, transform_indices = @transform_5, window_bounds = array<i64: 32, 64>}, {pipeline_mode = #tpu.pipeline_mode<synchronous>, transform_indices = @transform_6, window_bounds = array<i64: 1, 64>}, {pipeline_mode = #tpu.pipeline_mode<synchronous>, transform_indices = @transform_7, window_bounds = array<i64: 64, 128>}, {pipeline_mode = #tpu.pipeline_mode<synchronous>, transform_indices = @transform_8, window_bounds = array<i64: 1, 128>}, {pipeline_mode = #tpu.pipeline_mode<synchronous>, transform_indices = @transform_9, window_bounds = array<i64: 128, 128>}, {pipeline_mode = #tpu.pipeline_mode<synchronous>, transform_indices = @transform_10, window_bounds = array<i64: 1, 128>}, {pipeline_mode = #tpu.pipeline_mode<synchronous>, transform_indices = @transform_11, window_bounds = array<i64: 128, 128>}, {pipeline_mode = #tpu.pipeline_mode<synchronous>, transform_indices = @transform_12, window_bounds = array<i64: 128, 128>}, {pipeline_mode = #tpu.pipeline_mode<synchronous>, transform_indices = @transform_13, window_bounds = array<i64: 128, 128>}, {pipeline_mode = #tpu.pipeline_mode<synchronous>, transform_indices = @transform_14, window_bounds = array<i64: 1, 128>}, {transform_indices = @transform_15, window_bounds = array<i64: 512, 128>}, {transform_indices = @transform_16, window_bounds = array<i64: 512, 128>}, {transform_indices = @transform_17, window_bounds = array<i64: 512, 128>}, {transform_indices = @transform_18, window_bounds = array<i64: 512, 128>}]} {
    %get3A = arith.constant 0 : index
    %get3A_0 = arith.constant 0 : index
    %get3A_1 = vector.load %arg2[%get3A, %get3A_0] : memref<512x8xf32, #tpu.memory_space<vmem>>, vector<512x8xf32>
    %slice3A = vector.extract_strided_slice %get3A_1 {offsets = [0, 0], sizes = [512, 1], strides = [1, 1]} : vector<512x8xf32> to vector<512x1xf32>
    %slice3A_2 = vector.extract_strided_slice %get3A_1 {offsets = [0, 1], sizes = [512, 1], strides = [1, 1]} : vector<512x8xf32> to vector<512x1xf32>
    %add3A = arith.constant 1.000000e+00 : f32
    %add3A_3 = vector.broadcast %add3A : f32 to vector<512x1xf32>
    %add3A_4 = arith.addf %slice3A, %add3A_3 : vector<512x1xf32>
    %mul3A = arith.constant 7.500000e+00 : f32
    %mul3A_5 = vector.broadcast %mul3A : f32 to vector<512x1xf32>
    %mul3A_6 = arith.mulf %add3A_4, %mul3A_5 : vector<512x1xf32>
    %add3A_7 = arith.constant 5.000000e-01 : f32
    %add3A_8 = vector.broadcast %add3A_7 : f32 to vector<512x1xf32>
    %add3A_9 = arith.addf %mul3A_6, %add3A_8 : vector<512x1xf32>
    %floor3A = math.floor %add3A_9 : vector<512x1xf32>
    %add3A_10 = arith.constant 1.000000e+00 : f32
    %add3A_11 = vector.broadcast %add3A_10 : f32 to vector<512x1xf32>
    %add3A_12 = arith.addf %slice3A_2, %add3A_11 : vector<512x1xf32>
    %mul3A_13 = arith.constant 7.500000e+00 : f32
    %mul3A_14 = vector.broadcast %mul3A_13 : f32 to vector<512x1xf32>
    %mul3A_15 = arith.mulf %add3A_12, %mul3A_14 : vector<512x1xf32>
    %add3A_16 = arith.constant 5.000000e-01 : f32
    %add3A_17 = vector.broadcast %add3A_16 : f32 to vector<512x1xf32>
    %add3A_18 = arith.addf %mul3A_15, %add3A_17 : vector<512x1xf32>
    %floor3A_19 = math.floor %add3A_18 : vector<512x1xf32>
    %iota3A = tpu.iota {dimensions = array<i32: 1>} : vector<1x9xi32>
    %convert_element_type3A = arith.sitofp %iota3A : vector<1x9xi32> to vector<1x9xf32>
    %div3A = arith.constant 3.000000e+00 : f32
    %div3A_20 = vector.broadcast %div3A : f32 to vector<1x9xf32>
    %div3A_21 = arith.divf %convert_element_type3A, %div3A_20 : vector<1x9xf32>
    %floor3A_22 = math.floor %div3A_21 : vector<1x9xf32>
    %mul3A_23 = arith.constant 3.000000e+00 : f32
    %mul3A_24 = vector.broadcast %mul3A_23 : f32 to vector<1x9xf32>
    %mul3A_25 = arith.mulf %floor3A_22, %mul3A_24 : vector<1x9xf32>
    %sub3A = arith.subf %convert_element_type3A, %mul3A_25 : vector<1x9xf32>
    %add3A_26 = vector.broadcast %floor3A : vector<512x1xf32> to vector<512x9xf32>
    %add3A_27 = vector.broadcast %sub3A : vector<1x9xf32> to vector<512x9xf32>
    %add3A_28 = arith.addf %add3A_26, %add3A_27 : vector<512x9xf32>
    %sub3A_29 = arith.constant 1.000000e+00 : f32
    %sub3A_30 = vector.broadcast %sub3A_29 : f32 to vector<512x9xf32>
    %sub3A_31 = arith.subf %add3A_28, %sub3A_30 : vector<512x9xf32>
    %add3A_32 = vector.broadcast %floor3A_19 : vector<512x1xf32> to vector<512x9xf32>
    %add3A_33 = vector.broadcast %floor3A_22 : vector<1x9xf32> to vector<512x9xf32>
    %add3A_34 = arith.addf %add3A_32, %add3A_33 : vector<512x9xf32>
    %sub3A_35 = arith.constant 1.000000e+00 : f32
    %sub3A_36 = vector.broadcast %sub3A_35 : f32 to vector<512x9xf32>
    %sub3A_37 = arith.subf %add3A_34, %sub3A_36 : vector<512x9xf32>
    %ge3A = arith.constant 0.000000e+00 : f32
    %ge3A_38 = vector.broadcast %ge3A : f32 to vector<512x9xf32>
    %ge3A_39 = arith.cmpf oge, %sub3A_31, %ge3A_38 : vector<512x9xf32>
    %le3A = arith.constant 1.500000e+01 : f32
    %le3A_40 = vector.broadcast %le3A : f32 to vector<512x9xf32>
    %le3A_41 = arith.cmpf ole, %sub3A_31, %le3A_40 : vector<512x9xf32>
    %and3A = arith.andi %ge3A_39, %le3A_41 : vector<512x9xi1>
    %ge3A_42 = arith.constant 0.000000e+00 : f32
    %ge3A_43 = vector.broadcast %ge3A_42 : f32 to vector<512x9xf32>
    %ge3A_44 = arith.cmpf oge, %sub3A_37, %ge3A_43 : vector<512x9xf32>
    %and3A_45 = arith.andi %and3A, %ge3A_44 : vector<512x9xi1>
    %le3A_46 = arith.constant 1.500000e+01 : f32
    %le3A_47 = vector.broadcast %le3A_46 : f32 to vector<512x9xf32>
    %le3A_48 = arith.cmpf ole, %sub3A_37, %le3A_47 : vector<512x9xf32>
    %and3A_49 = arith.andi %and3A_45, %le3A_48 : vector<512x9xi1>
    %convert_element_type3A_50 = arith.extui %and3A_49 : vector<512x9xi1> to vector<512x9xi32>
    %convert_element_type3A_51 = arith.sitofp %convert_element_type3A_50 : vector<512x9xi32> to vector<512x9xf32>
    %jit3A = arith.constant 0.000000e+00 : f32
    %jit3A_52 = arith.constant 1.500000e+01 : f32
    %max3A = vector.broadcast %jit3A : f32 to vector<512x9xf32>
    %max3A_53 = arith.maximumf %max3A, %sub3A_31 : vector<512x9xf32>
    %min3A = vector.broadcast %jit3A_52 : f32 to vector<512x9xf32>
    %min3A_54 = arith.minimumf %min3A, %max3A_53 : vector<512x9xf32>
    %jit3A_55 = arith.constant 0.000000e+00 : f32
    %jit3A_56 = arith.constant 1.500000e+01 : f32
    %max3A_57 = vector.broadcast %jit3A_55 : f32 to vector<512x9xf32>
    %max3A_58 = arith.maximumf %max3A_57, %sub3A_37 : vector<512x9xf32>
    %min3A_59 = vector.broadcast %jit3A_56 : f32 to vector<512x9xf32>
    %min3A_60 = arith.minimumf %min3A_59, %max3A_58 : vector<512x9xf32>
    %mul3A_61 = arith.constant 1.600000e+01 : f32
    %mul3A_62 = vector.broadcast %mul3A_61 : f32 to vector<512x9xf32>
    %mul3A_63 = arith.mulf %min3A_60, %mul3A_62 : vector<512x9xf32>
    %add3A_64 = arith.addf %mul3A_63, %min3A_54 : vector<512x9xf32>
    %convert_element_type3A_65 = arith.fptosi %add3A_64 : vector<512x9xf32> to vector<512x9xi32>
    %mul3A_66 = arith.constant 0.13333334 : f32
    %mul3A_67 = vector.broadcast %mul3A_66 : f32 to vector<512x9xf32>
    %mul3A_68 = arith.mulf %min3A_54, %mul3A_67 : vector<512x9xf32>
    %sub3A_69 = arith.constant 1.000000e+00 : f32
    %sub3A_70 = vector.broadcast %sub3A_69 : f32 to vector<512x9xf32>
    %sub3A_71 = arith.subf %mul3A_68, %sub3A_70 : vector<512x9xf32>
    %mul3A_72 = arith.constant 0.13333334 : f32
    %mul3A_73 = vector.broadcast %mul3A_72 : f32 to vector<512x9xf32>
    %mul3A_74 = arith.mulf %min3A_60, %mul3A_73 : vector<512x9xf32>
    %sub3A_75 = arith.constant 1.000000e+00 : f32
    %sub3A_76 = vector.broadcast %sub3A_75 : f32 to vector<512x9xf32>
    %sub3A_77 = arith.subf %mul3A_74, %sub3A_76 : vector<512x9xf32>
    %sub3A_78 = vector.broadcast %slice3A : vector<512x1xf32> to vector<512x9xf32>
    %sub3A_79 = arith.subf %sub3A_78, %sub3A_71 : vector<512x9xf32>
    %integer_pow3A = arith.mulf %sub3A_79, %sub3A_79 : vector<512x9xf32>
    %sub3A_80 = vector.broadcast %slice3A_2 : vector<512x1xf32> to vector<512x9xf32>
    %sub3A_81 = arith.subf %sub3A_80, %sub3A_77 : vector<512x9xf32>
    %integer_pow3A_82 = arith.mulf %sub3A_81, %sub3A_81 : vector<512x9xf32>
    %add3A_83 = arith.addf %integer_pow3A, %integer_pow3A_82 : vector<512x9xf32>
    %le3A_84 = arith.constant 2.102500e-02 : f32
    %le3A_85 = vector.broadcast %le3A_84 : f32 to vector<512x9xf32>
    %le3A_86 = arith.cmpf ole, %add3A_83, %le3A_85 : vector<512x9xf32>
    %convert_element_type3A_87 = arith.extui %le3A_86 : vector<512x9xi1> to vector<512x9xi32>
    %convert_element_type3A_88 = arith.sitofp %convert_element_type3A_87 : vector<512x9xi32> to vector<512x9xf32>
    %mul3A_89 = arith.mulf %convert_element_type3A_51, %convert_element_type3A_88 : vector<512x9xf32>
    %iota3A_90 = tpu.iota {dimensions = array<i32: 2>} : vector<512x9x256xi32>
    %broadcast_in_dim3A = vector.shape_cast %convert_element_type3A_65 : vector<512x9xi32> to vector<512x9x1xi32>
    %eq3A = vector.broadcast %broadcast_in_dim3A : vector<512x9x1xi32> to vector<512x9x256xi32>
    %eq3A_91 = arith.cmpi eq, %iota3A_90, %eq3A : vector<512x9x256xi32>
    %convert_element_type3A_92 = arith.extui %eq3A_91 : vector<512x9x256xi1> to vector<512x9x256xi32>
    %convert_element_type3A_93 = arith.sitofp %convert_element_type3A_92 : vector<512x9x256xi32> to vector<512x9x256xf32>
    %reshape3A = vector.shape_cast %convert_element_type3A_93 : vector<512x9x256xf32> to vector<4608x256xf32>
    %get3A_94 = arith.constant 0 : index
    %get3A_95 = arith.constant 0 : index
    %get3A_96 = vector.load %arg3[%get3A_94, %get3A_95] : memref<256x128xf32, #tpu.memory_space<vmem>>, vector<256x128xf32>
    %dot_general3A = arith.constant dense<0.000000e+00> : vector<4608x128xf32>
    %dot_general3A_97 = tpu.matmul %reshape3A, %get3A_96, %dot_general3A {dimension_numbers = #tpu.dot_dimension_numbers<[1], [0], [0], [1], [0, 0, 1, 1], [], []>, precision = #tpu.contract_precision<fp32>, transpose_lhs_hint = false} : vector<4608x256xf32>, vector<256x128xf32>, vector<4608x128xf32> -> vector<4608x128xf32>
    %broadcast_in_dim3A_98 = vector.shape_cast %sub3A_71 : vector<512x9xf32> to vector<512x9x1xf32>
    %get3A_99 = arith.constant 0 : index
    %get3A_100 = arith.constant 0 : index
    %get3A_101 = vector.load %arg4[%get3A_99, %get3A_100] : memref<2x32xf32, #tpu.memory_space<vmem>>, vector<1x32xf32>
    %broadcast_in_dim3A_102 = vector.shape_cast %get3A_101 : vector<1x32xf32> to vector<1x1x32xf32>
    %mul3A_103 = vector.broadcast %broadcast_in_dim3A_98 : vector<512x9x1xf32> to vector<512x9x32xf32>
    %mul3A_104 = vector.broadcast %broadcast_in_dim3A_102 : vector<1x1x32xf32> to vector<512x9x32xf32>
    %mul3A_105 = arith.mulf %mul3A_103, %mul3A_104 : vector<512x9x32xf32>
    %broadcast_in_dim3A_106 = vector.shape_cast %sub3A_77 : vector<512x9xf32> to vector<512x9x1xf32>
    %get3A_107 = arith.constant 1 : index
    %get3A_108 = arith.constant 0 : index
    %get3A_109 = vector.load %arg4[%get3A_107, %get3A_108] : memref<2x32xf32, #tpu.memory_space<vmem>>, vector<1x32xf32>
    %broadcast_in_dim3A_110 = vector.shape_cast %get3A_109 : vector<1x32xf32> to vector<1x1x32xf32>
    %mul3A_111 = vector.broadcast %broadcast_in_dim3A_106 : vector<512x9x1xf32> to vector<512x9x32xf32>
    %mul3A_112 = vector.broadcast %broadcast_in_dim3A_110 : vector<1x1x32xf32> to vector<512x9x32xf32>
    %mul3A_113 = arith.mulf %mul3A_111, %mul3A_112 : vector<512x9x32xf32>
    %add3A_114 = arith.addf %mul3A_105, %mul3A_113 : vector<512x9x32xf32>
    %get3A_115 = arith.constant 0 : index
    %get3A_116 = arith.constant 0 : index
    %get3A_117 = vector.load %arg5[%get3A_115, %get3A_116] : memref<1x32xf32, #tpu.memory_space<vmem>>, vector<1x32xf32>
    %broadcast_in_dim3A_118 = vector.shape_cast %get3A_117 : vector<1x32xf32> to vector<1x1x32xf32>
    %add3A_119 = vector.broadcast %broadcast_in_dim3A_118 : vector<1x1x32xf32> to vector<512x9x32xf32>
    %add3A_120 = arith.addf %add3A_114, %add3A_119 : vector<512x9x32xf32>
    %get3A_121 = arith.constant 0 : index
    %get3A_122 = arith.constant 0 : index
    %get3A_123 = vector.load %arg1[%get3A_121, %get3A_122] : memref<512x32xf32, #tpu.memory_space<vmem>>, vector<512x32xf32>
    %broadcast_in_dim3A_124 = vector.shape_cast %get3A_123 : vector<512x32xf32> to vector<512x1x32xf32>
    %sub3A_125 = vector.broadcast %broadcast_in_dim3A_124 : vector<512x1x32xf32> to vector<512x9x32xf32>
    %sub3A_126 = arith.subf %add3A_120, %sub3A_125 : vector<512x9x32xf32>
    %integer_pow3A_127 = arith.mulf %sub3A_126, %sub3A_126 : vector<512x9x32xf32>
    %integer_pow3A_128 = arith.mulf %sub3A_126, %integer_pow3A_127 : vector<512x9x32xf32>
    %mul3A_129 = arith.constant 4.471500e-02 : f32
    %mul3A_130 = vector.broadcast %mul3A_129 : f32 to vector<512x9x32xf32>
    %mul3A_131 = arith.mulf %mul3A_130, %integer_pow3A_128 : vector<512x9x32xf32>
    %add3A_132 = arith.addf %sub3A_126, %mul3A_131 : vector<512x9x32xf32>
    %mul3A_133 = arith.constant 0.797884583 : f32
    %mul3A_134 = vector.broadcast %mul3A_133 : f32 to vector<512x9x32xf32>
    %mul3A_135 = arith.mulf %mul3A_134, %add3A_132 : vector<512x9x32xf32>
    %tanh3A = math.tanh %mul3A_135 : vector<512x9x32xf32>
    %add3A_136 = arith.constant 1.000000e+00 : f32
    %add3A_137 = vector.broadcast %add3A_136 : f32 to vector<512x9x32xf32>
    %add3A_138 = arith.addf %add3A_137, %tanh3A : vector<512x9x32xf32>
    %mul3A_139 = arith.constant 5.000000e-01 : f32
    %mul3A_140 = vector.broadcast %mul3A_139 : f32 to vector<512x9x32xf32>
    %mul3A_141 = arith.mulf %mul3A_140, %add3A_138 : vector<512x9x32xf32>
    %mul3A_142 = arith.mulf %sub3A_126, %mul3A_141 : vector<512x9x32xf32>
    %reshape3A_143 = vector.shape_cast %mul3A_142 : vector<512x9x32xf32> to vector<4608x32xf32>
    %get3A_144 = arith.constant 0 : index
    %get3A_145 = arith.constant 0 : index
    %get3A_146 = vector.load %arg6[%get3A_144, %get3A_145] : memref<32x64xf32, #tpu.memory_space<vmem>>, vector<32x64xf32>
    %dot_general3A_147 = arith.constant dense<0.000000e+00> : vector<4608x64xf32>
    %dot_general3A_148 = tpu.matmul %reshape3A_143, %get3A_146, %dot_general3A_147 {dimension_numbers = #tpu.dot_dimension_numbers<[1], [0], [0], [1], [0, 0, 1, 1], [], []>, precision = #tpu.contract_precision<fp32>, transpose_lhs_hint = false} : vector<4608x32xf32>, vector<32x64xf32>, vector<4608x64xf32> -> vector<4608x64xf32>
    %get3A_149 = arith.constant 0 : index
    %get3A_150 = arith.constant 0 : index
    %get3A_151 = vector.load %arg7[%get3A_149, %get3A_150] : memref<1x64xf32, #tpu.memory_space<vmem>>, vector<1x64xf32>
    %add3A_152 = vector.broadcast %get3A_151 : vector<1x64xf32> to vector<4608x64xf32>
    %add3A_153 = arith.addf %dot_general3A_148, %add3A_152 : vector<4608x64xf32>
    %integer_pow3A_154 = arith.mulf %add3A_153, %add3A_153 : vector<4608x64xf32>
    %integer_pow3A_155 = arith.mulf %add3A_153, %integer_pow3A_154 : vector<4608x64xf32>
    %mul3A_156 = arith.constant 4.471500e-02 : f32
    %mul3A_157 = vector.broadcast %mul3A_156 : f32 to vector<4608x64xf32>
    %mul3A_158 = arith.mulf %mul3A_157, %integer_pow3A_155 : vector<4608x64xf32>
    %add3A_159 = arith.addf %add3A_153, %mul3A_158 : vector<4608x64xf32>
    %mul3A_160 = arith.constant 0.797884583 : f32
    %mul3A_161 = vector.broadcast %mul3A_160 : f32 to vector<4608x64xf32>
    %mul3A_162 = arith.mulf %mul3A_161, %add3A_159 : vector<4608x64xf32>
    %tanh3A_163 = math.tanh %mul3A_162 : vector<4608x64xf32>
    %add3A_164 = arith.constant 1.000000e+00 : f32
    %add3A_165 = vector.broadcast %add3A_164 : f32 to vector<4608x64xf32>
    %add3A_166 = arith.addf %add3A_165, %tanh3A_163 : vector<4608x64xf32>
    %mul3A_167 = arith.constant 5.000000e-01 : f32
    %mul3A_168 = vector.broadcast %mul3A_167 : f32 to vector<4608x64xf32>
    %mul3A_169 = arith.mulf %mul3A_168, %add3A_166 : vector<4608x64xf32>
    %mul3A_170 = arith.mulf %add3A_153, %mul3A_169 : vector<4608x64xf32>
    %get3A_171 = arith.constant 0 : index
    %get3A_172 = arith.constant 0 : index
    %get3A_173 = vector.load %arg8[%get3A_171, %get3A_172] : memref<64x128xf32, #tpu.memory_space<vmem>>, vector<64x128xf32>
    %dot_general3A_174 = arith.constant dense<0.000000e+00> : vector<4608x128xf32>
    %dot_general3A_175 = tpu.matmul %mul3A_170, %get3A_173, %dot_general3A_174 {dimension_numbers = #tpu.dot_dimension_numbers<[1], [0], [0], [1], [0, 0, 1, 1], [], []>, precision = #tpu.contract_precision<fp32>, transpose_lhs_hint = false} : vector<4608x64xf32>, vector<64x128xf32>, vector<4608x128xf32> -> vector<4608x128xf32>
    %get3A_176 = arith.constant 0 : index
    %get3A_177 = arith.constant 0 : index
    %get3A_178 = vector.load %arg9[%get3A_176, %get3A_177] : memref<1x128xf32, #tpu.memory_space<vmem>>, vector<1x128xf32>
    %add3A_179 = vector.broadcast %get3A_178 : vector<1x128xf32> to vector<4608x128xf32>
    %add3A_180 = arith.addf %dot_general3A_175, %add3A_179 : vector<4608x128xf32>
    %reshape3A_181 = vector.shape_cast %add3A_180 : vector<4608x128xf32> to vector<512x9x128xf32>
    %reshape3A_182 = vector.shape_cast %dot_general3A_97 : vector<4608x128xf32> to vector<512x9x128xf32>
    %mul3A_183 = arith.mulf %reshape3A_181, %reshape3A_182 : vector<512x9x128xf32>
    %broadcast_in_dim3A_184 = vector.shape_cast %mul3A_89 : vector<512x9xf32> to vector<512x9x1xf32>
    %mul3A_185 = vector.broadcast %broadcast_in_dim3A_184 : vector<512x9x1xf32> to vector<512x9x128xf32>
    %mul3A_186 = arith.mulf %mul3A_183, %mul3A_185 : vector<512x9x128xf32>
    %reduce_sum3A = arith.constant dense<0.000000e+00> : vector<512x128xf32>
    %reduce_sum3A_187 = vector.multi_reduction <add>, %mul3A_186, %reduce_sum3A [1] : vector<512x9x128xf32> to vector<512x128xf32>
    %reduce_sum3A_188 = arith.constant dense<0.000000e+00> : vector<512xf32>
    %reduce_sum3A_189 = vector.multi_reduction <add>, %mul3A_89, %reduce_sum3A_188 [1] : vector<512x9xf32> to vector<512xf32>
    %broadcast_in_dim3A_190 = vector.shape_cast %reduce_sum3A_189 : vector<512xf32> to vector<512x1xf32>
    %max3A_191 = arith.constant 1.000000e+00 : f32
    %max3A_192 = vector.broadcast %max3A_191 : f32 to vector<512x1xf32>
    %max3A_193 = arith.maximumf %broadcast_in_dim3A_190, %max3A_192 : vector<512x1xf32>
    %div3A_194 = vector.broadcast %max3A_193 : vector<512x1xf32> to vector<512x128xf32>
    %div3A_195 = arith.divf %reduce_sum3A_187, %div3A_194 : vector<512x128xf32>
    %get3A_196 = arith.constant 0 : index
    %get3A_197 = arith.constant 0 : index
    %get3A_198 = vector.load %arg10[%get3A_196, %get3A_197] : memref<128x128xf32, #tpu.memory_space<vmem>>, vector<128x128xf32>
    %dot_general3A_199 = arith.constant dense<0.000000e+00> : vector<512x128xf32>
    %dot_general3A_200 = tpu.matmul %div3A_195, %get3A_198, %dot_general3A_199 {dimension_numbers = #tpu.dot_dimension_numbers<[1], [0], [0], [1], [0, 0, 1, 1], [], []>, precision = #tpu.contract_precision<fp32>, transpose_lhs_hint = false} : vector<512x128xf32>, vector<128x128xf32>, vector<512x128xf32> -> vector<512x128xf32>
    %get3A_201 = arith.constant 0 : index
    %get3A_202 = arith.constant 0 : index
    %get3A_203 = vector.load %arg11[%get3A_201, %get3A_202] : memref<1x128xf32, #tpu.memory_space<vmem>>, vector<1x128xf32>
    %add3A_204 = vector.broadcast %get3A_203 : vector<1x128xf32> to vector<512x128xf32>
    %add3A_205 = arith.addf %dot_general3A_200, %add3A_204 : vector<512x128xf32>
    %get3A_206 = arith.constant 0 : index
    %get3A_207 = arith.constant 0 : index
    %get3A_208 = vector.load %arg12[%get3A_206, %get3A_207] : memref<128x128xf32, #tpu.memory_space<vmem>>, vector<128x128xf32>
    %dot_general3A_209 = arith.constant dense<0.000000e+00> : vector<512x128xf32>
    %dot_general3A_210 = tpu.matmul %add3A_205, %get3A_208, %dot_general3A_209 {dimension_numbers = #tpu.dot_dimension_numbers<[1], [0], [0], [1], [0, 0, 1, 1], [], []>, precision = #tpu.contract_precision<fp32>, transpose_lhs_hint = false} : vector<512x128xf32>, vector<128x128xf32>, vector<512x128xf32> -> vector<512x128xf32>
    %swap3A = arith.constant 0 : index
    %swap3A_211 = arith.constant 0 : index
    %swap3A_212 = vector.load %arg16[%swap3A, %swap3A_211] : memref<512x128xf32, #tpu.memory_space<vmem>>, vector<512x128xf32>
    tpu.vector_store %arg16[%swap3A, %swap3A_211], %dot_general3A_210 {strides = array<i32>} : memref<512x128xf32, #tpu.memory_space<vmem>>, vector<512x128xf32>,
    %get3A_213 = arith.constant 0 : index
    %get3A_214 = arith.constant 0 : index
    %get3A_215 = vector.load %arg13[%get3A_213, %get3A_214] : memref<128x128xf32, #tpu.memory_space<vmem>>, vector<128x128xf32>
    %dot_general3A_216 = arith.constant dense<0.000000e+00> : vector<512x128xf32>
    %dot_general3A_217 = tpu.matmul %add3A_205, %get3A_215, %dot_general3A_216 {dimension_numbers = #tpu.dot_dimension_numbers<[1], [0], [0], [1], [0, 0, 1, 1], [], []>, precision = #tpu.contract_precision<fp32>, transpose_lhs_hint = false} : vector<512x128xf32>, vector<128x128xf32>, vector<512x128xf32> -> vector<512x128xf32>
    %swap3A_218 = arith.constant 0 : index
    %swap3A_219 = arith.constant 0 : index
    %swap3A_220 = vector.load %arg17[%swap3A_218, %swap3A_219] : memref<512x128xf32, #tpu.memory_space<vmem>>, vector<512x128xf32>
    tpu.vector_store %arg17[%swap3A_218, %swap3A_219], %dot_general3A_217 {strides = array<i32>} : memref<512x128xf32, #tpu.memory_space<vmem>>, vector<512x128xf32>,
    %get3A_221 = arith.constant 0 : index
    %get3A_222 = arith.constant 0 : index
    %get3A_223 = vector.load %arg14[%get3A_221, %get3A_222] : memref<128x128xf32, #tpu.memory_space<vmem>>, vector<128x128xf32>
    %dot_general3A_224 = arith.constant dense<0.000000e+00> : vector<512x128xf32>
    %dot_general3A_225 = tpu.matmul %add3A_205, %get3A_223, %dot_general3A_224 {dimension_numbers = #tpu.dot_dimension_numbers<[1], [0], [0], [1], [0, 0, 1, 1], [], []>, precision = #tpu.contract_precision<fp32>, transpose_lhs_hint = false} : vector<512x128xf32>, vector<128x128xf32>, vector<512x128xf32> -> vector<512x128xf32>
    %get3A_226 = arith.constant 0 : index
    %get3A_227 = arith.constant 0 : index
    %get3A_228 = vector.load %arg15[%get3A_226, %get3A_227] : memref<1x128xf32, #tpu.memory_space<vmem>>, vector<1x128xf32>
    %add3A_229 = vector.broadcast %get3A_228 : vector<1x128xf32> to vector<512x128xf32>
    %add3A_230 = arith.addf %dot_general3A_225, %add3A_229 : vector<512x128xf32>
    %swap3A_231 = arith.constant 0 : index
    %swap3A_232 = arith.constant 0 : index
    %swap3A_233 = vector.load %arg18[%swap3A_231, %swap3A_232] : memref<512x128xf32, #tpu.memory_space<vmem>>, vector<512x128xf32>
    tpu.vector_store %arg18[%swap3A_231, %swap3A_232], %add3A_230 {strides = array<i32>} : memref<512x128xf32, #tpu.memory_space<vmem>>, vector<512x128xf32>,
    %swap3A_234 = arith.constant 0 : index
    %swap3A_235 = arith.constant 0 : index
    %swap3A_236 = vector.load %arg19[%swap3A_234, %swap3A_235] : memref<512x128xf32, #tpu.memory_space<vmem>>, vector<512x128xf32>
    tpu.vector_store %arg19[%swap3A_234, %swap3A_235], %add3A_205 {strides = array<i32>} : memref<512x128xf32, #tpu.memory_space<vmem>>, vector<512x128xf32>,
    return
  }
  func.func @transform_0(%arg0: i32) -> (i32, i32) {
    %c0_i32 = arith.constant 0 : i32
    %c0_i32_0 = arith.constant 0 : i32
    return %arg0, %c0_i32 : i32, i32
  }
  func.func @transform_1(%arg0: i32) -> (i32, i32) {
    %c0_i32 = arith.constant 0 : i32
    %c0_i32_0 = arith.constant 0 : i32
    return %arg0, %c0_i32 : i32, i32
  }
  func.func @transform_2(%arg0: i32) -> (i32, i32) {
    %c0_i32 = arith.constant 0 : i32
    %c0_i32_0 = arith.constant 0 : i32
    %c0_i32_1 = arith.constant 0 : i32
    return %c0_i32, %c0_i32_0 : i32, i32
  }
  func.func @transform_3(%arg0: i32) -> (i32, i32) {
    %c0_i32 = arith.constant 0 : i32
    %c0_i32_0 = arith.constant 0 : i32
    %c0_i32_1 = arith.constant 0 : i32
    return %c0_i32, %c0_i32_0 : i32, i32
  }
  func.func @transform_4(%arg0: i32) -> (i32, i32) {
    %c0_i32 = arith.constant 0 : i32
    %c0_i32_0 = arith.constant 0 : i32
    %c0_i32_1 = arith.constant 0 : i32
    return %c0_i32, %c0_i32_0 : i32, i32
  }
  func.func @transform_5(%arg0: i32) -> (i32, i32) {
    %c0_i32 = arith.constant 0 : i32
    %c0_i32_0 = arith.constant 0 : i32
    %c0_i32_1 = arith.constant 0 : i32
    return %c0_i32, %c0_i32_0 : i32, i32
  }
  func.func @transform_6(%arg0: i32) -> (i32, i32) {
    %c0_i32 = arith.constant 0 : i32
    %c0_i32_0 = arith.constant 0 : i32
    %c0_i32_1 = arith.constant 0 : i32
    return %c0_i32, %c0_i32_0 : i32, i32
  }
  func.func @transform_7(%arg0: i32) -> (i32, i32) {
    %c0_i32 = arith.constant 0 : i32
    %c0_i32_0 = arith.constant 0 : i32
    %c0_i32_1 = arith.constant 0 : i32
    return %c0_i32, %c0_i32_0 : i32, i32
  }
  func.func @transform_8(%arg0: i32) -> (i32, i32) {
    %c0_i32 = arith.constant 0 : i32
    %c0_i32_0 = arith.constant 0 : i32
    %c0_i32_1 = arith.constant 0 : i32
    return %c0_i32, %c0_i32_0 : i32, i32
  }
  func.func @transform_9(%arg0: i32) -> (i32, i32) {
    %c0_i32 = arith.constant 0 : i32
    %c0_i32_0 = arith.constant 0 : i32
    %c0_i32_1 = arith.constant 0 : i32
    return %c0_i32, %c0_i32_0 : i32, i32
  }
  func.func @transform_10(%arg0: i32) -> (i32, i32) {
    %c0_i32 = arith.constant 0 : i32
    %c0_i32_0 = arith.constant 0 : i32
    %c0_i32_1 = arith.constant 0 : i32
    return %c0_i32, %c0_i32_0 : i32, i32
  }
  func.func @transform_11(%arg0: i32) -> (i32, i32) {
    %c0_i32 = arith.constant 0 : i32
    %c0_i32_0 = arith.constant 0 : i32
    %c0_i32_1 = arith.constant 0 : i32
    return %c0_i32, %c0_i32_0 : i32, i32
  }
  func.func @transform_12(%arg0: i32) -> (i32, i32) {
    %c0_i32 = arith.constant 0 : i32
    %c0_i32_0 = arith.constant 0 : i32
    %c0_i32_1 = arith.constant 0 : i32
    return %c0_i32, %c0_i32_0 : i32, i32
  }
  func.func @transform_13(%arg0: i32) -> (i32, i32) {
    %c0_i32 = arith.constant 0 : i32
    %c0_i32_0 = arith.constant 0 : i32
    %c0_i32_1 = arith.constant 0 : i32
    return %c0_i32, %c0_i32_0 : i32, i32
  }
  func.func @transform_14(%arg0: i32) -> (i32, i32) {
    %c0_i32 = arith.constant 0 : i32
    %c0_i32_0 = arith.constant 0 : i32
    %c0_i32_1 = arith.constant 0 : i32
    return %c0_i32, %c0_i32_0 : i32, i32
  }
  func.func @transform_15(%arg0: i32) -> (i32, i32) {
    %c0_i32 = arith.constant 0 : i32
    %c0_i32_0 = arith.constant 0 : i32
    return %arg0, %c0_i32 : i32, i32
  }
  func.func @transform_16(%arg0: i32) -> (i32, i32) {
    %c0_i32 = arith.constant 0 : i32
    %c0_i32_0 = arith.constant 0 : i32
    return %arg0, %c0_i32 : i32, i32
  }
  func.func @transform_17(%arg0: i32) -> (i32, i32) {
    %c0_i32 = arith.constant 0 : i32
    %c0_i32_0 = arith.constant 0 : i32
    return %arg0, %c0_i32 : i32, i32
  }
  func.func @transform_18(%arg0: i32) -> (i32, i32) {
    %c0_i32 = arith.constant 0 : i32
    %c0_i32_0 = arith.constant 0 : i32
    return %arg0, %c0_i32 : i32, i32
  }
}

module attributes {stable_mosaic.version = 14 : i64} {
  func.func @_edge_mlp2_body(%arg0: i32, %arg1: memref<2048x128xf32, #tpu.memory_space<vmem>>, %arg2: memref<2048x128xf32, #tpu.memory_space<vmem>>, %arg3: memref<2048x128xf32, #tpu.memory_space<vmem>>, %arg4: memref<2048x128xf32, #tpu.memory_space<vmem>>, %arg5: memref<128x128xf32, #tpu.memory_space<vmem>>, %arg6: memref<1x128xf32, #tpu.memory_space<vmem>>, %arg7: memref<128x128xf32, #tpu.memory_space<vmem>>, %arg8: memref<1x128xf32, #tpu.memory_space<vmem>>, %arg9: memref<1x128xf32, #tpu.memory_space<vmem>>, %arg10: memref<1x128xf32, #tpu.memory_space<vmem>>, %arg11: memref<2048x128xf32, #tpu.memory_space<vmem>>) attributes {dimension_semantics = [#tpu.dimension_semantics<arbitrary>], iteration_bounds = array<i64: 80>, scalar_prefetch = 0 : i64, scratch_operands = 0 : i64, tpu.core_type = #tpu.core_type<tc>, window_params = [{transform_indices = @transform_0, window_bounds = array<i64: 2048, 128>}, {transform_indices = @transform_1, window_bounds = array<i64: 2048, 128>}, {transform_indices = @transform_2, window_bounds = array<i64: 2048, 128>}, {transform_indices = @transform_3, window_bounds = array<i64: 2048, 128>}, {pipeline_mode = #tpu.pipeline_mode<synchronous>, transform_indices = @transform_4, window_bounds = array<i64: 128, 128>}, {pipeline_mode = #tpu.pipeline_mode<synchronous>, transform_indices = @transform_5, window_bounds = array<i64: 1, 128>}, {pipeline_mode = #tpu.pipeline_mode<synchronous>, transform_indices = @transform_6, window_bounds = array<i64: 128, 128>}, {pipeline_mode = #tpu.pipeline_mode<synchronous>, transform_indices = @transform_7, window_bounds = array<i64: 1, 128>}, {pipeline_mode = #tpu.pipeline_mode<synchronous>, transform_indices = @transform_8, window_bounds = array<i64: 1, 128>}, {pipeline_mode = #tpu.pipeline_mode<synchronous>, transform_indices = @transform_9, window_bounds = array<i64: 1, 128>}, {transform_indices = @transform_10, window_bounds = array<i64: 2048, 128>}]} {
    %get3A = arith.constant 0 : index
    %get3A_0 = arith.constant 0 : index
    %get3A_1 = vector.load %arg1[%get3A, %get3A_0] : memref<2048x128xf32, #tpu.memory_space<vmem>>, vector<2048x128xf32>
    %get3A_2 = arith.constant 0 : index
    %get3A_3 = arith.constant 0 : index
    %get3A_4 = vector.load %arg2[%get3A_2, %get3A_3] : memref<2048x128xf32, #tpu.memory_space<vmem>>, vector<2048x128xf32>
    %add3A = arith.addf %get3A_1, %get3A_4 : vector<2048x128xf32>
    %get3A_5 = arith.constant 0 : index
    %get3A_6 = arith.constant 0 : index
    %get3A_7 = vector.load %arg3[%get3A_5, %get3A_6] : memref<2048x128xf32, #tpu.memory_space<vmem>>, vector<2048x128xf32>
    %add3A_8 = arith.addf %add3A, %get3A_7 : vector<2048x128xf32>
    %get3A_9 = arith.constant 0 : index
    %get3A_10 = arith.constant 0 : index
    %get3A_11 = vector.load %arg4[%get3A_9, %get3A_10] : memref<2048x128xf32, #tpu.memory_space<vmem>>, vector<2048x128xf32>
    %add3A_12 = arith.addf %add3A_8, %get3A_11 : vector<2048x128xf32>
    %max3A = arith.constant 0.000000e+00 : f32
    %max3A_13 = vector.broadcast %max3A : f32 to vector<2048x128xf32>
    %max3A_14 = arith.maximumf %add3A_12, %max3A_13 : vector<2048x128xf32>
    %get3A_15 = arith.constant 0 : index
    %get3A_16 = arith.constant 0 : index
    %get3A_17 = vector.load %arg5[%get3A_15, %get3A_16] : memref<128x128xf32, #tpu.memory_space<vmem>>, vector<128x128xf32>
    %dot_general3A = arith.constant dense<0.000000e+00> : vector<2048x128xf32>
    %dot_general3A_18 = tpu.matmul %max3A_14, %get3A_17, %dot_general3A {dimension_numbers = #tpu.dot_dimension_numbers<[1], [0], [0], [1], [0, 0, 1, 1], [], []>, precision = #tpu.contract_precision<fp32>, transpose_lhs_hint = false} : vector<2048x128xf32>, vector<128x128xf32>, vector<2048x128xf32> -> vector<2048x128xf32>
    %get3A_19 = arith.constant 0 : index
    %get3A_20 = arith.constant 0 : index
    %get3A_21 = vector.load %arg6[%get3A_19, %get3A_20] : memref<1x128xf32, #tpu.memory_space<vmem>>, vector<1x128xf32>
    %add3A_22 = vector.broadcast %get3A_21 : vector<1x128xf32> to vector<2048x128xf32>
    %add3A_23 = arith.addf %dot_general3A_18, %add3A_22 : vector<2048x128xf32>
    %max3A_24 = arith.constant 0.000000e+00 : f32
    %max3A_25 = vector.broadcast %max3A_24 : f32 to vector<2048x128xf32>
    %max3A_26 = arith.maximumf %add3A_23, %max3A_25 : vector<2048x128xf32>
    %get3A_27 = arith.constant 0 : index
    %get3A_28 = arith.constant 0 : index
    %get3A_29 = vector.load %arg7[%get3A_27, %get3A_28] : memref<128x128xf32, #tpu.memory_space<vmem>>, vector<128x128xf32>
    %dot_general3A_30 = arith.constant dense<0.000000e+00> : vector<2048x128xf32>
    %dot_general3A_31 = tpu.matmul %max3A_26, %get3A_29, %dot_general3A_30 {dimension_numbers = #tpu.dot_dimension_numbers<[1], [0], [0], [1], [0, 0, 1, 1], [], []>, precision = #tpu.contract_precision<fp32>, transpose_lhs_hint = false} : vector<2048x128xf32>, vector<128x128xf32>, vector<2048x128xf32> -> vector<2048x128xf32>
    %get3A_32 = arith.constant 0 : index
    %get3A_33 = arith.constant 0 : index
    %get3A_34 = vector.load %arg8[%get3A_32, %get3A_33] : memref<1x128xf32, #tpu.memory_space<vmem>>, vector<1x128xf32>
    %add3A_35 = vector.broadcast %get3A_34 : vector<1x128xf32> to vector<2048x128xf32>
    %add3A_36 = arith.addf %dot_general3A_31, %add3A_35 : vector<2048x128xf32>
    %get3A_37 = arith.constant 0 : index
    %get3A_38 = arith.constant 0 : index
    %get3A_39 = vector.load %arg9[%get3A_37, %get3A_38] : memref<1x128xf32, #tpu.memory_space<vmem>>, vector<1x128xf32>
    %get3A_40 = arith.constant 0 : index
    %get3A_41 = arith.constant 0 : index
    %get3A_42 = vector.load %arg10[%get3A_40, %get3A_41] : memref<1x128xf32, #tpu.memory_space<vmem>>, vector<1x128xf32>
    %reduce_sum3A = arith.constant dense<0.000000e+00> : vector<2048xf32>
    %reduce_sum3A_43 = vector.multi_reduction <add>, %add3A_36, %reduce_sum3A [1] : vector<2048x128xf32> to vector<2048xf32>
    %broadcast_in_dim3A = vector.shape_cast %reduce_sum3A_43 : vector<2048xf32> to vector<2048x1xf32>
    %div3A = arith.constant 1.280000e+02 : f32
    %div3A_44 = vector.broadcast %div3A : f32 to vector<2048x1xf32>
    %div3A_45 = arith.divf %broadcast_in_dim3A, %div3A_44 : vector<2048x1xf32>
    %sub3A = vector.broadcast %div3A_45 : vector<2048x1xf32> to vector<2048x128xf32>
    %sub3A_46 = arith.subf %add3A_36, %sub3A : vector<2048x128xf32>
    %sub3A_47 = vector.broadcast %div3A_45 : vector<2048x1xf32> to vector<2048x128xf32>
    %sub3A_48 = arith.subf %add3A_36, %sub3A_47 : vector<2048x128xf32>
    %mul3A = arith.mulf %sub3A_46, %sub3A_48 : vector<2048x128xf32>
    %reduce_sum3A_49 = arith.constant dense<0.000000e+00> : vector<2048xf32>
    %reduce_sum3A_50 = vector.multi_reduction <add>, %mul3A, %reduce_sum3A_49 [1] : vector<2048x128xf32> to vector<2048xf32>
    %broadcast_in_dim3A_51 = vector.shape_cast %reduce_sum3A_50 : vector<2048xf32> to vector<2048x1xf32>
    %div3A_52 = arith.constant 1.280000e+02 : f32
    %div3A_53 = vector.broadcast %div3A_52 : f32 to vector<2048x1xf32>
    %div3A_54 = arith.divf %broadcast_in_dim3A_51, %div3A_53 : vector<2048x1xf32>
    %sub3A_55 = vector.broadcast %div3A_45 : vector<2048x1xf32> to vector<2048x128xf32>
    %sub3A_56 = arith.subf %add3A_36, %sub3A_55 : vector<2048x128xf32>
    %add3A_57 = arith.constant 9.99999974E-6 : f32
    %add3A_58 = vector.broadcast %add3A_57 : f32 to vector<2048x1xf32>
    %add3A_59 = arith.addf %div3A_54, %add3A_58 : vector<2048x1xf32>
    %rsqrt3A = math.rsqrt %add3A_59 : vector<2048x1xf32>
    %mul3A_60 = vector.broadcast %rsqrt3A : vector<2048x1xf32> to vector<2048x128xf32>
    %mul3A_61 = arith.mulf %sub3A_56, %mul3A_60 : vector<2048x128xf32>
    %mul3A_62 = vector.broadcast %get3A_39 : vector<1x128xf32> to vector<2048x128xf32>
    %mul3A_63 = arith.mulf %mul3A_61, %mul3A_62 : vector<2048x128xf32>
    %add3A_64 = vector.broadcast %get3A_42 : vector<1x128xf32> to vector<2048x128xf32>
    %add3A_65 = arith.addf %mul3A_63, %add3A_64 : vector<2048x128xf32>
    %swap3A = arith.constant 0 : index
    %swap3A_66 = arith.constant 0 : index
    %swap3A_67 = vector.load %arg11[%swap3A, %swap3A_66] : memref<2048x128xf32, #tpu.memory_space<vmem>>, vector<2048x128xf32>
    tpu.vector_store %arg11[%swap3A, %swap3A_66], %add3A_65 {strides = array<i32>} : memref<2048x128xf32, #tpu.memory_space<vmem>>, vector<2048x128xf32>,
    return
  }
  func.func @transform_0(%arg0: i32) -> (i32, i32) {
    %c0_i32 = arith.constant 0 : i32
    %c0_i32_0 = arith.constant 0 : i32
    return %arg0, %c0_i32 : i32, i32
  }
  func.func @transform_1(%arg0: i32) -> (i32, i32) {
    %c0_i32 = arith.constant 0 : i32
    %c0_i32_0 = arith.constant 0 : i32
    return %arg0, %c0_i32 : i32, i32
  }
  func.func @transform_2(%arg0: i32) -> (i32, i32) {
    %c0_i32 = arith.constant 0 : i32
    %c0_i32_0 = arith.constant 0 : i32
    return %arg0, %c0_i32 : i32, i32
  }
  func.func @transform_3(%arg0: i32) -> (i32, i32) {
    %c0_i32 = arith.constant 0 : i32
    %c0_i32_0 = arith.constant 0 : i32
    return %arg0, %c0_i32 : i32, i32
  }
  func.func @transform_4(%arg0: i32) -> (i32, i32) {
    %c0_i32 = arith.constant 0 : i32
    %c0_i32_0 = arith.constant 0 : i32
    %c0_i32_1 = arith.constant 0 : i32
    return %c0_i32, %c0_i32_0 : i32, i32
  }
  func.func @transform_5(%arg0: i32) -> (i32, i32) {
    %c0_i32 = arith.constant 0 : i32
    %c0_i32_0 = arith.constant 0 : i32
    %c0_i32_1 = arith.constant 0 : i32
    return %c0_i32, %c0_i32_0 : i32, i32
  }
  func.func @transform_6(%arg0: i32) -> (i32, i32) {
    %c0_i32 = arith.constant 0 : i32
    %c0_i32_0 = arith.constant 0 : i32
    %c0_i32_1 = arith.constant 0 : i32
    return %c0_i32, %c0_i32_0 : i32, i32
  }
  func.func @transform_7(%arg0: i32) -> (i32, i32) {
    %c0_i32 = arith.constant 0 : i32
    %c0_i32_0 = arith.constant 0 : i32
    %c0_i32_1 = arith.constant 0 : i32
    return %c0_i32, %c0_i32_0 : i32, i32
  }
  func.func @transform_8(%arg0: i32) -> (i32, i32) {
    %c0_i32 = arith.constant 0 : i32
    %c0_i32_0 = arith.constant 0 : i32
    %c0_i32_1 = arith.constant 0 : i32
    return %c0_i32, %c0_i32_0 : i32, i32
  }
  func.func @transform_9(%arg0: i32) -> (i32, i32) {
    %c0_i32 = arith.constant 0 : i32
    %c0_i32_0 = arith.constant 0 : i32
    %c0_i32_1 = arith.constant 0 : i32
    return %c0_i32, %c0_i32_0 : i32, i32
  }
  func.func @transform_10(%arg0: i32) -> (i32, i32) {
    %c0_i32 = arith.constant 0 : i32
    %c0_i32_0 = arith.constant 0 : i32
    return %arg0, %c0_i32 : i32, i32
  }
}

module attributes {stable_mosaic.version = 14 : i64} {
  func.func @_node_mlp2_body(%arg0: i32, %arg1: memref<1024x128xf32, #tpu.memory_space<vmem>>, %arg2: memref<1024x128xf32, #tpu.memory_space<vmem>>, %arg3: memref<1024x128xf32, #tpu.memory_space<vmem>>, %arg4: memref<1024x128xf32, #tpu.memory_space<vmem>>, %arg5: memref<1024x8xf32, #tpu.memory_space<vmem>>, %arg6: memref<128x128xf32, #tpu.memory_space<vmem>>, %arg7: memref<128x128xf32, #tpu.memory_space<vmem>>, %arg8: memref<1x128xf32, #tpu.memory_space<vmem>>, %arg9: memref<128x128xf32, #tpu.memory_space<vmem>>, %arg10: memref<1x128xf32, #tpu.memory_space<vmem>>, %arg11: memref<1x128xf32, #tpu.memory_space<vmem>>, %arg12: memref<1x128xf32, #tpu.memory_space<vmem>>, %arg13: memref<128x128xf32, #tpu.memory_space<vmem>>, %arg14: memref<1x128xf32, #tpu.memory_space<vmem>>, %arg15: memref<128x128xf32, #tpu.memory_space<vmem>>, %arg16: memref<1x128xf32, #tpu.memory_space<vmem>>, %arg17: memref<128x8xf32, #tpu.memory_space<vmem>>, %arg18: memref<1x8xf32, #tpu.memory_space<vmem>>, %arg19: memref<1024x8xf32, #tpu.memory_space<vmem>>) attributes {dimension_semantics = [#tpu.dimension_semantics<arbitrary>], iteration_bounds = array<i64: 10>, scalar_prefetch = 0 : i64, scratch_operands = 0 : i64, tpu.core_type = #tpu.core_type<tc>, window_params = [{transform_indices = @transform_0, window_bounds = array<i64: 1024, 128>}, {transform_indices = @transform_1, window_bounds = array<i64: 1024, 128>}, {transform_indices = @transform_2, window_bounds = array<i64: 1024, 128>}, {transform_indices = @transform_3, window_bounds = array<i64: 1024, 128>}, {transform_indices = @transform_4, window_bounds = array<i64: 1024, 8>}, {pipeline_mode = #tpu.pipeline_mode<synchronous>, transform_indices = @transform_5, window_bounds = array<i64: 128, 128>}, {pipeline_mode = #tpu.pipeline_mode<synchronous>, transform_indices = @transform_6, window_bounds = array<i64: 128, 128>}, {pipeline_mode = #tpu.pipeline_mode<synchronous>, transform_indices = @transform_7, window_bounds = array<i64: 1, 128>}, {pipeline_mode = #tpu.pipeline_mode<synchronous>, transform_indices = @transform_8, window_bounds = array<i64: 128, 128>}, {pipeline_mode = #tpu.pipeline_mode<synchronous>, transform_indices = @transform_9, window_bounds = array<i64: 1, 128>}, {pipeline_mode = #tpu.pipeline_mode<synchronous>, transform_indices = @transform_10, window_bounds = array<i64: 1, 128>}, {pipeline_mode = #tpu.pipeline_mode<synchronous>, transform_indices = @transform_11, window_bounds = array<i64: 1, 128>}, {pipeline_mode = #tpu.pipeline_mode<synchronous>, transform_indices = @transform_12, window_bounds = array<i64: 128, 128>}, {pipeline_mode = #tpu.pipeline_mode<synchronous>, transform_indices = @transform_13, window_bounds = array<i64: 1, 128>}, {pipeline_mode = #tpu.pipeline_mode<synchronous>, transform_indices = @transform_14, window_bounds = array<i64: 128, 128>}, {pipeline_mode = #tpu.pipeline_mode<synchronous>, transform_indices = @transform_15, window_bounds = array<i64: 1, 128>}, {pipeline_mode = #tpu.pipeline_mode<synchronous>, transform_indices = @transform_16, window_bounds = array<i64: 128, 8>}, {pipeline_mode = #tpu.pipeline_mode<synchronous>, transform_indices = @transform_17, window_bounds = array<i64: 1, 8>}, {transform_indices = @transform_18, window_bounds = array<i64: 1024, 8>}]} {
    %get3A = arith.constant 0 : index
    %get3A_0 = arith.constant 0 : index
    %get3A_1 = vector.load %arg2[%get3A, %get3A_0] : memref<1024x128xf32, #tpu.memory_space<vmem>>, vector<1024x128xf32>
    %get3A_2 = arith.constant 0 : index
    %get3A_3 = arith.constant 0 : index
    %get3A_4 = vector.load %arg3[%get3A_2, %get3A_3] : memref<1024x128xf32, #tpu.memory_space<vmem>>, vector<1024x128xf32>
    %add3A = arith.addf %get3A_1, %get3A_4 : vector<1024x128xf32>
    %get3A_5 = arith.constant 0 : index
    %get3A_6 = arith.constant 0 : index
    %get3A_7 = vector.load %arg5[%get3A_5, %get3A_6] : memref<1024x8xf32, #tpu.memory_space<vmem>>, vector<1024x8xf32>
    %slice3A = vector.extract_strided_slice %get3A_7 {offsets = [0, 0], sizes = [1024, 1], strides = [1, 1]} : vector<1024x8xf32> to vector<1024x1xf32>
    %mul3A = vector.broadcast %slice3A : vector<1024x1xf32> to vector<1024x128xf32>
    %mul3A_8 = arith.mulf %add3A, %mul3A : vector<1024x128xf32>
    %get3A_9 = arith.constant 0 : index
    %get3A_10 = arith.constant 0 : index
    %get3A_11 = vector.load %arg1[%get3A_9, %get3A_10] : memref<1024x128xf32, #tpu.memory_space<vmem>>, vector<1024x128xf32>
    %get3A_12 = arith.constant 0 : index
    %get3A_13 = arith.constant 0 : index
    %get3A_14 = vector.load %arg6[%get3A_12, %get3A_13] : memref<128x128xf32, #tpu.memory_space<vmem>>, vector<128x128xf32>
    %dot_general3A = arith.constant dense<0.000000e+00> : vector<1024x128xf32>
    %dot_general3A_15 = tpu.matmul %mul3A_8, %get3A_14, %dot_general3A {dimension_numbers = #tpu.dot_dimension_numbers<[1], [0], [0], [1], [0, 0, 1, 1], [], []>, precision = #tpu.contract_precision<fp32>, transpose_lhs_hint = false} : vector<1024x128xf32>, vector<128x128xf32>, vector<1024x128xf32> -> vector<1024x128xf32>
    %add3A_16 = arith.addf %get3A_11, %dot_general3A_15 : vector<1024x128xf32>
    %max3A = arith.constant 0.000000e+00 : f32
    %max3A_17 = vector.broadcast %max3A : f32 to vector<1024x128xf32>
    %max3A_18 = arith.maximumf %add3A_16, %max3A_17 : vector<1024x128xf32>
    %get3A_19 = arith.constant 0 : index
    %get3A_20 = arith.constant 0 : index
    %get3A_21 = vector.load %arg7[%get3A_19, %get3A_20] : memref<128x128xf32, #tpu.memory_space<vmem>>, vector<128x128xf32>
    %dot_general3A_22 = arith.constant dense<0.000000e+00> : vector<1024x128xf32>
    %dot_general3A_23 = tpu.matmul %max3A_18, %get3A_21, %dot_general3A_22 {dimension_numbers = #tpu.dot_dimension_numbers<[1], [0], [0], [1], [0, 0, 1, 1], [], []>, precision = #tpu.contract_precision<fp32>, transpose_lhs_hint = false} : vector<1024x128xf32>, vector<128x128xf32>, vector<1024x128xf32> -> vector<1024x128xf32>
    %get3A_24 = arith.constant 0 : index
    %get3A_25 = arith.constant 0 : index
    %get3A_26 = vector.load %arg8[%get3A_24, %get3A_25] : memref<1x128xf32, #tpu.memory_space<vmem>>, vector<1x128xf32>
    %add3A_27 = vector.broadcast %get3A_26 : vector<1x128xf32> to vector<1024x128xf32>
    %add3A_28 = arith.addf %dot_general3A_23, %add3A_27 : vector<1024x128xf32>
    %max3A_29 = arith.constant 0.000000e+00 : f32
    %max3A_30 = vector.broadcast %max3A_29 : f32 to vector<1024x128xf32>
    %max3A_31 = arith.maximumf %add3A_28, %max3A_30 : vector<1024x128xf32>
    %get3A_32 = arith.constant 0 : index
    %get3A_33 = arith.constant 0 : index
    %get3A_34 = vector.load %arg9[%get3A_32, %get3A_33] : memref<128x128xf32, #tpu.memory_space<vmem>>, vector<128x128xf32>
    %dot_general3A_35 = arith.constant dense<0.000000e+00> : vector<1024x128xf32>
    %dot_general3A_36 = tpu.matmul %max3A_31, %get3A_34, %dot_general3A_35 {dimension_numbers = #tpu.dot_dimension_numbers<[1], [0], [0], [1], [0, 0, 1, 1], [], []>, precision = #tpu.contract_precision<fp32>, transpose_lhs_hint = false} : vector<1024x128xf32>, vector<128x128xf32>, vector<1024x128xf32> -> vector<1024x128xf32>
    %get3A_37 = arith.constant 0 : index
    %get3A_38 = arith.constant 0 : index
    %get3A_39 = vector.load %arg10[%get3A_37, %get3A_38] : memref<1x128xf32, #tpu.memory_space<vmem>>, vector<1x128xf32>
    %add3A_40 = vector.broadcast %get3A_39 : vector<1x128xf32> to vector<1024x128xf32>
    %add3A_41 = arith.addf %dot_general3A_36, %add3A_40 : vector<1024x128xf32>
    %get3A_42 = arith.constant 0 : index
    %get3A_43 = arith.constant 0 : index
    %get3A_44 = vector.load %arg11[%get3A_42, %get3A_43] : memref<1x128xf32, #tpu.memory_space<vmem>>, vector<1x128xf32>
    %get3A_45 = arith.constant 0 : index
    %get3A_46 = arith.constant 0 : index
    %get3A_47 = vector.load %arg12[%get3A_45, %get3A_46] : memref<1x128xf32, #tpu.memory_space<vmem>>, vector<1x128xf32>
    %reduce_sum3A = arith.constant dense<0.000000e+00> : vector<1024xf32>
    %reduce_sum3A_48 = vector.multi_reduction <add>, %add3A_41, %reduce_sum3A [1] : vector<1024x128xf32> to vector<1024xf32>
    %broadcast_in_dim3A = vector.shape_cast %reduce_sum3A_48 : vector<1024xf32> to vector<1024x1xf32>
    %div3A = arith.constant 1.280000e+02 : f32
    %div3A_49 = vector.broadcast %div3A : f32 to vector<1024x1xf32>
    %div3A_50 = arith.divf %broadcast_in_dim3A, %div3A_49 : vector<1024x1xf32>
    %sub3A = vector.broadcast %div3A_50 : vector<1024x1xf32> to vector<1024x128xf32>
    %sub3A_51 = arith.subf %add3A_41, %sub3A : vector<1024x128xf32>
    %sub3A_52 = vector.broadcast %div3A_50 : vector<1024x1xf32> to vector<1024x128xf32>
    %sub3A_53 = arith.subf %add3A_41, %sub3A_52 : vector<1024x128xf32>
    %mul3A_54 = arith.mulf %sub3A_51, %sub3A_53 : vector<1024x128xf32>
    %reduce_sum3A_55 = arith.constant dense<0.000000e+00> : vector<1024xf32>
    %reduce_sum3A_56 = vector.multi_reduction <add>, %mul3A_54, %reduce_sum3A_55 [1] : vector<1024x128xf32> to vector<1024xf32>
    %broadcast_in_dim3A_57 = vector.shape_cast %reduce_sum3A_56 : vector<1024xf32> to vector<1024x1xf32>
    %div3A_58 = arith.constant 1.280000e+02 : f32
    %div3A_59 = vector.broadcast %div3A_58 : f32 to vector<1024x1xf32>
    %div3A_60 = arith.divf %broadcast_in_dim3A_57, %div3A_59 : vector<1024x1xf32>
    %sub3A_61 = vector.broadcast %div3A_50 : vector<1024x1xf32> to vector<1024x128xf32>
    %sub3A_62 = arith.subf %add3A_41, %sub3A_61 : vector<1024x128xf32>
    %add3A_63 = arith.constant 9.99999974E-6 : f32
    %add3A_64 = vector.broadcast %add3A_63 : f32 to vector<1024x1xf32>
    %add3A_65 = arith.addf %div3A_60, %add3A_64 : vector<1024x1xf32>
    %rsqrt3A = math.rsqrt %add3A_65 : vector<1024x1xf32>
    %mul3A_66 = vector.broadcast %rsqrt3A : vector<1024x1xf32> to vector<1024x128xf32>
    %mul3A_67 = arith.mulf %sub3A_62, %mul3A_66 : vector<1024x128xf32>
    %mul3A_68 = vector.broadcast %get3A_44 : vector<1x128xf32> to vector<1024x128xf32>
    %mul3A_69 = arith.mulf %mul3A_67, %mul3A_68 : vector<1024x128xf32>
    %add3A_70 = vector.broadcast %get3A_47 : vector<1x128xf32> to vector<1024x128xf32>
    %add3A_71 = arith.addf %mul3A_69, %add3A_70 : vector<1024x128xf32>
    %get3A_72 = arith.constant 0 : index
    %get3A_73 = arith.constant 0 : index
    %get3A_74 = vector.load %arg4[%get3A_72, %get3A_73] : memref<1024x128xf32, #tpu.memory_space<vmem>>, vector<1024x128xf32>
    %add3A_75 = arith.addf %get3A_74, %add3A_71 : vector<1024x128xf32>
    %get3A_76 = arith.constant 0 : index
    %get3A_77 = arith.constant 0 : index
    %get3A_78 = vector.load %arg13[%get3A_76, %get3A_77] : memref<128x128xf32, #tpu.memory_space<vmem>>, vector<128x128xf32>
    %dot_general3A_79 = arith.constant dense<0.000000e+00> : vector<1024x128xf32>
    %dot_general3A_80 = tpu.matmul %add3A_75, %get3A_78, %dot_general3A_79 {dimension_numbers = #tpu.dot_dimension_numbers<[1], [0], [0], [1], [0, 0, 1, 1], [], []>, precision = #tpu.contract_precision<fp32>, transpose_lhs_hint = false} : vector<1024x128xf32>, vector<128x128xf32>, vector<1024x128xf32> -> vector<1024x128xf32>
    %get3A_81 = arith.constant 0 : index
    %get3A_82 = arith.constant 0 : index
    %get3A_83 = vector.load %arg14[%get3A_81, %get3A_82] : memref<1x128xf32, #tpu.memory_space<vmem>>, vector<1x128xf32>
    %add3A_84 = vector.broadcast %get3A_83 : vector<1x128xf32> to vector<1024x128xf32>
    %add3A_85 = arith.addf %dot_general3A_80, %add3A_84 : vector<1024x128xf32>
    %max3A_86 = arith.constant 0.000000e+00 : f32
    %max3A_87 = vector.broadcast %max3A_86 : f32 to vector<1024x128xf32>
    %max3A_88 = arith.maximumf %add3A_85, %max3A_87 : vector<1024x128xf32>
    %get3A_89 = arith.constant 0 : index
    %get3A_90 = arith.constant 0 : index
    %get3A_91 = vector.load %arg15[%get3A_89, %get3A_90] : memref<128x128xf32, #tpu.memory_space<vmem>>, vector<128x128xf32>
    %dot_general3A_92 = arith.constant dense<0.000000e+00> : vector<1024x128xf32>
    %dot_general3A_93 = tpu.matmul %max3A_88, %get3A_91, %dot_general3A_92 {dimension_numbers = #tpu.dot_dimension_numbers<[1], [0], [0], [1], [0, 0, 1, 1], [], []>, precision = #tpu.contract_precision<fp32>, transpose_lhs_hint = false} : vector<1024x128xf32>, vector<128x128xf32>, vector<1024x128xf32> -> vector<1024x128xf32>
    %get3A_94 = arith.constant 0 : index
    %get3A_95 = arith.constant 0 : index
    %get3A_96 = vector.load %arg16[%get3A_94, %get3A_95] : memref<1x128xf32, #tpu.memory_space<vmem>>, vector<1x128xf32>
    %add3A_97 = vector.broadcast %get3A_96 : vector<1x128xf32> to vector<1024x128xf32>
    %add3A_98 = arith.addf %dot_general3A_93, %add3A_97 : vector<1024x128xf32>
    %max3A_99 = arith.constant 0.000000e+00 : f32
    %max3A_100 = vector.broadcast %max3A_99 : f32 to vector<1024x128xf32>
    %max3A_101 = arith.maximumf %add3A_98, %max3A_100 : vector<1024x128xf32>
    %get3A_102 = arith.constant 0 : index
    %get3A_103 = arith.constant 0 : index
    %get3A_104 = vector.load %arg17[%get3A_102, %get3A_103] : memref<128x8xf32, #tpu.memory_space<vmem>>, vector<128x8xf32>
    %dot_general3A_105 = arith.constant dense<0.000000e+00> : vector<1024x8xf32>
    %dot_general3A_106 = tpu.matmul %max3A_101, %get3A_104, %dot_general3A_105 {dimension_numbers = #tpu.dot_dimension_numbers<[1], [0], [0], [1], [0, 0, 1, 1], [], []>, precision = #tpu.contract_precision<fp32>, transpose_lhs_hint = false} : vector<1024x128xf32>, vector<128x8xf32>, vector<1024x8xf32> -> vector<1024x8xf32>
    %get3A_107 = arith.constant 0 : index
    %get3A_108 = arith.constant 0 : index
    %get3A_109 = vector.load %arg18[%get3A_107, %get3A_108] : memref<1x8xf32, #tpu.memory_space<vmem>>, vector<1x8xf32>
    %add3A_110 = vector.broadcast %get3A_109 : vector<1x8xf32> to vector<1024x8xf32>
    %add3A_111 = arith.addf %dot_general3A_106, %add3A_110 : vector<1024x8xf32>
    %swap3A = arith.constant 0 : index
    %swap3A_112 = arith.constant 0 : index
    %swap3A_113 = vector.load %arg19[%swap3A, %swap3A_112] : memref<1024x8xf32, #tpu.memory_space<vmem>>, vector<1024x8xf32>
    tpu.vector_store %arg19[%swap3A, %swap3A_112], %add3A_111 {strides = array<i32>} : memref<1024x8xf32, #tpu.memory_space<vmem>>, vector<1024x8xf32>,
    return
  }
  func.func @transform_0(%arg0: i32) -> (i32, i32) {
    %c0_i32 = arith.constant 0 : i32
    %c0_i32_0 = arith.constant 0 : i32
    return %arg0, %c0_i32 : i32, i32
  }
  func.func @transform_1(%arg0: i32) -> (i32, i32) {
    %c0_i32 = arith.constant 0 : i32
    %c0_i32_0 = arith.constant 0 : i32
    return %arg0, %c0_i32 : i32, i32
  }
  func.func @transform_2(%arg0: i32) -> (i32, i32) {
    %c0_i32 = arith.constant 0 : i32
    %c0_i32_0 = arith.constant 0 : i32
    return %arg0, %c0_i32 : i32, i32
  }
  func.func @transform_3(%arg0: i32) -> (i32, i32) {
    %c0_i32 = arith.constant 0 : i32
    %c0_i32_0 = arith.constant 0 : i32
    return %arg0, %c0_i32 : i32, i32
  }
  func.func @transform_4(%arg0: i32) -> (i32, i32) {
    %c0_i32 = arith.constant 0 : i32
    %c0_i32_0 = arith.constant 0 : i32
    return %arg0, %c0_i32 : i32, i32
  }
  func.func @transform_5(%arg0: i32) -> (i32, i32) {
    %c0_i32 = arith.constant 0 : i32
    %c0_i32_0 = arith.constant 0 : i32
    %c0_i32_1 = arith.constant 0 : i32
    return %c0_i32, %c0_i32_0 : i32, i32
  }
  func.func @transform_6(%arg0: i32) -> (i32, i32) {
    %c0_i32 = arith.constant 0 : i32
    %c0_i32_0 = arith.constant 0 : i32
    %c0_i32_1 = arith.constant 0 : i32
    return %c0_i32, %c0_i32_0 : i32, i32
  }
  func.func @transform_7(%arg0: i32) -> (i32, i32) {
    %c0_i32 = arith.constant 0 : i32
    %c0_i32_0 = arith.constant 0 : i32
    %c0_i32_1 = arith.constant 0 : i32
    return %c0_i32, %c0_i32_0 : i32, i32
  }
  func.func @transform_8(%arg0: i32) -> (i32, i32) {
    %c0_i32 = arith.constant 0 : i32
    %c0_i32_0 = arith.constant 0 : i32
    %c0_i32_1 = arith.constant 0 : i32
    return %c0_i32, %c0_i32_0 : i32, i32
  }
  func.func @transform_9(%arg0: i32) -> (i32, i32) {
    %c0_i32 = arith.constant 0 : i32
    %c0_i32_0 = arith.constant 0 : i32
    %c0_i32_1 = arith.constant 0 : i32
    return %c0_i32, %c0_i32_0 : i32, i32
  }
  func.func @transform_10(%arg0: i32) -> (i32, i32) {
    %c0_i32 = arith.constant 0 : i32
    %c0_i32_0 = arith.constant 0 : i32
    %c0_i32_1 = arith.constant 0 : i32
    return %c0_i32, %c0_i32_0 : i32, i32
  }
  func.func @transform_11(%arg0: i32) -> (i32, i32) {
    %c0_i32 = arith.constant 0 : i32
    %c0_i32_0 = arith.constant 0 : i32
    %c0_i32_1 = arith.constant 0 : i32
    return %c0_i32, %c0_i32_0 : i32, i32
  }
  func.func @transform_12(%arg0: i32) -> (i32, i32) {
    %c0_i32 = arith.constant 0 : i32
    %c0_i32_0 = arith.constant 0 : i32
    %c0_i32_1 = arith.constant 0 : i32
    return %c0_i32, %c0_i32_0 : i32, i32
  }
  func.func @transform_13(%arg0: i32) -> (i32, i32) {
    %c0_i32 = arith.constant 0 : i32
    %c0_i32_0 = arith.constant 0 : i32
    %c0_i32_1 = arith.constant 0 : i32
    return %c0_i32, %c0_i32_0 : i32, i32
  }
  func.func @transform_14(%arg0: i32) -> (i32, i32) {
    %c0_i32 = arith.constant 0 : i32
    %c0_i32_0 = arith.constant 0 : i32
    %c0_i32_1 = arith.constant 0 : i32
    return %c0_i32, %c0_i32_0 : i32, i32
  }
  func.func @transform_15(%arg0: i32) -> (i32, i32) {
    %c0_i32 = arith.constant 0 : i32
    %c0_i32_0 = arith.constant 0 : i32
    %c0_i32_1 = arith.constant 0 : i32
    return %c0_i32, %c0_i32_0 : i32, i32
  }
  func.func @transform_16(%arg0: i32) -> (i32, i32) {
    %c0_i32 = arith.constant 0 : i32
    %c0_i32_0 = arith.constant 0 : i32
    %c0_i32_1 = arith.constant 0 : i32
    return %c0_i32, %c0_i32_0 : i32, i32
  }
  func.func @transform_17(%arg0: i32) -> (i32, i32) {
    %c0_i32 = arith.constant 0 : i32
    %c0_i32_0 = arith.constant 0 : i32
    %c0_i32_1 = arith.constant 0 : i32
    return %c0_i32, %c0_i32_0 : i32, i32
  }
  func.func @transform_18(%arg0: i32) -> (i32, i32) {
    %c0_i32 = arith.constant 0 : i32
    %c0_i32_0 = arith.constant 0 : i32
    return %arg0, %c0_i32 : i32, i32
  }
}

</mosaic_0001>

<sc_bundles>
// kernel: kernel.15.cloned.1.call-start
scs
__scs_entry_jumppad:
0x0: {  	(pc) =	sbr.rel $0x88, $3  }
0x1: {  	(tag) =	ssettag $0x0;
	lr =	simm.s32 $0x1  }
0x2: {  	[smem:$0x3F3C] =	sst lr;
	_ =	strace $0xD0000000  }
0x3: {  	_ = 	snop  }
0x4: {  	_ = 	snop  }
0x5: {  	_ = 	snop  }
0x6: {  	_ = 	snop  }
0x7: {  	_ = 	snop  }
__scs_overlays_trampoline_lowered:
0x8: {  	[smem:$0x3F4B] =	sst s0  }
0x9: {  	[smem:$0x3F4C] =	sst s1  }
0xa: {  	[smem:$0x3F4D] =	sst s2  }
0xb: {  	[smem:$0x3F4E] =	sst s3  }
0xc: {  	[smem:$0x3F4F] =	sst s4  }
0xd: {  	[smem:$0x3F50] =	sst s5  }
0xe: {  	[smem:$0x3F51] =	sst s6  }
0xf: {  	[smem:$0x3F52] =	sst s7  }
0x10: {  	[smem:$0x3F53] =	sst s8  }
0x11: {  	[smem:$0x3F54] =	sst s9;
	s0 =	simm.s32 @!p0 $0x0  }
0x12: {  	s1 =	sld [smem:$0x3F3A];
	s0 =	simm.s32 @p0 $0x1  }
0x13: {  	[smem:$0x3F55] =	sst s0;
	s0 =	simm.s32 @!p1 $0x0  }
0x14: {  	s2 =	sld [smem:$0x3F39];
	s0 =	simm.s32 @p1 $0x1  }
0x15: {  	[smem:$0x3F56] =	sst s0;
	s0 =	simm.s32 @!p2 $0x0  }
0x16: {  	s3 =	sld [smem:$0x3FDB];
	s0 =	simm.s32 @p2 $0x1  }
0x17: {  	s4 =	simm.s32 $0x1BF5;
	[smem:$0x3F58] =	sst s0  }
0x18: {  	s0 =	sld [smem:$0x3F3B];
	_ =	swait.ge [sflag:s4], $0x0  }
0x19: {  	s7 =	sld [smem:$0x3F3C]  }
0x1a: {  	s8 =	sadd.s32 $0xFFFFE003, lr  }
0x1b: {  	s9 =	sadd.s32 $0xFFFFFEF7, lr;
	s5 =	simm.s32 $0xFFFFFFFF;
	p2 =	slt.u32 s8, $0xFFFFF086  }
0x1c: {  	p1 =	slt.u32 s9, $0xF7A;
	s5 =	simm.s32 @!p2 $0x0  }
0x1d: {  	s5 =	simm.s32 @p1 $0x1;
	p0 =	seq.s32 s7, s2  }
0x1e: {  	s7 =	smul.u32 @!p0 $0xF7A, s2;
	p2 =	seq.s32 @!p0 s5, $0x0  }
0x1f: {  	s9 =	smul.u32 $0xF7A, s1;
	s8 =	simm.s32 @!p0 $0x1BF5;
	p2 =	por !p2, p0  }
0x20: {  	[sflag:s8] =	ssyncset.s32 @!p0 $0xFFFFF086;
	s6 =	sadd.s32 @!p0 s3, s7;
	s7 =	simm.s32 @!p0 $0x108  }
0x21: {  	s3 =	sadd.s32 s3, s9;
	s6 =	sadd.s32 @!p0 $0x88, s6;
	s7 =	simm.s32 @p2 $0x1082  }
0x22: {  	[simem:s7], [sflag:s8] =	dma.local @!p0 [hbm:s6], $0xF7A  }
0x23: {  	s9 =	sor.u32 $0xD0000000, s2;
	s6 =	simm.s32 $0x108;
	_ =	swait.ge @!p0 [sflag:s8], $0x0  }
0x24: {  	s3 =	sadd.s32 $0x88, s3;
	s6 =	simm.s32 @!p1 $0x1082;
	[sflag:s4] =	ssyncset.s32 $0xFFFFF086  }
0x25: {  	[simem:s6], [sflag:s4] =	dma.local [hbm:s3], $0xF7A  }
0x26: {  	[smem:$0x3F3C] =	sst s1;
	(tag) =	ssettag s2;
	_ =	strace s9  }
0x27: {  	s1 =	sld [smem:$0x3F4C]  }
0x28: {  	s2 =	sld [smem:$0x3F4D]  }
0x29: {  	s4 =	sld [smem:$0x3F4F]  }
0x2a: {  	p0 =	seq.s32 s5, $0x0;
	s5 =	sld [smem:$0x3F50]  }
0x2b: {  	s6 =	sld [smem:$0x3F51]  }
0x2c: {  	s7 =	sld [smem:$0x3F52]  }
0x2d: {  	s3 =	simm.s32 $0x108;
	s8 =	sld [smem:$0x3F53]  }
0x2e: {  	s3 =	simm.s32 @!p0 $0x1082;
	s9 =	sld [smem:$0x3F54]  }
0x2f: {  	lr =	sadd.s32 s0, s3;
	s0 =	sld [smem:$0x3F4B]  }
0x30: {  	s3 =	sld [smem:$0x3F4E]  }
0x31: {  	[smem:$0x3F57] =	sst s10  }
0x32: {  	s10 =	sld [smem:$0x3F55];
	_ =	sdelay $0x3  }
0x33: {  	p0 =	seq.s32 s10, $0x1;
	s10 =	sld [smem:$0x3F57];
	_ =	sdelay $0x3  }
0x34: {  	[smem:$0x3F57] =	sst s10  }
0x35: {  	s10 =	sld [smem:$0x3F56];
	_ =	sdelay $0x3  }
0x36: {  	p1 =	seq.s32 s10, $0x1;
	s10 =	sld [smem:$0x3F57];
	_ =	sdelay $0x3  }
0x37: {  	[smem:$0x3F57] =	sst s10  }
0x38: {  	s10 =	sld [smem:$0x3F58]  }
0x39: {  	_ = 	snop;
	(pc) =	sbr.ind lr, $3  }
0x3a: {  	_ = 	snop  }
0x3b: {  	_ = 	snop  }
0x3c: {  	p2 =	seq.s32 s10, $0x1;
	s10 =	sld [smem:$0x3F57]  }
0x3d: {  	_ =	shalt  }
0x3e: {  	_ =	shalt  }
0x3f: {  	_ =	shalt  }
0x40: {  	_ =	shalt  }
0x41: {  	_ =	shalt  }
0x42: {  	_ =	shalt  }
0x43: {  	_ =	shalt  }
0x44: {  	_ =	shalt  }
0x45: {  	_ =	shalt  }
0x46: {  	_ =	shalt  }
0x47: {  	_ =	shalt  }
0x48: {  	_ =	shalt  }
0x49: {  	_ =	shalt  }
0x4a: {  	_ =	shalt  }
0x4b: {  	_ =	shalt  }
0x4c: {  	_ =	shalt  }
0x4d: {  	_ =	shalt  }
0x4e: {  	_ =	shalt  }
0x4f: {  	_ =	shalt  }
0x50: {  	_ =	shalt  }
0x51: {  	_ =	shalt  }
0x52: {  	_ =	shalt  }
0x53: {  	_ =	shalt  }
0x54: {  	_ =	shalt  }
0x55: {  	_ =	shalt  }
0x56: {  	_ =	shalt  }
0x57: {  	_ =	shalt  }
0x58: {  	_ =	shalt  }
0x59: {  	_ =	shalt  }
0x5a: {  	_ =	shalt  }
0x5b: {  	_ =	shalt  }
0x5c: {  	_ =	shalt  }
0x5d: {  	_ =	shalt  }
0x5e: {  	_ =	shalt  }
0x5f: {  	_ =	shalt  }
0x60: {  	_ =	shalt  }
0x61: {  	_ =	shalt  }
0x62: {  	_ =	shalt  }
0x63: {  	_ =	shalt  }
0x64: {  	_ =	shalt  }
0x65: {  	_ =	shalt  }
0x66: {  	_ =	shalt  }
0x67: {  	_ =	shalt  }
0x68: {  	_ =	shalt  }
0x69: {  	_ =	shalt  }
0x6a: {  	_ =	shalt  }
0x6b: {  	_ =	shalt  }
0x6c: {  	_ =	shalt  }
0x6d: {  	_ =	shalt  }
0x6e: {  	_ =	shalt  }
0x6f: {  	_ =	shalt  }
0x70: {  	_ =	shalt  }
0x71: {  	_ =	shalt  }
0x72: {  	_ =	shalt  }
0x73: {  	_ =	shalt  }
0x74: {  	_ =	shalt  }
0x75: {  	_ =	shalt  }
0x76: {  	_ =	shalt  }
0x77: {  	_ =	shalt  }
0x78: {  	_ =	shalt  }
0x79: {  	_ =	shalt  }
0x7a: {  	_ =	shalt  }
0x7b: {  	_ =	shalt  }
0x7c: {  	_ =	shalt  }
0x7d: {  	_ =	shalt  }
0x7e: {  	_ =	shalt  }
0x7f: {  	_ =	shalt  }
0x80: {  	_ =	shalt  }
0x81: {  	_ =	shalt  }
0x82: {  	_ =	shalt  }
0x83: {  	_ =	shalt  }
0x84: {  	_ =	shalt  }
0x85: {  	_ =	shalt  }
0x86: {  	_ =	shalt  }
0x87: {  	_ =	shalt  }
.Lfunc_end0:
.L_simem_size_0:
called_computation_lowered:
.L_overlay_start_0:
0x88: {  	s2 =	sld [smem:$0x3FD9]  }
0x89: {  	s3 =	sld [smem:$0x3FFE];
	_ =	sdelay $0x1  }
0x8a: {  	s1 =	srdreg.scid  }
0x8b: {  	s0 =	sand.u32 $0x1, s1  }
0x8c: {  	s16 =	sshll.u32 s0, $0xA;
	s2 =	sadd.s32 s3, s2  }
0x8d: {  	s2 =	sadd.s32 s2, s16  }
0x8e: {  	[smem:$0x3F63] =	sst s2  }
0x8f: {  	_ = 	snop  }
0x90: {  	(tm) =	ssettm $0x1  }
0x91: {  	s17 =	sld [smem:$0x3FFB];
	_ =	sdelay $0x3  }
0x92: {  	_ =	strace s17  }
0x93: {  	s2 =	sld [smem:$0x3FFC];
	_ =	sdelay $0x3  }
0x94: {  	_ =	strace s2  }
0x95: {  	s2 =	sld [smem:$0x3FFD];
	_ =	sdelay $0x3  }
0x96: {  	_ =	strace s2  }
0x97: {  	_ =	strace $0x8FFFFFFF  }
0x98: {  	s18 =	sld [smem:$0x3FDB];
	_ =	sdelay $0x1  }
0x99: {  	s19 =	simm.s32 $_scs_section_size  }
0x9a: {  	s4 =	simm.s32 $_size__tile_overlayer_lowered;
	s5 =	simm.s32 $_tile_overlayer_lowered  }
0x9b: {  	s22 =	simm.s32 $0x1BFF;
	s21 =	sshll.u32 s5, $0x1;
	s2 =	sadd.s32 s19, s18  }
0x9c: {  	s6 =	simm.s32 $0x0;
	s20 =	sshll.u32 s4, $0x1;
	s4 =	sadd.s32 s21, s2  }
0x9d: {  	[timem:s6], [sflag:s22] =	dma.local [hbm:s4], s20  }
0x9e: {  	_ =	swait.ge [sflag:s22], s20  }
0x9f: {  	s3 =	ssub.s32 $0x0, s20;
	[sflag:s22] =	ssyncset.done $0x0  }
0xa0: {  	[sflag:s22] =	ssyncadd.s32 s3;
	_ =	sdelay $0x1  }
0xa1: {  	s23 =	simm.s32 $0x1B8B  }
0xa2: {  	_ =	swait.ge [sflag:s23], $0x1  }
0xa3: {  	[sflag:s23] =	ssyncset.done $0x0  }
0xa4: {  	s25 =	simm.s32 $0x1B8E;
	s24 =	sld [smem:$0x3FFE];
	[sflag:s23] =	ssyncadd.s32 $0xFFFFFFFF  }
0xa5: {  	s26 =	simm.s32 $execute0_lowered;
	[smem:$0x3FD2] =	sst s25  }
0xa6: {  	s4 =	sshll.u32 s26, $0x1;
	_ =	strace $0x80000046;
	[dreg:$0x1] =	wrdreg $0xFFFFFFFF  }
0xa7: {  	s28 =	simm.s32 $_size_execute0_lowered;
	s2 =	sadd.s32 s2, s4;
	[dreg:$0x0] =	wrdreg $0x0  }
0xa8: {  	s4 =	sshll.u32 s28, $0x1;
	[dreg:$0x2] =	wrdreg s2  }
0xa9: {  	[dreg:$0x3] =	wrdreg s4  }
0xaa: {  	[dreg:$0x4] =	wrdreg $0xC0  }
0xab: {  	_ =	task [dreg:s6], $0x5FFFF  }
0xac: {  	[dreg:$0x1] =	wrdreg $0xFFFFFFFF  }
0xad: {  	[dreg:$0x0] =	wrdreg $0x60  }
0xae: {  	[dreg:$0x2] =	wrdreg s24  }
0xaf: {  	[dreg:$0x3] =	wrdreg $0x9  }
0xb0: {  	_ =	task.clear_ibuf [dreg:s6], $0x4FFFF;
	_ =	strace $0x90000046  }
0xb1: {  	s29 =	simm.s32 $0x9;
	_ =	strace $0x80000048  }
0xb2: {  	_ =	swait.ge [sflag:s29], $0x1  }
0xb3: {  	[sflag:s29] =	ssyncadd.s32 $0xFFFFFFFF  }
0xb4: {  	_ =	strace $0x90000048  }
0xb5: {  	_ =	sfence  }
0xb6: {  	s30 =	sld [smem:$0x0];
	_ =	sdelay $0x2  }
0xb7: {  	s31 =	sshll.u32 s1, $0xD;
	s1 =	sshrl.u32 s1, $0x2  }
0xb8: {  	s3 =	sand.u32 $0x4000, s31;
	s1 =	sadd.s32 s1, s30  }
0xb9: {  	s0 =	sor.u32 s3, s0;
	s1 =	sshll.u32 s1, $0x11  }
0xba: {  	s0 =	sor.u32 s1, s0  }
0xbb: {  	s0 =	sadd.s32 $0x8F2B, s0  }
0xbc: {  	[sflag:s0] =	ssyncadd.remote.s32 $0x1  }
0xbd: {  	_ =	sfence.sel $0xFFFF  }
0xbe: {  	[dreg:$0x0] =	wrdreg $0xFFFFFFFF;
	(pc) =	sbr.abs _section_cstart, $3  }
0xbf: {  	[dreg:$0x1] =	wrdreg $0xFFFFFFFF  }
0xc0: {  	_ =	task.clear_ibuf [dreg:s6], $0x2FFFF;
	_ =	strace $0x9FFFFFFF  }
0xc1: {  	(tm) =	ssettm $0x7FFFFFFF  }
tec
execute0_lowered:
.L_overlay_start_1:
0x0: {  	(tag) =	ssettag $0x1  }
0x1: {  	s1 =	srdreg.scid  }
0x2: {  	s0 =	stileid.u32;
	s5 =	rddreg [dreg:$0x0];
	s2 =	simm.s32 $0x0  }
0x3: {  	s11 =	simm.s32 $0x80;
	s12 =	simm.s32 $0x100;
	s13 =	simm.s32 $0x4100  }
0x4: {  	s14 =	simm.s32 $0x1;
	s15 =	simm.s32 $0x2;
	s4 =	smul.u32 $0x2800, s0  }
0x5: {  	s3 =	sand.u32 $0x1, s1;
	s1 =	rddreg [dreg:$0x1];
	s29 =	smul.u32 $0x28000, s0  }
0x6: {  	s16 =	simm.s32 $0x0;
	[smem:$0x7FF] =	sst s2;
	s6 =	smul.u32 $0x1400, s3  }
0x7: {  	_ =	strace $0x80000047;
	s7 =	ssub.s32 $0x2, s3;
	s8 =	smul.u32 $0x14000, s3  }
0x8: {  	s3 =	sadd.s32 $0x13000, s5;
	s10 =	sshrl.u32 s7, $0x1;
	s4 =	sadd.s32 s6, s4  }
0x9: {  	s6 =	sadd.s32 s29, s5;
	s30 =	ssub.s32 s7, s10;
	s4 =	sshrl.u32 s4, $0x3  }
0xa: {  	s10 =	simm.s32 $0x3;
	s31 =	sadd.s32 s8, s6;
	s9 =	sadd.s32 s4, s5  }
0xb: {  	s4 =	sadd.s32 $0x45000, s5;
	s5 =	smax.u32 s30, $0x1;
	s6 =	sadd.s32 $0xBD000, s31  }
0xc: {  	s7 =	sadd.s32 $0x33D000, s31;
	s8 =	sadd.s32 $0x3B000, s9;
	s9 =	sadd.s32 $0x40000, s9  }
.LBB2_1:
0xd: {  	s17 =	sadd.s32 $0x0, s9  }
0xe: {  	[tilespmem:s2], [sflag:$0x3] =	stream.linear.gather [hbm4b:s17+s2], $0x80, $0x38;
	[tilespmem:$0x8100] =	vst v63  }
0xf: {  	_ =	swait.ge [sflag:s10], $0x80  }
0x10: {  	[sflag:s10] =	ssyncset.done $0x0  }
0x11: {  	s31 =	sadd.s32 $0x0, s8;
	[sflag:s10] =	ssyncadd.s32 $0xFFFFFF80  }
0x12: {  	[tilespmem:s11], [sflag:$0x3] =	stream.linear.gather [hbm4b:s31+s2], $0x80, $0x38;
	[tilespmem:$0x8100] =	vst v63  }
0x13: {  	_ =	swait.ge [sflag:s10], $0x80  }
0x14: {  	[sflag:s10] =	ssyncset.done $0x0  }
0x15: {  	[sflag:s10] =	ssyncadd.s32 $0xFFFFFF80  }
0x16: {  	[tilespmem:s12], [sflag:$0x1] =	stream.indirect.gather [hbm4b:s3+s11], $0x80, s2, s11, $0xb8;
	[tilespmem:$0x8100] =	vst v63  }
0x17: {  	_ = 	snop  }
0x18: {  	[tilespmem:s13], [sflag:$0x2] =	stream.indirect.gather [hbm4b:s4+s11], $0x80, s11, s11, $0xb8;
	[tilespmem:$0x8100] =	vst v63  }
0x19: {  	_ =	swait.ge [sflag:s14], $0x4000  }
0x1a: {  	[sflag:s14] =	ssyncset.done $0x0  }
0x1b: {  	[sflag:s14] =	ssyncadd.s32 $0xFFFFC000  }
0x1c: {  	_ =	swait.ge [sflag:s15], $0x4000  }
0x1d: {  	[sflag:s15] =	ssyncset.done $0x0  }
0x1e: {  	[sflag:s15] =	ssyncadd.s32 $0xFFFFC000  }
0x1f: {  	[hbm4b:s6+s2] =	stream.linear.scatter [tilespmem:s12], [sflag:$0x3], $0x4000, $0x38;
	[tilespmem:$0x8100] =	vst v63  }
0x20: {  	_ =	swait.ge [sflag:s10], $0x4000  }
0x21: {  	[sflag:s10] =	ssyncset.done $0x0  }
0x22: {  	[sflag:s10] =	ssyncadd.s32 $0xFFFFC000  }
0x23: {  	[hbm4b:s7+s2] =	stream.linear.scatter [tilespmem:s13], [sflag:$0x3], $0x4000, $0x38;
	[tilespmem:$0x8100] =	vst v63  }
0x24: {  	s19 =	simm.s32 $0x10;
	s20 =	simm.s32 $0x20;
	_ =	swait.ge [sflag:s10], $0x4000  }
0x25: {  	s18 =	sadd.s32 $0x800, s6;
	s17 =	sadd.s32 $0x800, s7;
	[sflag:s10] =	ssyncset.done $0x0  }
.LBB2_2:
0x26: {  	s21 =	sadd.s32 s19, s9  }
0x27: {  	[sflag:s10] =	ssyncadd.s32 $0xFFFFC000;
	s22 =	smov.u32 s20;
	s23 =	sadd.s32 $0x10, s20  }
0x28: {  	[tilespmem:s2], [sflag:$0x3] =	stream.linear.gather [hbm4b:s21+s2], $0x80, $0x38;
	[tilespmem:$0x8100] =	vst v63  }
0x29: {  	p0 =	sne.s32 s20, $0x270;
	_ =	swait.ge [sflag:s10], $0x80  }
0x2a: {  	[sflag:s10] =	ssyncset.done $0x0  }
0x2b: {  	s20 =	sadd.s32 s19, s8;
	s19 =	smov.u32 s22;
	[sflag:s10] =	ssyncadd.s32 $0xFFFFFF80  }
0x2c: {  	[tilespmem:s11], [sflag:$0x3] =	stream.linear.gather [hbm4b:s20+s2], $0x80, $0x38;
	[tilespmem:$0x8100] =	vst v63  }
0x2d: {  	_ =	swait.ge [sflag:s10], $0x80  }
0x2e: {  	[sflag:s10] =	ssyncset.done $0x0  }
0x2f: {  	[sflag:s10] =	ssyncadd.s32 $0xFFFFFF80  }
0x30: {  	[tilespmem:s12], [sflag:$0x1] =	stream.indirect.gather [hbm4b:s3+s11], $0x80, s2, s11, $0xb8;
	[tilespmem:$0x8100] =	vst v63  }
0x31: {  	_ = 	snop  }
0x32: {  	[tilespmem:s13], [sflag:$0x2] =	stream.indirect.gather [hbm4b:s4+s11], $0x80, s11, s11, $0xb8;
	[tilespmem:$0x8100] =	vst v63  }
0x33: {  	_ =	swait.ge [sflag:s14], $0x4000  }
0x34: {  	[sflag:s14] =	ssyncset.done $0x0  }
0x35: {  	[sflag:s14] =	ssyncadd.s32 $0xFFFFC000  }
0x36: {  	_ =	swait.ge [sflag:s15], $0x4000  }
0x37: {  	[sflag:s15] =	ssyncset.done $0x0  }
0x38: {  	[sflag:s15] =	ssyncadd.s32 $0xFFFFC000  }
0x39: {  	[hbm4b:s18+s2] =	stream.linear.scatter [tilespmem:s12], [sflag:$0x3], $0x4000, $0x38;
	[tilespmem:$0x8100] =	vst v63  }
0x3a: {  	_ =	swait.ge [sflag:s10], $0x4000  }
.Ltmp0:
0x3b: {  	[sflag:s10] =	ssyncset.done $0x0;
	(pc) =	sbr.rel @p0 .LBB2_2-.Ltmp0, $4  }
0x3c: {  	[sflag:s10] =	ssyncadd.s32 $0xFFFFC000  }
0x3d: {  	[hbm4b:s17+s2] =	stream.linear.scatter [tilespmem:s13], [sflag:$0x3], $0x4000, $0x38;
	[tilespmem:$0x8100] =	vst v63  }
0x3e: {  	s20 =	smov.u32 s23;
	_ =	swait.ge [sflag:s10], $0x4000  }
0x3f: {  	s18 =	sadd.s32 $0x800, s18;
	s17 =	sadd.s32 $0x800, s17;
	[sflag:s10] =	ssyncset.done $0x0  }
0x40: {  	s20 =	sadd.s32 s19, s9;
	[sflag:s10] =	ssyncadd.s32 $0xFFFFC000  }
0x41: {  	[tilespmem:s2], [sflag:$0x3] =	stream.linear.gather [hbm4b:s20+s2], $0x80, $0x38;
	[tilespmem:$0x8100] =	vst v63  }
0x42: {  	_ =	swait.ge [sflag:s10], $0x80  }
0x43: {  	[sflag:s10] =	ssyncset.done $0x0  }
0x44: {  	s31 =	sadd.s32 s19, s8;
	[sflag:s10] =	ssyncadd.s32 $0xFFFFFF80  }
0x45: {  	[tilespmem:s11], [sflag:$0x3] =	stream.linear.gather [hbm4b:s31+s2], $0x80, $0x38;
	[tilespmem:$0x8100] =	vst v63  }
0x46: {  	_ =	swait.ge [sflag:s10], $0x80  }
0x47: {  	[sflag:s10] =	ssyncset.done $0x0  }
0x48: {  	[sflag:s10] =	ssyncadd.s32 $0xFFFFFF80  }
0x49: {  	[tilespmem:s12], [sflag:$0x1] =	stream.indirect.gather [hbm4b:s3+s11], $0x80, s2, s11, $0xb8;
	[tilespmem:$0x8100] =	vst v63  }
0x4a: {  	_ = 	snop  }
0x4b: {  	[tilespmem:s13], [sflag:$0x2] =	stream.indirect.gather [hbm4b:s4+s11], $0x80, s11, s11, $0xb8;
	[tilespmem:$0x8100] =	vst v63  }
0x4c: {  	_ =	swait.ge [sflag:s14], $0x4000  }
0x4d: {  	[sflag:s14] =	ssyncset.done $0x0  }
0x4e: {  	[sflag:s14] =	ssyncadd.s32 $0xFFFFC000  }
0x4f: {  	_ =	swait.ge [sflag:s15], $0x4000  }
0x50: {  	[sflag:s15] =	ssyncset.done $0x0  }
0x51: {  	[sflag:s15] =	ssyncadd.s32 $0xFFFFC000  }
0x52: {  	[hbm4b:s18+s2] =	stream.linear.scatter [tilespmem:s12], [sflag:$0x3], $0x4000, $0x38;
	[tilespmem:$0x8100] =	vst v63  }
0x53: {  	s16 =	sadd.s32 $0x1, s16;
	_ =	swait.ge [sflag:s10], $0x4000  }
0x54: {  	p0 =	sne.s32 s16, s5;
	[sflag:s10] =	ssyncset.done $0x0  }
.Ltmp1:
0x55: {  	[sflag:s10] =	ssyncadd.s32 $0xFFFFC000;
	(pc) =	sbr.rel @p0 .LBB2_1-.Ltmp1, $4  }
0x56: {  	[hbm4b:s17+s2] =	stream.linear.scatter [tilespmem:s13], [sflag:$0x3], $0x4000, $0x38;
	[tilespmem:$0x8100] =	vst v63  }
0x57: {  	_ =	swait.ge [sflag:s10], $0x4000  }
0x58: {  	[sflag:s10] =	ssyncset.done $0x0  }
0x59: {  	[sflag:s10] =	ssyncadd.s32 $0xFFFFC000  }
0x5a: {  	_ =	sfence.sel $0x180000  }
0x5b: {  	[bflag:$0x0] =	sbarrier.arrive $0xFFFF  }
0x5c: {  	p0 =	sne.s32 s0, $0x0;
	_ =	strace $0x90000047  }
0x5d: {  	s0 =	sadd.s32 @!p0 $0x100000, s1;
	[bflag:$0x2] =	sbarrier.arrive $0xFFFF  }
0x5e: {  	[sflag:s0] =	ssyncadd.tile.s32 @!p0 $0x1;
	_ =	shalt  }
.Lfunc_end2:
_tile_overlayer_lowered:
.L_overlay_start_2:
0x5f: {  	(tag) =	ssettag $0x2  }
0x60: {  	s0 =	rddreg [dreg:$0x0];
	s2 =	stileid.u32  }
0x61: {  	s1 =	rddreg [dreg:$0x1];
	p0 =	sne.s32 s2, $0x0  }
0x62: {  	s3 =	rddreg [dreg:$0x2];
	[bflag:$0x3] =	sbarrier.arrive $0xFFFF;
	s2 =	simm.s32 @!p0 $0x1C03  }
0x63: {  	[timem:s3], [sflag:s2] =	dma.local @!p0 [hbm:s0], s1  }
0x64: {  	s0 =	simm.s32 @!p0 $0x3  }
0x65: {  	_ =	swait.ge @!p0 [sflag:s0], s1  }
0x66: {  	s1 =	ssub.s32 @!p0 $0x0, s1;
	[sflag:s0] =	ssyncset.done @!p0 $0x0  }
0x67: {  	[sflag:s0] =	ssyncadd.s32 @!p0 s1  }
0x68: {  	[bflag:$0x3] =	sbarrier.arrive $0xFFFF  }
0x69: {  	_ =	shalt  }

// kernel: kernel.18.cloned.1.call-start
scs
__scs_entry_jumppad:
0x0: {  	(pc) =	sbr.rel $0x88, $3  }
0x1: {  	(tag) =	ssettag $0x0;
	lr =	simm.s32 $0x1  }
0x2: {  	[smem:$0x3F3C] =	sst lr;
	_ =	strace $0xD0000000  }
0x3: {  	_ = 	snop  }
0x4: {  	_ = 	snop  }
0x5: {  	_ = 	snop  }
0x6: {  	_ = 	snop  }
0x7: {  	_ = 	snop  }
__scs_overlays_trampoline_lowered:
0x8: {  	[smem:$0x3F4B] =	sst s0  }
0x9: {  	[smem:$0x3F4C] =	sst s1  }
0xa: {  	[smem:$0x3F4D] =	sst s2  }
0xb: {  	[smem:$0x3F4E] =	sst s3  }
0xc: {  	[smem:$0x3F4F] =	sst s4  }
0xd: {  	[smem:$0x3F50] =	sst s5  }
0xe: {  	[smem:$0x3F51] =	sst s6  }
0xf: {  	[smem:$0x3F52] =	sst s7  }
0x10: {  	[smem:$0x3F53] =	sst s8  }
0x11: {  	[smem:$0x3F54] =	sst s9;
	s0 =	simm.s32 @!p0 $0x0  }
0x12: {  	s1 =	sld [smem:$0x3F3A];
	s0 =	simm.s32 @p0 $0x1  }
0x13: {  	[smem:$0x3F55] =	sst s0;
	s0 =	simm.s32 @!p1 $0x0  }
0x14: {  	s2 =	sld [smem:$0x3F39];
	s0 =	simm.s32 @p1 $0x1  }
0x15: {  	[smem:$0x3F56] =	sst s0;
	s0 =	simm.s32 @!p2 $0x0  }
0x16: {  	s3 =	sld [smem:$0x3FDB];
	s0 =	simm.s32 @p2 $0x1  }
0x17: {  	s4 =	simm.s32 $0x1BF5;
	[smem:$0x3F58] =	sst s0  }
0x18: {  	s0 =	sld [smem:$0x3F3B];
	_ =	swait.ge [sflag:s4], $0x0  }
0x19: {  	s7 =	sld [smem:$0x3F3C]  }
0x1a: {  	s8 =	sadd.s32 $0xFFFFE003, lr  }
0x1b: {  	s9 =	sadd.s32 $0xFFFFFEF7, lr;
	s5 =	simm.s32 $0xFFFFFFFF;
	p2 =	slt.u32 s8, $0xFFFFF086  }
0x1c: {  	p1 =	slt.u32 s9, $0xF7A;
	s5 =	simm.s32 @!p2 $0x0  }
0x1d: {  	s5 =	simm.s32 @p1 $0x1;
	p0 =	seq.s32 s7, s2  }
0x1e: {  	s7 =	smul.u32 @!p0 $0xF7A, s2;
	p2 =	seq.s32 @!p0 s5, $0x0  }
0x1f: {  	s9 =	smul.u32 $0xF7A, s1;
	s8 =	simm.s32 @!p0 $0x1BF5;
	p2 =	por !p2, p0  }
0x20: {  	[sflag:s8] =	ssyncset.s32 @!p0 $0xFFFFF086;
	s6 =	sadd.s32 @!p0 s3, s7;
	s7 =	simm.s32 @!p0 $0x108  }
0x21: {  	s3 =	sadd.s32 s3, s9;
	s6 =	sadd.s32 @!p0 $0x88, s6;
	s7 =	simm.s32 @p2 $0x1082  }
0x22: {  	[simem:s7], [sflag:s8] =	dma.local @!p0 [hbm:s6], $0xF7A  }
0x23: {  	s9 =	sor.u32 $0xD0000000, s2;
	s6 =	simm.s32 $0x108;
	_ =	swait.ge @!p0 [sflag:s8], $0x0  }
0x24: {  	s3 =	sadd.s32 $0x88, s3;
	s6 =	simm.s32 @!p1 $0x1082;
	[sflag:s4] =	ssyncset.s32 $0xFFFFF086  }
0x25: {  	[simem:s6], [sflag:s4] =	dma.local [hbm:s3], $0xF7A  }
0x26: {  	[smem:$0x3F3C] =	sst s1;
	(tag) =	ssettag s2;
	_ =	strace s9  }
0x27: {  	s1 =	sld [smem:$0x3F4C]  }
0x28: {  	s2 =	sld [smem:$0x3F4D]  }
0x29: {  	s4 =	sld [smem:$0x3F4F]  }
0x2a: {  	p0 =	seq.s32 s5, $0x0;
	s5 =	sld [smem:$0x3F50]  }
0x2b: {  	s6 =	sld [smem:$0x3F51]  }
0x2c: {  	s7 =	sld [smem:$0x3F52]  }
0x2d: {  	s3 =	simm.s32 $0x108;
	s8 =	sld [smem:$0x3F53]  }
0x2e: {  	s3 =	simm.s32 @!p0 $0x1082;
	s9 =	sld [smem:$0x3F54]  }
0x2f: {  	lr =	sadd.s32 s0, s3;
	s0 =	sld [smem:$0x3F4B]  }
0x30: {  	s3 =	sld [smem:$0x3F4E]  }
0x31: {  	[smem:$0x3F57] =	sst s10  }
0x32: {  	s10 =	sld [smem:$0x3F55];
	_ =	sdelay $0x3  }
0x33: {  	p0 =	seq.s32 s10, $0x1;
	s10 =	sld [smem:$0x3F57];
	_ =	sdelay $0x3  }
0x34: {  	[smem:$0x3F57] =	sst s10  }
0x35: {  	s10 =	sld [smem:$0x3F56];
	_ =	sdelay $0x3  }
0x36: {  	p1 =	seq.s32 s10, $0x1;
	s10 =	sld [smem:$0x3F57];
	_ =	sdelay $0x3  }
0x37: {  	[smem:$0x3F57] =	sst s10  }
0x38: {  	s10 =	sld [smem:$0x3F58]  }
0x39: {  	_ = 	snop;
	(pc) =	sbr.ind lr, $3  }
0x3a: {  	_ = 	snop  }
0x3b: {  	_ = 	snop  }
0x3c: {  	p2 =	seq.s32 s10, $0x1;
	s10 =	sld [smem:$0x3F57]  }
0x3d: {  	_ =	shalt  }
0x3e: {  	_ =	shalt  }
0x3f: {  	_ =	shalt  }
0x40: {  	_ =	shalt  }
0x41: {  	_ =	shalt  }
0x42: {  	_ =	shalt  }
0x43: {  	_ =	shalt  }
0x44: {  	_ =	shalt  }
0x45: {  	_ =	shalt  }
0x46: {  	_ =	shalt  }
0x47: {  	_ =	shalt  }
0x48: {  	_ =	shalt  }
0x49: {  	_ =	shalt  }
0x4a: {  	_ =	shalt  }
0x4b: {  	_ =	shalt  }
0x4c: {  	_ =	shalt  }
0x4d: {  	_ =	shalt  }
0x4e: {  	_ =	shalt  }
0x4f: {  	_ =	shalt  }
0x50: {  	_ =	shalt  }
0x51: {  	_ =	shalt  }
0x52: {  	_ =	shalt  }
0x53: {  	_ =	shalt  }
0x54: {  	_ =	shalt  }
0x55: {  	_ =	shalt  }
0x56: {  	_ =	shalt  }
0x57: {  	_ =	shalt  }
0x58: {  	_ =	shalt  }
0x59: {  	_ =	shalt  }
0x5a: {  	_ =	shalt  }
0x5b: {  	_ =	shalt  }
0x5c: {  	_ =	shalt  }
0x5d: {  	_ =	shalt  }
0x5e: {  	_ =	shalt  }
0x5f: {  	_ =	shalt  }
0x60: {  	_ =	shalt  }
0x61: {  	_ =	shalt  }
0x62: {  	_ =	shalt  }
0x63: {  	_ =	shalt  }
0x64: {  	_ =	shalt  }
0x65: {  	_ =	shalt  }
0x66: {  	_ =	shalt  }
0x67: {  	_ =	shalt  }
0x68: {  	_ =	shalt  }
0x69: {  	_ =	shalt  }
0x6a: {  	_ =	shalt  }
0x6b: {  	_ =	shalt  }
0x6c: {  	_ =	shalt  }
0x6d: {  	_ =	shalt  }
0x6e: {  	_ =	shalt  }
0x6f: {  	_ =	shalt  }
0x70: {  	_ =	shalt  }
0x71: {  	_ =	shalt  }
0x72: {  	_ =	shalt  }
0x73: {  	_ =	shalt  }
0x74: {  	_ =	shalt  }
0x75: {  	_ =	shalt  }
0x76: {  	_ =	shalt  }
0x77: {  	_ =	shalt  }
0x78: {  	_ =	shalt  }
0x79: {  	_ =	shalt  }
0x7a: {  	_ =	shalt  }
0x7b: {  	_ =	shalt  }
0x7c: {  	_ =	shalt  }
0x7d: {  	_ =	shalt  }
0x7e: {  	_ =	shalt  }
0x7f: {  	_ =	shalt  }
0x80: {  	_ =	shalt  }
0x81: {  	_ =	shalt  }
0x82: {  	_ =	shalt  }
0x83: {  	_ =	shalt  }
0x84: {  	_ =	shalt  }
0x85: {  	_ =	shalt  }
0x86: {  	_ =	shalt  }
0x87: {  	_ =	shalt  }
.Lfunc_end0:
.L_simem_size_0:
called_computation.1_lowered:
.L_overlay_start_0:
0x88: {  	s2 =	sld [smem:$0x3FD9]  }
0x89: {  	s3 =	sld [smem:$0x3FFE];
	_ =	sdelay $0x1  }
0x8a: {  	s1 =	srdreg.scid  }
0x8b: {  	s0 =	sand.u32 $0x1, s1  }
0x8c: {  	s16 =	sshll.u32 s0, $0xA;
	s2 =	sadd.s32 s3, s2  }
0x8d: {  	s2 =	sadd.s32 s2, s16  }
0x8e: {  	[smem:$0x3F63] =	sst s2  }
0x8f: {  	_ = 	snop  }
0x90: {  	(tm) =	ssettm $0x1  }
0x91: {  	s17 =	sld [smem:$0x3FFB];
	_ =	sdelay $0x3  }
0x92: {  	_ =	strace s17  }
0x93: {  	s2 =	sld [smem:$0x3FFC];
	_ =	sdelay $0x3  }
0x94: {  	_ =	strace s2  }
0x95: {  	s2 =	sld [smem:$0x3FFD];
	_ =	sdelay $0x3  }
0x96: {  	_ =	strace s2  }
0x97: {  	_ =	strace $0x8FFFFFFF  }
0x98: {  	s18 =	sld [smem:$0x3FDB];
	_ =	sdelay $0x1  }
0x99: {  	s19 =	simm.s32 $_scs_section_size  }
0x9a: {  	s4 =	simm.s32 $_size__tile_overlayer_lowered;
	s5 =	simm.s32 $_tile_overlayer_lowered  }
0x9b: {  	s22 =	simm.s32 $0x1BFF;
	s21 =	sshll.u32 s5, $0x1;
	s2 =	sadd.s32 s19, s18  }
0x9c: {  	s6 =	simm.s32 $0x0;
	s20 =	sshll.u32 s4, $0x1;
	s4 =	sadd.s32 s21, s2  }
0x9d: {  	[timem:s6], [sflag:s22] =	dma.local [hbm:s4], s20  }
0x9e: {  	_ =	swait.ge [sflag:s22], s20  }
0x9f: {  	s3 =	ssub.s32 $0x0, s20;
	[sflag:s22] =	ssyncset.done $0x0  }
0xa0: {  	[sflag:s22] =	ssyncadd.s32 s3;
	_ =	sdelay $0x1  }
0xa1: {  	s23 =	simm.s32 $0x1B8B  }
0xa2: {  	_ =	swait.ge [sflag:s23], $0x1  }
0xa3: {  	[sflag:s23] =	ssyncset.done $0x0  }
0xa4: {  	s25 =	simm.s32 $0x1B8E;
	s24 =	sld [smem:$0x3FFE];
	[sflag:s23] =	ssyncadd.s32 $0xFFFFFFFF  }
0xa5: {  	s26 =	simm.s32 $execute0_lowered;
	[smem:$0x3FD2] =	sst s25  }
0xa6: {  	s4 =	sshll.u32 s26, $0x1;
	_ =	strace $0x80000049;
	[dreg:$0x1] =	wrdreg $0xFFFFFFFF  }
0xa7: {  	s28 =	simm.s32 $_size_execute0_lowered;
	s2 =	sadd.s32 s2, s4;
	[dreg:$0x0] =	wrdreg $0x0  }
0xa8: {  	s4 =	sshll.u32 s28, $0x1;
	[dreg:$0x2] =	wrdreg s2  }
0xa9: {  	[dreg:$0x3] =	wrdreg s4  }
0xaa: {  	[dreg:$0x4] =	wrdreg $0xC0  }
0xab: {  	_ =	task [dreg:s6], $0x5FFFF  }
0xac: {  	[dreg:$0x1] =	wrdreg $0xFFFFFFFF  }
0xad: {  	[dreg:$0x0] =	wrdreg $0x60  }
0xae: {  	[dreg:$0x2] =	wrdreg s24  }
0xaf: {  	[dreg:$0x3] =	wrdreg $0x40800  }
0xb0: {  	[dreg:$0x4] =	wrdreg $0x9  }
0xb1: {  	_ =	task.clear_ibuf [dreg:s6], $0x5FFFF;
	_ =	strace $0x90000049  }
0xb2: {  	s29 =	simm.s32 $0x9;
	_ =	strace $0x8000004B  }
0xb3: {  	_ =	swait.ge [sflag:s29], $0x1  }
0xb4: {  	[sflag:s29] =	ssyncadd.s32 $0xFFFFFFFF  }
0xb5: {  	_ =	strace $0x9000004B  }
0xb6: {  	_ =	sfence  }
0xb7: {  	s30 =	sld [smem:$0x0];
	_ =	sdelay $0x2  }
0xb8: {  	s31 =	sshll.u32 s1, $0xD;
	s1 =	sshrl.u32 s1, $0x2  }
0xb9: {  	s3 =	sand.u32 $0x4000, s31;
	s1 =	sadd.s32 s1, s30  }
0xba: {  	s0 =	sor.u32 s3, s0;
	s1 =	sshll.u32 s1, $0x11  }
0xbb: {  	s0 =	sor.u32 s1, s0  }
0xbc: {  	s0 =	sadd.s32 $0x8F2B, s0  }
0xbd: {  	[sflag:s0] =	ssyncadd.remote.s32 $0x1  }
0xbe: {  	_ =	sfence.sel $0xFFFF  }
0xbf: {  	[dreg:$0x0] =	wrdreg $0xFFFFFFFF;
	(pc) =	sbr.abs _section_cstart, $3  }
0xc0: {  	[dreg:$0x1] =	wrdreg $0xFFFFFFFF  }
0xc1: {  	_ =	task.clear_ibuf [dreg:s6], $0x2FFFF;
	_ =	strace $0x9FFFFFFF  }
0xc2: {  	(tm) =	ssettm $0x7FFFFFFF  }
0xc3: {  	_ =	shalt  }
tec
execute0_lowered:
.L_overlay_start_1:
0x0: {  	(tag) =	ssettag $0x1  }
0x1: {  	s0 =	stileid.u32  }
0x2: {  	s6 =	smul.u32 $0x2800, s0  }
0x3: {  	s1 =	srdreg.scid;
	s8 =	smul.u32 $0x28000, s0  }
0x4: {  	s4 =	rddreg [dreg:$0x0];
	s25 =	smul.u32 $0x14000, s0  }
0x5: {  	s2 =	rddreg [dreg:$0x1];
	s5 =	sand.u32 $0x1, s1;
	s12 =	smul.u32 $0x50000, s0  }
0x6: {  	s3 =	simm.s32 $0x0;
	s1 =	rddreg [dreg:$0x2];
	s7 =	smul.u32 $0x1400, s5  }
0x7: {  	[smem:$0x7FF] =	sst s3;
	s30 =	sshll.u32 s0, $0x6;
	s9 =	smul.u32 $0x140000, s5  }
0x8: {  	_ =	strace $0x8000004A;
	s28 =	ssub.s32 $0x2, s5;
	s31 =	smul.u32 $0x14000, s5  }
0x9: {  	s5 =	sor.u32 $0x1C01, s30;
	s8 =	sadd.s32 s8, s4;
	s26 =	sshrl.u32 s25, $0x3  }
0xa: {  	s11 =	sshrl.u32 s28, $0x1;
	s29 =	sshrl.u32 s12, $0x2;
	s12 =	simm.s32 $0x80  }
0xb: {  	s6 =	sadd.s32 s7, s6;
	s7 =	sadd.s32 s25, s9;
	s9 =	ssub.s32 s28, s11  }
0xc: {  	s13 =	sadd.s32 s29, s2;
	s8 =	sadd.s32 s31, s8;
	s11 =	simm.s32 $0x1  }
0xd: {  	s6 =	sshrl.u32 s6, $0x3;
	s7 =	sshrl.u32 s7, $0x3;
	s8 =	sadd.s32 $0x5BF000, s8  }
0xe: {  	s10 =	sadd.s32 s6, s4;
	s6 =	sadd.s32 s26, s4;
	s7 =	sadd.s32 s7, s4  }
0xf: {  	s4 =	sadd.s32 $0x13000, s6;
	s6 =	sadd.s32 $0x83F000, s7;
	s7 =	smax.u32 s9, $0x1  }
0x10: {  	s9 =	sadd.s32 $0x3B000, s10;
	s10 =	sshrl.u32 s13, $0x3;
	s13 =	simm.s32 $0x0  }
.LBB2_1:
0x11: {  	[spmem:s10], [sflag:s5] =	dma.local [hbm:s4], $0x2800  }
0x12: {  	_ =	swait.ge [sflag:s11], $0x2800  }
0x13: {  	[sflag:s11] =	ssyncset.done $0x0  }
0x14: {  	[sflag:s11] =	ssyncadd.s32 $0xFFFFD800  }
0x15: {  	s14 =	sadd.s32 $0x0, s9;
	[bflag:$0x0] =	sbarrier.arrive $0xFFFF  }
0x16: {  	[tilespmem:s3], [sflag:$0x1] =	stream.linear.gather [hbm4b:s14+s3], $0x80, $0x38;
	[tilespmem:$0x18080] =	vst v63  }
0x17: {  	_ =	swait.ge [sflag:s11], $0x80  }
0x18: {  	[sflag:s11] =	ssyncset.done $0x0  }
0x19: {  	[sflag:s11] =	ssyncadd.s32 $0xFFFFFF80  }
0x1a: {  	[tilespmem:s12], [sflag:$0x1] =	stream.linear.gather [hbm4b:s8+s3], $0x4000, $0x38;
	[tilespmem:$0x18080] =	vst v63  }
0x1b: {  	_ =	swait.ge [sflag:s11], $0x4000  }
0x1c: {  	[sflag:s11] =	ssyncset.done $0x0  }
0x1d: {  	[sflag:s11] =	ssyncadd.s32 $0xFFFFC000  }
0x1e: {  	[spmem:s2] =	stream.indirect.scatter.add.f32 [tilespmem:s12], [sflag:$0x1], $0x80, s3, s12, $0xb8;
	[tilespmem:$0x18080] =	vst v63  }
0x1f: {  	s15 =	simm.s32 $0x10;
	_ =	swait.ge [sflag:s11], $0x4000  }
0x20: {  	s16 =	simm.s32 $0x20;
	s14 =	sadd.s32 $0x800, s8;
	[sflag:s11] =	ssyncset.done $0x0  }
.LBB2_2:
0x21: {  	s17 =	sadd.s32 s15, s9  }
0x22: {  	[sflag:s11] =	ssyncadd.s32 $0xFFFFC000;
	s15 =	smov.u32 s16;
	s18 =	sadd.s32 $0x10, s16  }
0x23: {  	[tilespmem:s3], [sflag:$0x1] =	stream.linear.gather [hbm4b:s17+s3], $0x80, $0x38;
	[tilespmem:$0x18080] =	vst v63  }
0x24: {  	p0 =	sne.s32 s16, $0x270;
	_ =	swait.ge [sflag:s11], $0x80  }
0x25: {  	[sflag:s11] =	ssyncset.done $0x0  }
0x26: {  	[sflag:s11] =	ssyncadd.s32 $0xFFFFFF80  }
0x27: {  	[tilespmem:s12], [sflag:$0x1] =	stream.linear.gather [hbm4b:s14+s3], $0x4000, $0x38;
	[tilespmem:$0x18080] =	vst v63  }
0x28: {  	_ =	swait.ge [sflag:s11], $0x4000  }
.Ltmp0:
0x29: {  	[sflag:s11] =	ssyncset.done $0x0;
	(pc) =	sbr.rel @p0 .LBB2_2-.Ltmp0, $4  }
0x2a: {  	[sflag:s11] =	ssyncadd.s32 $0xFFFFC000  }
0x2b: {  	[spmem:s2] =	stream.indirect.scatter.add.f32 [tilespmem:s12], [sflag:$0x1], $0x80, s3, s12, $0xb8;
	[tilespmem:$0x18080] =	vst v63  }
0x2c: {  	_ =	swait.ge [sflag:s11], $0x4000  }
0x2d: {  	s16 =	smov.u32 s18;
	s14 =	sadd.s32 $0x800, s14;
	[sflag:s11] =	ssyncset.done $0x0  }
0x2e: {  	s15 =	sadd.s32 s15, s9;
	[sflag:s11] =	ssyncadd.s32 $0xFFFFC000  }
0x2f: {  	[tilespmem:s3], [sflag:$0x1] =	stream.linear.gather [hbm4b:s15+s3], $0x80, $0x38;
	[tilespmem:$0x18080] =	vst v63  }
0x30: {  	_ =	swait.ge [sflag:s11], $0x80  }
0x31: {  	[sflag:s11] =	ssyncset.done $0x0  }
0x32: {  	[sflag:s11] =	ssyncadd.s32 $0xFFFFFF80  }
0x33: {  	[tilespmem:s12], [sflag:$0x1] =	stream.linear.gather [hbm4b:s14+s3], $0x4000, $0x38;
	[tilespmem:$0x18080] =	vst v63  }
0x34: {  	_ =	swait.ge [sflag:s11], $0x4000  }
0x35: {  	[sflag:s11] =	ssyncset.done $0x0  }
0x36: {  	[sflag:s11] =	ssyncadd.s32 $0xFFFFC000  }
0x37: {  	[spmem:s2] =	stream.indirect.scatter.add.f32 [tilespmem:s12], [sflag:$0x1], $0x80, s3, s12, $0xb8;
	[tilespmem:$0x18080] =	vst v63  }
0x38: {  	_ =	swait.ge [sflag:s11], $0x4000  }
0x39: {  	s13 =	sadd.s32 $0x1, s13;
	[sflag:s11] =	ssyncset.done $0x0  }
0x3a: {  	p0 =	sne.s32 s13, s7;
	[sflag:s11] =	ssyncadd.s32 $0xFFFFC000  }
.Ltmp1:
0x3b: {  	[bflag:$0x0] =	sbarrier.arrive $0xFFFF;
	(pc) =	sbr.rel @p0 .LBB2_1-.Ltmp1, $4  }
0x3c: {  	[hbm:s6], [sflag:s5] =	dma.local [spmem:s10], $0x2800  }
0x3d: {  	_ =	swait.ge [sflag:s11], $0x2800  }
0x3e: {  	[sflag:s11] =	ssyncset.done $0x0  }
0x3f: {  	[sflag:s11] =	ssyncadd.s32 $0xFFFFD800  }
0x40: {  	_ =	sfence.sel $0x180000  }
0x41: {  	[bflag:$0x0] =	sbarrier.arrive $0xFFFF  }
0x42: {  	p0 =	sne.s32 s0, $0x0;
	_ =	strace $0x9000004A  }
0x43: {  	s0 =	sadd.s32 @!p0 $0x100000, s1;
	[bflag:$0x2] =	sbarrier.arrive $0xFFFF  }
0x44: {  	[sflag:s0] =	ssyncadd.tile.s32 @!p0 $0x1;
	_ =	shalt  }
.Lfunc_end2:
_tile_overlayer_lowered:
.L_overlay_start_2:
0x45: {  	(tag) =	ssettag $0x2  }
0x46: {  	s0 =	rddreg [dreg:$0x0];
	s2 =	stileid.u32  }
0x47: {  	s1 =	rddreg [dreg:$0x1];
	p0 =	sne.s32 s2, $0x0  }
0x48: {  	s3 =	rddreg [dreg:$0x2];
	[bflag:$0x3] =	sbarrier.arrive $0xFFFF;
	s2 =	simm.s32 @!p0 $0x1C01  }
0x49: {  	[timem:s3], [sflag:s2] =	dma.local @!p0 [hbm:s0], s1  }
0x4a: {  	s0 =	simm.s32 @!p0 $0x1  }
0x4b: {  	_ =	swait.ge @!p0 [sflag:s0], s1  }
0x4c: {  	s1 =	ssub.s32 @!p0 $0x0, s1;
	[sflag:s0] =	ssyncset.done @!p0 $0x0  }
0x4d: {  	[sflag:s0] =	ssyncadd.s32 @!p0 s1  }
0x4e: {  	[bflag:$0x3] =	sbarrier.arrive $0xFFFF  }
0x4f: {  	_ =	shalt  }

// kernel: kernel.21.cloned.1.call-start
scs
__scs_entry_jumppad:
0x0: {  	(pc) =	sbr.rel $0x88, $3  }
0x1: {  	(tag) =	ssettag $0x0;
	lr =	simm.s32 $0x1  }
0x2: {  	[smem:$0x3F3C] =	sst lr;
	_ =	strace $0xD0000000  }
0x3: {  	_ = 	snop  }
0x4: {  	_ = 	snop  }
0x5: {  	_ = 	snop  }
0x6: {  	_ = 	snop  }
0x7: {  	_ = 	snop  }
__scs_overlays_trampoline_lowered:
0x8: {  	[smem:$0x3F4B] =	sst s0  }
0x9: {  	[smem:$0x3F4C] =	sst s1  }
0xa: {  	[smem:$0x3F4D] =	sst s2  }
0xb: {  	[smem:$0x3F4E] =	sst s3  }
0xc: {  	[smem:$0x3F4F] =	sst s4  }
0xd: {  	[smem:$0x3F50] =	sst s5  }
0xe: {  	[smem:$0x3F51] =	sst s6  }
0xf: {  	[smem:$0x3F52] =	sst s7  }
0x10: {  	[smem:$0x3F53] =	sst s8  }
0x11: {  	[smem:$0x3F54] =	sst s9;
	s0 =	simm.s32 @!p0 $0x0  }
0x12: {  	s1 =	sld [smem:$0x3F3A];
	s0 =	simm.s32 @p0 $0x1  }
0x13: {  	[smem:$0x3F55] =	sst s0;
	s0 =	simm.s32 @!p1 $0x0  }
0x14: {  	s2 =	sld [smem:$0x3F39];
	s0 =	simm.s32 @p1 $0x1  }
0x15: {  	[smem:$0x3F56] =	sst s0;
	s0 =	simm.s32 @!p2 $0x0  }
0x16: {  	s3 =	sld [smem:$0x3FDB];
	s0 =	simm.s32 @p2 $0x1  }
0x17: {  	s4 =	simm.s32 $0x1BF5;
	[smem:$0x3F58] =	sst s0  }
0x18: {  	s0 =	sld [smem:$0x3F3B];
	_ =	swait.ge [sflag:s4], $0x0  }
0x19: {  	s7 =	sld [smem:$0x3F3C]  }
0x1a: {  	s8 =	sadd.s32 $0xFFFFE003, lr  }
0x1b: {  	s9 =	sadd.s32 $0xFFFFFEF7, lr;
	s5 =	simm.s32 $0xFFFFFFFF;
	p2 =	slt.u32 s8, $0xFFFFF086  }
0x1c: {  	p1 =	slt.u32 s9, $0xF7A;
	s5 =	simm.s32 @!p2 $0x0  }
0x1d: {  	s5 =	simm.s32 @p1 $0x1;
	p0 =	seq.s32 s7, s2  }
0x1e: {  	s7 =	smul.u32 @!p0 $0xF7A, s2;
	p2 =	seq.s32 @!p0 s5, $0x0  }
0x1f: {  	s9 =	smul.u32 $0xF7A, s1;
	s8 =	simm.s32 @!p0 $0x1BF5;
	p2 =	por !p2, p0  }
0x20: {  	[sflag:s8] =	ssyncset.s32 @!p0 $0xFFFFF086;
	s6 =	sadd.s32 @!p0 s3, s7;
	s7 =	simm.s32 @!p0 $0x108  }
0x21: {  	s3 =	sadd.s32 s3, s9;
	s6 =	sadd.s32 @!p0 $0x88, s6;
	s7 =	simm.s32 @p2 $0x1082  }
0x22: {  	[simem:s7], [sflag:s8] =	dma.local @!p0 [hbm:s6], $0xF7A  }
0x23: {  	s9 =	sor.u32 $0xD0000000, s2;
	s6 =	simm.s32 $0x108;
	_ =	swait.ge @!p0 [sflag:s8], $0x0  }
0x24: {  	s3 =	sadd.s32 $0x88, s3;
	s6 =	simm.s32 @!p1 $0x1082;
	[sflag:s4] =	ssyncset.s32 $0xFFFFF086  }
0x25: {  	[simem:s6], [sflag:s4] =	dma.local [hbm:s3], $0xF7A  }
0x26: {  	[smem:$0x3F3C] =	sst s1;
	(tag) =	ssettag s2;
	_ =	strace s9  }
0x27: {  	s1 =	sld [smem:$0x3F4C]  }
0x28: {  	s2 =	sld [smem:$0x3F4D]  }
0x29: {  	s4 =	sld [smem:$0x3F4F]  }
0x2a: {  	p0 =	seq.s32 s5, $0x0;
	s5 =	sld [smem:$0x3F50]  }
0x2b: {  	s6 =	sld [smem:$0x3F51]  }
0x2c: {  	s7 =	sld [smem:$0x3F52]  }
0x2d: {  	s3 =	simm.s32 $0x108;
	s8 =	sld [smem:$0x3F53]  }
0x2e: {  	s3 =	simm.s32 @!p0 $0x1082;
	s9 =	sld [smem:$0x3F54]  }
0x2f: {  	lr =	sadd.s32 s0, s3;
	s0 =	sld [smem:$0x3F4B]  }
0x30: {  	s3 =	sld [smem:$0x3F4E]  }
0x31: {  	[smem:$0x3F57] =	sst s10  }
0x32: {  	s10 =	sld [smem:$0x3F55];
	_ =	sdelay $0x3  }
0x33: {  	p0 =	seq.s32 s10, $0x1;
	s10 =	sld [smem:$0x3F57];
	_ =	sdelay $0x3  }
0x34: {  	[smem:$0x3F57] =	sst s10  }
0x35: {  	s10 =	sld [smem:$0x3F56];
	_ =	sdelay $0x3  }
0x36: {  	p1 =	seq.s32 s10, $0x1;
	s10 =	sld [smem:$0x3F57];
	_ =	sdelay $0x3  }
0x37: {  	[smem:$0x3F57] =	sst s10  }
0x38: {  	s10 =	sld [smem:$0x3F58]  }
0x39: {  	_ = 	snop;
	(pc) =	sbr.ind lr, $3  }
0x3a: {  	_ = 	snop  }
0x3b: {  	_ = 	snop  }
0x3c: {  	p2 =	seq.s32 s10, $0x1;
	s10 =	sld [smem:$0x3F57]  }
0x3d: {  	_ =	shalt  }
0x3e: {  	_ =	shalt  }
0x3f: {  	_ =	shalt  }
0x40: {  	_ =	shalt  }
0x41: {  	_ =	shalt  }
0x42: {  	_ =	shalt  }
0x43: {  	_ =	shalt  }
0x44: {  	_ =	shalt  }
0x45: {  	_ =	shalt  }
0x46: {  	_ =	shalt  }
0x47: {  	_ =	shalt  }
0x48: {  	_ =	shalt  }
0x49: {  	_ =	shalt  }
0x4a: {  	_ =	shalt  }
0x4b: {  	_ =	shalt  }
0x4c: {  	_ =	shalt  }
0x4d: {  	_ =	shalt  }
0x4e: {  	_ =	shalt  }
0x4f: {  	_ =	shalt  }
0x50: {  	_ =	shalt  }
0x51: {  	_ =	shalt  }
0x52: {  	_ =	shalt  }
0x53: {  	_ =	shalt  }
0x54: {  	_ =	shalt  }
0x55: {  	_ =	shalt  }
0x56: {  	_ =	shalt  }
0x57: {  	_ =	shalt  }
0x58: {  	_ =	shalt  }
0x59: {  	_ =	shalt  }
0x5a: {  	_ =	shalt  }
0x5b: {  	_ =	shalt  }
0x5c: {  	_ =	shalt  }
0x5d: {  	_ =	shalt  }
0x5e: {  	_ =	shalt  }
0x5f: {  	_ =	shalt  }
0x60: {  	_ =	shalt  }
0x61: {  	_ =	shalt  }
0x62: {  	_ =	shalt  }
0x63: {  	_ =	shalt  }
0x64: {  	_ =	shalt  }
0x65: {  	_ =	shalt  }
0x66: {  	_ =	shalt  }
0x67: {  	_ =	shalt  }
0x68: {  	_ =	shalt  }
0x69: {  	_ =	shalt  }
0x6a: {  	_ =	shalt  }
0x6b: {  	_ =	shalt  }
0x6c: {  	_ =	shalt  }
0x6d: {  	_ =	shalt  }
0x6e: {  	_ =	shalt  }
0x6f: {  	_ =	shalt  }
0x70: {  	_ =	shalt  }
0x71: {  	_ =	shalt  }
0x72: {  	_ =	shalt  }
0x73: {  	_ =	shalt  }
0x74: {  	_ =	shalt  }
0x75: {  	_ =	shalt  }
0x76: {  	_ =	shalt  }
0x77: {  	_ =	shalt  }
0x78: {  	_ =	shalt  }
0x79: {  	_ =	shalt  }
0x7a: {  	_ =	shalt  }
0x7b: {  	_ =	shalt  }
0x7c: {  	_ =	shalt  }
0x7d: {  	_ =	shalt  }
0x7e: {  	_ =	shalt  }
0x7f: {  	_ =	shalt  }
0x80: {  	_ =	shalt  }
0x81: {  	_ =	shalt  }
0x82: {  	_ =	shalt  }
0x83: {  	_ =	shalt  }
0x84: {  	_ =	shalt  }
0x85: {  	_ =	shalt  }
0x86: {  	_ =	shalt  }
0x87: {  	_ =	shalt  }
.Lfunc_end0:
.L_simem_size_0:
called_computation.2_lowered:
.L_overlay_start_0:
0x88: {  	s2 =	sld [smem:$0x3FD9]  }
0x89: {  	s3 =	sld [smem:$0x3FFE];
	_ =	sdelay $0x1  }
0x8a: {  	s1 =	srdreg.scid  }
0x8b: {  	s0 =	sand.u32 $0x1, s1  }
0x8c: {  	s16 =	sshll.u32 s0, $0xA;
	s2 =	sadd.s32 s3, s2  }
0x8d: {  	s2 =	sadd.s32 s2, s16  }
0x8e: {  	[smem:$0x3F63] =	sst s2  }
0x8f: {  	_ = 	snop  }
0x90: {  	(tm) =	ssettm $0x1  }
0x91: {  	s17 =	sld [smem:$0x3FFB];
	_ =	sdelay $0x3  }
0x92: {  	_ =	strace s17  }
0x93: {  	s2 =	sld [smem:$0x3FFC];
	_ =	sdelay $0x3  }
0x94: {  	_ =	strace s2  }
0x95: {  	s2 =	sld [smem:$0x3FFD];
	_ =	sdelay $0x3  }
0x96: {  	_ =	strace s2  }
0x97: {  	_ =	strace $0x8FFFFFFF  }
0x98: {  	s18 =	sld [smem:$0x3FDB];
	_ =	sdelay $0x1  }
0x99: {  	s19 =	simm.s32 $_scs_section_size  }
0x9a: {  	s4 =	simm.s32 $_size__tile_overlayer_lowered;
	s5 =	simm.s32 $_tile_overlayer_lowered  }
0x9b: {  	s22 =	simm.s32 $0x1BFF;
	s21 =	sshll.u32 s5, $0x1;
	s2 =	sadd.s32 s19, s18  }
0x9c: {  	s6 =	simm.s32 $0x0;
	s20 =	sshll.u32 s4, $0x1;
	s4 =	sadd.s32 s21, s2  }
0x9d: {  	[timem:s6], [sflag:s22] =	dma.local [hbm:s4], s20  }
0x9e: {  	_ =	swait.ge [sflag:s22], s20  }
0x9f: {  	s3 =	ssub.s32 $0x0, s20;
	[sflag:s22] =	ssyncset.done $0x0  }
0xa0: {  	[sflag:s22] =	ssyncadd.s32 s3;
	_ =	sdelay $0x1  }
0xa1: {  	s23 =	simm.s32 $0x1B8B  }
0xa2: {  	_ =	swait.ge [sflag:s23], $0x1  }
0xa3: {  	[sflag:s23] =	ssyncset.done $0x0  }
0xa4: {  	s25 =	simm.s32 $0x1B8E;
	s24 =	sld [smem:$0x3FFE];
	[sflag:s23] =	ssyncadd.s32 $0xFFFFFFFF  }
0xa5: {  	s26 =	simm.s32 $execute0_lowered;
	[smem:$0x3FD2] =	sst s25  }
0xa6: {  	s4 =	sshll.u32 s26, $0x1;
	_ =	strace $0x8000004C;
	[dreg:$0x1] =	wrdreg $0xFFFFFFFF  }
0xa7: {  	s28 =	simm.s32 $_size_execute0_lowered;
	s2 =	sadd.s32 s2, s4;
	[dreg:$0x0] =	wrdreg $0x0  }
0xa8: {  	s4 =	sshll.u32 s28, $0x1;
	[dreg:$0x2] =	wrdreg s2  }
0xa9: {  	[dreg:$0x3] =	wrdreg s4  }
0xaa: {  	[dreg:$0x4] =	wrdreg $0xC0  }
0xab: {  	_ =	task [dreg:s6], $0x5FFFF  }
0xac: {  	[dreg:$0x1] =	wrdreg $0xFFFFFFFF  }
0xad: {  	[dreg:$0x0] =	wrdreg $0x60  }
0xae: {  	[dreg:$0x2] =	wrdreg s24  }
0xaf: {  	[dreg:$0x3] =	wrdreg $0x9  }
0xb0: {  	_ =	task.clear_ibuf [dreg:s6], $0x4FFFF;
	_ =	strace $0x9000004C  }
0xb1: {  	s29 =	simm.s32 $0x9;
	_ =	strace $0x8000004E  }
0xb2: {  	_ =	swait.ge [sflag:s29], $0x1  }
0xb3: {  	[sflag:s29] =	ssyncadd.s32 $0xFFFFFFFF  }
0xb4: {  	_ =	strace $0x9000004E  }
0xb5: {  	_ =	sfence  }
0xb6: {  	s30 =	sld [smem:$0x0];
	_ =	sdelay $0x2  }
0xb7: {  	s31 =	sshll.u32 s1, $0xD;
	s1 =	sshrl.u32 s1, $0x2  }
0xb8: {  	s3 =	sand.u32 $0x4000, s31;
	s1 =	sadd.s32 s1, s30  }
0xb9: {  	s0 =	sor.u32 s3, s0;
	s1 =	sshll.u32 s1, $0x11  }
0xba: {  	s0 =	sor.u32 s1, s0  }
0xbb: {  	s0 =	sadd.s32 $0x8F2B, s0  }
0xbc: {  	[sflag:s0] =	ssyncadd.remote.s32 $0x1  }
0xbd: {  	_ =	sfence.sel $0xFFFF  }
0xbe: {  	[dreg:$0x0] =	wrdreg $0xFFFFFFFF;
	(pc) =	sbr.abs _section_cstart, $3  }
0xbf: {  	[dreg:$0x1] =	wrdreg $0xFFFFFFFF  }
0xc0: {  	_ =	task.clear_ibuf [dreg:s6], $0x2FFFF;
	_ =	strace $0x9FFFFFFF  }
0xc1: {  	(tm) =	ssettm $0x7FFFFFFF  }
tec
execute0_lowered:
.L_overlay_start_1:
0x0: {  	(tag) =	ssettag $0x1  }
0x1: {  	s1 =	srdreg.scid  }
0x2: {  	s0 =	stileid.u32;
	s5 =	rddreg [dreg:$0x0];
	s2 =	simm.s32 $0x0  }
0x3: {  	s11 =	simm.s32 $0x80;
	s12 =	simm.s32 $0x100;
	s13 =	simm.s32 $0x4100  }
0x4: {  	s14 =	simm.s32 $0x1;
	s15 =	simm.s32 $0x2;
	s4 =	smul.u32 $0x2800, s0  }
0x5: {  	s3 =	sand.u32 $0x1, s1;
	s1 =	rddreg [dreg:$0x1];
	s29 =	smul.u32 $0x28000, s0  }
0x6: {  	s16 =	simm.s32 $0x0;
	[smem:$0x7FF] =	sst s2;
	s6 =	smul.u32 $0x1400, s3  }
0x7: {  	_ =	strace $0x8000004D;
	s7 =	ssub.s32 $0x2, s3;
	s8 =	smul.u32 $0x14000, s3  }
0x8: {  	s3 =	sadd.s32 $0x5BF000, s5;
	s10 =	sshrl.u32 s7, $0x1;
	s4 =	sadd.s32 s6, s4  }
0x9: {  	s6 =	sadd.s32 s29, s5;
	s30 =	ssub.s32 s7, s10;
	s4 =	sshrl.u32 s4, $0x3  }
0xa: {  	s10 =	simm.s32 $0x3;
	s31 =	sadd.s32 s8, s6;
	s9 =	sadd.s32 s4, s5  }
0xb: {  	s4 =	sadd.s32 $0x5E7000, s5;
	s5 =	smax.u32 s30, $0x1;
	s6 =	sadd.s32 $0x88FA00, s31  }
0xc: {  	s7 =	sadd.s32 $0x6D000, s31;
	s8 =	sadd.s32 $0x3B000, s9;
	s9 =	sadd.s32 $0x40000, s9  }
.LBB2_1:
0xd: {  	s17 =	sadd.s32 $0x0, s9  }
0xe: {  	[tilespmem:s2], [sflag:$0x3] =	stream.linear.gather [hbm4b:s17+s2], $0x80, $0x38;
	[tilespmem:$0x8100] =	vst v63  }
0xf: {  	_ =	swait.ge [sflag:s10], $0x80  }
0x10: {  	[sflag:s10] =	ssyncset.done $0x0  }
0x11: {  	s31 =	sadd.s32 $0x0, s8;
	[sflag:s10] =	ssyncadd.s32 $0xFFFFFF80  }
0x12: {  	[tilespmem:s11], [sflag:$0x3] =	stream.linear.gather [hbm4b:s31+s2], $0x80, $0x38;
	[tilespmem:$0x8100] =	vst v63  }
0x13: {  	_ =	swait.ge [sflag:s10], $0x80  }
0x14: {  	[sflag:s10] =	ssyncset.done $0x0  }
0x15: {  	[sflag:s10] =	ssyncadd.s32 $0xFFFFFF80  }
0x16: {  	[tilespmem:s12], [sflag:$0x1] =	stream.indirect.gather [hbm4b:s3+s11], $0x80, s2, s11, $0xb8;
	[tilespmem:$0x8100] =	vst v63  }
0x17: {  	_ = 	snop  }
0x18: {  	[tilespmem:s13], [sflag:$0x2] =	stream.indirect.gather [hbm4b:s4+s11], $0x80, s11, s11, $0xb8;
	[tilespmem:$0x8100] =	vst v63  }
0x19: {  	_ =	swait.ge [sflag:s14], $0x4000  }
0x1a: {  	[sflag:s14] =	ssyncset.done $0x0  }
0x1b: {  	[sflag:s14] =	ssyncadd.s32 $0xFFFFC000  }
0x1c: {  	_ =	swait.ge [sflag:s15], $0x4000  }
0x1d: {  	[sflag:s15] =	ssyncset.done $0x0  }
0x1e: {  	[sflag:s15] =	ssyncadd.s32 $0xFFFFC000  }
0x1f: {  	[hbm4b:s6+s2] =	stream.linear.scatter [tilespmem:s12], [sflag:$0x3], $0x4000, $0x38;
	[tilespmem:$0x8100] =	vst v63  }
0x20: {  	_ =	swait.ge [sflag:s10], $0x4000  }
0x21: {  	[sflag:s10] =	ssyncset.done $0x0  }
0x22: {  	[sflag:s10] =	ssyncadd.s32 $0xFFFFC000  }
0x23: {  	[hbm4b:s7+s2] =	stream.linear.scatter [tilespmem:s13], [sflag:$0x3], $0x4000, $0x38;
	[tilespmem:$0x8100] =	vst v63  }
0x24: {  	s19 =	simm.s32 $0x10;
	s20 =	simm.s32 $0x20;
	_ =	swait.ge [sflag:s10], $0x4000  }
0x25: {  	s18 =	sadd.s32 $0x800, s6;
	s17 =	sadd.s32 $0x800, s7;
	[sflag:s10] =	ssyncset.done $0x0  }
.LBB2_2:
0x26: {  	s21 =	sadd.s32 s19, s9  }
0x27: {  	[sflag:s10] =	ssyncadd.s32 $0xFFFFC000;
	s22 =	smov.u32 s20;
	s23 =	sadd.s32 $0x10, s20  }
0x28: {  	[tilespmem:s2], [sflag:$0x3] =	stream.linear.gather [hbm4b:s21+s2], $0x80, $0x38;
	[tilespmem:$0x8100] =	vst v63  }
0x29: {  	p0 =	sne.s32 s20, $0x270;
	_ =	swait.ge [sflag:s10], $0x80  }
0x2a: {  	[sflag:s10] =	ssyncset.done $0x0  }
0x2b: {  	s20 =	sadd.s32 s19, s8;
	s19 =	smov.u32 s22;
	[sflag:s10] =	ssyncadd.s32 $0xFFFFFF80  }
0x2c: {  	[tilespmem:s11], [sflag:$0x3] =	stream.linear.gather [hbm4b:s20+s2], $0x80, $0x38;
	[tilespmem:$0x8100] =	vst v63  }
0x2d: {  	_ =	swait.ge [sflag:s10], $0x80  }
0x2e: {  	[sflag:s10] =	ssyncset.done $0x0  }
0x2f: {  	[sflag:s10] =	ssyncadd.s32 $0xFFFFFF80  }
0x30: {  	[tilespmem:s12], [sflag:$0x1] =	stream.indirect.gather [hbm4b:s3+s11], $0x80, s2, s11, $0xb8;
	[tilespmem:$0x8100] =	vst v63  }
0x31: {  	_ = 	snop  }
0x32: {  	[tilespmem:s13], [sflag:$0x2] =	stream.indirect.gather [hbm4b:s4+s11], $0x80, s11, s11, $0xb8;
	[tilespmem:$0x8100] =	vst v63  }
0x33: {  	_ =	swait.ge [sflag:s14], $0x4000  }
0x34: {  	[sflag:s14] =	ssyncset.done $0x0  }
0x35: {  	[sflag:s14] =	ssyncadd.s32 $0xFFFFC000  }
0x36: {  	_ =	swait.ge [sflag:s15], $0x4000  }
0x37: {  	[sflag:s15] =	ssyncset.done $0x0  }
0x38: {  	[sflag:s15] =	ssyncadd.s32 $0xFFFFC000  }
0x39: {  	[hbm4b:s18+s2] =	stream.linear.scatter [tilespmem:s12], [sflag:$0x3], $0x4000, $0x38;
	[tilespmem:$0x8100] =	vst v63  }
0x3a: {  	_ =	swait.ge [sflag:s10], $0x4000  }
.Ltmp0:
0x3b: {  	[sflag:s10] =	ssyncset.done $0x0;
	(pc) =	sbr.rel @p0 .LBB2_2-.Ltmp0, $4  }
0x3c: {  	[sflag:s10] =	ssyncadd.s32 $0xFFFFC000  }
0x3d: {  	[hbm4b:s17+s2] =	stream.linear.scatter [tilespmem:s13], [sflag:$0x3], $0x4000, $0x38;
	[tilespmem:$0x8100] =	vst v63  }
0x3e: {  	s20 =	smov.u32 s23;
	_ =	swait.ge [sflag:s10], $0x4000  }
0x3f: {  	s18 =	sadd.s32 $0x800, s18;
	s17 =	sadd.s32 $0x800, s17;
	[sflag:s10] =	ssyncset.done $0x0  }
0x40: {  	s20 =	sadd.s32 s19, s9;
	[sflag:s10] =	ssyncadd.s32 $0xFFFFC000  }
0x41: {  	[tilespmem:s2], [sflag:$0x3] =	stream.linear.gather [hbm4b:s20+s2], $0x80, $0x38;
	[tilespmem:$0x8100] =	vst v63  }
0x42: {  	_ =	swait.ge [sflag:s10], $0x80  }
0x43: {  	[sflag:s10] =	ssyncset.done $0x0  }
0x44: {  	s31 =	sadd.s32 s19, s8;
	[sflag:s10] =	ssyncadd.s32 $0xFFFFFF80  }
0x45: {  	[tilespmem:s11], [sflag:$0x3] =	stream.linear.gather [hbm4b:s31+s2], $0x80, $0x38;
	[tilespmem:$0x8100] =	vst v63  }
0x46: {  	_ =	swait.ge [sflag:s10], $0x80  }
0x47: {  	[sflag:s10] =	ssyncset.done $0x0  }
0x48: {  	[sflag:s10] =	ssyncadd.s32 $0xFFFFFF80  }
0x49: {  	[tilespmem:s12], [sflag:$0x1] =	stream.indirect.gather [hbm4b:s3+s11], $0x80, s2, s11, $0xb8;
	[tilespmem:$0x8100] =	vst v63  }
0x4a: {  	_ = 	snop  }
0x4b: {  	[tilespmem:s13], [sflag:$0x2] =	stream.indirect.gather [hbm4b:s4+s11], $0x80, s11, s11, $0xb8;
	[tilespmem:$0x8100] =	vst v63  }
0x4c: {  	_ =	swait.ge [sflag:s14], $0x4000  }
0x4d: {  	[sflag:s14] =	ssyncset.done $0x0  }
0x4e: {  	[sflag:s14] =	ssyncadd.s32 $0xFFFFC000  }
0x4f: {  	_ =	swait.ge [sflag:s15], $0x4000  }
0x50: {  	[sflag:s15] =	ssyncset.done $0x0  }
0x51: {  	[sflag:s15] =	ssyncadd.s32 $0xFFFFC000  }
0x52: {  	[hbm4b:s18+s2] =	stream.linear.scatter [tilespmem:s12], [sflag:$0x3], $0x4000, $0x38;
	[tilespmem:$0x8100] =	vst v63  }
0x53: {  	s16 =	sadd.s32 $0x1, s16;
	_ =	swait.ge [sflag:s10], $0x4000  }
0x54: {  	p0 =	sne.s32 s16, s5;
	[sflag:s10] =	ssyncset.done $0x0  }
.Ltmp1:
0x55: {  	[sflag:s10] =	ssyncadd.s32 $0xFFFFC000;
	(pc) =	sbr.rel @p0 .LBB2_1-.Ltmp1, $4  }
0x56: {  	[hbm4b:s17+s2] =	stream.linear.scatter [tilespmem:s13], [sflag:$0x3], $0x4000, $0x38;
	[tilespmem:$0x8100] =	vst v63  }
0x57: {  	_ =	swait.ge [sflag:s10], $0x4000  }
0x58: {  	[sflag:s10] =	ssyncset.done $0x0  }
0x59: {  	[sflag:s10] =	ssyncadd.s32 $0xFFFFC000  }
0x5a: {  	_ =	sfence.sel $0x180000  }
0x5b: {  	[bflag:$0x0] =	sbarrier.arrive $0xFFFF  }
0x5c: {  	p0 =	sne.s32 s0, $0x0;
	_ =	strace $0x9000004D  }
0x5d: {  	s0 =	sadd.s32 @!p0 $0x100000, s1;
	[bflag:$0x2] =	sbarrier.arrive $0xFFFF  }
0x5e: {  	[sflag:s0] =	ssyncadd.tile.s32 @!p0 $0x1;
	_ =	shalt  }
.Lfunc_end2:
_tile_overlayer_lowered:
.L_overlay_start_2:
0x5f: {  	(tag) =	ssettag $0x2  }
0x60: {  	s0 =	rddreg [dreg:$0x0];
	s2 =	stileid.u32  }
0x61: {  	s1 =	rddreg [dreg:$0x1];
	p0 =	sne.s32 s2, $0x0  }
0x62: {  	s3 =	rddreg [dreg:$0x2];
	[bflag:$0x3] =	sbarrier.arrive $0xFFFF;
	s2 =	simm.s32 @!p0 $0x1C03  }
0x63: {  	[timem:s3], [sflag:s2] =	dma.local @!p0 [hbm:s0], s1  }
0x64: {  	s0 =	simm.s32 @!p0 $0x3  }
0x65: {  	_ =	swait.ge @!p0 [sflag:s0], s1  }
0x66: {  	s1 =	ssub.s32 @!p0 $0x0, s1;
	[sflag:s0] =	ssyncset.done @!p0 $0x0  }
0x67: {  	[sflag:s0] =	ssyncadd.s32 @!p0 s1  }
0x68: {  	[bflag:$0x3] =	sbarrier.arrive $0xFFFF  }
0x69: {  	_ =	shalt  }

// kernel: kernel.24.cloned.1.call-start
scs
__scs_entry_jumppad:
0x0: {  	(pc) =	sbr.rel $0x88, $3  }
0x1: {  	(tag) =	ssettag $0x0;
	lr =	simm.s32 $0x1  }
0x2: {  	[smem:$0x3F3C] =	sst lr;
	_ =	strace $0xD0000000  }
0x3: {  	_ = 	snop  }
0x4: {  	_ = 	snop  }
0x5: {  	_ = 	snop  }
0x6: {  	_ = 	snop  }
0x7: {  	_ = 	snop  }
__scs_overlays_trampoline_lowered:
0x8: {  	[smem:$0x3F4B] =	sst s0  }
0x9: {  	[smem:$0x3F4C] =	sst s1  }
0xa: {  	[smem:$0x3F4D] =	sst s2  }
0xb: {  	[smem:$0x3F4E] =	sst s3  }
0xc: {  	[smem:$0x3F4F] =	sst s4  }
0xd: {  	[smem:$0x3F50] =	sst s5  }
0xe: {  	[smem:$0x3F51] =	sst s6  }
0xf: {  	[smem:$0x3F52] =	sst s7  }
0x10: {  	[smem:$0x3F53] =	sst s8  }
0x11: {  	[smem:$0x3F54] =	sst s9;
	s0 =	simm.s32 @!p0 $0x0  }
0x12: {  	s1 =	sld [smem:$0x3F3A];
	s0 =	simm.s32 @p0 $0x1  }
0x13: {  	[smem:$0x3F55] =	sst s0;
	s0 =	simm.s32 @!p1 $0x0  }
0x14: {  	s2 =	sld [smem:$0x3F39];
	s0 =	simm.s32 @p1 $0x1  }
0x15: {  	[smem:$0x3F56] =	sst s0;
	s0 =	simm.s32 @!p2 $0x0  }
0x16: {  	s3 =	sld [smem:$0x3FDB];
	s0 =	simm.s32 @p2 $0x1  }
0x17: {  	s4 =	simm.s32 $0x1BF5;
	[smem:$0x3F58] =	sst s0  }
0x18: {  	s0 =	sld [smem:$0x3F3B];
	_ =	swait.ge [sflag:s4], $0x0  }
0x19: {  	s7 =	sld [smem:$0x3F3C]  }
0x1a: {  	s8 =	sadd.s32 $0xFFFFE003, lr  }
0x1b: {  	s9 =	sadd.s32 $0xFFFFFEF7, lr;
	s5 =	simm.s32 $0xFFFFFFFF;
	p2 =	slt.u32 s8, $0xFFFFF086  }
0x1c: {  	p1 =	slt.u32 s9, $0xF7A;
	s5 =	simm.s32 @!p2 $0x0  }
0x1d: {  	s5 =	simm.s32 @p1 $0x1;
	p0 =	seq.s32 s7, s2  }
0x1e: {  	s7 =	smul.u32 @!p0 $0xF7A, s2;
	p2 =	seq.s32 @!p0 s5, $0x0  }
0x1f: {  	s9 =	smul.u32 $0xF7A, s1;
	s8 =	simm.s32 @!p0 $0x1BF5;
	p2 =	por !p2, p0  }
0x20: {  	[sflag:s8] =	ssyncset.s32 @!p0 $0xFFFFF086;
	s6 =	sadd.s32 @!p0 s3, s7;
	s7 =	simm.s32 @!p0 $0x108  }
0x21: {  	s3 =	sadd.s32 s3, s9;
	s6 =	sadd.s32 @!p0 $0x88, s6;
	s7 =	simm.s32 @p2 $0x1082  }
0x22: {  	[simem:s7], [sflag:s8] =	dma.local @!p0 [hbm:s6], $0xF7A  }
0x23: {  	s9 =	sor.u32 $0xD0000000, s2;
	s6 =	simm.s32 $0x108;
	_ =	swait.ge @!p0 [sflag:s8], $0x0  }
0x24: {  	s3 =	sadd.s32 $0x88, s3;
	s6 =	simm.s32 @!p1 $0x1082;
	[sflag:s4] =	ssyncset.s32 $0xFFFFF086  }
0x25: {  	[simem:s6], [sflag:s4] =	dma.local [hbm:s3], $0xF7A  }
0x26: {  	[smem:$0x3F3C] =	sst s1;
	(tag) =	ssettag s2;
	_ =	strace s9  }
0x27: {  	s1 =	sld [smem:$0x3F4C]  }
0x28: {  	s2 =	sld [smem:$0x3F4D]  }
0x29: {  	s4 =	sld [smem:$0x3F4F]  }
0x2a: {  	p0 =	seq.s32 s5, $0x0;
	s5 =	sld [smem:$0x3F50]  }
0x2b: {  	s6 =	sld [smem:$0x3F51]  }
0x2c: {  	s7 =	sld [smem:$0x3F52]  }
0x2d: {  	s3 =	simm.s32 $0x108;
	s8 =	sld [smem:$0x3F53]  }
0x2e: {  	s3 =	simm.s32 @!p0 $0x1082;
	s9 =	sld [smem:$0x3F54]  }
0x2f: {  	lr =	sadd.s32 s0, s3;
	s0 =	sld [smem:$0x3F4B]  }
0x30: {  	s3 =	sld [smem:$0x3F4E]  }
0x31: {  	[smem:$0x3F57] =	sst s10  }
0x32: {  	s10 =	sld [smem:$0x3F55];
	_ =	sdelay $0x3  }
0x33: {  	p0 =	seq.s32 s10, $0x1;
	s10 =	sld [smem:$0x3F57];
	_ =	sdelay $0x3  }
0x34: {  	[smem:$0x3F57] =	sst s10  }
0x35: {  	s10 =	sld [smem:$0x3F56];
	_ =	sdelay $0x3  }
0x36: {  	p1 =	seq.s32 s10, $0x1;
	s10 =	sld [smem:$0x3F57];
	_ =	sdelay $0x3  }
0x37: {  	[smem:$0x3F57] =	sst s10  }
0x38: {  	s10 =	sld [smem:$0x3F58]  }
0x39: {  	_ = 	snop;
	(pc) =	sbr.ind lr, $3  }
0x3a: {  	_ = 	snop  }
0x3b: {  	_ = 	snop  }
0x3c: {  	p2 =	seq.s32 s10, $0x1;
	s10 =	sld [smem:$0x3F57]  }
0x3d: {  	_ =	shalt  }
0x3e: {  	_ =	shalt  }
0x3f: {  	_ =	shalt  }
0x40: {  	_ =	shalt  }
0x41: {  	_ =	shalt  }
0x42: {  	_ =	shalt  }
0x43: {  	_ =	shalt  }
0x44: {  	_ =	shalt  }
0x45: {  	_ =	shalt  }
0x46: {  	_ =	shalt  }
0x47: {  	_ =	shalt  }
0x48: {  	_ =	shalt  }
0x49: {  	_ =	shalt  }
0x4a: {  	_ =	shalt  }
0x4b: {  	_ =	shalt  }
0x4c: {  	_ =	shalt  }
0x4d: {  	_ =	shalt  }
0x4e: {  	_ =	shalt  }
0x4f: {  	_ =	shalt  }
0x50: {  	_ =	shalt  }
0x51: {  	_ =	shalt  }
0x52: {  	_ =	shalt  }
0x53: {  	_ =	shalt  }
0x54: {  	_ =	shalt  }
0x55: {  	_ =	shalt  }
0x56: {  	_ =	shalt  }
0x57: {  	_ =	shalt  }
0x58: {  	_ =	shalt  }
0x59: {  	_ =	shalt  }
0x5a: {  	_ =	shalt  }
0x5b: {  	_ =	shalt  }
0x5c: {  	_ =	shalt  }
0x5d: {  	_ =	shalt  }
0x5e: {  	_ =	shalt  }
0x5f: {  	_ =	shalt  }
0x60: {  	_ =	shalt  }
0x61: {  	_ =	shalt  }
0x62: {  	_ =	shalt  }
0x63: {  	_ =	shalt  }
0x64: {  	_ =	shalt  }
0x65: {  	_ =	shalt  }
0x66: {  	_ =	shalt  }
0x67: {  	_ =	shalt  }
0x68: {  	_ =	shalt  }
0x69: {  	_ =	shalt  }
0x6a: {  	_ =	shalt  }
0x6b: {  	_ =	shalt  }
0x6c: {  	_ =	shalt  }
0x6d: {  	_ =	shalt  }
0x6e: {  	_ =	shalt  }
0x6f: {  	_ =	shalt  }
0x70: {  	_ =	shalt  }
0x71: {  	_ =	shalt  }
0x72: {  	_ =	shalt  }
0x73: {  	_ =	shalt  }
0x74: {  	_ =	shalt  }
0x75: {  	_ =	shalt  }
0x76: {  	_ =	shalt  }
0x77: {  	_ =	shalt  }
0x78: {  	_ =	shalt  }
0x79: {  	_ =	shalt  }
0x7a: {  	_ =	shalt  }
0x7b: {  	_ =	shalt  }
0x7c: {  	_ =	shalt  }
0x7d: {  	_ =	shalt  }
0x7e: {  	_ =	shalt  }
0x7f: {  	_ =	shalt  }
0x80: {  	_ =	shalt  }
0x81: {  	_ =	shalt  }
0x82: {  	_ =	shalt  }
0x83: {  	_ =	shalt  }
0x84: {  	_ =	shalt  }
0x85: {  	_ =	shalt  }
0x86: {  	_ =	shalt  }
0x87: {  	_ =	shalt  }
.Lfunc_end0:
.L_simem_size_0:
called_computation.3_lowered:
.L_overlay_start_0:
0x88: {  	s2 =	sld [smem:$0x3FD9]  }
0x89: {  	s3 =	sld [smem:$0x3FFE];
	_ =	sdelay $0x1  }
0x8a: {  	s1 =	srdreg.scid  }
0x8b: {  	s0 =	sand.u32 $0x1, s1  }
0x8c: {  	s16 =	sshll.u32 s0, $0xA;
	s2 =	sadd.s32 s3, s2  }
0x8d: {  	s2 =	sadd.s32 s2, s16  }
0x8e: {  	[smem:$0x3F63] =	sst s2  }
0x8f: {  	_ = 	snop  }
0x90: {  	(tm) =	ssettm $0x1  }
0x91: {  	s17 =	sld [smem:$0x3FFB];
	_ =	sdelay $0x3  }
0x92: {  	_ =	strace s17  }
0x93: {  	s2 =	sld [smem:$0x3FFC];
	_ =	sdelay $0x3  }
0x94: {  	_ =	strace s2  }
0x95: {  	s2 =	sld [smem:$0x3FFD];
	_ =	sdelay $0x3  }
0x96: {  	_ =	strace s2  }
0x97: {  	_ =	strace $0x8FFFFFFF  }
0x98: {  	s18 =	sld [smem:$0x3FDB];
	_ =	sdelay $0x1  }
0x99: {  	s19 =	simm.s32 $_scs_section_size  }
0x9a: {  	s4 =	simm.s32 $_size__tile_overlayer_lowered;
	s5 =	simm.s32 $_tile_overlayer_lowered  }
0x9b: {  	s22 =	simm.s32 $0x1BFF;
	s21 =	sshll.u32 s5, $0x1;
	s2 =	sadd.s32 s19, s18  }
0x9c: {  	s6 =	simm.s32 $0x0;
	s20 =	sshll.u32 s4, $0x1;
	s4 =	sadd.s32 s21, s2  }
0x9d: {  	[timem:s6], [sflag:s22] =	dma.local [hbm:s4], s20  }
0x9e: {  	_ =	swait.ge [sflag:s22], s20  }
0x9f: {  	s3 =	ssub.s32 $0x0, s20;
	[sflag:s22] =	ssyncset.done $0x0  }
0xa0: {  	[sflag:s22] =	ssyncadd.s32 s3;
	_ =	sdelay $0x1  }
0xa1: {  	s23 =	simm.s32 $0x1B8B  }
0xa2: {  	_ =	swait.ge [sflag:s23], $0x1  }
0xa3: {  	[sflag:s23] =	ssyncset.done $0x0  }
0xa4: {  	s25 =	simm.s32 $0x1B8E;
	s24 =	sld [smem:$0x3FFE];
	[sflag:s23] =	ssyncadd.s32 $0xFFFFFFFF  }
0xa5: {  	s26 =	simm.s32 $execute0_lowered;
	[smem:$0x3FD2] =	sst s25  }
0xa6: {  	s4 =	sshll.u32 s26, $0x1;
	_ =	strace $0x8000004F;
	[dreg:$0x1] =	wrdreg $0xFFFFFFFF  }
0xa7: {  	s28 =	simm.s32 $_size_execute0_lowered;
	s2 =	sadd.s32 s2, s4;
	[dreg:$0x0] =	wrdreg $0x0  }
0xa8: {  	s4 =	sshll.u32 s28, $0x1;
	[dreg:$0x2] =	wrdreg s2  }
0xa9: {  	[dreg:$0x3] =	wrdreg s4  }
0xaa: {  	[dreg:$0x4] =	wrdreg $0xC0  }
0xab: {  	_ =	task [dreg:s6], $0x5FFFF  }
0xac: {  	[dreg:$0x1] =	wrdreg $0xFFFFFFFF  }
0xad: {  	[dreg:$0x0] =	wrdreg $0x60  }
0xae: {  	[dreg:$0x2] =	wrdreg s24  }
0xaf: {  	[dreg:$0x3] =	wrdreg $0x40800  }
0xb0: {  	[dreg:$0x4] =	wrdreg $0x9  }
0xb1: {  	_ =	task.clear_ibuf [dreg:s6], $0x5FFFF;
	_ =	strace $0x9000004F  }
0xb2: {  	s29 =	simm.s32 $0x9;
	_ =	strace $0x80000051  }
0xb3: {  	_ =	swait.ge [sflag:s29], $0x1  }
0xb4: {  	[sflag:s29] =	ssyncadd.s32 $0xFFFFFFFF  }
0xb5: {  	_ =	strace $0x90000051  }
0xb6: {  	_ =	sfence  }
0xb7: {  	s30 =	sld [smem:$0x0];
	_ =	sdelay $0x2  }
0xb8: {  	s31 =	sshll.u32 s1, $0xD;
	s1 =	sshrl.u32 s1, $0x2  }
0xb9: {  	s3 =	sand.u32 $0x4000, s31;
	s1 =	sadd.s32 s1, s30  }
0xba: {  	s0 =	sor.u32 s3, s0;
	s1 =	sshll.u32 s1, $0x11  }
0xbb: {  	s0 =	sor.u32 s1, s0  }
0xbc: {  	s0 =	sadd.s32 $0x8F2B, s0  }
0xbd: {  	[sflag:s0] =	ssyncadd.remote.s32 $0x1  }
0xbe: {  	_ =	sfence.sel $0xFFFF  }
0xbf: {  	[dreg:$0x0] =	wrdreg $0xFFFFFFFF;
	(pc) =	sbr.abs _section_cstart, $3  }
0xc0: {  	[dreg:$0x1] =	wrdreg $0xFFFFFFFF  }
0xc1: {  	_ =	task.clear_ibuf [dreg:s6], $0x2FFFF;
	_ =	strace $0x9FFFFFFF  }
0xc2: {  	(tm) =	ssettm $0x7FFFFFFF  }
0xc3: {  	_ =	shalt  }
tec
execute0_lowered:
.L_overlay_start_1:
0x0: {  	(tag) =	ssettag $0x1  }
0x1: {  	s0 =	stileid.u32  }
0x2: {  	s6 =	smul.u32 $0x2800, s0  }
0x3: {  	s1 =	srdreg.scid;
	s8 =	smul.u32 $0x28000, s0  }
0x4: {  	s4 =	rddreg [dreg:$0x0];
	s25 =	smul.u32 $0x14000, s0  }
0x5: {  	s2 =	rddreg [dreg:$0x1];
	s5 =	sand.u32 $0x1, s1;
	s12 =	smul.u32 $0x50000, s0  }
0x6: {  	s3 =	simm.s32 $0x0;
	s1 =	rddreg [dreg:$0x2];
	s7 =	smul.u32 $0x1400, s5  }
0x7: {  	[smem:$0x7FF] =	sst s3;
	s30 =	sshll.u32 s0, $0x6;
	s9 =	smul.u32 $0x140000, s5  }
0x8: {  	_ =	strace $0x80000050;
	s28 =	ssub.s32 $0x2, s5;
	s31 =	smul.u32 $0x14000, s5  }
0x9: {  	s5 =	sor.u32 $0x1C01, s30;
	s8 =	sadd.s32 s8, s4;
	s26 =	sshrl.u32 s25, $0x3  }
0xa: {  	s11 =	sshrl.u32 s28, $0x1;
	s29 =	sshrl.u32 s12, $0x2;
	s12 =	simm.s32 $0x80  }
0xb: {  	s6 =	sadd.s32 s7, s6;
	s7 =	sadd.s32 s25, s9;
	s9 =	ssub.s32 s28, s11  }
0xc: {  	s13 =	sadd.s32 s29, s2;
	s8 =	sadd.s32 s31, s8;
	s11 =	simm.s32 $0x1  }
0xd: {  	s6 =	sshrl.u32 s6, $0x3;
	s7 =	sshrl.u32 s7, $0x3;
	s8 =	sadd.s32 $0x2ED000, s8  }
0xe: {  	s10 =	sadd.s32 s6, s4;
	s6 =	sadd.s32 s26, s4;
	s7 =	sadd.s32 s7, s4  }
0xf: {  	s4 =	sadd.s32 $0x13000, s6;
	s6 =	sadd.s32 $0x5BF000, s7;
	s7 =	smax.u32 s9, $0x1  }
0x10: {  	s9 =	sadd.s32 $0x3B000, s10;
	s10 =	sshrl.u32 s13, $0x3;
	s13 =	simm.s32 $0x0  }
.LBB2_1:
0x11: {  	[spmem:s10], [sflag:s5] =	dma.local [hbm:s4], $0x2800  }
0x12: {  	_ =	swait.ge [sflag:s11], $0x2800  }
0x13: {  	[sflag:s11] =	ssyncset.done $0x0  }
0x14: {  	[sflag:s11] =	ssyncadd.s32 $0xFFFFD800  }
0x15: {  	s14 =	sadd.s32 $0x0, s9;
	[bflag:$0x0] =	sbarrier.arrive $0xFFFF  }
0x16: {  	[tilespmem:s3], [sflag:$0x1] =	stream.linear.gather [hbm4b:s14+s3], $0x80, $0x38;
	[tilespmem:$0x18080] =	vst v63  }
0x17: {  	_ =	swait.ge [sflag:s11], $0x80  }
0x18: {  	[sflag:s11] =	ssyncset.done $0x0  }
0x19: {  	[sflag:s11] =	ssyncadd.s32 $0xFFFFFF80  }
0x1a: {  	[tilespmem:s12], [sflag:$0x1] =	stream.linear.gather [hbm4b:s8+s3], $0x4000, $0x38;
	[tilespmem:$0x18080] =	vst v63  }
0x1b: {  	_ =	swait.ge [sflag:s11], $0x4000  }
0x1c: {  	[sflag:s11] =	ssyncset.done $0x0  }
0x1d: {  	[sflag:s11] =	ssyncadd.s32 $0xFFFFC000  }
0x1e: {  	[spmem:s2] =	stream.indirect.scatter.add.f32 [tilespmem:s12], [sflag:$0x1], $0x80, s3, s12, $0xb8;
	[tilespmem:$0x18080] =	vst v63  }
0x1f: {  	s15 =	simm.s32 $0x10;
	_ =	swait.ge [sflag:s11], $0x4000  }
0x20: {  	s16 =	simm.s32 $0x20;
	s14 =	sadd.s32 $0x800, s8;
	[sflag:s11] =	ssyncset.done $0x0  }
.LBB2_2:
0x21: {  	s17 =	sadd.s32 s15, s9  }
0x22: {  	[sflag:s11] =	ssyncadd.s32 $0xFFFFC000;
	s15 =	smov.u32 s16;
	s18 =	sadd.s32 $0x10, s16  }
0x23: {  	[tilespmem:s3], [sflag:$0x1] =	stream.linear.gather [hbm4b:s17+s3], $0x80, $0x38;
	[tilespmem:$0x18080] =	vst v63  }
0x24: {  	p0 =	sne.s32 s16, $0x270;
	_ =	swait.ge [sflag:s11], $0x80  }
0x25: {  	[sflag:s11] =	ssyncset.done $0x0  }
0x26: {  	[sflag:s11] =	ssyncadd.s32 $0xFFFFFF80  }
0x27: {  	[tilespmem:s12], [sflag:$0x1] =	stream.linear.gather [hbm4b:s14+s3], $0x4000, $0x38;
	[tilespmem:$0x18080] =	vst v63  }
0x28: {  	_ =	swait.ge [sflag:s11], $0x4000  }
.Ltmp0:
0x29: {  	[sflag:s11] =	ssyncset.done $0x0;
	(pc) =	sbr.rel @p0 .LBB2_2-.Ltmp0, $4  }
0x2a: {  	[sflag:s11] =	ssyncadd.s32 $0xFFFFC000  }
0x2b: {  	[spmem:s2] =	stream.indirect.scatter.add.f32 [tilespmem:s12], [sflag:$0x1], $0x80, s3, s12, $0xb8;
	[tilespmem:$0x18080] =	vst v63  }
0x2c: {  	_ =	swait.ge [sflag:s11], $0x4000  }
0x2d: {  	s16 =	smov.u32 s18;
	s14 =	sadd.s32 $0x800, s14;
	[sflag:s11] =	ssyncset.done $0x0  }
0x2e: {  	s15 =	sadd.s32 s15, s9;
	[sflag:s11] =	ssyncadd.s32 $0xFFFFC000  }
0x2f: {  	[tilespmem:s3], [sflag:$0x1] =	stream.linear.gather [hbm4b:s15+s3], $0x80, $0x38;
	[tilespmem:$0x18080] =	vst v63  }
0x30: {  	_ =	swait.ge [sflag:s11], $0x80  }
0x31: {  	[sflag:s11] =	ssyncset.done $0x0  }
0x32: {  	[sflag:s11] =	ssyncadd.s32 $0xFFFFFF80  }
0x33: {  	[tilespmem:s12], [sflag:$0x1] =	stream.linear.gather [hbm4b:s14+s3], $0x4000, $0x38;
	[tilespmem:$0x18080] =	vst v63  }
0x34: {  	_ =	swait.ge [sflag:s11], $0x4000  }
0x35: {  	[sflag:s11] =	ssyncset.done $0x0  }
0x36: {  	[sflag:s11] =	ssyncadd.s32 $0xFFFFC000  }
0x37: {  	[spmem:s2] =	stream.indirect.scatter.add.f32 [tilespmem:s12], [sflag:$0x1], $0x80, s3, s12, $0xb8;
	[tilespmem:$0x18080] =	vst v63  }
0x38: {  	_ =	swait.ge [sflag:s11], $0x4000  }
0x39: {  	s13 =	sadd.s32 $0x1, s13;
	[sflag:s11] =	ssyncset.done $0x0  }
0x3a: {  	p0 =	sne.s32 s13, s7;
	[sflag:s11] =	ssyncadd.s32 $0xFFFFC000  }
.Ltmp1:
0x3b: {  	[bflag:$0x0] =	sbarrier.arrive $0xFFFF;
	(pc) =	sbr.rel @p0 .LBB2_1-.Ltmp1, $4  }
0x3c: {  	[hbm:s6], [sflag:s5] =	dma.local [spmem:s10], $0x2800  }
0x3d: {  	_ =	swait.ge [sflag:s11], $0x2800  }
0x3e: {  	[sflag:s11] =	ssyncset.done $0x0  }
0x3f: {  	[sflag:s11] =	ssyncadd.s32 $0xFFFFD800  }
0x40: {  	_ =	sfence.sel $0x180000  }
0x41: {  	[bflag:$0x0] =	sbarrier.arrive $0xFFFF  }
0x42: {  	p0 =	sne.s32 s0, $0x0;
	_ =	strace $0x90000050  }
0x43: {  	s0 =	sadd.s32 @!p0 $0x100000, s1;
	[bflag:$0x2] =	sbarrier.arrive $0xFFFF  }
0x44: {  	[sflag:s0] =	ssyncadd.tile.s32 @!p0 $0x1;
	_ =	shalt  }
.Lfunc_end2:
_tile_overlayer_lowered:
.L_overlay_start_2:
0x45: {  	(tag) =	ssettag $0x2  }
0x46: {  	s0 =	rddreg [dreg:$0x0];
	s2 =	stileid.u32  }
0x47: {  	s1 =	rddreg [dreg:$0x1];
	p0 =	sne.s32 s2, $0x0  }
0x48: {  	s3 =	rddreg [dreg:$0x2];
	[bflag:$0x3] =	sbarrier.arrive $0xFFFF;
	s2 =	simm.s32 @!p0 $0x1C01  }
0x49: {  	[timem:s3], [sflag:s2] =	dma.local @!p0 [hbm:s0], s1  }
0x4a: {  	s0 =	simm.s32 @!p0 $0x1  }
0x4b: {  	_ =	swait.ge @!p0 [sflag:s0], s1  }
0x4c: {  	s1 =	ssub.s32 @!p0 $0x0, s1;
	[sflag:s0] =	ssyncset.done @!p0 $0x0  }
0x4d: {  	[sflag:s0] =	ssyncadd.s32 @!p0 s1  }
0x4e: {  	[bflag:$0x3] =	sbarrier.arrive $0xFFFF  }
0x4f: {  	_ =	shalt  }

</sc_bundles>
